<compile_context>
chip_gen: v7x
topology: tpu7x:2x2x1
jax: 0.10.2.dev20260603
libtpu: 0.0.44.dev20260713+nightly
codegen_flags: <defaults>
</compile_context>

<pallas_src>
import functools

import jax
import jax.numpy as jnp
from jax import lax
from jax.experimental import pallas as pl
from jax.experimental.pallas import tpu as pltpu
from jax.experimental.pallas import tpu_sc as plsc

N = 10000
E = 320000
D = 128
H1 = 32
H2 = 2
H2P = 16

NC = 2
NS = 16
NW = NC * NS
LANES = 16

NB = 5
LA = 3
SL = 2

NPT = N // NS

DEG_S = NS * 640
HC = 512
HCT = E // HC
HFULL = HCT // NW
HEXTRA = HCT - HFULL * NW

f32 = jnp.float32
i32 = jnp.int32

_mesh = plsc.VectorSubcoreMesh(core_axis_name="c", subcore_axis_name="s")
_sc_params = pltpu.CompilerParams(use_tc_tiling_on_sc=False)



@functools.partial(
    pl.kernel,
    out_type=jax.ShapeDtypeStruct((NC, DEG_S), f32),
    mesh=_mesh,
    compiler_params=_sc_params,
    scratch_types=[
        pltpu.VMEM((HFULL + 1, HC), i32),
        pltpu.VMEM((HC,), f32),
        pltpu.VMEM((640,), f32),
        pltpu.VMEM_SHARED((DEG_S,), f32),
        pltpu.SemaphoreType.DMA,
    ],
)
def _sc_degree(dst_hbm, out_hbm, idx_v, val_v, z_v, deg_s, sem):
    cid = lax.axis_index("c")
    sid = lax.axis_index("s")
    wid = sid * NC + cid
    extra = wid < HEXTRA
    base = wid * HFULL + jnp.minimum(wid, HEXTRA)

    @pl.loop(0, HC // LANES)
    def _(i):
        val_v[pl.ds(i * LANES, LANES)] = jnp.full((LANES,), 1.0, f32)

    @pl.loop(0, 640 // LANES)
    def _(i):
        z_v[pl.ds(i * LANES, LANES)] = jnp.zeros((LANES,), f32)

    pltpu.sync_copy(z_v, deg_s.at[pl.ds(sid * 640, 640)])
    pltpu.sync_copy(dst_hbm.at[pl.ds(base, HFULL)], idx_v.at[pl.ds(0, HFULL)])

    @pl.when(extra)
    def _():
        pltpu.sync_copy(dst_hbm.at[pl.ds(base + HFULL, 1)],
                        idx_v.at[pl.ds(HFULL, 1)])

    plsc.subcore_barrier()

    descs = [
        pltpu.async_copy(val_v, deg_s.at[idx_v.at[ch]], sem, add=True)
        for ch in range(HFULL)
    ]

    @pl.when(extra)
    def _():
        pltpu.async_copy(val_v, deg_s.at[idx_v.at[HFULL]], sem, add=True)

    for d_ in descs:
        d_.wait()

    @pl.when(extra)
    def _():
        pltpu.make_async_copy(val_v, deg_s.at[idx_v.at[HFULL]], sem).wait()

    plsc.subcore_barrier()

    @pl.when(sid == 0)
    def _():
        pltpu.sync_copy(deg_s, out_hbm.at[cid])


def _make_sc_agg(h):

    @functools.partial(
        pl.kernel,
        out_type=jax.ShapeDtypeStruct((NC, N, h), f32),
        mesh=_mesh,
        compiler_params=_sc_params,
        scratch_types=[
            pltpu.VMEM((HFULL + 1, HC), i32),
            pltpu.VMEM((HFULL + 1, HC), i32),
            pltpu.VMEM((NB * HC, h), f32),
            pltpu.VMEM_SHARED((N, h), f32),
            [pltpu.SemaphoreType.DMA] * 4,
            [pltpu.SemaphoreType.DMA] * 4,
        ],
    )
    def agg(src_hbm, dst_hbm, rows_hbm, z_hbm, out_hbm,
            si_v, di_v, rows_v, acc_s, gsems, ssems):
        cid = lax.axis_index("c")
        sid = lax.axis_index("s")
        wid = sid * NC + cid
        extra = wid < HEXTRA
        base = wid * HFULL + jnp.minimum(wid, HEXTRA)

        pltpu.sync_copy(z_hbm, acc_s.at[pl.ds(sid * NPT, NPT)])
        pltpu.sync_copy(src_hbm.at[pl.ds(base, HFULL)],
                        si_v.at[pl.ds(0, HFULL)])
        pltpu.sync_copy(dst_hbm.at[pl.ds(base, HFULL)],
                        di_v.at[pl.ds(0, HFULL)])

        @pl.when(extra)
        def _():
            pltpu.sync_copy(src_hbm.at[pl.ds(base + HFULL, 1)],
                            si_v.at[pl.ds(HFULL, 1)])
            pltpu.sync_copy(dst_hbm.at[pl.ds(base + HFULL, 1)],
                            di_v.at[pl.ds(HFULL, 1)])

        plsc.subcore_barrier()

        def gather(g):
            return pltpu.async_copy(rows_hbm.at[si_v.at[g]],
                                    rows_v.at[pl.ds((g % NB) * HC, HC)],
                                    gsems[g % 4])

        def scatter(g):
            return pltpu.async_copy(rows_v.at[pl.ds((g % NB) * HC, HC)],
                                    acc_s.at[di_v.at[g]],
                                    ssems[g % 4], add=True)

        gd = {g: gather(g) for g in range(LA)}
        sd = {}
        for g in range(HFULL):
            gd.pop(g).wait()
            sd[g] = scatter(g)
            if g - SL in sd:
                sd.pop(g - SL).wait()
            if g + LA < HFULL:
                gd[g + LA] = gather(g + LA)
        for g_ in sorted(sd):
            sd.pop(g_).wait()

        @pl.when(extra)
        def _():
            gather(HFULL).wait()
            scatter(HFULL).wait()

        plsc.subcore_barrier()
        pltpu.sync_copy(acc_s.at[pl.ds(sid * NPT, NPT)],
                        out_hbm.at[cid, pl.ds(sid * NPT, NPT)])

    return agg


_sc_agg32 = _make_sc_agg(H1)
_sc_agg16 = _make_sc_agg(H2P)



def _tc_h1(x, w1):
    def body(x_ref, w_ref, o_ref):
        o_ref[...] = jnp.dot(x_ref[...], w_ref[...],
                             preferred_element_type=f32)

    return pl.pallas_call(
        body, out_shape=jax.ShapeDtypeStruct((N, H1), f32))(x, w1)


def _tc_scale(dpp, h):
    def body(dp_ref, h_ref, o_ref):
        deg = dp_ref[:, 0:1] + dp_ref[:, 1:2] + 1.0
        o_ref[...] = h_ref[...] * lax.rsqrt(deg)

    return pl.pallas_call(
        body, out_shape=jax.ShapeDtypeStruct((N, H1), f32))(dpp, h)


def _tc_l2(dpp, qp, hp, b1r, w2p):
    def body(dp_ref, q_ref, hp_ref, b1_ref, w2_ref, o_ref):
        dinv = lax.rsqrt(dp_ref[:, 0:1] + dp_ref[:, 1:2] + 1.0)
        out1 = jnp.maximum(
            (q_ref[0] + q_ref[1] + hp_ref[...]) * dinv + b1_ref[...], 0.0)
        o_ref[...] = jnp.dot(out1, w2_ref[...],
                             preferred_element_type=f32) * dinv

    return pl.pallas_call(
        body, out_shape=jax.ShapeDtypeStruct((N, H2P), f32))(
            dpp, qp, hp, b1r, w2p)


def _tc_out(dpp, rp, h2p, b2p):
    def body(dp_ref, r_ref, h2_ref, b2_ref, o_ref):
        dinv = lax.rsqrt(dp_ref[:, 0:1] + dp_ref[:, 1:2] + 1.0)
        full = (r_ref[0] + r_ref[1] + h2_ref[...]) * dinv + b2_ref[...]
        o_ref[...] = full[:, :H2]

    return pl.pallas_call(
        body, out_shape=jax.ShapeDtypeStruct((N, H2), f32))(
            dpp, rp, h2p, b2p)



def kernel(x, edge_index, W1, b1, W2, b2):
    srcR = edge_index[0].reshape(HCT, HC)
    dstR = edge_index[1].reshape(HCT, HC)

    w2p = jnp.pad(W2, ((0, 0), (0, H2P - H2)))
    b1r = b1.reshape(1, H1)
    b2p = jnp.pad(b2, (0, H2P - H2)).reshape(1, H2P)
    z1 = jnp.zeros((NPT, H1), f32)
    z2 = jnp.zeros((NPT, H2P), f32)

    degp = _sc_degree(dstR)
    h = _tc_h1(x, W1)
    dpp = degp[:, :N].T
    hp = _tc_scale(dpp, h)
    qp = _sc_agg32(srcR, dstR, hp, z1)
    h2p = _tc_l2(dpp, qp, hp, b1r, w2p)
    rp = _sc_agg16(srcR, dstR, h2p, z2)
    return _tc_out(dpp, rp, h2p, b2p)

# --- scband reference (transcript-rebuilt; emitter-appended) ---
"""Pipeline reference for scband-gcn-45423574123075 (READ-ONLY COPY).

The authoritative reference and input builder live on the scoring server;
editing this copy changes nothing except your own understanding.
"""

import jax, jax.numpy as jnp
import numpy as np

N = 10000
E = 320000
D = 128
H1 = 32
H2 = 2


def gcn_conv(x, edge_index, W, b):
    # Faithful PyG GCNConv: add self-loops, symmetric normalization, scatter-add aggregation
    num_nodes = x.shape[0]
    loop = jnp.arange(num_nodes, dtype=edge_index.dtype)
    src = jnp.concatenate([edge_index[0], loop])
    dst = jnp.concatenate([edge_index[1], loop])
    h = x @ W  # linear transform before propagate
    deg = jnp.zeros((num_nodes,), dtype=x.dtype).at[dst].add(1.0)
    deg_inv_sqrt = jnp.where(deg > 0, jax.lax.rsqrt(deg), 0.0)
    norm = deg_inv_sqrt[src] * deg_inv_sqrt[dst]
    msgs = h[src] * norm[:, None]
    out = jax.ops.segment_sum(msgs, dst, num_segments=num_nodes)
    return out + b


def setup_inputs(seed: int = 0) -> dict:
    key = jax.random.key(seed)
    k1, k2, k3, k4, k5, k6 = jax.random.split(key, 6)
    x = jax.random.normal(k1, (N, D), dtype=jnp.float32)
    edge_index = jax.random.randint(k2, (2, E), 0, N, dtype=jnp.int32)
    W1 = jax.random.normal(k3, (D, H1), dtype=jnp.float32) * (1.0 / np.sqrt(D))
    b1 = jnp.zeros((H1,), dtype=jnp.float32)
    W2 = jax.random.normal(k4, (H1, H2), dtype=jnp.float32) * (1.0 / np.sqrt(H1))
    b2 = jnp.zeros((H2,), dtype=jnp.float32)
    return {"x": x, "edge_index": edge_index, "W1": W1, "b1": b1, "W2": W2, "b2": b2}


def reference(x, edge_index, W1, b1, W2, b2):
    h = jax.nn.relu(gcn_conv(x, edge_index, W1, b1))
    # F.dropout treated as identity (deterministic eval-mode reference)
    x_out = gcn_conv(h, edge_index, W2, b2)
    return x_out

if __name__ == "__main__":
    import jax
    _d = setup_inputs()
    print(jax.jit(kernel)(*tuple(_d.values())))

</pallas_src>

<mosaic_0001>
#map = affine_map<(d0, d1) -> (0, 0)>
module attributes {stable_mosaic.version = 14 : i64} {
  func.func @_sc_degree(%arg0: i32, %arg1: i32, %arg2: memref<625x512xi32, #tpu.memory_space<hbm>>, %arg3: memref<2x10240xf32, #tpu.memory_space<hbm>>, %arg4: memref<20x512xi32, #tpu.memory_space<vmem>>, %arg5: memref<512xf32, #tpu.memory_space<vmem>>, %arg6: memref<640xf32, #tpu.memory_space<vmem>>, %arg7: memref<10240xf32, #tpu.memory_space<vmem_shared>>, %arg8: memref<!tpu.dma_semaphore, #tpu.memory_space<semaphore_mem>>) attributes {dimension_semantics = [#tpu.dimension_semantics<core_parallel>, #tpu.dimension_semantics<subcore_parallel>], iteration_bounds = array<i64: 2, 16>, scalar_prefetch = 0 : i64, scratch_operands = 5 : i64, tpu.core_type = #tpu.core_type<sc_vector_subcore>, window_params = [{transform_indices = #map}, {transform_indices = #map}]} {
    %mul3A = arith.constant 2 : i32
    %mul3A_0 = arith.muli %arg1, %mul3A : i32
    %add3A = arith.addi %mul3A_0, %arg0 : i32
    %lt3A = arith.constant 17 : i32
    %lt3A_1 = arith.cmpi slt, %add3A, %lt3A : i32
    %mul3A_2 = arith.constant 19 : i32
    %mul3A_3 = arith.muli %add3A, %mul3A_2 : i32
    %min3A = arith.constant 17 : i32
    %min3A_4 = arith.minsi %add3A, %min3A : i32
    %add3A_5 = arith.addi %mul3A_3, %min3A_4 : i32
    %scan3A = arith.constant 0 : i32
    %scan3A_6 = arith.constant 32 : i32
    %scan3A_7 = arith.addi %scan3A, %scan3A_6 : i32
    %scan3A_8 = arith.constant 1 : i32
    scf.for %scan3A_255 = %scan3A to %scan3A_7 step %scan3A_8  : i32 {
      %mul3A_256 = arith.constant 1 : i32
      %mul3A_257 = arith.muli %scan3A_255, %mul3A_256 : i32
      %add3A_258 = arith.constant 0 : i32
      %add3A_259 = arith.addi %add3A_258, %mul3A_257 : i32
      %broadcast_in_dim3A = arith.constant 1.000000e+00 : f32
      %broadcast_in_dim3A_260 = vector.broadcast %broadcast_in_dim3A : f32 to vector<16xf32>
      %mul3A_261 = arith.constant 16 : i32
      %mul3A_262 = arith.muli %add3A_259, %mul3A_261 : i32
      %swap3A = arith.index_cast %mul3A_262 : i32 to index
      %swap3A_263 = tpu.vector_load %arg5[%swap3A] {strides = array<i32>} : memref<512xf32, #tpu.memory_space<vmem>>, vector<16xf32>,
      %swap3A_264 = vector.shape_cast %swap3A_263 : vector<16xf32> to vector<16xf32>
      %swap3A_265 = vector.shape_cast %broadcast_in_dim3A_260 : vector<16xf32> to vector<16xf32>
      tpu.vector_store %arg5[%swap3A], %swap3A_265 {strides = array<i32>} : memref<512xf32, #tpu.memory_space<vmem>>, vector<16xf32>,
    }
    %scan3A_9 = arith.constant 32 : i32
    %scan3A_10 = arith.constant 0 : i32
    %scan3A_11 = arith.constant 40 : i32
    %scan3A_12 = arith.addi %scan3A_10, %scan3A_11 : i32
    %scan3A_13 = arith.constant 1 : i32
    scf.for %scan3A_255 = %scan3A_10 to %scan3A_12 step %scan3A_13  : i32 {
      %mul3A_256 = arith.constant 1 : i32
      %mul3A_257 = arith.muli %scan3A_255, %mul3A_256 : i32
      %add3A_258 = arith.constant 0 : i32
      %add3A_259 = arith.addi %add3A_258, %mul3A_257 : i32
      %broadcast_in_dim3A = arith.constant 0.000000e+00 : f32
      %broadcast_in_dim3A_260 = vector.broadcast %broadcast_in_dim3A : f32 to vector<16xf32>
      %mul3A_261 = arith.constant 16 : i32
      %mul3A_262 = arith.muli %add3A_259, %mul3A_261 : i32
      %swap3A = arith.index_cast %mul3A_262 : i32 to index
      %swap3A_263 = tpu.vector_load %arg6[%swap3A] {strides = array<i32>} : memref<640xf32, #tpu.memory_space<vmem>>, vector<16xf32>,
      %swap3A_264 = vector.shape_cast %swap3A_263 : vector<16xf32> to vector<16xf32>
      %swap3A_265 = vector.shape_cast %broadcast_in_dim3A_260 : vector<16xf32> to vector<16xf32>
      tpu.vector_store %arg6[%swap3A], %swap3A_265 {strides = array<i32>} : memref<640xf32, #tpu.memory_space<vmem>>, vector<16xf32>,
    }
    %scan3A_14 = arith.constant 40 : i32
    %mul3A_15 = arith.constant 640 : i32
    %mul3A_16 = arith.muli %arg1, %mul3A_15 : i32
    "tpu.region"() ({
      %run_scoped3A = tpu.sem_alloc : memref<!tpu.dma_semaphore, #tpu.memory_space<semaphore_mem>>
      %dma_start3A_255 = tpu.memref_slice %arg7[%mul3A_16] : memref<10240xf32, #tpu.memory_space<vmem_shared>> -> memref<640xf32, #tpu.memory_space<vmem_shared>>
      %dma_start3A_256 = tpu.memref_slice %arg7[%mul3A_16] : memref<10240xf32, #tpu.memory_space<vmem_shared>> -> memref<640xf32, #tpu.memory_space<vmem_shared>>
      tpu.enqueue_dma source(%arg6 : memref<640xf32, #tpu.memory_space<vmem>>) target(%dma_start3A_256 : memref<640xf32, #tpu.memory_space<vmem_shared>>) target_semaphore(%run_scoped3A : memref<!tpu.dma_semaphore, #tpu.memory_space<semaphore_mem>>)
      %dma_wait3A_257 = tpu.memref_slice %arg7[%mul3A_16] : memref<10240xf32, #tpu.memory_space<vmem_shared>> -> memref<640xf32, #tpu.memory_space<vmem_shared>>
      %dma_wait3A_258 = tpu.memref_slice %arg7[%mul3A_16] : memref<10240xf32, #tpu.memory_space<vmem_shared>> -> memref<640xf32, #tpu.memory_space<vmem_shared>>
      tpu.wait_dma2 semaphore(%run_scoped3A : memref<!tpu.dma_semaphore, #tpu.memory_space<semaphore_mem>>) src(%arg6 : memref<640xf32, #tpu.memory_space<vmem>>) dst(%dma_wait3A_258 : memref<640xf32, #tpu.memory_space<vmem_shared>>)
      tpu.yield
    }) : () -> ()
    "tpu.region"() ({
      %run_scoped3A = tpu.sem_alloc : memref<!tpu.dma_semaphore, #tpu.memory_space<semaphore_mem>>
      %dma_start3A_255 = arith.constant 0 : i32
      %dma_start3A_256 = arith.constant 0 : i32
      %dma_start3A_257 = tpu.memref_slice %arg4[%dma_start3A_255, %dma_start3A_256] : memref<20x512xi32, #tpu.memory_space<vmem>> -> memref<19x512xi32, #tpu.memory_space<vmem>>
      %dma_start3A_258 = arith.constant 0 : i32
      %dma_start3A_259 = tpu.memref_slice %arg2[%add3A_5, %dma_start3A_258] : memref<625x512xi32, #tpu.memory_space<hbm>> -> memref<19x512xi32, #tpu.memory_space<hbm>>
      %dma_start3A_260 = arith.constant 0 : i32
      %dma_start3A_261 = arith.constant 0 : i32
      %dma_start3A_262 = tpu.memref_slice %arg4[%dma_start3A_260, %dma_start3A_261] : memref<20x512xi32, #tpu.memory_space<vmem>> -> memref<19x512xi32, #tpu.memory_space<vmem>>
      %dma_start3A_263 = arith.constant 0 : i32
      %dma_start3A_264 = tpu.memref_slice %arg2[%add3A_5, %dma_start3A_263] : memref<625x512xi32, #tpu.memory_space<hbm>> -> memref<19x512xi32, #tpu.memory_space<hbm>>
      tpu.enqueue_dma source(%dma_start3A_264 : memref<19x512xi32, #tpu.memory_space<hbm>>) target(%dma_start3A_262 : memref<19x512xi32, #tpu.memory_space<vmem>>) target_semaphore(%run_scoped3A : memref<!tpu.dma_semaphore, #tpu.memory_space<semaphore_mem>>)
      %dma_wait3A_265 = arith.constant 0 : i32
      %dma_wait3A_266 = arith.constant 0 : i32
      %dma_wait3A_267 = tpu.memref_slice %arg4[%dma_wait3A_265, %dma_wait3A_266] : memref<20x512xi32, #tpu.memory_space<vmem>> -> memref<19x512xi32, #tpu.memory_space<vmem>>
      %dma_wait3A_268 = arith.constant 0 : i32
      %dma_wait3A_269 = tpu.memref_slice %arg2[%add3A_5, %dma_wait3A_268] : memref<625x512xi32, #tpu.memory_space<hbm>> -> memref<19x512xi32, #tpu.memory_space<hbm>>
      %dma_wait3A_270 = arith.constant 0 : i32
      %dma_wait3A_271 = arith.constant 0 : i32
      %dma_wait3A_272 = tpu.memref_slice %arg4[%dma_wait3A_270, %dma_wait3A_271] : memref<20x512xi32, #tpu.memory_space<vmem>> -> memref<19x512xi32, #tpu.memory_space<vmem>>
      %dma_wait3A_273 = arith.constant 0 : i32
      %dma_wait3A_274 = tpu.memref_slice %arg2[%add3A_5, %dma_wait3A_273] : memref<625x512xi32, #tpu.memory_space<hbm>> -> memref<19x512xi32, #tpu.memory_space<hbm>>
      tpu.wait_dma2 semaphore(%run_scoped3A : memref<!tpu.dma_semaphore, #tpu.memory_space<semaphore_mem>>) src(%dma_wait3A_274 : memref<19x512xi32, #tpu.memory_space<hbm>>) dst(%dma_wait3A_272 : memref<19x512xi32, #tpu.memory_space<vmem>>)
      tpu.yield
    }) : () -> ()
    %convert_element_type3A = arith.extui %lt3A_1 : i1 to i32
    %cond3A = arith.constant 0 : i32
    %cond3A_17 = arith.cmpi ne, %convert_element_type3A, %cond3A : i32
    scf.if %cond3A_17 {
      %add3A_255 = arith.constant 19 : i32
      %add3A_256 = arith.addi %add3A_5, %add3A_255 : i32
      "tpu.region"() ({
        %run_scoped3A = tpu.sem_alloc : memref<!tpu.dma_semaphore, #tpu.memory_space<semaphore_mem>>
        %dma_start3A_257 = arith.constant 19 : i32
        %dma_start3A_258 = arith.constant 0 : i32
        %dma_start3A_259 = tpu.memref_slice %arg4[%dma_start3A_257, %dma_start3A_258] : memref<20x512xi32, #tpu.memory_space<vmem>> -> memref<1x512xi32, #tpu.memory_space<vmem>>
        %dma_start3A_260 = arith.constant 0 : i32
        %dma_start3A_261 = tpu.memref_slice %arg2[%add3A_256, %dma_start3A_260] : memref<625x512xi32, #tpu.memory_space<hbm>> -> memref<1x512xi32, #tpu.memory_space<hbm>>
        %dma_start3A_262 = arith.constant 19 : i32
        %dma_start3A_263 = arith.constant 0 : i32
        %dma_start3A_264 = tpu.memref_slice %arg4[%dma_start3A_262, %dma_start3A_263] : memref<20x512xi32, #tpu.memory_space<vmem>> -> memref<1x512xi32, #tpu.memory_space<vmem>>
        %dma_start3A_265 = arith.constant 0 : i32
        %dma_start3A_266 = tpu.memref_slice %arg2[%add3A_256, %dma_start3A_265] : memref<625x512xi32, #tpu.memory_space<hbm>> -> memref<1x512xi32, #tpu.memory_space<hbm>>
        tpu.enqueue_dma source(%dma_start3A_266 : memref<1x512xi32, #tpu.memory_space<hbm>>) target(%dma_start3A_264 : memref<1x512xi32, #tpu.memory_space<vmem>>) target_semaphore(%run_scoped3A : memref<!tpu.dma_semaphore, #tpu.memory_space<semaphore_mem>>)
        %dma_wait3A_267 = arith.constant 19 : i32
        %dma_wait3A_268 = arith.constant 0 : i32
        %dma_wait3A_269 = tpu.memref_slice %arg4[%dma_wait3A_267, %dma_wait3A_268] : memref<20x512xi32, #tpu.memory_space<vmem>> -> memref<1x512xi32, #tpu.memory_space<vmem>>
        %dma_wait3A_270 = arith.constant 0 : i32
        %dma_wait3A_271 = tpu.memref_slice %arg2[%add3A_256, %dma_wait3A_270] : memref<625x512xi32, #tpu.memory_space<hbm>> -> memref<1x512xi32, #tpu.memory_space<hbm>>
        %dma_wait3A_272 = arith.constant 19 : i32
        %dma_wait3A_273 = arith.constant 0 : i32
        %dma_wait3A_274 = tpu.memref_slice %arg4[%dma_wait3A_272, %dma_wait3A_273] : memref<20x512xi32, #tpu.memory_space<vmem>> -> memref<1x512xi32, #tpu.memory_space<vmem>>
        %dma_wait3A_275 = arith.constant 0 : i32
        %dma_wait3A_276 = tpu.memref_slice %arg2[%add3A_256, %dma_wait3A_275] : memref<625x512xi32, #tpu.memory_space<hbm>> -> memref<1x512xi32, #tpu.memory_space<hbm>>
        tpu.wait_dma2 semaphore(%run_scoped3A : memref<!tpu.dma_semaphore, #tpu.memory_space<semaphore_mem>>) src(%dma_wait3A_276 : memref<1x512xi32, #tpu.memory_space<hbm>>) dst(%dma_wait3A_274 : memref<1x512xi32, #tpu.memory_space<vmem>>)
        tpu.yield
      }) : () -> ()
    } else {
    }
    %barrier3A = arith.constant 0 : index
    tpu.barrier barrier_id(%barrier3A)
    %dma_start3A = arith.constant 0 : i32
    %dma_start3A_18 = arith.constant 0 : i32
    %dma_start3A_19 = tpu.memref_slice %arg4[%dma_start3A, %dma_start3A_18] : memref<20x512xi32, #tpu.memory_space<vmem>> -> memref<1x512xi32, #tpu.memory_space<vmem>>
    %dma_start3A_20 = tpu.memref_squeeze %dma_start3A_19 : memref<1x512xi32, #tpu.memory_space<vmem>> -> memref<512xi32, #tpu.memory_space<vmem>>
    %dma_start3A_21 = arith.constant 0 : i32
    %dma_start3A_22 = tpu.memref_slice %arg7[%dma_start3A_21] : memref<10240xf32, #tpu.memory_space<vmem_shared>> -> memref<10240xf32, #tpu.memory_space<vmem_shared>>
    tpu.enqueue_indirect_dma source(%arg5 : memref<512xf32, #tpu.memory_space<vmem>>) target(%dma_start3A_22 : memref<10240xf32, #tpu.memory_space<vmem_shared>>) offsets(%dma_start3A_20 : memref<512xi32, #tpu.memory_space<vmem>>) semaphore(%arg8 : memref<!tpu.dma_semaphore, #tpu.memory_space<semaphore_mem>>) {add = true}
    %dma_start3A_23 = arith.constant 1 : i32
    %dma_start3A_24 = arith.constant 0 : i32
    %dma_start3A_25 = tpu.memref_slice %arg4[%dma_start3A_23, %dma_start3A_24] : memref<20x512xi32, #tpu.memory_space<vmem>> -> memref<1x512xi32, #tpu.memory_space<vmem>>
    %dma_start3A_26 = tpu.memref_squeeze %dma_start3A_25 : memref<1x512xi32, #tpu.memory_space<vmem>> -> memref<512xi32, #tpu.memory_space<vmem>>
    %dma_start3A_27 = arith.constant 0 : i32
    %dma_start3A_28 = tpu.memref_slice %arg7[%dma_start3A_27] : memref<10240xf32, #tpu.memory_space<vmem_shared>> -> memref<10240xf32, #tpu.memory_space<vmem_shared>>
    tpu.enqueue_indirect_dma source(%arg5 : memref<512xf32, #tpu.memory_space<vmem>>) target(%dma_start3A_28 : memref<10240xf32, #tpu.memory_space<vmem_shared>>) offsets(%dma_start3A_26 : memref<512xi32, #tpu.memory_space<vmem>>) semaphore(%arg8 : memref<!tpu.dma_semaphore, #tpu.memory_space<semaphore_mem>>) {add = true}
    %dma_start3A_29 = arith.constant 2 : i32
    %dma_start3A_30 = arith.constant 0 : i32
    %dma_start3A_31 = tpu.memref_slice %arg4[%dma_start3A_29, %dma_start3A_30] : memref<20x512xi32, #tpu.memory_space<vmem>> -> memref<1x512xi32, #tpu.memory_space<vmem>>
    %dma_start3A_32 = tpu.memref_squeeze %dma_start3A_31 : memref<1x512xi32, #tpu.memory_space<vmem>> -> memref<512xi32, #tpu.memory_space<vmem>>
    %dma_start3A_33 = arith.constant 0 : i32
    %dma_start3A_34 = tpu.memref_slice %arg7[%dma_start3A_33] : memref<10240xf32, #tpu.memory_space<vmem_shared>> -> memref<10240xf32, #tpu.memory_space<vmem_shared>>
    tpu.enqueue_indirect_dma source(%arg5 : memref<512xf32, #tpu.memory_space<vmem>>) target(%dma_start3A_34 : memref<10240xf32, #tpu.memory_space<vmem_shared>>) offsets(%dma_start3A_32 : memref<512xi32, #tpu.memory_space<vmem>>) semaphore(%arg8 : memref<!tpu.dma_semaphore, #tpu.memory_space<semaphore_mem>>) {add = true}
    %dma_start3A_35 = arith.constant 3 : i32
    %dma_start3A_36 = arith.constant 0 : i32
    %dma_start3A_37 = tpu.memref_slice %arg4[%dma_start3A_35, %dma_start3A_36] : memref<20x512xi32, #tpu.memory_space<vmem>> -> memref<1x512xi32, #tpu.memory_space<vmem>>
    %dma_start3A_38 = tpu.memref_squeeze %dma_start3A_37 : memref<1x512xi32, #tpu.memory_space<vmem>> -> memref<512xi32, #tpu.memory_space<vmem>>
    %dma_start3A_39 = arith.constant 0 : i32
    %dma_start3A_40 = tpu.memref_slice %arg7[%dma_start3A_39] : memref<10240xf32, #tpu.memory_space<vmem_shared>> -> memref<10240xf32, #tpu.memory_space<vmem_shared>>
    tpu.enqueue_indirect_dma source(%arg5 : memref<512xf32, #tpu.memory_space<vmem>>) target(%dma_start3A_40 : memref<10240xf32, #tpu.memory_space<vmem_shared>>) offsets(%dma_start3A_38 : memref<512xi32, #tpu.memory_space<vmem>>) semaphore(%arg8 : memref<!tpu.dma_semaphore, #tpu.memory_space<semaphore_mem>>) {add = true}
    %dma_start3A_41 = arith.constant 4 : i32
    %dma_start3A_42 = arith.constant 0 : i32
    %dma_start3A_43 = tpu.memref_slice %arg4[%dma_start3A_41, %dma_start3A_42] : memref<20x512xi32, #tpu.memory_space<vmem>> -> memref<1x512xi32, #tpu.memory_space<vmem>>
    %dma_start3A_44 = tpu.memref_squeeze %dma_start3A_43 : memref<1x512xi32, #tpu.memory_space<vmem>> -> memref<512xi32, #tpu.memory_space<vmem>>
    %dma_start3A_45 = arith.constant 0 : i32
    %dma_start3A_46 = tpu.memref_slice %arg7[%dma_start3A_45] : memref<10240xf32, #tpu.memory_space<vmem_shared>> -> memref<10240xf32, #tpu.memory_space<vmem_shared>>
    tpu.enqueue_indirect_dma source(%arg5 : memref<512xf32, #tpu.memory_space<vmem>>) target(%dma_start3A_46 : memref<10240xf32, #tpu.memory_space<vmem_shared>>) offsets(%dma_start3A_44 : memref<512xi32, #tpu.memory_space<vmem>>) semaphore(%arg8 : memref<!tpu.dma_semaphore, #tpu.memory_space<semaphore_mem>>) {add = true}
    %dma_start3A_47 = arith.constant 5 : i32
    %dma_start3A_48 = arith.constant 0 : i32
    %dma_start3A_49 = tpu.memref_slice %arg4[%dma_start3A_47, %dma_start3A_48] : memref<20x512xi32, #tpu.memory_space<vmem>> -> memref<1x512xi32, #tpu.memory_space<vmem>>
    %dma_start3A_50 = tpu.memref_squeeze %dma_start3A_49 : memref<1x512xi32, #tpu.memory_space<vmem>> -> memref<512xi32, #tpu.memory_space<vmem>>
    %dma_start3A_51 = arith.constant 0 : i32
    %dma_start3A_52 = tpu.memref_slice %arg7[%dma_start3A_51] : memref<10240xf32, #tpu.memory_space<vmem_shared>> -> memref<10240xf32, #tpu.memory_space<vmem_shared>>
    tpu.enqueue_indirect_dma source(%arg5 : memref<512xf32, #tpu.memory_space<vmem>>) target(%dma_start3A_52 : memref<10240xf32, #tpu.memory_space<vmem_shared>>) offsets(%dma_start3A_50 : memref<512xi32, #tpu.memory_space<vmem>>) semaphore(%arg8 : memref<!tpu.dma_semaphore, #tpu.memory_space<semaphore_mem>>) {add = true}
    %dma_start3A_53 = arith.constant 6 : i32
    %dma_start3A_54 = arith.constant 0 : i32
    %dma_start3A_55 = tpu.memref_slice %arg4[%dma_start3A_53, %dma_start3A_54] : memref<20x512xi32, #tpu.memory_space<vmem>> -> memref<1x512xi32, #tpu.memory_space<vmem>>
    %dma_start3A_56 = tpu.memref_squeeze %dma_start3A_55 : memref<1x512xi32, #tpu.memory_space<vmem>> -> memref<512xi32, #tpu.memory_space<vmem>>
    %dma_start3A_57 = arith.constant 0 : i32
    %dma_start3A_58 = tpu.memref_slice %arg7[%dma_start3A_57] : memref<10240xf32, #tpu.memory_space<vmem_shared>> -> memref<10240xf32, #tpu.memory_space<vmem_shared>>
    tpu.enqueue_indirect_dma source(%arg5 : memref<512xf32, #tpu.memory_space<vmem>>) target(%dma_start3A_58 : memref<10240xf32, #tpu.memory_space<vmem_shared>>) offsets(%dma_start3A_56 : memref<512xi32, #tpu.memory_space<vmem>>) semaphore(%arg8 : memref<!tpu.dma_semaphore, #tpu.memory_space<semaphore_mem>>) {add = true}
    %dma_start3A_59 = arith.constant 7 : i32
    %dma_start3A_60 = arith.constant 0 : i32
    %dma_start3A_61 = tpu.memref_slice %arg4[%dma_start3A_59, %dma_start3A_60] : memref<20x512xi32, #tpu.memory_space<vmem>> -> memref<1x512xi32, #tpu.memory_space<vmem>>
    %dma_start3A_62 = tpu.memref_squeeze %dma_start3A_61 : memref<1x512xi32, #tpu.memory_space<vmem>> -> memref<512xi32, #tpu.memory_space<vmem>>
    %dma_start3A_63 = arith.constant 0 : i32
    %dma_start3A_64 = tpu.memref_slice %arg7[%dma_start3A_63] : memref<10240xf32, #tpu.memory_space<vmem_shared>> -> memref<10240xf32, #tpu.memory_space<vmem_shared>>
    tpu.enqueue_indirect_dma source(%arg5 : memref<512xf32, #tpu.memory_space<vmem>>) target(%dma_start3A_64 : memref<10240xf32, #tpu.memory_space<vmem_shared>>) offsets(%dma_start3A_62 : memref<512xi32, #tpu.memory_space<vmem>>) semaphore(%arg8 : memref<!tpu.dma_semaphore, #tpu.memory_space<semaphore_mem>>) {add = true}
    %dma_start3A_65 = arith.constant 8 : i32
    %dma_start3A_66 = arith.constant 0 : i32
    %dma_start3A_67 = tpu.memref_slice %arg4[%dma_start3A_65, %dma_start3A_66] : memref<20x512xi32, #tpu.memory_space<vmem>> -> memref<1x512xi32, #tpu.memory_space<vmem>>
    %dma_start3A_68 = tpu.memref_squeeze %dma_start3A_67 : memref<1x512xi32, #tpu.memory_space<vmem>> -> memref<512xi32, #tpu.memory_space<vmem>>
    %dma_start3A_69 = arith.constant 0 : i32
    %dma_start3A_70 = tpu.memref_slice %arg7[%dma_start3A_69] : memref<10240xf32, #tpu.memory_space<vmem_shared>> -> memref<10240xf32, #tpu.memory_space<vmem_shared>>
    tpu.enqueue_indirect_dma source(%arg5 : memref<512xf32, #tpu.memory_space<vmem>>) target(%dma_start3A_70 : memref<10240xf32, #tpu.memory_space<vmem_shared>>) offsets(%dma_start3A_68 : memref<512xi32, #tpu.memory_space<vmem>>) semaphore(%arg8 : memref<!tpu.dma_semaphore, #tpu.memory_space<semaphore_mem>>) {add = true}
    %dma_start3A_71 = arith.constant 9 : i32
    %dma_start3A_72 = arith.constant 0 : i32
    %dma_start3A_73 = tpu.memref_slice %arg4[%dma_start3A_71, %dma_start3A_72] : memref<20x512xi32, #tpu.memory_space<vmem>> -> memref<1x512xi32, #tpu.memory_space<vmem>>
    %dma_start3A_74 = tpu.memref_squeeze %dma_start3A_73 : memref<1x512xi32, #tpu.memory_space<vmem>> -> memref<512xi32, #tpu.memory_space<vmem>>
    %dma_start3A_75 = arith.constant 0 : i32
    %dma_start3A_76 = tpu.memref_slice %arg7[%dma_start3A_75] : memref<10240xf32, #tpu.memory_space<vmem_shared>> -> memref<10240xf32, #tpu.memory_space<vmem_shared>>
    tpu.enqueue_indirect_dma source(%arg5 : memref<512xf32, #tpu.memory_space<vmem>>) target(%dma_start3A_76 : memref<10240xf32, #tpu.memory_space<vmem_shared>>) offsets(%dma_start3A_74 : memref<512xi32, #tpu.memory_space<vmem>>) semaphore(%arg8 : memref<!tpu.dma_semaphore, #tpu.memory_space<semaphore_mem>>) {add = true}
    %dma_start3A_77 = arith.constant 10 : i32
    %dma_start3A_78 = arith.constant 0 : i32
    %dma_start3A_79 = tpu.memref_slice %arg4[%dma_start3A_77, %dma_start3A_78] : memref<20x512xi32, #tpu.memory_space<vmem>> -> memref<1x512xi32, #tpu.memory_space<vmem>>
    %dma_start3A_80 = tpu.memref_squeeze %dma_start3A_79 : memref<1x512xi32, #tpu.memory_space<vmem>> -> memref<512xi32, #tpu.memory_space<vmem>>
    %dma_start3A_81 = arith.constant 0 : i32
    %dma_start3A_82 = tpu.memref_slice %arg7[%dma_start3A_81] : memref<10240xf32, #tpu.memory_space<vmem_shared>> -> memref<10240xf32, #tpu.memory_space<vmem_shared>>
    tpu.enqueue_indirect_dma source(%arg5 : memref<512xf32, #tpu.memory_space<vmem>>) target(%dma_start3A_82 : memref<10240xf32, #tpu.memory_space<vmem_shared>>) offsets(%dma_start3A_80 : memref<512xi32, #tpu.memory_space<vmem>>) semaphore(%arg8 : memref<!tpu.dma_semaphore, #tpu.memory_space<semaphore_mem>>) {add = true}
    %dma_start3A_83 = arith.constant 11 : i32
    %dma_start3A_84 = arith.constant 0 : i32
    %dma_start3A_85 = tpu.memref_slice %arg4[%dma_start3A_83, %dma_start3A_84] : memref<20x512xi32, #tpu.memory_space<vmem>> -> memref<1x512xi32, #tpu.memory_space<vmem>>
    %dma_start3A_86 = tpu.memref_squeeze %dma_start3A_85 : memref<1x512xi32, #tpu.memory_space<vmem>> -> memref<512xi32, #tpu.memory_space<vmem>>
    %dma_start3A_87 = arith.constant 0 : i32
    %dma_start3A_88 = tpu.memref_slice %arg7[%dma_start3A_87] : memref<10240xf32, #tpu.memory_space<vmem_shared>> -> memref<10240xf32, #tpu.memory_space<vmem_shared>>
    tpu.enqueue_indirect_dma source(%arg5 : memref<512xf32, #tpu.memory_space<vmem>>) target(%dma_start3A_88 : memref<10240xf32, #tpu.memory_space<vmem_shared>>) offsets(%dma_start3A_86 : memref<512xi32, #tpu.memory_space<vmem>>) semaphore(%arg8 : memref<!tpu.dma_semaphore, #tpu.memory_space<semaphore_mem>>) {add = true}
    %dma_start3A_89 = arith.constant 12 : i32
    %dma_start3A_90 = arith.constant 0 : i32
    %dma_start3A_91 = tpu.memref_slice %arg4[%dma_start3A_89, %dma_start3A_90] : memref<20x512xi32, #tpu.memory_space<vmem>> -> memref<1x512xi32, #tpu.memory_space<vmem>>
    %dma_start3A_92 = tpu.memref_squeeze %dma_start3A_91 : memref<1x512xi32, #tpu.memory_space<vmem>> -> memref<512xi32, #tpu.memory_space<vmem>>
    %dma_start3A_93 = arith.constant 0 : i32
    %dma_start3A_94 = tpu.memref_slice %arg7[%dma_start3A_93] : memref<10240xf32, #tpu.memory_space<vmem_shared>> -> memref<10240xf32, #tpu.memory_space<vmem_shared>>
    tpu.enqueue_indirect_dma source(%arg5 : memref<512xf32, #tpu.memory_space<vmem>>) target(%dma_start3A_94 : memref<10240xf32, #tpu.memory_space<vmem_shared>>) offsets(%dma_start3A_92 : memref<512xi32, #tpu.memory_space<vmem>>) semaphore(%arg8 : memref<!tpu.dma_semaphore, #tpu.memory_space<semaphore_mem>>) {add = true}
    %dma_start3A_95 = arith.constant 13 : i32
    %dma_start3A_96 = arith.constant 0 : i32
    %dma_start3A_97 = tpu.memref_slice %arg4[%dma_start3A_95, %dma_start3A_96] : memref<20x512xi32, #tpu.memory_space<vmem>> -> memref<1x512xi32, #tpu.memory_space<vmem>>
    %dma_start3A_98 = tpu.memref_squeeze %dma_start3A_97 : memref<1x512xi32, #tpu.memory_space<vmem>> -> memref<512xi32, #tpu.memory_space<vmem>>
    %dma_start3A_99 = arith.constant 0 : i32
    %dma_start3A_100 = tpu.memref_slice %arg7[%dma_start3A_99] : memref<10240xf32, #tpu.memory_space<vmem_shared>> -> memref<10240xf32, #tpu.memory_space<vmem_shared>>
    tpu.enqueue_indirect_dma source(%arg5 : memref<512xf32, #tpu.memory_space<vmem>>) target(%dma_start3A_100 : memref<10240xf32, #tpu.memory_space<vmem_shared>>) offsets(%dma_start3A_98 : memref<512xi32, #tpu.memory_space<vmem>>) semaphore(%arg8 : memref<!tpu.dma_semaphore, #tpu.memory_space<semaphore_mem>>) {add = true}
    %dma_start3A_101 = arith.constant 14 : i32
    %dma_start3A_102 = arith.constant 0 : i32
    %dma_start3A_103 = tpu.memref_slice %arg4[%dma_start3A_101, %dma_start3A_102] : memref<20x512xi32, #tpu.memory_space<vmem>> -> memref<1x512xi32, #tpu.memory_space<vmem>>
    %dma_start3A_104 = tpu.memref_squeeze %dma_start3A_103 : memref<1x512xi32, #tpu.memory_space<vmem>> -> memref<512xi32, #tpu.memory_space<vmem>>
    %dma_start3A_105 = arith.constant 0 : i32
    %dma_start3A_106 = tpu.memref_slice %arg7[%dma_start3A_105] : memref<10240xf32, #tpu.memory_space<vmem_shared>> -> memref<10240xf32, #tpu.memory_space<vmem_shared>>
    tpu.enqueue_indirect_dma source(%arg5 : memref<512xf32, #tpu.memory_space<vmem>>) target(%dma_start3A_106 : memref<10240xf32, #tpu.memory_space<vmem_shared>>) offsets(%dma_start3A_104 : memref<512xi32, #tpu.memory_space<vmem>>) semaphore(%arg8 : memref<!tpu.dma_semaphore, #tpu.memory_space<semaphore_mem>>) {add = true}
    %dma_start3A_107 = arith.constant 15 : i32
    %dma_start3A_108 = arith.constant 0 : i32
    %dma_start3A_109 = tpu.memref_slice %arg4[%dma_start3A_107, %dma_start3A_108] : memref<20x512xi32, #tpu.memory_space<vmem>> -> memref<1x512xi32, #tpu.memory_space<vmem>>
    %dma_start3A_110 = tpu.memref_squeeze %dma_start3A_109 : memref<1x512xi32, #tpu.memory_space<vmem>> -> memref<512xi32, #tpu.memory_space<vmem>>
    %dma_start3A_111 = arith.constant 0 : i32
    %dma_start3A_112 = tpu.memref_slice %arg7[%dma_start3A_111] : memref<10240xf32, #tpu.memory_space<vmem_shared>> -> memref<10240xf32, #tpu.memory_space<vmem_shared>>
    tpu.enqueue_indirect_dma source(%arg5 : memref<512xf32, #tpu.memory_space<vmem>>) target(%dma_start3A_112 : memref<10240xf32, #tpu.memory_space<vmem_shared>>) offsets(%dma_start3A_110 : memref<512xi32, #tpu.memory_space<vmem>>) semaphore(%arg8 : memref<!tpu.dma_semaphore, #tpu.memory_space<semaphore_mem>>) {add = true}
    %dma_start3A_113 = arith.constant 16 : i32
    %dma_start3A_114 = arith.constant 0 : i32
    %dma_start3A_115 = tpu.memref_slice %arg4[%dma_start3A_113, %dma_start3A_114] : memref<20x512xi32, #tpu.memory_space<vmem>> -> memref<1x512xi32, #tpu.memory_space<vmem>>
    %dma_start3A_116 = tpu.memref_squeeze %dma_start3A_115 : memref<1x512xi32, #tpu.memory_space<vmem>> -> memref<512xi32, #tpu.memory_space<vmem>>
    %dma_start3A_117 = arith.constant 0 : i32
    %dma_start3A_118 = tpu.memref_slice %arg7[%dma_start3A_117] : memref<10240xf32, #tpu.memory_space<vmem_shared>> -> memref<10240xf32, #tpu.memory_space<vmem_shared>>
    tpu.enqueue_indirect_dma source(%arg5 : memref<512xf32, #tpu.memory_space<vmem>>) target(%dma_start3A_118 : memref<10240xf32, #tpu.memory_space<vmem_shared>>) offsets(%dma_start3A_116 : memref<512xi32, #tpu.memory_space<vmem>>) semaphore(%arg8 : memref<!tpu.dma_semaphore, #tpu.memory_space<semaphore_mem>>) {add = true}
    %dma_start3A_119 = arith.constant 17 : i32
    %dma_start3A_120 = arith.constant 0 : i32
    %dma_start3A_121 = tpu.memref_slice %arg4[%dma_start3A_119, %dma_start3A_120] : memref<20x512xi32, #tpu.memory_space<vmem>> -> memref<1x512xi32, #tpu.memory_space<vmem>>
    %dma_start3A_122 = tpu.memref_squeeze %dma_start3A_121 : memref<1x512xi32, #tpu.memory_space<vmem>> -> memref<512xi32, #tpu.memory_space<vmem>>
    %dma_start3A_123 = arith.constant 0 : i32
    %dma_start3A_124 = tpu.memref_slice %arg7[%dma_start3A_123] : memref<10240xf32, #tpu.memory_space<vmem_shared>> -> memref<10240xf32, #tpu.memory_space<vmem_shared>>
    tpu.enqueue_indirect_dma source(%arg5 : memref<512xf32, #tpu.memory_space<vmem>>) target(%dma_start3A_124 : memref<10240xf32, #tpu.memory_space<vmem_shared>>) offsets(%dma_start3A_122 : memref<512xi32, #tpu.memory_space<vmem>>) semaphore(%arg8 : memref<!tpu.dma_semaphore, #tpu.memory_space<semaphore_mem>>) {add = true}
    %dma_start3A_125 = arith.constant 18 : i32
    %dma_start3A_126 = arith.constant 0 : i32
    %dma_start3A_127 = tpu.memref_slice %arg4[%dma_start3A_125, %dma_start3A_126] : memref<20x512xi32, #tpu.memory_space<vmem>> -> memref<1x512xi32, #tpu.memory_space<vmem>>
    %dma_start3A_128 = tpu.memref_squeeze %dma_start3A_127 : memref<1x512xi32, #tpu.memory_space<vmem>> -> memref<512xi32, #tpu.memory_space<vmem>>
    %dma_start3A_129 = arith.constant 0 : i32
    %dma_start3A_130 = tpu.memref_slice %arg7[%dma_start3A_129] : memref<10240xf32, #tpu.memory_space<vmem_shared>> -> memref<10240xf32, #tpu.memory_space<vmem_shared>>
    tpu.enqueue_indirect_dma source(%arg5 : memref<512xf32, #tpu.memory_space<vmem>>) target(%dma_start3A_130 : memref<10240xf32, #tpu.memory_space<vmem_shared>>) offsets(%dma_start3A_128 : memref<512xi32, #tpu.memory_space<vmem>>) semaphore(%arg8 : memref<!tpu.dma_semaphore, #tpu.memory_space<semaphore_mem>>) {add = true}
    %convert_element_type3A_131 = arith.extui %lt3A_1 : i1 to i32
    %cond3A_132 = arith.constant 0 : i32
    %cond3A_133 = arith.cmpi ne, %convert_element_type3A_131, %cond3A_132 : i32
    scf.if %cond3A_133 {
      %dma_start3A_255 = arith.constant 19 : i32
      %dma_start3A_256 = arith.constant 0 : i32
      %dma_start3A_257 = tpu.memref_slice %arg4[%dma_start3A_255, %dma_start3A_256] : memref<20x512xi32, #tpu.memory_space<vmem>> -> memref<1x512xi32, #tpu.memory_space<vmem>>
      %dma_start3A_258 = tpu.memref_squeeze %dma_start3A_257 : memref<1x512xi32, #tpu.memory_space<vmem>> -> memref<512xi32, #tpu.memory_space<vmem>>
      %dma_start3A_259 = arith.constant 0 : i32
      %dma_start3A_260 = tpu.memref_slice %arg7[%dma_start3A_259] : memref<10240xf32, #tpu.memory_space<vmem_shared>> -> memref<10240xf32, #tpu.memory_space<vmem_shared>>
      tpu.enqueue_indirect_dma source(%arg5 : memref<512xf32, #tpu.memory_space<vmem>>) target(%dma_start3A_260 : memref<10240xf32, #tpu.memory_space<vmem_shared>>) offsets(%dma_start3A_258 : memref<512xi32, #tpu.memory_space<vmem>>) semaphore(%arg8 : memref<!tpu.dma_semaphore, #tpu.memory_space<semaphore_mem>>) {add = true}
    } else {
    }
    %dma_wait3A = arith.constant 0 : i32
    %dma_wait3A_134 = arith.constant 0 : i32
    %dma_wait3A_135 = tpu.memref_slice %arg4[%dma_wait3A, %dma_wait3A_134] : memref<20x512xi32, #tpu.memory_space<vmem>> -> memref<1x512xi32, #tpu.memory_space<vmem>>
    %dma_wait3A_136 = tpu.memref_squeeze %dma_wait3A_135 : memref<1x512xi32, #tpu.memory_space<vmem>> -> memref<512xi32, #tpu.memory_space<vmem>>
    %dma_wait3A_137 = arith.constant 0 : i32
    %dma_wait3A_138 = tpu.memref_slice %arg7[%dma_wait3A_137] : memref<10240xf32, #tpu.memory_space<vmem_shared>> -> memref<10240xf32, #tpu.memory_space<vmem_shared>>
    tpu.wait_indirect_dma semaphore(%arg8 : memref<!tpu.dma_semaphore, #tpu.memory_space<semaphore_mem>>) src(%arg5 : memref<512xf32, #tpu.memory_space<vmem>>) dst(%dma_wait3A_138 : memref<10240xf32, #tpu.memory_space<vmem_shared>>)
    %dma_wait3A_139 = arith.constant 1 : i32
    %dma_wait3A_140 = arith.constant 0 : i32
    %dma_wait3A_141 = tpu.memref_slice %arg4[%dma_wait3A_139, %dma_wait3A_140] : memref<20x512xi32, #tpu.memory_space<vmem>> -> memref<1x512xi32, #tpu.memory_space<vmem>>
    %dma_wait3A_142 = tpu.memref_squeeze %dma_wait3A_141 : memref<1x512xi32, #tpu.memory_space<vmem>> -> memref<512xi32, #tpu.memory_space<vmem>>
    %dma_wait3A_143 = arith.constant 0 : i32
    %dma_wait3A_144 = tpu.memref_slice %arg7[%dma_wait3A_143] : memref<10240xf32, #tpu.memory_space<vmem_shared>> -> memref<10240xf32, #tpu.memory_space<vmem_shared>>
    tpu.wait_indirect_dma semaphore(%arg8 : memref<!tpu.dma_semaphore, #tpu.memory_space<semaphore_mem>>) src(%arg5 : memref<512xf32, #tpu.memory_space<vmem>>) dst(%dma_wait3A_144 : memref<10240xf32, #tpu.memory_space<vmem_shared>>)
    %dma_wait3A_145 = arith.constant 2 : i32
    %dma_wait3A_146 = arith.constant 0 : i32
    %dma_wait3A_147 = tpu.memref_slice %arg4[%dma_wait3A_145, %dma_wait3A_146] : memref<20x512xi32, #tpu.memory_space<vmem>> -> memref<1x512xi32, #tpu.memory_space<vmem>>
    %dma_wait3A_148 = tpu.memref_squeeze %dma_wait3A_147 : memref<1x512xi32, #tpu.memory_space<vmem>> -> memref<512xi32, #tpu.memory_space<vmem>>
    %dma_wait3A_149 = arith.constant 0 : i32
    %dma_wait3A_150 = tpu.memref_slice %arg7[%dma_wait3A_149] : memref<10240xf32, #tpu.memory_space<vmem_shared>> -> memref<10240xf32, #tpu.memory_space<vmem_shared>>
    tpu.wait_indirect_dma semaphore(%arg8 : memref<!tpu.dma_semaphore, #tpu.memory_space<semaphore_mem>>) src(%arg5 : memref<512xf32, #tpu.memory_space<vmem>>) dst(%dma_wait3A_150 : memref<10240xf32, #tpu.memory_space<vmem_shared>>)
    %dma_wait3A_151 = arith.constant 3 : i32
    %dma_wait3A_152 = arith.constant 0 : i32
    %dma_wait3A_153 = tpu.memref_slice %arg4[%dma_wait3A_151, %dma_wait3A_152] : memref<20x512xi32, #tpu.memory_space<vmem>> -> memref<1x512xi32, #tpu.memory_space<vmem>>
    %dma_wait3A_154 = tpu.memref_squeeze %dma_wait3A_153 : memref<1x512xi32, #tpu.memory_space<vmem>> -> memref<512xi32, #tpu.memory_space<vmem>>
    %dma_wait3A_155 = arith.constant 0 : i32
    %dma_wait3A_156 = tpu.memref_slice %arg7[%dma_wait3A_155] : memref<10240xf32, #tpu.memory_space<vmem_shared>> -> memref<10240xf32, #tpu.memory_space<vmem_shared>>
    tpu.wait_indirect_dma semaphore(%arg8 : memref<!tpu.dma_semaphore, #tpu.memory_space<semaphore_mem>>) src(%arg5 : memref<512xf32, #tpu.memory_space<vmem>>) dst(%dma_wait3A_156 : memref<10240xf32, #tpu.memory_space<vmem_shared>>)
    %dma_wait3A_157 = arith.constant 4 : i32
    %dma_wait3A_158 = arith.constant 0 : i32
    %dma_wait3A_159 = tpu.memref_slice %arg4[%dma_wait3A_157, %dma_wait3A_158] : memref<20x512xi32, #tpu.memory_space<vmem>> -> memref<1x512xi32, #tpu.memory_space<vmem>>
    %dma_wait3A_160 = tpu.memref_squeeze %dma_wait3A_159 : memref<1x512xi32, #tpu.memory_space<vmem>> -> memref<512xi32, #tpu.memory_space<vmem>>
    %dma_wait3A_161 = arith.constant 0 : i32
    %dma_wait3A_162 = tpu.memref_slice %arg7[%dma_wait3A_161] : memref<10240xf32, #tpu.memory_space<vmem_shared>> -> memref<10240xf32, #tpu.memory_space<vmem_shared>>
    tpu.wait_indirect_dma semaphore(%arg8 : memref<!tpu.dma_semaphore, #tpu.memory_space<semaphore_mem>>) src(%arg5 : memref<512xf32, #tpu.memory_space<vmem>>) dst(%dma_wait3A_162 : memref<10240xf32, #tpu.memory_space<vmem_shared>>)
    %dma_wait3A_163 = arith.constant 5 : i32
    %dma_wait3A_164 = arith.constant 0 : i32
    %dma_wait3A_165 = tpu.memref_slice %arg4[%dma_wait3A_163, %dma_wait3A_164] : memref<20x512xi32, #tpu.memory_space<vmem>> -> memref<1x512xi32, #tpu.memory_space<vmem>>
    %dma_wait3A_166 = tpu.memref_squeeze %dma_wait3A_165 : memref<1x512xi32, #tpu.memory_space<vmem>> -> memref<512xi32, #tpu.memory_space<vmem>>
    %dma_wait3A_167 = arith.constant 0 : i32
    %dma_wait3A_168 = tpu.memref_slice %arg7[%dma_wait3A_167] : memref<10240xf32, #tpu.memory_space<vmem_shared>> -> memref<10240xf32, #tpu.memory_space<vmem_shared>>
    tpu.wait_indirect_dma semaphore(%arg8 : memref<!tpu.dma_semaphore, #tpu.memory_space<semaphore_mem>>) src(%arg5 : memref<512xf32, #tpu.memory_space<vmem>>) dst(%dma_wait3A_168 : memref<10240xf32, #tpu.memory_space<vmem_shared>>)
    %dma_wait3A_169 = arith.constant 6 : i32
    %dma_wait3A_170 = arith.constant 0 : i32
    %dma_wait3A_171 = tpu.memref_slice %arg4[%dma_wait3A_169, %dma_wait3A_170] : memref<20x512xi32, #tpu.memory_space<vmem>> -> memref<1x512xi32, #tpu.memory_space<vmem>>
    %dma_wait3A_172 = tpu.memref_squeeze %dma_wait3A_171 : memref<1x512xi32, #tpu.memory_space<vmem>> -> memref<512xi32, #tpu.memory_space<vmem>>
    %dma_wait3A_173 = arith.constant 0 : i32
    %dma_wait3A_174 = tpu.memref_slice %arg7[%dma_wait3A_173] : memref<10240xf32, #tpu.memory_space<vmem_shared>> -> memref<10240xf32, #tpu.memory_space<vmem_shared>>
    tpu.wait_indirect_dma semaphore(%arg8 : memref<!tpu.dma_semaphore, #tpu.memory_space<semaphore_mem>>) src(%arg5 : memref<512xf32, #tpu.memory_space<vmem>>) dst(%dma_wait3A_174 : memref<10240xf32, #tpu.memory_space<vmem_shared>>)
    %dma_wait3A_175 = arith.constant 7 : i32
    %dma_wait3A_176 = arith.constant 0 : i32
    %dma_wait3A_177 = tpu.memref_slice %arg4[%dma_wait3A_175, %dma_wait3A_176] : memref<20x512xi32, #tpu.memory_space<vmem>> -> memref<1x512xi32, #tpu.memory_space<vmem>>
    %dma_wait3A_178 = tpu.memref_squeeze %dma_wait3A_177 : memref<1x512xi32, #tpu.memory_space<vmem>> -> memref<512xi32, #tpu.memory_space<vmem>>
    %dma_wait3A_179 = arith.constant 0 : i32
    %dma_wait3A_180 = tpu.memref_slice %arg7[%dma_wait3A_179] : memref<10240xf32, #tpu.memory_space<vmem_shared>> -> memref<10240xf32, #tpu.memory_space<vmem_shared>>
    tpu.wait_indirect_dma semaphore(%arg8 : memref<!tpu.dma_semaphore, #tpu.memory_space<semaphore_mem>>) src(%arg5 : memref<512xf32, #tpu.memory_space<vmem>>) dst(%dma_wait3A_180 : memref<10240xf32, #tpu.memory_space<vmem_shared>>)
    %dma_wait3A_181 = arith.constant 8 : i32
    %dma_wait3A_182 = arith.constant 0 : i32
    %dma_wait3A_183 = tpu.memref_slice %arg4[%dma_wait3A_181, %dma_wait3A_182] : memref<20x512xi32, #tpu.memory_space<vmem>> -> memref<1x512xi32, #tpu.memory_space<vmem>>
    %dma_wait3A_184 = tpu.memref_squeeze %dma_wait3A_183 : memref<1x512xi32, #tpu.memory_space<vmem>> -> memref<512xi32, #tpu.memory_space<vmem>>
    %dma_wait3A_185 = arith.constant 0 : i32
    %dma_wait3A_186 = tpu.memref_slice %arg7[%dma_wait3A_185] : memref<10240xf32, #tpu.memory_space<vmem_shared>> -> memref<10240xf32, #tpu.memory_space<vmem_shared>>
    tpu.wait_indirect_dma semaphore(%arg8 : memref<!tpu.dma_semaphore, #tpu.memory_space<semaphore_mem>>) src(%arg5 : memref<512xf32, #tpu.memory_space<vmem>>) dst(%dma_wait3A_186 : memref<10240xf32, #tpu.memory_space<vmem_shared>>)
    %dma_wait3A_187 = arith.constant 9 : i32
    %dma_wait3A_188 = arith.constant 0 : i32
    %dma_wait3A_189 = tpu.memref_slice %arg4[%dma_wait3A_187, %dma_wait3A_188] : memref<20x512xi32, #tpu.memory_space<vmem>> -> memref<1x512xi32, #tpu.memory_space<vmem>>
    %dma_wait3A_190 = tpu.memref_squeeze %dma_wait3A_189 : memref<1x512xi32, #tpu.memory_space<vmem>> -> memref<512xi32, #tpu.memory_space<vmem>>
    %dma_wait3A_191 = arith.constant 0 : i32
    %dma_wait3A_192 = tpu.memref_slice %arg7[%dma_wait3A_191] : memref<10240xf32, #tpu.memory_space<vmem_shared>> -> memref<10240xf32, #tpu.memory_space<vmem_shared>>
    tpu.wait_indirect_dma semaphore(%arg8 : memref<!tpu.dma_semaphore, #tpu.memory_space<semaphore_mem>>) src(%arg5 : memref<512xf32, #tpu.memory_space<vmem>>) dst(%dma_wait3A_192 : memref<10240xf32, #tpu.memory_space<vmem_shared>>)
    %dma_wait3A_193 = arith.constant 10 : i32
    %dma_wait3A_194 = arith.constant 0 : i32
    %dma_wait3A_195 = tpu.memref_slice %arg4[%dma_wait3A_193, %dma_wait3A_194] : memref<20x512xi32, #tpu.memory_space<vmem>> -> memref<1x512xi32, #tpu.memory_space<vmem>>
    %dma_wait3A_196 = tpu.memref_squeeze %dma_wait3A_195 : memref<1x512xi32, #tpu.memory_space<vmem>> -> memref<512xi32, #tpu.memory_space<vmem>>
    %dma_wait3A_197 = arith.constant 0 : i32
    %dma_wait3A_198 = tpu.memref_slice %arg7[%dma_wait3A_197] : memref<10240xf32, #tpu.memory_space<vmem_shared>> -> memref<10240xf32, #tpu.memory_space<vmem_shared>>
    tpu.wait_indirect_dma semaphore(%arg8 : memref<!tpu.dma_semaphore, #tpu.memory_space<semaphore_mem>>) src(%arg5 : memref<512xf32, #tpu.memory_space<vmem>>) dst(%dma_wait3A_198 : memref<10240xf32, #tpu.memory_space<vmem_shared>>)
    %dma_wait3A_199 = arith.constant 11 : i32
    %dma_wait3A_200 = arith.constant 0 : i32
    %dma_wait3A_201 = tpu.memref_slice %arg4[%dma_wait3A_199, %dma_wait3A_200] : memref<20x512xi32, #tpu.memory_space<vmem>> -> memref<1x512xi32, #tpu.memory_space<vmem>>
    %dma_wait3A_202 = tpu.memref_squeeze %dma_wait3A_201 : memref<1x512xi32, #tpu.memory_space<vmem>> -> memref<512xi32, #tpu.memory_space<vmem>>
    %dma_wait3A_203 = arith.constant 0 : i32
    %dma_wait3A_204 = tpu.memref_slice %arg7[%dma_wait3A_203] : memref<10240xf32, #tpu.memory_space<vmem_shared>> -> memref<10240xf32, #tpu.memory_space<vmem_shared>>
    tpu.wait_indirect_dma semaphore(%arg8 : memref<!tpu.dma_semaphore, #tpu.memory_space<semaphore_mem>>) src(%arg5 : memref<512xf32, #tpu.memory_space<vmem>>) dst(%dma_wait3A_204 : memref<10240xf32, #tpu.memory_space<vmem_shared>>)
    %dma_wait3A_205 = arith.constant 12 : i32
    %dma_wait3A_206 = arith.constant 0 : i32
    %dma_wait3A_207 = tpu.memref_slice %arg4[%dma_wait3A_205, %dma_wait3A_206] : memref<20x512xi32, #tpu.memory_space<vmem>> -> memref<1x512xi32, #tpu.memory_space<vmem>>
    %dma_wait3A_208 = tpu.memref_squeeze %dma_wait3A_207 : memref<1x512xi32, #tpu.memory_space<vmem>> -> memref<512xi32, #tpu.memory_space<vmem>>
    %dma_wait3A_209 = arith.constant 0 : i32
    %dma_wait3A_210 = tpu.memref_slice %arg7[%dma_wait3A_209] : memref<10240xf32, #tpu.memory_space<vmem_shared>> -> memref<10240xf32, #tpu.memory_space<vmem_shared>>
    tpu.wait_indirect_dma semaphore(%arg8 : memref<!tpu.dma_semaphore, #tpu.memory_space<semaphore_mem>>) src(%arg5 : memref<512xf32, #tpu.memory_space<vmem>>) dst(%dma_wait3A_210 : memref<10240xf32, #tpu.memory_space<vmem_shared>>)
    %dma_wait3A_211 = arith.constant 13 : i32
    %dma_wait3A_212 = arith.constant 0 : i32
    %dma_wait3A_213 = tpu.memref_slice %arg4[%dma_wait3A_211, %dma_wait3A_212] : memref<20x512xi32, #tpu.memory_space<vmem>> -> memref<1x512xi32, #tpu.memory_space<vmem>>
    %dma_wait3A_214 = tpu.memref_squeeze %dma_wait3A_213 : memref<1x512xi32, #tpu.memory_space<vmem>> -> memref<512xi32, #tpu.memory_space<vmem>>
    %dma_wait3A_215 = arith.constant 0 : i32
    %dma_wait3A_216 = tpu.memref_slice %arg7[%dma_wait3A_215] : memref<10240xf32, #tpu.memory_space<vmem_shared>> -> memref<10240xf32, #tpu.memory_space<vmem_shared>>
    tpu.wait_indirect_dma semaphore(%arg8 : memref<!tpu.dma_semaphore, #tpu.memory_space<semaphore_mem>>) src(%arg5 : memref<512xf32, #tpu.memory_space<vmem>>) dst(%dma_wait3A_216 : memref<10240xf32, #tpu.memory_space<vmem_shared>>)
    %dma_wait3A_217 = arith.constant 14 : i32
    %dma_wait3A_218 = arith.constant 0 : i32
    %dma_wait3A_219 = tpu.memref_slice %arg4[%dma_wait3A_217, %dma_wait3A_218] : memref<20x512xi32, #tpu.memory_space<vmem>> -> memref<1x512xi32, #tpu.memory_space<vmem>>
    %dma_wait3A_220 = tpu.memref_squeeze %dma_wait3A_219 : memref<1x512xi32, #tpu.memory_space<vmem>> -> memref<512xi32, #tpu.memory_space<vmem>>
    %dma_wait3A_221 = arith.constant 0 : i32
    %dma_wait3A_222 = tpu.memref_slice %arg7[%dma_wait3A_221] : memref<10240xf32, #tpu.memory_space<vmem_shared>> -> memref<10240xf32, #tpu.memory_space<vmem_shared>>
    tpu.wait_indirect_dma semaphore(%arg8 : memref<!tpu.dma_semaphore, #tpu.memory_space<semaphore_mem>>) src(%arg5 : memref<512xf32, #tpu.memory_space<vmem>>) dst(%dma_wait3A_222 : memref<10240xf32, #tpu.memory_space<vmem_shared>>)
    %dma_wait3A_223 = arith.constant 15 : i32
    %dma_wait3A_224 = arith.constant 0 : i32
    %dma_wait3A_225 = tpu.memref_slice %arg4[%dma_wait3A_223, %dma_wait3A_224] : memref<20x512xi32, #tpu.memory_space<vmem>> -> memref<1x512xi32, #tpu.memory_space<vmem>>
    %dma_wait3A_226 = tpu.memref_squeeze %dma_wait3A_225 : memref<1x512xi32, #tpu.memory_space<vmem>> -> memref<512xi32, #tpu.memory_space<vmem>>
    %dma_wait3A_227 = arith.constant 0 : i32
    %dma_wait3A_228 = tpu.memref_slice %arg7[%dma_wait3A_227] : memref<10240xf32, #tpu.memory_space<vmem_shared>> -> memref<10240xf32, #tpu.memory_space<vmem_shared>>
    tpu.wait_indirect_dma semaphore(%arg8 : memref<!tpu.dma_semaphore, #tpu.memory_space<semaphore_mem>>) src(%arg5 : memref<512xf32, #tpu.memory_space<vmem>>) dst(%dma_wait3A_228 : memref<10240xf32, #tpu.memory_space<vmem_shared>>)
    %dma_wait3A_229 = arith.constant 16 : i32
    %dma_wait3A_230 = arith.constant 0 : i32
    %dma_wait3A_231 = tpu.memref_slice %arg4[%dma_wait3A_229, %dma_wait3A_230] : memref<20x512xi32, #tpu.memory_space<vmem>> -> memref<1x512xi32, #tpu.memory_space<vmem>>
    %dma_wait3A_232 = tpu.memref_squeeze %dma_wait3A_231 : memref<1x512xi32, #tpu.memory_space<vmem>> -> memref<512xi32, #tpu.memory_space<vmem>>
    %dma_wait3A_233 = arith.constant 0 : i32
    %dma_wait3A_234 = tpu.memref_slice %arg7[%dma_wait3A_233] : memref<10240xf32, #tpu.memory_space<vmem_shared>> -> memref<10240xf32, #tpu.memory_space<vmem_shared>>
    tpu.wait_indirect_dma semaphore(%arg8 : memref<!tpu.dma_semaphore, #tpu.memory_space<semaphore_mem>>) src(%arg5 : memref<512xf32, #tpu.memory_space<vmem>>) dst(%dma_wait3A_234 : memref<10240xf32, #tpu.memory_space<vmem_shared>>)
    %dma_wait3A_235 = arith.constant 17 : i32
    %dma_wait3A_236 = arith.constant 0 : i32
    %dma_wait3A_237 = tpu.memref_slice %arg4[%dma_wait3A_235, %dma_wait3A_236] : memref<20x512xi32, #tpu.memory_space<vmem>> -> memref<1x512xi32, #tpu.memory_space<vmem>>
    %dma_wait3A_238 = tpu.memref_squeeze %dma_wait3A_237 : memref<1x512xi32, #tpu.memory_space<vmem>> -> memref<512xi32, #tpu.memory_space<vmem>>
    %dma_wait3A_239 = arith.constant 0 : i32
    %dma_wait3A_240 = tpu.memref_slice %arg7[%dma_wait3A_239] : memref<10240xf32, #tpu.memory_space<vmem_shared>> -> memref<10240xf32, #tpu.memory_space<vmem_shared>>
    tpu.wait_indirect_dma semaphore(%arg8 : memref<!tpu.dma_semaphore, #tpu.memory_space<semaphore_mem>>) src(%arg5 : memref<512xf32, #tpu.memory_space<vmem>>) dst(%dma_wait3A_240 : memref<10240xf32, #tpu.memory_space<vmem_shared>>)
    %dma_wait3A_241 = arith.constant 18 : i32
    %dma_wait3A_242 = arith.constant 0 : i32
    %dma_wait3A_243 = tpu.memref_slice %arg4[%dma_wait3A_241, %dma_wait3A_242] : memref<20x512xi32, #tpu.memory_space<vmem>> -> memref<1x512xi32, #tpu.memory_space<vmem>>
    %dma_wait3A_244 = tpu.memref_squeeze %dma_wait3A_243 : memref<1x512xi32, #tpu.memory_space<vmem>> -> memref<512xi32, #tpu.memory_space<vmem>>
    %dma_wait3A_245 = arith.constant 0 : i32
    %dma_wait3A_246 = tpu.memref_slice %arg7[%dma_wait3A_245] : memref<10240xf32, #tpu.memory_space<vmem_shared>> -> memref<10240xf32, #tpu.memory_space<vmem_shared>>
    tpu.wait_indirect_dma semaphore(%arg8 : memref<!tpu.dma_semaphore, #tpu.memory_space<semaphore_mem>>) src(%arg5 : memref<512xf32, #tpu.memory_space<vmem>>) dst(%dma_wait3A_246 : memref<10240xf32, #tpu.memory_space<vmem_shared>>)
    %convert_element_type3A_247 = arith.extui %lt3A_1 : i1 to i32
    %cond3A_248 = arith.constant 0 : i32
    %cond3A_249 = arith.cmpi ne, %convert_element_type3A_247, %cond3A_248 : i32
    scf.if %cond3A_249 {
      %dma_wait3A_255 = arith.constant 19 : i32
      %dma_wait3A_256 = arith.constant 0 : i32
      %dma_wait3A_257 = tpu.memref_slice %arg4[%dma_wait3A_255, %dma_wait3A_256] : memref<20x512xi32, #tpu.memory_space<vmem>> -> memref<1x512xi32, #tpu.memory_space<vmem>>
      %dma_wait3A_258 = tpu.memref_squeeze %dma_wait3A_257 : memref<1x512xi32, #tpu.memory_space<vmem>> -> memref<512xi32, #tpu.memory_space<vmem>>
      %dma_wait3A_259 = arith.constant 0 : i32
      %dma_wait3A_260 = tpu.memref_slice %arg7[%dma_wait3A_259] : memref<10240xf32, #tpu.memory_space<vmem_shared>> -> memref<10240xf32, #tpu.memory_space<vmem_shared>>
      tpu.wait_indirect_dma semaphore(%arg8 : memref<!tpu.dma_semaphore, #tpu.memory_space<semaphore_mem>>) src(%arg5 : memref<512xf32, #tpu.memory_space<vmem>>) dst(%dma_wait3A_260 : memref<10240xf32, #tpu.memory_space<vmem_shared>>)
    } else {
    }
    %barrier3A_250 = arith.constant 0 : index
    tpu.barrier barrier_id(%barrier3A_250)
    %eq3A = arith.constant 0 : i32
    %eq3A_251 = arith.cmpi eq, %arg1, %eq3A : i32
    %convert_element_type3A_252 = arith.extui %eq3A_251 : i1 to i32
    %cond3A_253 = arith.constant 0 : i32
    %cond3A_254 = arith.cmpi ne, %convert_element_type3A_252, %cond3A_253 : i32
    scf.if %cond3A_254 {
      "tpu.region"() ({
        %run_scoped3A = tpu.sem_alloc : memref<!tpu.dma_semaphore, #tpu.memory_space<semaphore_mem>>
        %dma_start3A_255 = arith.constant 0 : i32
        %dma_start3A_256 = tpu.memref_slice %arg3[%arg0, %dma_start3A_255] : memref<2x10240xf32, #tpu.memory_space<hbm>> -> memref<1x10240xf32, #tpu.memory_space<hbm>>
        %dma_start3A_257 = tpu.memref_squeeze %dma_start3A_256 : memref<1x10240xf32, #tpu.memory_space<hbm>> -> memref<10240xf32, #tpu.memory_space<hbm>>
        tpu.enqueue_dma source(%arg7 : memref<10240xf32, #tpu.memory_space<vmem_shared>>) target(%dma_start3A_257 : memref<10240xf32, #tpu.memory_space<hbm>>) target_semaphore(%run_scoped3A : memref<!tpu.dma_semaphore, #tpu.memory_space<semaphore_mem>>)
        %dma_wait3A_258 = arith.constant 0 : i32
        %dma_wait3A_259 = tpu.memref_slice %arg3[%arg0, %dma_wait3A_258] : memref<2x10240xf32, #tpu.memory_space<hbm>> -> memref<1x10240xf32, #tpu.memory_space<hbm>>
        %dma_wait3A_260 = tpu.memref_squeeze %dma_wait3A_259 : memref<1x10240xf32, #tpu.memory_space<hbm>> -> memref<10240xf32, #tpu.memory_space<hbm>>
        tpu.wait_dma2 semaphore(%run_scoped3A : memref<!tpu.dma_semaphore, #tpu.memory_space<semaphore_mem>>) src(%arg7 : memref<10240xf32, #tpu.memory_space<vmem_shared>>) dst(%dma_wait3A_260 : memref<10240xf32, #tpu.memory_space<hbm>>)
        tpu.yield
      }) : () -> ()
    } else {
    }
    return
  }
}

#map = affine_map<(d0, d1) -> (0, 0)>
#map1 = affine_map<(d0, d1) -> (0, 0, 0)>
module attributes {stable_mosaic.version = 14 : i64} {
  func.func @agg(%arg0: i32, %arg1: i32, %arg2: memref<625x512xi32, #tpu.memory_space<hbm>>, %arg3: memref<625x512xi32, #tpu.memory_space<hbm>>, %arg4: memref<10000x32xf32, #tpu.memory_space<hbm>>, %arg5: memref<625x32xf32, #tpu.memory_space<hbm>>, %arg6: memref<2x10000x32xf32, #tpu.memory_space<hbm>>, %arg7: memref<20x512xi32, #tpu.memory_space<vmem>>, %arg8: memref<20x512xi32, #tpu.memory_space<vmem>>, %arg9: memref<2560x32xf32, #tpu.memory_space<vmem>>, %arg10: memref<10000x32xf32, #tpu.memory_space<vmem_shared>>, %arg11: memref<!tpu.dma_semaphore, #tpu.memory_space<semaphore_mem>>, %arg12: memref<!tpu.dma_semaphore, #tpu.memory_space<semaphore_mem>>, %arg13: memref<!tpu.dma_semaphore, #tpu.memory_space<semaphore_mem>>, %arg14: memref<!tpu.dma_semaphore, #tpu.memory_space<semaphore_mem>>, %arg15: memref<!tpu.dma_semaphore, #tpu.memory_space<semaphore_mem>>, %arg16: memref<!tpu.dma_semaphore, #tpu.memory_space<semaphore_mem>>, %arg17: memref<!tpu.dma_semaphore, #tpu.memory_space<semaphore_mem>>, %arg18: memref<!tpu.dma_semaphore, #tpu.memory_space<semaphore_mem>>) attributes {dimension_semantics = [#tpu.dimension_semantics<core_parallel>, #tpu.dimension_semantics<subcore_parallel>], iteration_bounds = array<i64: 2, 16>, scalar_prefetch = 0 : i64, scratch_operands = 12 : i64, tpu.core_type = #tpu.core_type<sc_vector_subcore>, window_params = [{transform_indices = #map}, {transform_indices = #map}, {transform_indices = #map}, {transform_indices = #map}, {transform_indices = #map1}]} {
    %mul3A = arith.constant 2 : i32
    %mul3A_0 = arith.muli %arg1, %mul3A : i32
    %add3A = arith.addi %mul3A_0, %arg0 : i32
    %lt3A = arith.constant 17 : i32
    %lt3A_1 = arith.cmpi slt, %add3A, %lt3A : i32
    %mul3A_2 = arith.constant 19 : i32
    %mul3A_3 = arith.muli %add3A, %mul3A_2 : i32
    %min3A = arith.constant 17 : i32
    %min3A_4 = arith.minsi %add3A, %min3A : i32
    %add3A_5 = arith.addi %mul3A_3, %min3A_4 : i32
    %mul3A_6 = arith.constant 625 : i32
    %mul3A_7 = arith.muli %arg1, %mul3A_6 : i32
    "tpu.region"() ({
      %run_scoped3A = tpu.sem_alloc : memref<!tpu.dma_semaphore, #tpu.memory_space<semaphore_mem>>
      %dma_start3A_775 = arith.constant 0 : i32
      %dma_start3A_776 = tpu.memref_slice %arg10[%mul3A_7, %dma_start3A_775] : memref<10000x32xf32, #tpu.memory_space<vmem_shared>> -> memref<625x32xf32, #tpu.memory_space<vmem_shared>>
      tpu.enqueue_dma source(%arg5 : memref<625x32xf32, #tpu.memory_space<hbm>>) target(%dma_start3A_776 : memref<625x32xf32, #tpu.memory_space<vmem_shared>>) target_semaphore(%run_scoped3A : memref<!tpu.dma_semaphore, #tpu.memory_space<semaphore_mem>>)
      %dma_wait3A_777 = arith.constant 0 : i32
      %dma_wait3A_778 = tpu.memref_slice %arg10[%mul3A_7, %dma_wait3A_777] : memref<10000x32xf32, #tpu.memory_space<vmem_shared>> -> memref<625x32xf32, #tpu.memory_space<vmem_shared>>
      tpu.wait_dma2 semaphore(%run_scoped3A : memref<!tpu.dma_semaphore, #tpu.memory_space<semaphore_mem>>) src(%arg5 : memref<625x32xf32, #tpu.memory_space<hbm>>) dst(%dma_wait3A_778 : memref<625x32xf32, #tpu.memory_space<vmem_shared>>)
      tpu.yield
    }) : () -> ()
    "tpu.region"() ({
      %run_scoped3A = tpu.sem_alloc : memref<!tpu.dma_semaphore, #tpu.memory_space<semaphore_mem>>
      %dma_start3A_775 = arith.constant 0 : i32
      %dma_start3A_776 = arith.constant 0 : i32
      %dma_start3A_777 = tpu.memref_slice %arg7[%dma_start3A_775, %dma_start3A_776] : memref<20x512xi32, #tpu.memory_space<vmem>> -> memref<19x512xi32, #tpu.memory_space<vmem>>
      %dma_start3A_778 = arith.constant 0 : i32
      %dma_start3A_779 = tpu.memref_slice %arg2[%add3A_5, %dma_start3A_778] : memref<625x512xi32, #tpu.memory_space<hbm>> -> memref<19x512xi32, #tpu.memory_space<hbm>>
      %dma_start3A_780 = arith.constant 0 : i32
      %dma_start3A_781 = arith.constant 0 : i32
      %dma_start3A_782 = tpu.memref_slice %arg7[%dma_start3A_780, %dma_start3A_781] : memref<20x512xi32, #tpu.memory_space<vmem>> -> memref<19x512xi32, #tpu.memory_space<vmem>>
      %dma_start3A_783 = arith.constant 0 : i32
      %dma_start3A_784 = tpu.memref_slice %arg2[%add3A_5, %dma_start3A_783] : memref<625x512xi32, #tpu.memory_space<hbm>> -> memref<19x512xi32, #tpu.memory_space<hbm>>
      tpu.enqueue_dma source(%dma_start3A_784 : memref<19x512xi32, #tpu.memory_space<hbm>>) target(%dma_start3A_782 : memref<19x512xi32, #tpu.memory_space<vmem>>) target_semaphore(%run_scoped3A : memref<!tpu.dma_semaphore, #tpu.memory_space<semaphore_mem>>)
      %dma_wait3A_785 = arith.constant 0 : i32
      %dma_wait3A_786 = arith.constant 0 : i32
      %dma_wait3A_787 = tpu.memref_slice %arg7[%dma_wait3A_785, %dma_wait3A_786] : memref<20x512xi32, #tpu.memory_space<vmem>> -> memref<19x512xi32, #tpu.memory_space<vmem>>
      %dma_wait3A_788 = arith.constant 0 : i32
      %dma_wait3A_789 = tpu.memref_slice %arg2[%add3A_5, %dma_wait3A_788] : memref<625x512xi32, #tpu.memory_space<hbm>> -> memref<19x512xi32, #tpu.memory_space<hbm>>
      %dma_wait3A_790 = arith.constant 0 : i32
      %dma_wait3A_791 = arith.constant 0 : i32
      %dma_wait3A_792 = tpu.memref_slice %arg7[%dma_wait3A_790, %dma_wait3A_791] : memref<20x512xi32, #tpu.memory_space<vmem>> -> memref<19x512xi32, #tpu.memory_space<vmem>>
      %dma_wait3A_793 = arith.constant 0 : i32
      %dma_wait3A_794 = tpu.memref_slice %arg2[%add3A_5, %dma_wait3A_793] : memref<625x512xi32, #tpu.memory_space<hbm>> -> memref<19x512xi32, #tpu.memory_space<hbm>>
      tpu.wait_dma2 semaphore(%run_scoped3A : memref<!tpu.dma_semaphore, #tpu.memory_space<semaphore_mem>>) src(%dma_wait3A_794 : memref<19x512xi32, #tpu.memory_space<hbm>>) dst(%dma_wait3A_792 : memref<19x512xi32, #tpu.memory_space<vmem>>)
      tpu.yield
    }) : () -> ()
    "tpu.region"() ({
      %run_scoped3A = tpu.sem_alloc : memref<!tpu.dma_semaphore, #tpu.memory_space<semaphore_mem>>
      %dma_start3A_775 = arith.constant 0 : i32
      %dma_start3A_776 = arith.constant 0 : i32
      %dma_start3A_777 = tpu.memref_slice %arg8[%dma_start3A_775, %dma_start3A_776] : memref<20x512xi32, #tpu.memory_space<vmem>> -> memref<19x512xi32, #tpu.memory_space<vmem>>
      %dma_start3A_778 = arith.constant 0 : i32
      %dma_start3A_779 = tpu.memref_slice %arg3[%add3A_5, %dma_start3A_778] : memref<625x512xi32, #tpu.memory_space<hbm>> -> memref<19x512xi32, #tpu.memory_space<hbm>>
      %dma_start3A_780 = arith.constant 0 : i32
      %dma_start3A_781 = arith.constant 0 : i32
      %dma_start3A_782 = tpu.memref_slice %arg8[%dma_start3A_780, %dma_start3A_781] : memref<20x512xi32, #tpu.memory_space<vmem>> -> memref<19x512xi32, #tpu.memory_space<vmem>>
      %dma_start3A_783 = arith.constant 0 : i32
      %dma_start3A_784 = tpu.memref_slice %arg3[%add3A_5, %dma_start3A_783] : memref<625x512xi32, #tpu.memory_space<hbm>> -> memref<19x512xi32, #tpu.memory_space<hbm>>
      tpu.enqueue_dma source(%dma_start3A_784 : memref<19x512xi32, #tpu.memory_space<hbm>>) target(%dma_start3A_782 : memref<19x512xi32, #tpu.memory_space<vmem>>) target_semaphore(%run_scoped3A : memref<!tpu.dma_semaphore, #tpu.memory_space<semaphore_mem>>)
      %dma_wait3A_785 = arith.constant 0 : i32
      %dma_wait3A_786 = arith.constant 0 : i32
      %dma_wait3A_787 = tpu.memref_slice %arg8[%dma_wait3A_785, %dma_wait3A_786] : memref<20x512xi32, #tpu.memory_space<vmem>> -> memref<19x512xi32, #tpu.memory_space<vmem>>
      %dma_wait3A_788 = arith.constant 0 : i32
      %dma_wait3A_789 = tpu.memref_slice %arg3[%add3A_5, %dma_wait3A_788] : memref<625x512xi32, #tpu.memory_space<hbm>> -> memref<19x512xi32, #tpu.memory_space<hbm>>
      %dma_wait3A_790 = arith.constant 0 : i32
      %dma_wait3A_791 = arith.constant 0 : i32
      %dma_wait3A_792 = tpu.memref_slice %arg8[%dma_wait3A_790, %dma_wait3A_791] : memref<20x512xi32, #tpu.memory_space<vmem>> -> memref<19x512xi32, #tpu.memory_space<vmem>>
      %dma_wait3A_793 = arith.constant 0 : i32
      %dma_wait3A_794 = tpu.memref_slice %arg3[%add3A_5, %dma_wait3A_793] : memref<625x512xi32, #tpu.memory_space<hbm>> -> memref<19x512xi32, #tpu.memory_space<hbm>>
      tpu.wait_dma2 semaphore(%run_scoped3A : memref<!tpu.dma_semaphore, #tpu.memory_space<semaphore_mem>>) src(%dma_wait3A_794 : memref<19x512xi32, #tpu.memory_space<hbm>>) dst(%dma_wait3A_792 : memref<19x512xi32, #tpu.memory_space<vmem>>)
      tpu.yield
    }) : () -> ()
    %convert_element_type3A = arith.extui %lt3A_1 : i1 to i32
    %cond3A = arith.constant 0 : i32
    %cond3A_8 = arith.cmpi ne, %convert_element_type3A, %cond3A : i32
    scf.if %cond3A_8 {
      %add3A_775 = arith.constant 19 : i32
      %add3A_776 = arith.addi %add3A_5, %add3A_775 : i32
      "tpu.region"() ({
        %run_scoped3A = tpu.sem_alloc : memref<!tpu.dma_semaphore, #tpu.memory_space<semaphore_mem>>
        %dma_start3A_779 = arith.constant 19 : i32
        %dma_start3A_780 = arith.constant 0 : i32
        %dma_start3A_781 = tpu.memref_slice %arg7[%dma_start3A_779, %dma_start3A_780] : memref<20x512xi32, #tpu.memory_space<vmem>> -> memref<1x512xi32, #tpu.memory_space<vmem>>
        %dma_start3A_782 = arith.constant 0 : i32
        %dma_start3A_783 = tpu.memref_slice %arg2[%add3A_776, %dma_start3A_782] : memref<625x512xi32, #tpu.memory_space<hbm>> -> memref<1x512xi32, #tpu.memory_space<hbm>>
        %dma_start3A_784 = arith.constant 19 : i32
        %dma_start3A_785 = arith.constant 0 : i32
        %dma_start3A_786 = tpu.memref_slice %arg7[%dma_start3A_784, %dma_start3A_785] : memref<20x512xi32, #tpu.memory_space<vmem>> -> memref<1x512xi32, #tpu.memory_space<vmem>>
        %dma_start3A_787 = arith.constant 0 : i32
        %dma_start3A_788 = tpu.memref_slice %arg2[%add3A_776, %dma_start3A_787] : memref<625x512xi32, #tpu.memory_space<hbm>> -> memref<1x512xi32, #tpu.memory_space<hbm>>
        tpu.enqueue_dma source(%dma_start3A_788 : memref<1x512xi32, #tpu.memory_space<hbm>>) target(%dma_start3A_786 : memref<1x512xi32, #tpu.memory_space<vmem>>) target_semaphore(%run_scoped3A : memref<!tpu.dma_semaphore, #tpu.memory_space<semaphore_mem>>)
        %dma_wait3A_789 = arith.constant 19 : i32
        %dma_wait3A_790 = arith.constant 0 : i32
        %dma_wait3A_791 = tpu.memref_slice %arg7[%dma_wait3A_789, %dma_wait3A_790] : memref<20x512xi32, #tpu.memory_space<vmem>> -> memref<1x512xi32, #tpu.memory_space<vmem>>
        %dma_wait3A_792 = arith.constant 0 : i32
        %dma_wait3A_793 = tpu.memref_slice %arg2[%add3A_776, %dma_wait3A_792] : memref<625x512xi32, #tpu.memory_space<hbm>> -> memref<1x512xi32, #tpu.memory_space<hbm>>
        %dma_wait3A_794 = arith.constant 19 : i32
        %dma_wait3A_795 = arith.constant 0 : i32
        %dma_wait3A_796 = tpu.memref_slice %arg7[%dma_wait3A_794, %dma_wait3A_795] : memref<20x512xi32, #tpu.memory_space<vmem>> -> memref<1x512xi32, #tpu.memory_space<vmem>>
        %dma_wait3A_797 = arith.constant 0 : i32
        %dma_wait3A_798 = tpu.memref_slice %arg2[%add3A_776, %dma_wait3A_797] : memref<625x512xi32, #tpu.memory_space<hbm>> -> memref<1x512xi32, #tpu.memory_space<hbm>>
        tpu.wait_dma2 semaphore(%run_scoped3A : memref<!tpu.dma_semaphore, #tpu.memory_space<semaphore_mem>>) src(%dma_wait3A_798 : memref<1x512xi32, #tpu.memory_space<hbm>>) dst(%dma_wait3A_796 : memref<1x512xi32, #tpu.memory_space<vmem>>)
        tpu.yield
      }) : () -> ()
      %add3A_777 = arith.constant 19 : i32
      %add3A_778 = arith.addi %add3A_5, %add3A_777 : i32
      "tpu.region"() ({
        %run_scoped3A = tpu.sem_alloc : memref<!tpu.dma_semaphore, #tpu.memory_space<semaphore_mem>>
        %dma_start3A_779 = arith.constant 19 : i32
        %dma_start3A_780 = arith.constant 0 : i32
        %dma_start3A_781 = tpu.memref_slice %arg8[%dma_start3A_779, %dma_start3A_780] : memref<20x512xi32, #tpu.memory_space<vmem>> -> memref<1x512xi32, #tpu.memory_space<vmem>>
        %dma_start3A_782 = arith.constant 0 : i32
        %dma_start3A_783 = tpu.memref_slice %arg3[%add3A_778, %dma_start3A_782] : memref<625x512xi32, #tpu.memory_space<hbm>> -> memref<1x512xi32, #tpu.memory_space<hbm>>
        %dma_start3A_784 = arith.constant 19 : i32
        %dma_start3A_785 = arith.constant 0 : i32
        %dma_start3A_786 = tpu.memref_slice %arg8[%dma_start3A_784, %dma_start3A_785] : memref<20x512xi32, #tpu.memory_space<vmem>> -> memref<1x512xi32, #tpu.memory_space<vmem>>
        %dma_start3A_787 = arith.constant 0 : i32
        %dma_start3A_788 = tpu.memref_slice %arg3[%add3A_778, %dma_start3A_787] : memref<625x512xi32, #tpu.memory_space<hbm>> -> memref<1x512xi32, #tpu.memory_space<hbm>>
        tpu.enqueue_dma source(%dma_start3A_788 : memref<1x512xi32, #tpu.memory_space<hbm>>) target(%dma_start3A_786 : memref<1x512xi32, #tpu.memory_space<vmem>>) target_semaphore(%run_scoped3A : memref<!tpu.dma_semaphore, #tpu.memory_space<semaphore_mem>>)
        %dma_wait3A_789 = arith.constant 19 : i32
        %dma_wait3A_790 = arith.constant 0 : i32
        %dma_wait3A_791 = tpu.memref_slice %arg8[%dma_wait3A_789, %dma_wait3A_790] : memref<20x512xi32, #tpu.memory_space<vmem>> -> memref<1x512xi32, #tpu.memory_space<vmem>>
        %dma_wait3A_792 = arith.constant 0 : i32
        %dma_wait3A_793 = tpu.memref_slice %arg3[%add3A_778, %dma_wait3A_792] : memref<625x512xi32, #tpu.memory_space<hbm>> -> memref<1x512xi32, #tpu.memory_space<hbm>>
        %dma_wait3A_794 = arith.constant 19 : i32
        %dma_wait3A_795 = arith.constant 0 : i32
        %dma_wait3A_796 = tpu.memref_slice %arg8[%dma_wait3A_794, %dma_wait3A_795] : memref<20x512xi32, #tpu.memory_space<vmem>> -> memref<1x512xi32, #tpu.memory_space<vmem>>
        %dma_wait3A_797 = arith.constant 0 : i32
        %dma_wait3A_798 = tpu.memref_slice %arg3[%add3A_778, %dma_wait3A_797] : memref<625x512xi32, #tpu.memory_space<hbm>> -> memref<1x512xi32, #tpu.memory_space<hbm>>
        tpu.wait_dma2 semaphore(%run_scoped3A : memref<!tpu.dma_semaphore, #tpu.memory_space<semaphore_mem>>) src(%dma_wait3A_798 : memref<1x512xi32, #tpu.memory_space<hbm>>) dst(%dma_wait3A_796 : memref<1x512xi32, #tpu.memory_space<vmem>>)
        tpu.yield
      }) : () -> ()
    } else {
    }
    %barrier3A = arith.constant 0 : index
    tpu.barrier barrier_id(%barrier3A)
    %dma_start3A = arith.constant 0 : i32
    %dma_start3A_9 = arith.constant 0 : i32
    %dma_start3A_10 = arith.constant 0 : i32
    %dma_start3A_11 = tpu.memref_slice %arg9[%dma_start3A_9, %dma_start3A_10] : memref<2560x32xf32, #tpu.memory_space<vmem>> -> memref<512x32xf32, #tpu.memory_space<vmem>>
    %dma_start3A_12 = arith.constant 0 : i32
    %dma_start3A_13 = tpu.memref_slice %arg7[%dma_start3A, %dma_start3A_12] : memref<20x512xi32, #tpu.memory_space<vmem>> -> memref<1x512xi32, #tpu.memory_space<vmem>>
    %dma_start3A_14 = tpu.memref_squeeze %dma_start3A_13 : memref<1x512xi32, #tpu.memory_space<vmem>> -> memref<512xi32, #tpu.memory_space<vmem>>
    %dma_start3A_15 = arith.constant 0 : i32
    %dma_start3A_16 = arith.constant 0 : i32
    %dma_start3A_17 = tpu.memref_slice %arg4[%dma_start3A_15, %dma_start3A_16] : memref<10000x32xf32, #tpu.memory_space<hbm>> -> memref<10000x32xf32, #tpu.memory_space<hbm>>
    tpu.enqueue_indirect_dma source(%dma_start3A_17 : memref<10000x32xf32, #tpu.memory_space<hbm>>) target(%dma_start3A_11 : memref<512x32xf32, #tpu.memory_space<vmem>>) offsets(%dma_start3A_14 : memref<512xi32, #tpu.memory_space<vmem>>) semaphore(%arg11 : memref<!tpu.dma_semaphore, #tpu.memory_space<semaphore_mem>>)
    %dma_start3A_18 = arith.constant 1 : i32
    %dma_start3A_19 = arith.constant 512 : i32
    %dma_start3A_20 = arith.constant 0 : i32
    %dma_start3A_21 = tpu.memref_slice %arg9[%dma_start3A_19, %dma_start3A_20] : memref<2560x32xf32, #tpu.memory_space<vmem>> -> memref<512x32xf32, #tpu.memory_space<vmem>>
    %dma_start3A_22 = arith.constant 0 : i32
    %dma_start3A_23 = tpu.memref_slice %arg7[%dma_start3A_18, %dma_start3A_22] : memref<20x512xi32, #tpu.memory_space<vmem>> -> memref<1x512xi32, #tpu.memory_space<vmem>>
    %dma_start3A_24 = tpu.memref_squeeze %dma_start3A_23 : memref<1x512xi32, #tpu.memory_space<vmem>> -> memref<512xi32, #tpu.memory_space<vmem>>
    %dma_start3A_25 = arith.constant 0 : i32
    %dma_start3A_26 = arith.constant 0 : i32
    %dma_start3A_27 = tpu.memref_slice %arg4[%dma_start3A_25, %dma_start3A_26] : memref<10000x32xf32, #tpu.memory_space<hbm>> -> memref<10000x32xf32, #tpu.memory_space<hbm>>
    tpu.enqueue_indirect_dma source(%dma_start3A_27 : memref<10000x32xf32, #tpu.memory_space<hbm>>) target(%dma_start3A_21 : memref<512x32xf32, #tpu.memory_space<vmem>>) offsets(%dma_start3A_24 : memref<512xi32, #tpu.memory_space<vmem>>) semaphore(%arg12 : memref<!tpu.dma_semaphore, #tpu.memory_space<semaphore_mem>>)
    %dma_start3A_28 = arith.constant 2 : i32
    %dma_start3A_29 = arith.constant 1024 : i32
    %dma_start3A_30 = arith.constant 0 : i32
    %dma_start3A_31 = tpu.memref_slice %arg9[%dma_start3A_29, %dma_start3A_30] : memref<2560x32xf32, #tpu.memory_space<vmem>> -> memref<512x32xf32, #tpu.memory_space<vmem>>
    %dma_start3A_32 = arith.constant 0 : i32
    %dma_start3A_33 = tpu.memref_slice %arg7[%dma_start3A_28, %dma_start3A_32] : memref<20x512xi32, #tpu.memory_space<vmem>> -> memref<1x512xi32, #tpu.memory_space<vmem>>
    %dma_start3A_34 = tpu.memref_squeeze %dma_start3A_33 : memref<1x512xi32, #tpu.memory_space<vmem>> -> memref<512xi32, #tpu.memory_space<vmem>>
    %dma_start3A_35 = arith.constant 0 : i32
    %dma_start3A_36 = arith.constant 0 : i32
    %dma_start3A_37 = tpu.memref_slice %arg4[%dma_start3A_35, %dma_start3A_36] : memref<10000x32xf32, #tpu.memory_space<hbm>> -> memref<10000x32xf32, #tpu.memory_space<hbm>>
    tpu.enqueue_indirect_dma source(%dma_start3A_37 : memref<10000x32xf32, #tpu.memory_space<hbm>>) target(%dma_start3A_31 : memref<512x32xf32, #tpu.memory_space<vmem>>) offsets(%dma_start3A_34 : memref<512xi32, #tpu.memory_space<vmem>>) semaphore(%arg13 : memref<!tpu.dma_semaphore, #tpu.memory_space<semaphore_mem>>)
    %dma_wait3A = arith.constant 0 : i32
    %dma_wait3A_38 = arith.constant 0 : i32
    %dma_wait3A_39 = arith.constant 0 : i32
    %dma_wait3A_40 = tpu.memref_slice %arg9[%dma_wait3A_38, %dma_wait3A_39] : memref<2560x32xf32, #tpu.memory_space<vmem>> -> memref<512x32xf32, #tpu.memory_space<vmem>>
    %dma_wait3A_41 = arith.constant 0 : i32
    %dma_wait3A_42 = tpu.memref_slice %arg7[%dma_wait3A, %dma_wait3A_41] : memref<20x512xi32, #tpu.memory_space<vmem>> -> memref<1x512xi32, #tpu.memory_space<vmem>>
    %dma_wait3A_43 = tpu.memref_squeeze %dma_wait3A_42 : memref<1x512xi32, #tpu.memory_space<vmem>> -> memref<512xi32, #tpu.memory_space<vmem>>
    %dma_wait3A_44 = arith.constant 0 : i32
    %dma_wait3A_45 = arith.constant 0 : i32
    %dma_wait3A_46 = tpu.memref_slice %arg4[%dma_wait3A_44, %dma_wait3A_45] : memref<10000x32xf32, #tpu.memory_space<hbm>> -> memref<10000x32xf32, #tpu.memory_space<hbm>>
    tpu.wait_indirect_dma semaphore(%arg11 : memref<!tpu.dma_semaphore, #tpu.memory_space<semaphore_mem>>) src(%dma_wait3A_46 : memref<10000x32xf32, #tpu.memory_space<hbm>>) dst(%dma_wait3A_40 : memref<512x32xf32, #tpu.memory_space<vmem>>)
    %dma_start3A_47 = arith.constant 0 : i32
    %dma_start3A_48 = arith.constant 0 : i32
    %dma_start3A_49 = arith.constant 0 : i32
    %dma_start3A_50 = tpu.memref_slice %arg9[%dma_start3A_48, %dma_start3A_49] : memref<2560x32xf32, #tpu.memory_space<vmem>> -> memref<512x32xf32, #tpu.memory_space<vmem>>
    %dma_start3A_51 = arith.constant 0 : i32
    %dma_start3A_52 = tpu.memref_slice %arg8[%dma_start3A_47, %dma_start3A_51] : memref<20x512xi32, #tpu.memory_space<vmem>> -> memref<1x512xi32, #tpu.memory_space<vmem>>
    %dma_start3A_53 = tpu.memref_squeeze %dma_start3A_52 : memref<1x512xi32, #tpu.memory_space<vmem>> -> memref<512xi32, #tpu.memory_space<vmem>>
    %dma_start3A_54 = arith.constant 0 : i32
    %dma_start3A_55 = arith.constant 0 : i32
    %dma_start3A_56 = tpu.memref_slice %arg10[%dma_start3A_54, %dma_start3A_55] : memref<10000x32xf32, #tpu.memory_space<vmem_shared>> -> memref<10000x32xf32, #tpu.memory_space<vmem_shared>>
    tpu.enqueue_indirect_dma source(%dma_start3A_50 : memref<512x32xf32, #tpu.memory_space<vmem>>) target(%dma_start3A_56 : memref<10000x32xf32, #tpu.memory_space<vmem_shared>>) offsets(%dma_start3A_53 : memref<512xi32, #tpu.memory_space<vmem>>) semaphore(%arg15 : memref<!tpu.dma_semaphore, #tpu.memory_space<semaphore_mem>>) {add = true}
    %dma_start3A_57 = arith.constant 3 : i32
    %dma_start3A_58 = arith.constant 1536 : i32
    %dma_start3A_59 = arith.constant 0 : i32
    %dma_start3A_60 = tpu.memref_slice %arg9[%dma_start3A_58, %dma_start3A_59] : memref<2560x32xf32, #tpu.memory_space<vmem>> -> memref<512x32xf32, #tpu.memory_space<vmem>>
    %dma_start3A_61 = arith.constant 0 : i32
    %dma_start3A_62 = tpu.memref_slice %arg7[%dma_start3A_57, %dma_start3A_61] : memref<20x512xi32, #tpu.memory_space<vmem>> -> memref<1x512xi32, #tpu.memory_space<vmem>>
    %dma_start3A_63 = tpu.memref_squeeze %dma_start3A_62 : memref<1x512xi32, #tpu.memory_space<vmem>> -> memref<512xi32, #tpu.memory_space<vmem>>
    %dma_start3A_64 = arith.constant 0 : i32
    %dma_start3A_65 = arith.constant 0 : i32
    %dma_start3A_66 = tpu.memref_slice %arg4[%dma_start3A_64, %dma_start3A_65] : memref<10000x32xf32, #tpu.memory_space<hbm>> -> memref<10000x32xf32, #tpu.memory_space<hbm>>
    tpu.enqueue_indirect_dma source(%dma_start3A_66 : memref<10000x32xf32, #tpu.memory_space<hbm>>) target(%dma_start3A_60 : memref<512x32xf32, #tpu.memory_space<vmem>>) offsets(%dma_start3A_63 : memref<512xi32, #tpu.memory_space<vmem>>) semaphore(%arg14 : memref<!tpu.dma_semaphore, #tpu.memory_space<semaphore_mem>>)
    %dma_wait3A_67 = arith.constant 1 : i32
    %dma_wait3A_68 = arith.constant 512 : i32
    %dma_wait3A_69 = arith.constant 0 : i32
    %dma_wait3A_70 = tpu.memref_slice %arg9[%dma_wait3A_68, %dma_wait3A_69] : memref<2560x32xf32, #tpu.memory_space<vmem>> -> memref<512x32xf32, #tpu.memory_space<vmem>>
    %dma_wait3A_71 = arith.constant 0 : i32
    %dma_wait3A_72 = tpu.memref_slice %arg7[%dma_wait3A_67, %dma_wait3A_71] : memref<20x512xi32, #tpu.memory_space<vmem>> -> memref<1x512xi32, #tpu.memory_space<vmem>>
    %dma_wait3A_73 = tpu.memref_squeeze %dma_wait3A_72 : memref<1x512xi32, #tpu.memory_space<vmem>> -> memref<512xi32, #tpu.memory_space<vmem>>
    %dma_wait3A_74 = arith.constant 0 : i32
    %dma_wait3A_75 = arith.constant 0 : i32
    %dma_wait3A_76 = tpu.memref_slice %arg4[%dma_wait3A_74, %dma_wait3A_75] : memref<10000x32xf32, #tpu.memory_space<hbm>> -> memref<10000x32xf32, #tpu.memory_space<hbm>>
    tpu.wait_indirect_dma semaphore(%arg12 : memref<!tpu.dma_semaphore, #tpu.memory_space<semaphore_mem>>) src(%dma_wait3A_76 : memref<10000x32xf32, #tpu.memory_space<hbm>>) dst(%dma_wait3A_70 : memref<512x32xf32, #tpu.memory_space<vmem>>)
    %dma_start3A_77 = arith.constant 1 : i32
    %dma_start3A_78 = arith.constant 512 : i32
    %dma_start3A_79 = arith.constant 0 : i32
    %dma_start3A_80 = tpu.memref_slice %arg9[%dma_start3A_78, %dma_start3A_79] : memref<2560x32xf32, #tpu.memory_space<vmem>> -> memref<512x32xf32, #tpu.memory_space<vmem>>
    %dma_start3A_81 = arith.constant 0 : i32
    %dma_start3A_82 = tpu.memref_slice %arg8[%dma_start3A_77, %dma_start3A_81] : memref<20x512xi32, #tpu.memory_space<vmem>> -> memref<1x512xi32, #tpu.memory_space<vmem>>
    %dma_start3A_83 = tpu.memref_squeeze %dma_start3A_82 : memref<1x512xi32, #tpu.memory_space<vmem>> -> memref<512xi32, #tpu.memory_space<vmem>>
    %dma_start3A_84 = arith.constant 0 : i32
    %dma_start3A_85 = arith.constant 0 : i32
    %dma_start3A_86 = tpu.memref_slice %arg10[%dma_start3A_84, %dma_start3A_85] : memref<10000x32xf32, #tpu.memory_space<vmem_shared>> -> memref<10000x32xf32, #tpu.memory_space<vmem_shared>>
    tpu.enqueue_indirect_dma source(%dma_start3A_80 : memref<512x32xf32, #tpu.memory_space<vmem>>) target(%dma_start3A_86 : memref<10000x32xf32, #tpu.memory_space<vmem_shared>>) offsets(%dma_start3A_83 : memref<512xi32, #tpu.memory_space<vmem>>) semaphore(%arg16 : memref<!tpu.dma_semaphore, #tpu.memory_space<semaphore_mem>>) {add = true}
    %dma_start3A_87 = arith.constant 4 : i32
    %dma_start3A_88 = arith.constant 2048 : i32
    %dma_start3A_89 = arith.constant 0 : i32
    %dma_start3A_90 = tpu.memref_slice %arg9[%dma_start3A_88, %dma_start3A_89] : memref<2560x32xf32, #tpu.memory_space<vmem>> -> memref<512x32xf32, #tpu.memory_space<vmem>>
    %dma_start3A_91 = arith.constant 0 : i32
    %dma_start3A_92 = tpu.memref_slice %arg7[%dma_start3A_87, %dma_start3A_91] : memref<20x512xi32, #tpu.memory_space<vmem>> -> memref<1x512xi32, #tpu.memory_space<vmem>>
    %dma_start3A_93 = tpu.memref_squeeze %dma_start3A_92 : memref<1x512xi32, #tpu.memory_space<vmem>> -> memref<512xi32, #tpu.memory_space<vmem>>
    %dma_start3A_94 = arith.constant 0 : i32
    %dma_start3A_95 = arith.constant 0 : i32
    %dma_start3A_96 = tpu.memref_slice %arg4[%dma_start3A_94, %dma_start3A_95] : memref<10000x32xf32, #tpu.memory_space<hbm>> -> memref<10000x32xf32, #tpu.memory_space<hbm>>
    tpu.enqueue_indirect_dma source(%dma_start3A_96 : memref<10000x32xf32, #tpu.memory_space<hbm>>) target(%dma_start3A_90 : memref<512x32xf32, #tpu.memory_space<vmem>>) offsets(%dma_start3A_93 : memref<512xi32, #tpu.memory_space<vmem>>) semaphore(%arg11 : memref<!tpu.dma_semaphore, #tpu.memory_space<semaphore_mem>>)
    %dma_wait3A_97 = arith.constant 2 : i32
    %dma_wait3A_98 = arith.constant 1024 : i32
    %dma_wait3A_99 = arith.constant 0 : i32
    %dma_wait3A_100 = tpu.memref_slice %arg9[%dma_wait3A_98, %dma_wait3A_99] : memref<2560x32xf32, #tpu.memory_space<vmem>> -> memref<512x32xf32, #tpu.memory_space<vmem>>
    %dma_wait3A_101 = arith.constant 0 : i32
    %dma_wait3A_102 = tpu.memref_slice %arg7[%dma_wait3A_97, %dma_wait3A_101] : memref<20x512xi32, #tpu.memory_space<vmem>> -> memref<1x512xi32, #tpu.memory_space<vmem>>
    %dma_wait3A_103 = tpu.memref_squeeze %dma_wait3A_102 : memref<1x512xi32, #tpu.memory_space<vmem>> -> memref<512xi32, #tpu.memory_space<vmem>>
    %dma_wait3A_104 = arith.constant 0 : i32
    %dma_wait3A_105 = arith.constant 0 : i32
    %dma_wait3A_106 = tpu.memref_slice %arg4[%dma_wait3A_104, %dma_wait3A_105] : memref<10000x32xf32, #tpu.memory_space<hbm>> -> memref<10000x32xf32, #tpu.memory_space<hbm>>
    tpu.wait_indirect_dma semaphore(%arg13 : memref<!tpu.dma_semaphore, #tpu.memory_space<semaphore_mem>>) src(%dma_wait3A_106 : memref<10000x32xf32, #tpu.memory_space<hbm>>) dst(%dma_wait3A_100 : memref<512x32xf32, #tpu.memory_space<vmem>>)
    %dma_start3A_107 = arith.constant 2 : i32
    %dma_start3A_108 = arith.constant 1024 : i32
    %dma_start3A_109 = arith.constant 0 : i32
    %dma_start3A_110 = tpu.memref_slice %arg9[%dma_start3A_108, %dma_start3A_109] : memref<2560x32xf32, #tpu.memory_space<vmem>> -> memref<512x32xf32, #tpu.memory_space<vmem>>
    %dma_start3A_111 = arith.constant 0 : i32
    %dma_start3A_112 = tpu.memref_slice %arg8[%dma_start3A_107, %dma_start3A_111] : memref<20x512xi32, #tpu.memory_space<vmem>> -> memref<1x512xi32, #tpu.memory_space<vmem>>
    %dma_start3A_113 = tpu.memref_squeeze %dma_start3A_112 : memref<1x512xi32, #tpu.memory_space<vmem>> -> memref<512xi32, #tpu.memory_space<vmem>>
    %dma_start3A_114 = arith.constant 0 : i32
    %dma_start3A_115 = arith.constant 0 : i32
    %dma_start3A_116 = tpu.memref_slice %arg10[%dma_start3A_114, %dma_start3A_115] : memref<10000x32xf32, #tpu.memory_space<vmem_shared>> -> memref<10000x32xf32, #tpu.memory_space<vmem_shared>>
    tpu.enqueue_indirect_dma source(%dma_start3A_110 : memref<512x32xf32, #tpu.memory_space<vmem>>) target(%dma_start3A_116 : memref<10000x32xf32, #tpu.memory_space<vmem_shared>>) offsets(%dma_start3A_113 : memref<512xi32, #tpu.memory_space<vmem>>) semaphore(%arg17 : memref<!tpu.dma_semaphore, #tpu.memory_space<semaphore_mem>>) {add = true}
    %dma_wait3A_117 = arith.constant 0 : i32
    %dma_wait3A_118 = arith.constant 0 : i32
    %dma_wait3A_119 = arith.constant 0 : i32
    %dma_wait3A_120 = tpu.memref_slice %arg9[%dma_wait3A_118, %dma_wait3A_119] : memref<2560x32xf32, #tpu.memory_space<vmem>> -> memref<512x32xf32, #tpu.memory_space<vmem>>
    %dma_wait3A_121 = arith.constant 0 : i32
    %dma_wait3A_122 = tpu.memref_slice %arg8[%dma_wait3A_117, %dma_wait3A_121] : memref<20x512xi32, #tpu.memory_space<vmem>> -> memref<1x512xi32, #tpu.memory_space<vmem>>
    %dma_wait3A_123 = tpu.memref_squeeze %dma_wait3A_122 : memref<1x512xi32, #tpu.memory_space<vmem>> -> memref<512xi32, #tpu.memory_space<vmem>>
    %dma_wait3A_124 = arith.constant 0 : i32
    %dma_wait3A_125 = arith.constant 0 : i32
    %dma_wait3A_126 = tpu.memref_slice %arg10[%dma_wait3A_124, %dma_wait3A_125] : memref<10000x32xf32, #tpu.memory_space<vmem_shared>> -> memref<10000x32xf32, #tpu.memory_space<vmem_shared>>
    tpu.wait_indirect_dma semaphore(%arg15 : memref<!tpu.dma_semaphore, #tpu.memory_space<semaphore_mem>>) src(%dma_wait3A_120 : memref<512x32xf32, #tpu.memory_space<vmem>>) dst(%dma_wait3A_126 : memref<10000x32xf32, #tpu.memory_space<vmem_shared>>)
    %dma_start3A_127 = arith.constant 5 : i32
    %dma_start3A_128 = arith.constant 0 : i32
    %dma_start3A_129 = arith.constant 0 : i32
    %dma_start3A_130 = tpu.memref_slice %arg9[%dma_start3A_128, %dma_start3A_129] : memref<2560x32xf32, #tpu.memory_space<vmem>> -> memref<512x32xf32, #tpu.memory_space<vmem>>
    %dma_start3A_131 = arith.constant 0 : i32
    %dma_start3A_132 = tpu.memref_slice %arg7[%dma_start3A_127, %dma_start3A_131] : memref<20x512xi32, #tpu.memory_space<vmem>> -> memref<1x512xi32, #tpu.memory_space<vmem>>
    %dma_start3A_133 = tpu.memref_squeeze %dma_start3A_132 : memref<1x512xi32, #tpu.memory_space<vmem>> -> memref<512xi32, #tpu.memory_space<vmem>>
    %dma_start3A_134 = arith.constant 0 : i32
    %dma_start3A_135 = arith.constant 0 : i32
    %dma_start3A_136 = tpu.memref_slice %arg4[%dma_start3A_134, %dma_start3A_135] : memref<10000x32xf32, #tpu.memory_space<hbm>> -> memref<10000x32xf32, #tpu.memory_space<hbm>>
    tpu.enqueue_indirect_dma source(%dma_start3A_136 : memref<10000x32xf32, #tpu.memory_space<hbm>>) target(%dma_start3A_130 : memref<512x32xf32, #tpu.memory_space<vmem>>) offsets(%dma_start3A_133 : memref<512xi32, #tpu.memory_space<vmem>>) semaphore(%arg12 : memref<!tpu.dma_semaphore, #tpu.memory_space<semaphore_mem>>)
    %dma_wait3A_137 = arith.constant 3 : i32
    %dma_wait3A_138 = arith.constant 1536 : i32
    %dma_wait3A_139 = arith.constant 0 : i32
    %dma_wait3A_140 = tpu.memref_slice %arg9[%dma_wait3A_138, %dma_wait3A_139] : memref<2560x32xf32, #tpu.memory_space<vmem>> -> memref<512x32xf32, #tpu.memory_space<vmem>>
    %dma_wait3A_141 = arith.constant 0 : i32
    %dma_wait3A_142 = tpu.memref_slice %arg7[%dma_wait3A_137, %dma_wait3A_141] : memref<20x512xi32, #tpu.memory_space<vmem>> -> memref<1x512xi32, #tpu.memory_space<vmem>>
    %dma_wait3A_143 = tpu.memref_squeeze %dma_wait3A_142 : memref<1x512xi32, #tpu.memory_space<vmem>> -> memref<512xi32, #tpu.memory_space<vmem>>
    %dma_wait3A_144 = arith.constant 0 : i32
    %dma_wait3A_145 = arith.constant 0 : i32
    %dma_wait3A_146 = tpu.memref_slice %arg4[%dma_wait3A_144, %dma_wait3A_145] : memref<10000x32xf32, #tpu.memory_space<hbm>> -> memref<10000x32xf32, #tpu.memory_space<hbm>>
    tpu.wait_indirect_dma semaphore(%arg14 : memref<!tpu.dma_semaphore, #tpu.memory_space<semaphore_mem>>) src(%dma_wait3A_146 : memref<10000x32xf32, #tpu.memory_space<hbm>>) dst(%dma_wait3A_140 : memref<512x32xf32, #tpu.memory_space<vmem>>)
    %dma_start3A_147 = arith.constant 3 : i32
    %dma_start3A_148 = arith.constant 1536 : i32
    %dma_start3A_149 = arith.constant 0 : i32
    %dma_start3A_150 = tpu.memref_slice %arg9[%dma_start3A_148, %dma_start3A_149] : memref<2560x32xf32, #tpu.memory_space<vmem>> -> memref<512x32xf32, #tpu.memory_space<vmem>>
    %dma_start3A_151 = arith.constant 0 : i32
    %dma_start3A_152 = tpu.memref_slice %arg8[%dma_start3A_147, %dma_start3A_151] : memref<20x512xi32, #tpu.memory_space<vmem>> -> memref<1x512xi32, #tpu.memory_space<vmem>>
    %dma_start3A_153 = tpu.memref_squeeze %dma_start3A_152 : memref<1x512xi32, #tpu.memory_space<vmem>> -> memref<512xi32, #tpu.memory_space<vmem>>
    %dma_start3A_154 = arith.constant 0 : i32
    %dma_start3A_155 = arith.constant 0 : i32
    %dma_start3A_156 = tpu.memref_slice %arg10[%dma_start3A_154, %dma_start3A_155] : memref<10000x32xf32, #tpu.memory_space<vmem_shared>> -> memref<10000x32xf32, #tpu.memory_space<vmem_shared>>
    tpu.enqueue_indirect_dma source(%dma_start3A_150 : memref<512x32xf32, #tpu.memory_space<vmem>>) target(%dma_start3A_156 : memref<10000x32xf32, #tpu.memory_space<vmem_shared>>) offsets(%dma_start3A_153 : memref<512xi32, #tpu.memory_space<vmem>>) semaphore(%arg18 : memref<!tpu.dma_semaphore, #tpu.memory_space<semaphore_mem>>) {add = true}
    %dma_wait3A_157 = arith.constant 1 : i32
    %dma_wait3A_158 = arith.constant 512 : i32
    %dma_wait3A_159 = arith.constant 0 : i32
    %dma_wait3A_160 = tpu.memref_slice %arg9[%dma_wait3A_158, %dma_wait3A_159] : memref<2560x32xf32, #tpu.memory_space<vmem>> -> memref<512x32xf32, #tpu.memory_space<vmem>>
    %dma_wait3A_161 = arith.constant 0 : i32
    %dma_wait3A_162 = tpu.memref_slice %arg8[%dma_wait3A_157, %dma_wait3A_161] : memref<20x512xi32, #tpu.memory_space<vmem>> -> memref<1x512xi32, #tpu.memory_space<vmem>>
    %dma_wait3A_163 = tpu.memref_squeeze %dma_wait3A_162 : memref<1x512xi32, #tpu.memory_space<vmem>> -> memref<512xi32, #tpu.memory_space<vmem>>
    %dma_wait3A_164 = arith.constant 0 : i32
    %dma_wait3A_165 = arith.constant 0 : i32
    %dma_wait3A_166 = tpu.memref_slice %arg10[%dma_wait3A_164, %dma_wait3A_165] : memref<10000x32xf32, #tpu.memory_space<vmem_shared>> -> memref<10000x32xf32, #tpu.memory_space<vmem_shared>>
    tpu.wait_indirect_dma semaphore(%arg16 : memref<!tpu.dma_semaphore, #tpu.memory_space<semaphore_mem>>) src(%dma_wait3A_160 : memref<512x32xf32, #tpu.memory_space<vmem>>) dst(%dma_wait3A_166 : memref<10000x32xf32, #tpu.memory_space<vmem_shared>>)
    %dma_start3A_167 = arith.constant 6 : i32
    %dma_start3A_168 = arith.constant 512 : i32
    %dma_start3A_169 = arith.constant 0 : i32
    %dma_start3A_170 = tpu.memref_slice %arg9[%dma_start3A_168, %dma_start3A_169] : memref<2560x32xf32, #tpu.memory_space<vmem>> -> memref<512x32xf32, #tpu.memory_space<vmem>>
    %dma_start3A_171 = arith.constant 0 : i32
    %dma_start3A_172 = tpu.memref_slice %arg7[%dma_start3A_167, %dma_start3A_171] : memref<20x512xi32, #tpu.memory_space<vmem>> -> memref<1x512xi32, #tpu.memory_space<vmem>>
    %dma_start3A_173 = tpu.memref_squeeze %dma_start3A_172 : memref<1x512xi32, #tpu.memory_space<vmem>> -> memref<512xi32, #tpu.memory_space<vmem>>
    %dma_start3A_174 = arith.constant 0 : i32
    %dma_start3A_175 = arith.constant 0 : i32
    %dma_start3A_176 = tpu.memref_slice %arg4[%dma_start3A_174, %dma_start3A_175] : memref<10000x32xf32, #tpu.memory_space<hbm>> -> memref<10000x32xf32, #tpu.memory_space<hbm>>
    tpu.enqueue_indirect_dma source(%dma_start3A_176 : memref<10000x32xf32, #tpu.memory_space<hbm>>) target(%dma_start3A_170 : memref<512x32xf32, #tpu.memory_space<vmem>>) offsets(%dma_start3A_173 : memref<512xi32, #tpu.memory_space<vmem>>) semaphore(%arg13 : memref<!tpu.dma_semaphore, #tpu.memory_space<semaphore_mem>>)
    %dma_wait3A_177 = arith.constant 4 : i32
    %dma_wait3A_178 = arith.constant 2048 : i32
    %dma_wait3A_179 = arith.constant 0 : i32
    %dma_wait3A_180 = tpu.memref_slice %arg9[%dma_wait3A_178, %dma_wait3A_179] : memref<2560x32xf32, #tpu.memory_space<vmem>> -> memref<512x32xf32, #tpu.memory_space<vmem>>
    %dma_wait3A_181 = arith.constant 0 : i32
    %dma_wait3A_182 = tpu.memref_slice %arg7[%dma_wait3A_177, %dma_wait3A_181] : memref<20x512xi32, #tpu.memory_space<vmem>> -> memref<1x512xi32, #tpu.memory_space<vmem>>
    %dma_wait3A_183 = tpu.memref_squeeze %dma_wait3A_182 : memref<1x512xi32, #tpu.memory_space<vmem>> -> memref<512xi32, #tpu.memory_space<vmem>>
    %dma_wait3A_184 = arith.constant 0 : i32
    %dma_wait3A_185 = arith.constant 0 : i32
    %dma_wait3A_186 = tpu.memref_slice %arg4[%dma_wait3A_184, %dma_wait3A_185] : memref<10000x32xf32, #tpu.memory_space<hbm>> -> memref<10000x32xf32, #tpu.memory_space<hbm>>
    tpu.wait_indirect_dma semaphore(%arg11 : memref<!tpu.dma_semaphore, #tpu.memory_space<semaphore_mem>>) src(%dma_wait3A_186 : memref<10000x32xf32, #tpu.memory_space<hbm>>) dst(%dma_wait3A_180 : memref<512x32xf32, #tpu.memory_space<vmem>>)
    %dma_start3A_187 = arith.constant 4 : i32
    %dma_start3A_188 = arith.constant 2048 : i32
    %dma_start3A_189 = arith.constant 0 : i32
    %dma_start3A_190 = tpu.memref_slice %arg9[%dma_start3A_188, %dma_start3A_189] : memref<2560x32xf32, #tpu.memory_space<vmem>> -> memref<512x32xf32, #tpu.memory_space<vmem>>
    %dma_start3A_191 = arith.constant 0 : i32
    %dma_start3A_192 = tpu.memref_slice %arg8[%dma_start3A_187, %dma_start3A_191] : memref<20x512xi32, #tpu.memory_space<vmem>> -> memref<1x512xi32, #tpu.memory_space<vmem>>
    %dma_start3A_193 = tpu.memref_squeeze %dma_start3A_192 : memref<1x512xi32, #tpu.memory_space<vmem>> -> memref<512xi32, #tpu.memory_space<vmem>>
    %dma_start3A_194 = arith.constant 0 : i32
    %dma_start3A_195 = arith.constant 0 : i32
    %dma_start3A_196 = tpu.memref_slice %arg10[%dma_start3A_194, %dma_start3A_195] : memref<10000x32xf32, #tpu.memory_space<vmem_shared>> -> memref<10000x32xf32, #tpu.memory_space<vmem_shared>>
    tpu.enqueue_indirect_dma source(%dma_start3A_190 : memref<512x32xf32, #tpu.memory_space<vmem>>) target(%dma_start3A_196 : memref<10000x32xf32, #tpu.memory_space<vmem_shared>>) offsets(%dma_start3A_193 : memref<512xi32, #tpu.memory_space<vmem>>) semaphore(%arg15 : memref<!tpu.dma_semaphore, #tpu.memory_space<semaphore_mem>>) {add = true}
    %dma_wait3A_197 = arith.constant 2 : i32
    %dma_wait3A_198 = arith.constant 1024 : i32
    %dma_wait3A_199 = arith.constant 0 : i32
    %dma_wait3A_200 = tpu.memref_slice %arg9[%dma_wait3A_198, %dma_wait3A_199] : memref<2560x32xf32, #tpu.memory_space<vmem>> -> memref<512x32xf32, #tpu.memory_space<vmem>>
    %dma_wait3A_201 = arith.constant 0 : i32
    %dma_wait3A_202 = tpu.memref_slice %arg8[%dma_wait3A_197, %dma_wait3A_201] : memref<20x512xi32, #tpu.memory_space<vmem>> -> memref<1x512xi32, #tpu.memory_space<vmem>>
    %dma_wait3A_203 = tpu.memref_squeeze %dma_wait3A_202 : memref<1x512xi32, #tpu.memory_space<vmem>> -> memref<512xi32, #tpu.memory_space<vmem>>
    %dma_wait3A_204 = arith.constant 0 : i32
    %dma_wait3A_205 = arith.constant 0 : i32
    %dma_wait3A_206 = tpu.memref_slice %arg10[%dma_wait3A_204, %dma_wait3A_205] : memref<10000x32xf32, #tpu.memory_space<vmem_shared>> -> memref<10000x32xf32, #tpu.memory_space<vmem_shared>>
    tpu.wait_indirect_dma semaphore(%arg17 : memref<!tpu.dma_semaphore, #tpu.memory_space<semaphore_mem>>) src(%dma_wait3A_200 : memref<512x32xf32, #tpu.memory_space<vmem>>) dst(%dma_wait3A_206 : memref<10000x32xf32, #tpu.memory_space<vmem_shared>>)
    %dma_start3A_207 = arith.constant 7 : i32
    %dma_start3A_208 = arith.constant 1024 : i32
    %dma_start3A_209 = arith.constant 0 : i32
    %dma_start3A_210 = tpu.memref_slice %arg9[%dma_start3A_208, %dma_start3A_209] : memref<2560x32xf32, #tpu.memory_space<vmem>> -> memref<512x32xf32, #tpu.memory_space<vmem>>
    %dma_start3A_211 = arith.constant 0 : i32
    %dma_start3A_212 = tpu.memref_slice %arg7[%dma_start3A_207, %dma_start3A_211] : memref<20x512xi32, #tpu.memory_space<vmem>> -> memref<1x512xi32, #tpu.memory_space<vmem>>
    %dma_start3A_213 = tpu.memref_squeeze %dma_start3A_212 : memref<1x512xi32, #tpu.memory_space<vmem>> -> memref<512xi32, #tpu.memory_space<vmem>>
    %dma_start3A_214 = arith.constant 0 : i32
    %dma_start3A_215 = arith.constant 0 : i32
    %dma_start3A_216 = tpu.memref_slice %arg4[%dma_start3A_214, %dma_start3A_215] : memref<10000x32xf32, #tpu.memory_space<hbm>> -> memref<10000x32xf32, #tpu.memory_space<hbm>>
    tpu.enqueue_indirect_dma source(%dma_start3A_216 : memref<10000x32xf32, #tpu.memory_space<hbm>>) target(%dma_start3A_210 : memref<512x32xf32, #tpu.memory_space<vmem>>) offsets(%dma_start3A_213 : memref<512xi32, #tpu.memory_space<vmem>>) semaphore(%arg14 : memref<!tpu.dma_semaphore, #tpu.memory_space<semaphore_mem>>)
    %dma_wait3A_217 = arith.constant 5 : i32
    %dma_wait3A_218 = arith.constant 0 : i32
    %dma_wait3A_219 = arith.constant 0 : i32
    %dma_wait3A_220 = tpu.memref_slice %arg9[%dma_wait3A_218, %dma_wait3A_219] : memref<2560x32xf32, #tpu.memory_space<vmem>> -> memref<512x32xf32, #tpu.memory_space<vmem>>
    %dma_wait3A_221 = arith.constant 0 : i32
    %dma_wait3A_222 = tpu.memref_slice %arg7[%dma_wait3A_217, %dma_wait3A_221] : memref<20x512xi32, #tpu.memory_space<vmem>> -> memref<1x512xi32, #tpu.memory_space<vmem>>
    %dma_wait3A_223 = tpu.memref_squeeze %dma_wait3A_222 : memref<1x512xi32, #tpu.memory_space<vmem>> -> memref<512xi32, #tpu.memory_space<vmem>>
    %dma_wait3A_224 = arith.constant 0 : i32
    %dma_wait3A_225 = arith.constant 0 : i32
    %dma_wait3A_226 = tpu.memref_slice %arg4[%dma_wait3A_224, %dma_wait3A_225] : memref<10000x32xf32, #tpu.memory_space<hbm>> -> memref<10000x32xf32, #tpu.memory_space<hbm>>
    tpu.wait_indirect_dma semaphore(%arg12 : memref<!tpu.dma_semaphore, #tpu.memory_space<semaphore_mem>>) src(%dma_wait3A_226 : memref<10000x32xf32, #tpu.memory_space<hbm>>) dst(%dma_wait3A_220 : memref<512x32xf32, #tpu.memory_space<vmem>>)
    %dma_start3A_227 = arith.constant 5 : i32
    %dma_start3A_228 = arith.constant 0 : i32
    %dma_start3A_229 = arith.constant 0 : i32
    %dma_start3A_230 = tpu.memref_slice %arg9[%dma_start3A_228, %dma_start3A_229] : memref<2560x32xf32, #tpu.memory_space<vmem>> -> memref<512x32xf32, #tpu.memory_space<vmem>>
    %dma_start3A_231 = arith.constant 0 : i32
    %dma_start3A_232 = tpu.memref_slice %arg8[%dma_start3A_227, %dma_start3A_231] : memref<20x512xi32, #tpu.memory_space<vmem>> -> memref<1x512xi32, #tpu.memory_space<vmem>>
    %dma_start3A_233 = tpu.memref_squeeze %dma_start3A_232 : memref<1x512xi32, #tpu.memory_space<vmem>> -> memref<512xi32, #tpu.memory_space<vmem>>
    %dma_start3A_234 = arith.constant 0 : i32
    %dma_start3A_235 = arith.constant 0 : i32
    %dma_start3A_236 = tpu.memref_slice %arg10[%dma_start3A_234, %dma_start3A_235] : memref<10000x32xf32, #tpu.memory_space<vmem_shared>> -> memref<10000x32xf32, #tpu.memory_space<vmem_shared>>
    tpu.enqueue_indirect_dma source(%dma_start3A_230 : memref<512x32xf32, #tpu.memory_space<vmem>>) target(%dma_start3A_236 : memref<10000x32xf32, #tpu.memory_space<vmem_shared>>) offsets(%dma_start3A_233 : memref<512xi32, #tpu.memory_space<vmem>>) semaphore(%arg16 : memref<!tpu.dma_semaphore, #tpu.memory_space<semaphore_mem>>) {add = true}
    %dma_wait3A_237 = arith.constant 3 : i32
    %dma_wait3A_238 = arith.constant 1536 : i32
    %dma_wait3A_239 = arith.constant 0 : i32
    %dma_wait3A_240 = tpu.memref_slice %arg9[%dma_wait3A_238, %dma_wait3A_239] : memref<2560x32xf32, #tpu.memory_space<vmem>> -> memref<512x32xf32, #tpu.memory_space<vmem>>
    %dma_wait3A_241 = arith.constant 0 : i32
    %dma_wait3A_242 = tpu.memref_slice %arg8[%dma_wait3A_237, %dma_wait3A_241] : memref<20x512xi32, #tpu.memory_space<vmem>> -> memref<1x512xi32, #tpu.memory_space<vmem>>
    %dma_wait3A_243 = tpu.memref_squeeze %dma_wait3A_242 : memref<1x512xi32, #tpu.memory_space<vmem>> -> memref<512xi32, #tpu.memory_space<vmem>>
    %dma_wait3A_244 = arith.constant 0 : i32
    %dma_wait3A_245 = arith.constant 0 : i32
    %dma_wait3A_246 = tpu.memref_slice %arg10[%dma_wait3A_244, %dma_wait3A_245] : memref<10000x32xf32, #tpu.memory_space<vmem_shared>> -> memref<10000x32xf32, #tpu.memory_space<vmem_shared>>
    tpu.wait_indirect_dma semaphore(%arg18 : memref<!tpu.dma_semaphore, #tpu.memory_space<semaphore_mem>>) src(%dma_wait3A_240 : memref<512x32xf32, #tpu.memory_space<vmem>>) dst(%dma_wait3A_246 : memref<10000x32xf32, #tpu.memory_space<vmem_shared>>)
    %dma_start3A_247 = arith.constant 8 : i32
    %dma_start3A_248 = arith.constant 1536 : i32
    %dma_start3A_249 = arith.constant 0 : i32
    %dma_start3A_250 = tpu.memref_slice %arg9[%dma_start3A_248, %dma_start3A_249] : memref<2560x32xf32, #tpu.memory_space<vmem>> -> memref<512x32xf32, #tpu.memory_space<vmem>>
    %dma_start3A_251 = arith.constant 0 : i32
    %dma_start3A_252 = tpu.memref_slice %arg7[%dma_start3A_247, %dma_start3A_251] : memref<20x512xi32, #tpu.memory_space<vmem>> -> memref<1x512xi32, #tpu.memory_space<vmem>>
    %dma_start3A_253 = tpu.memref_squeeze %dma_start3A_252 : memref<1x512xi32, #tpu.memory_space<vmem>> -> memref<512xi32, #tpu.memory_space<vmem>>
    %dma_start3A_254 = arith.constant 0 : i32
    %dma_start3A_255 = arith.constant 0 : i32
    %dma_start3A_256 = tpu.memref_slice %arg4[%dma_start3A_254, %dma_start3A_255] : memref<10000x32xf32, #tpu.memory_space<hbm>> -> memref<10000x32xf32, #tpu.memory_space<hbm>>
    tpu.enqueue_indirect_dma source(%dma_start3A_256 : memref<10000x32xf32, #tpu.memory_space<hbm>>) target(%dma_start3A_250 : memref<512x32xf32, #tpu.memory_space<vmem>>) offsets(%dma_start3A_253 : memref<512xi32, #tpu.memory_space<vmem>>) semaphore(%arg11 : memref<!tpu.dma_semaphore, #tpu.memory_space<semaphore_mem>>)
    %dma_wait3A_257 = arith.constant 6 : i32
    %dma_wait3A_258 = arith.constant 512 : i32
    %dma_wait3A_259 = arith.constant 0 : i32
    %dma_wait3A_260 = tpu.memref_slice %arg9[%dma_wait3A_258, %dma_wait3A_259] : memref<2560x32xf32, #tpu.memory_space<vmem>> -> memref<512x32xf32, #tpu.memory_space<vmem>>
    %dma_wait3A_261 = arith.constant 0 : i32
    %dma_wait3A_262 = tpu.memref_slice %arg7[%dma_wait3A_257, %dma_wait3A_261] : memref<20x512xi32, #tpu.memory_space<vmem>> -> memref<1x512xi32, #tpu.memory_space<vmem>>
    %dma_wait3A_263 = tpu.memref_squeeze %dma_wait3A_262 : memref<1x512xi32, #tpu.memory_space<vmem>> -> memref<512xi32, #tpu.memory_space<vmem>>
    %dma_wait3A_264 = arith.constant 0 : i32
    %dma_wait3A_265 = arith.constant 0 : i32
    %dma_wait3A_266 = tpu.memref_slice %arg4[%dma_wait3A_264, %dma_wait3A_265] : memref<10000x32xf32, #tpu.memory_space<hbm>> -> memref<10000x32xf32, #tpu.memory_space<hbm>>
    tpu.wait_indirect_dma semaphore(%arg13 : memref<!tpu.dma_semaphore, #tpu.memory_space<semaphore_mem>>) src(%dma_wait3A_266 : memref<10000x32xf32, #tpu.memory_space<hbm>>) dst(%dma_wait3A_260 : memref<512x32xf32, #tpu.memory_space<vmem>>)
    %dma_start3A_267 = arith.constant 6 : i32
    %dma_start3A_268 = arith.constant 512 : i32
    %dma_start3A_269 = arith.constant 0 : i32
    %dma_start3A_270 = tpu.memref_slice %arg9[%dma_start3A_268, %dma_start3A_269] : memref<2560x32xf32, #tpu.memory_space<vmem>> -> memref<512x32xf32, #tpu.memory_space<vmem>>
    %dma_start3A_271 = arith.constant 0 : i32
    %dma_start3A_272 = tpu.memref_slice %arg8[%dma_start3A_267, %dma_start3A_271] : memref<20x512xi32, #tpu.memory_space<vmem>> -> memref<1x512xi32, #tpu.memory_space<vmem>>
    %dma_start3A_273 = tpu.memref_squeeze %dma_start3A_272 : memref<1x512xi32, #tpu.memory_space<vmem>> -> memref<512xi32, #tpu.memory_space<vmem>>
    %dma_start3A_274 = arith.constant 0 : i32
    %dma_start3A_275 = arith.constant 0 : i32
    %dma_start3A_276 = tpu.memref_slice %arg10[%dma_start3A_274, %dma_start3A_275] : memref<10000x32xf32, #tpu.memory_space<vmem_shared>> -> memref<10000x32xf32, #tpu.memory_space<vmem_shared>>
    tpu.enqueue_indirect_dma source(%dma_start3A_270 : memref<512x32xf32, #tpu.memory_space<vmem>>) target(%dma_start3A_276 : memref<10000x32xf32, #tpu.memory_space<vmem_shared>>) offsets(%dma_start3A_273 : memref<512xi32, #tpu.memory_space<vmem>>) semaphore(%arg17 : memref<!tpu.dma_semaphore, #tpu.memory_space<semaphore_mem>>) {add = true}
    %dma_wait3A_277 = arith.constant 4 : i32
    %dma_wait3A_278 = arith.constant 2048 : i32
    %dma_wait3A_279 = arith.constant 0 : i32
    %dma_wait3A_280 = tpu.memref_slice %arg9[%dma_wait3A_278, %dma_wait3A_279] : memref<2560x32xf32, #tpu.memory_space<vmem>> -> memref<512x32xf32, #tpu.memory_space<vmem>>
    %dma_wait3A_281 = arith.constant 0 : i32
    %dma_wait3A_282 = tpu.memref_slice %arg8[%dma_wait3A_277, %dma_wait3A_281] : memref<20x512xi32, #tpu.memory_space<vmem>> -> memref<1x512xi32, #tpu.memory_space<vmem>>
    %dma_wait3A_283 = tpu.memref_squeeze %dma_wait3A_282 : memref<1x512xi32, #tpu.memory_space<vmem>> -> memref<512xi32, #tpu.memory_space<vmem>>
    %dma_wait3A_284 = arith.constant 0 : i32
    %dma_wait3A_285 = arith.constant 0 : i32
    %dma_wait3A_286 = tpu.memref_slice %arg10[%dma_wait3A_284, %dma_wait3A_285] : memref<10000x32xf32, #tpu.memory_space<vmem_shared>> -> memref<10000x32xf32, #tpu.memory_space<vmem_shared>>
    tpu.wait_indirect_dma semaphore(%arg15 : memref<!tpu.dma_semaphore, #tpu.memory_space<semaphore_mem>>) src(%dma_wait3A_280 : memref<512x32xf32, #tpu.memory_space<vmem>>) dst(%dma_wait3A_286 : memref<10000x32xf32, #tpu.memory_space<vmem_shared>>)
    %dma_start3A_287 = arith.constant 9 : i32
    %dma_start3A_288 = arith.constant 2048 : i32
    %dma_start3A_289 = arith.constant 0 : i32
    %dma_start3A_290 = tpu.memref_slice %arg9[%dma_start3A_288, %dma_start3A_289] : memref<2560x32xf32, #tpu.memory_space<vmem>> -> memref<512x32xf32, #tpu.memory_space<vmem>>
    %dma_start3A_291 = arith.constant 0 : i32
    %dma_start3A_292 = tpu.memref_slice %arg7[%dma_start3A_287, %dma_start3A_291] : memref<20x512xi32, #tpu.memory_space<vmem>> -> memref<1x512xi32, #tpu.memory_space<vmem>>
    %dma_start3A_293 = tpu.memref_squeeze %dma_start3A_292 : memref<1x512xi32, #tpu.memory_space<vmem>> -> memref<512xi32, #tpu.memory_space<vmem>>
    %dma_start3A_294 = arith.constant 0 : i32
    %dma_start3A_295 = arith.constant 0 : i32
    %dma_start3A_296 = tpu.memref_slice %arg4[%dma_start3A_294, %dma_start3A_295] : memref<10000x32xf32, #tpu.memory_space<hbm>> -> memref<10000x32xf32, #tpu.memory_space<hbm>>
    tpu.enqueue_indirect_dma source(%dma_start3A_296 : memref<10000x32xf32, #tpu.memory_space<hbm>>) target(%dma_start3A_290 : memref<512x32xf32, #tpu.memory_space<vmem>>) offsets(%dma_start3A_293 : memref<512xi32, #tpu.memory_space<vmem>>) semaphore(%arg12 : memref<!tpu.dma_semaphore, #tpu.memory_space<semaphore_mem>>)
    %dma_wait3A_297 = arith.constant 7 : i32
    %dma_wait3A_298 = arith.constant 1024 : i32
    %dma_wait3A_299 = arith.constant 0 : i32
    %dma_wait3A_300 = tpu.memref_slice %arg9[%dma_wait3A_298, %dma_wait3A_299] : memref<2560x32xf32, #tpu.memory_space<vmem>> -> memref<512x32xf32, #tpu.memory_space<vmem>>
    %dma_wait3A_301 = arith.constant 0 : i32
    %dma_wait3A_302 = tpu.memref_slice %arg7[%dma_wait3A_297, %dma_wait3A_301] : memref<20x512xi32, #tpu.memory_space<vmem>> -> memref<1x512xi32, #tpu.memory_space<vmem>>
    %dma_wait3A_303 = tpu.memref_squeeze %dma_wait3A_302 : memref<1x512xi32, #tpu.memory_space<vmem>> -> memref<512xi32, #tpu.memory_space<vmem>>
    %dma_wait3A_304 = arith.constant 0 : i32
    %dma_wait3A_305 = arith.constant 0 : i32
    %dma_wait3A_306 = tpu.memref_slice %arg4[%dma_wait3A_304, %dma_wait3A_305] : memref<10000x32xf32, #tpu.memory_space<hbm>> -> memref<10000x32xf32, #tpu.memory_space<hbm>>
    tpu.wait_indirect_dma semaphore(%arg14 : memref<!tpu.dma_semaphore, #tpu.memory_space<semaphore_mem>>) src(%dma_wait3A_306 : memref<10000x32xf32, #tpu.memory_space<hbm>>) dst(%dma_wait3A_300 : memref<512x32xf32, #tpu.memory_space<vmem>>)
    %dma_start3A_307 = arith.constant 7 : i32
    %dma_start3A_308 = arith.constant 1024 : i32
    %dma_start3A_309 = arith.constant 0 : i32
    %dma_start3A_310 = tpu.memref_slice %arg9[%dma_start3A_308, %dma_start3A_309] : memref<2560x32xf32, #tpu.memory_space<vmem>> -> memref<512x32xf32, #tpu.memory_space<vmem>>
    %dma_start3A_311 = arith.constant 0 : i32
    %dma_start3A_312 = tpu.memref_slice %arg8[%dma_start3A_307, %dma_start3A_311] : memref<20x512xi32, #tpu.memory_space<vmem>> -> memref<1x512xi32, #tpu.memory_space<vmem>>
    %dma_start3A_313 = tpu.memref_squeeze %dma_start3A_312 : memref<1x512xi32, #tpu.memory_space<vmem>> -> memref<512xi32, #tpu.memory_space<vmem>>
    %dma_start3A_314 = arith.constant 0 : i32
    %dma_start3A_315 = arith.constant 0 : i32
    %dma_start3A_316 = tpu.memref_slice %arg10[%dma_start3A_314, %dma_start3A_315] : memref<10000x32xf32, #tpu.memory_space<vmem_shared>> -> memref<10000x32xf32, #tpu.memory_space<vmem_shared>>
    tpu.enqueue_indirect_dma source(%dma_start3A_310 : memref<512x32xf32, #tpu.memory_space<vmem>>) target(%dma_start3A_316 : memref<10000x32xf32, #tpu.memory_space<vmem_shared>>) offsets(%dma_start3A_313 : memref<512xi32, #tpu.memory_space<vmem>>) semaphore(%arg18 : memref<!tpu.dma_semaphore, #tpu.memory_space<semaphore_mem>>) {add = true}
    %dma_wait3A_317 = arith.constant 5 : i32
    %dma_wait3A_318 = arith.constant 0 : i32
    %dma_wait3A_319 = arith.constant 0 : i32
    %dma_wait3A_320 = tpu.memref_slice %arg9[%dma_wait3A_318, %dma_wait3A_319] : memref<2560x32xf32, #tpu.memory_space<vmem>> -> memref<512x32xf32, #tpu.memory_space<vmem>>
    %dma_wait3A_321 = arith.constant 0 : i32
    %dma_wait3A_322 = tpu.memref_slice %arg8[%dma_wait3A_317, %dma_wait3A_321] : memref<20x512xi32, #tpu.memory_space<vmem>> -> memref<1x512xi32, #tpu.memory_space<vmem>>
    %dma_wait3A_323 = tpu.memref_squeeze %dma_wait3A_322 : memref<1x512xi32, #tpu.memory_space<vmem>> -> memref<512xi32, #tpu.memory_space<vmem>>
    %dma_wait3A_324 = arith.constant 0 : i32
    %dma_wait3A_325 = arith.constant 0 : i32
    %dma_wait3A_326 = tpu.memref_slice %arg10[%dma_wait3A_324, %dma_wait3A_325] : memref<10000x32xf32, #tpu.memory_space<vmem_shared>> -> memref<10000x32xf32, #tpu.memory_space<vmem_shared>>
    tpu.wait_indirect_dma semaphore(%arg16 : memref<!tpu.dma_semaphore, #tpu.memory_space<semaphore_mem>>) src(%dma_wait3A_320 : memref<512x32xf32, #tpu.memory_space<vmem>>) dst(%dma_wait3A_326 : memref<10000x32xf32, #tpu.memory_space<vmem_shared>>)
    %dma_start3A_327 = arith.constant 10 : i32
    %dma_start3A_328 = arith.constant 0 : i32
    %dma_start3A_329 = arith.constant 0 : i32
    %dma_start3A_330 = tpu.memref_slice %arg9[%dma_start3A_328, %dma_start3A_329] : memref<2560x32xf32, #tpu.memory_space<vmem>> -> memref<512x32xf32, #tpu.memory_space<vmem>>
    %dma_start3A_331 = arith.constant 0 : i32
    %dma_start3A_332 = tpu.memref_slice %arg7[%dma_start3A_327, %dma_start3A_331] : memref<20x512xi32, #tpu.memory_space<vmem>> -> memref<1x512xi32, #tpu.memory_space<vmem>>
    %dma_start3A_333 = tpu.memref_squeeze %dma_start3A_332 : memref<1x512xi32, #tpu.memory_space<vmem>> -> memref<512xi32, #tpu.memory_space<vmem>>
    %dma_start3A_334 = arith.constant 0 : i32
    %dma_start3A_335 = arith.constant 0 : i32
    %dma_start3A_336 = tpu.memref_slice %arg4[%dma_start3A_334, %dma_start3A_335] : memref<10000x32xf32, #tpu.memory_space<hbm>> -> memref<10000x32xf32, #tpu.memory_space<hbm>>
    tpu.enqueue_indirect_dma source(%dma_start3A_336 : memref<10000x32xf32, #tpu.memory_space<hbm>>) target(%dma_start3A_330 : memref<512x32xf32, #tpu.memory_space<vmem>>) offsets(%dma_start3A_333 : memref<512xi32, #tpu.memory_space<vmem>>) semaphore(%arg13 : memref<!tpu.dma_semaphore, #tpu.memory_space<semaphore_mem>>)
    %dma_wait3A_337 = arith.constant 8 : i32
    %dma_wait3A_338 = arith.constant 1536 : i32
    %dma_wait3A_339 = arith.constant 0 : i32
    %dma_wait3A_340 = tpu.memref_slice %arg9[%dma_wait3A_338, %dma_wait3A_339] : memref<2560x32xf32, #tpu.memory_space<vmem>> -> memref<512x32xf32, #tpu.memory_space<vmem>>
    %dma_wait3A_341 = arith.constant 0 : i32
    %dma_wait3A_342 = tpu.memref_slice %arg7[%dma_wait3A_337, %dma_wait3A_341] : memref<20x512xi32, #tpu.memory_space<vmem>> -> memref<1x512xi32, #tpu.memory_space<vmem>>
    %dma_wait3A_343 = tpu.memref_squeeze %dma_wait3A_342 : memref<1x512xi32, #tpu.memory_space<vmem>> -> memref<512xi32, #tpu.memory_space<vmem>>
    %dma_wait3A_344 = arith.constant 0 : i32
    %dma_wait3A_345 = arith.constant 0 : i32
    %dma_wait3A_346 = tpu.memref_slice %arg4[%dma_wait3A_344, %dma_wait3A_345] : memref<10000x32xf32, #tpu.memory_space<hbm>> -> memref<10000x32xf32, #tpu.memory_space<hbm>>
    tpu.wait_indirect_dma semaphore(%arg11 : memref<!tpu.dma_semaphore, #tpu.memory_space<semaphore_mem>>) src(%dma_wait3A_346 : memref<10000x32xf32, #tpu.memory_space<hbm>>) dst(%dma_wait3A_340 : memref<512x32xf32, #tpu.memory_space<vmem>>)
    %dma_start3A_347 = arith.constant 8 : i32
    %dma_start3A_348 = arith.constant 1536 : i32
    %dma_start3A_349 = arith.constant 0 : i32
    %dma_start3A_350 = tpu.memref_slice %arg9[%dma_start3A_348, %dma_start3A_349] : memref<2560x32xf32, #tpu.memory_space<vmem>> -> memref<512x32xf32, #tpu.memory_space<vmem>>
    %dma_start3A_351 = arith.constant 0 : i32
    %dma_start3A_352 = tpu.memref_slice %arg8[%dma_start3A_347, %dma_start3A_351] : memref<20x512xi32, #tpu.memory_space<vmem>> -> memref<1x512xi32, #tpu.memory_space<vmem>>
    %dma_start3A_353 = tpu.memref_squeeze %dma_start3A_352 : memref<1x512xi32, #tpu.memory_space<vmem>> -> memref<512xi32, #tpu.memory_space<vmem>>
    %dma_start3A_354 = arith.constant 0 : i32
    %dma_start3A_355 = arith.constant 0 : i32
    %dma_start3A_356 = tpu.memref_slice %arg10[%dma_start3A_354, %dma_start3A_355] : memref<10000x32xf32, #tpu.memory_space<vmem_shared>> -> memref<10000x32xf32, #tpu.memory_space<vmem_shared>>
    tpu.enqueue_indirect_dma source(%dma_start3A_350 : memref<512x32xf32, #tpu.memory_space<vmem>>) target(%dma_start3A_356 : memref<10000x32xf32, #tpu.memory_space<vmem_shared>>) offsets(%dma_start3A_353 : memref<512xi32, #tpu.memory_space<vmem>>) semaphore(%arg15 : memref<!tpu.dma_semaphore, #tpu.memory_space<semaphore_mem>>) {add = true}
    %dma_wait3A_357 = arith.constant 6 : i32
    %dma_wait3A_358 = arith.constant 512 : i32
    %dma_wait3A_359 = arith.constant 0 : i32
    %dma_wait3A_360 = tpu.memref_slice %arg9[%dma_wait3A_358, %dma_wait3A_359] : memref<2560x32xf32, #tpu.memory_space<vmem>> -> memref<512x32xf32, #tpu.memory_space<vmem>>
    %dma_wait3A_361 = arith.constant 0 : i32
    %dma_wait3A_362 = tpu.memref_slice %arg8[%dma_wait3A_357, %dma_wait3A_361] : memref<20x512xi32, #tpu.memory_space<vmem>> -> memref<1x512xi32, #tpu.memory_space<vmem>>
    %dma_wait3A_363 = tpu.memref_squeeze %dma_wait3A_362 : memref<1x512xi32, #tpu.memory_space<vmem>> -> memref<512xi32, #tpu.memory_space<vmem>>
    %dma_wait3A_364 = arith.constant 0 : i32
    %dma_wait3A_365 = arith.constant 0 : i32
    %dma_wait3A_366 = tpu.memref_slice %arg10[%dma_wait3A_364, %dma_wait3A_365] : memref<10000x32xf32, #tpu.memory_space<vmem_shared>> -> memref<10000x32xf32, #tpu.memory_space<vmem_shared>>
    tpu.wait_indirect_dma semaphore(%arg17 : memref<!tpu.dma_semaphore, #tpu.memory_space<semaphore_mem>>) src(%dma_wait3A_360 : memref<512x32xf32, #tpu.memory_space<vmem>>) dst(%dma_wait3A_366 : memref<10000x32xf32, #tpu.memory_space<vmem_shared>>)
    %dma_start3A_367 = arith.constant 11 : i32
    %dma_start3A_368 = arith.constant 512 : i32
    %dma_start3A_369 = arith.constant 0 : i32
    %dma_start3A_370 = tpu.memref_slice %arg9[%dma_start3A_368, %dma_start3A_369] : memref<2560x32xf32, #tpu.memory_space<vmem>> -> memref<512x32xf32, #tpu.memory_space<vmem>>
    %dma_start3A_371 = arith.constant 0 : i32
    %dma_start3A_372 = tpu.memref_slice %arg7[%dma_start3A_367, %dma_start3A_371] : memref<20x512xi32, #tpu.memory_space<vmem>> -> memref<1x512xi32, #tpu.memory_space<vmem>>
    %dma_start3A_373 = tpu.memref_squeeze %dma_start3A_372 : memref<1x512xi32, #tpu.memory_space<vmem>> -> memref<512xi32, #tpu.memory_space<vmem>>
    %dma_start3A_374 = arith.constant 0 : i32
    %dma_start3A_375 = arith.constant 0 : i32
    %dma_start3A_376 = tpu.memref_slice %arg4[%dma_start3A_374, %dma_start3A_375] : memref<10000x32xf32, #tpu.memory_space<hbm>> -> memref<10000x32xf32, #tpu.memory_space<hbm>>
    tpu.enqueue_indirect_dma source(%dma_start3A_376 : memref<10000x32xf32, #tpu.memory_space<hbm>>) target(%dma_start3A_370 : memref<512x32xf32, #tpu.memory_space<vmem>>) offsets(%dma_start3A_373 : memref<512xi32, #tpu.memory_space<vmem>>) semaphore(%arg14 : memref<!tpu.dma_semaphore, #tpu.memory_space<semaphore_mem>>)
    %dma_wait3A_377 = arith.constant 9 : i32
    %dma_wait3A_378 = arith.constant 2048 : i32
    %dma_wait3A_379 = arith.constant 0 : i32
    %dma_wait3A_380 = tpu.memref_slice %arg9[%dma_wait3A_378, %dma_wait3A_379] : memref<2560x32xf32, #tpu.memory_space<vmem>> -> memref<512x32xf32, #tpu.memory_space<vmem>>
    %dma_wait3A_381 = arith.constant 0 : i32
    %dma_wait3A_382 = tpu.memref_slice %arg7[%dma_wait3A_377, %dma_wait3A_381] : memref<20x512xi32, #tpu.memory_space<vmem>> -> memref<1x512xi32, #tpu.memory_space<vmem>>
    %dma_wait3A_383 = tpu.memref_squeeze %dma_wait3A_382 : memref<1x512xi32, #tpu.memory_space<vmem>> -> memref<512xi32, #tpu.memory_space<vmem>>
    %dma_wait3A_384 = arith.constant 0 : i32
    %dma_wait3A_385 = arith.constant 0 : i32
    %dma_wait3A_386 = tpu.memref_slice %arg4[%dma_wait3A_384, %dma_wait3A_385] : memref<10000x32xf32, #tpu.memory_space<hbm>> -> memref<10000x32xf32, #tpu.memory_space<hbm>>
    tpu.wait_indirect_dma semaphore(%arg12 : memref<!tpu.dma_semaphore, #tpu.memory_space<semaphore_mem>>) src(%dma_wait3A_386 : memref<10000x32xf32, #tpu.memory_space<hbm>>) dst(%dma_wait3A_380 : memref<512x32xf32, #tpu.memory_space<vmem>>)
    %dma_start3A_387 = arith.constant 9 : i32
    %dma_start3A_388 = arith.constant 2048 : i32
    %dma_start3A_389 = arith.constant 0 : i32
    %dma_start3A_390 = tpu.memref_slice %arg9[%dma_start3A_388, %dma_start3A_389] : memref<2560x32xf32, #tpu.memory_space<vmem>> -> memref<512x32xf32, #tpu.memory_space<vmem>>
    %dma_start3A_391 = arith.constant 0 : i32
    %dma_start3A_392 = tpu.memref_slice %arg8[%dma_start3A_387, %dma_start3A_391] : memref<20x512xi32, #tpu.memory_space<vmem>> -> memref<1x512xi32, #tpu.memory_space<vmem>>
    %dma_start3A_393 = tpu.memref_squeeze %dma_start3A_392 : memref<1x512xi32, #tpu.memory_space<vmem>> -> memref<512xi32, #tpu.memory_space<vmem>>
    %dma_start3A_394 = arith.constant 0 : i32
    %dma_start3A_395 = arith.constant 0 : i32
    %dma_start3A_396 = tpu.memref_slice %arg10[%dma_start3A_394, %dma_start3A_395] : memref<10000x32xf32, #tpu.memory_space<vmem_shared>> -> memref<10000x32xf32, #tpu.memory_space<vmem_shared>>
    tpu.enqueue_indirect_dma source(%dma_start3A_390 : memref<512x32xf32, #tpu.memory_space<vmem>>) target(%dma_start3A_396 : memref<10000x32xf32, #tpu.memory_space<vmem_shared>>) offsets(%dma_start3A_393 : memref<512xi32, #tpu.memory_space<vmem>>) semaphore(%arg16 : memref<!tpu.dma_semaphore, #tpu.memory_space<semaphore_mem>>) {add = true}
    %dma_wait3A_397 = arith.constant 7 : i32
    %dma_wait3A_398 = arith.constant 1024 : i32
    %dma_wait3A_399 = arith.constant 0 : i32
    %dma_wait3A_400 = tpu.memref_slice %arg9[%dma_wait3A_398, %dma_wait3A_399] : memref<2560x32xf32, #tpu.memory_space<vmem>> -> memref<512x32xf32, #tpu.memory_space<vmem>>
    %dma_wait3A_401 = arith.constant 0 : i32
    %dma_wait3A_402 = tpu.memref_slice %arg8[%dma_wait3A_397, %dma_wait3A_401] : memref<20x512xi32, #tpu.memory_space<vmem>> -> memref<1x512xi32, #tpu.memory_space<vmem>>
    %dma_wait3A_403 = tpu.memref_squeeze %dma_wait3A_402 : memref<1x512xi32, #tpu.memory_space<vmem>> -> memref<512xi32, #tpu.memory_space<vmem>>
    %dma_wait3A_404 = arith.constant 0 : i32
    %dma_wait3A_405 = arith.constant 0 : i32
    %dma_wait3A_406 = tpu.memref_slice %arg10[%dma_wait3A_404, %dma_wait3A_405] : memref<10000x32xf32, #tpu.memory_space<vmem_shared>> -> memref<10000x32xf32, #tpu.memory_space<vmem_shared>>
    tpu.wait_indirect_dma semaphore(%arg18 : memref<!tpu.dma_semaphore, #tpu.memory_space<semaphore_mem>>) src(%dma_wait3A_400 : memref<512x32xf32, #tpu.memory_space<vmem>>) dst(%dma_wait3A_406 : memref<10000x32xf32, #tpu.memory_space<vmem_shared>>)
    %dma_start3A_407 = arith.constant 12 : i32
    %dma_start3A_408 = arith.constant 1024 : i32
    %dma_start3A_409 = arith.constant 0 : i32
    %dma_start3A_410 = tpu.memref_slice %arg9[%dma_start3A_408, %dma_start3A_409] : memref<2560x32xf32, #tpu.memory_space<vmem>> -> memref<512x32xf32, #tpu.memory_space<vmem>>
    %dma_start3A_411 = arith.constant 0 : i32
    %dma_start3A_412 = tpu.memref_slice %arg7[%dma_start3A_407, %dma_start3A_411] : memref<20x512xi32, #tpu.memory_space<vmem>> -> memref<1x512xi32, #tpu.memory_space<vmem>>
    %dma_start3A_413 = tpu.memref_squeeze %dma_start3A_412 : memref<1x512xi32, #tpu.memory_space<vmem>> -> memref<512xi32, #tpu.memory_space<vmem>>
    %dma_start3A_414 = arith.constant 0 : i32
    %dma_start3A_415 = arith.constant 0 : i32
    %dma_start3A_416 = tpu.memref_slice %arg4[%dma_start3A_414, %dma_start3A_415] : memref<10000x32xf32, #tpu.memory_space<hbm>> -> memref<10000x32xf32, #tpu.memory_space<hbm>>
    tpu.enqueue_indirect_dma source(%dma_start3A_416 : memref<10000x32xf32, #tpu.memory_space<hbm>>) target(%dma_start3A_410 : memref<512x32xf32, #tpu.memory_space<vmem>>) offsets(%dma_start3A_413 : memref<512xi32, #tpu.memory_space<vmem>>) semaphore(%arg11 : memref<!tpu.dma_semaphore, #tpu.memory_space<semaphore_mem>>)
    %dma_wait3A_417 = arith.constant 10 : i32
    %dma_wait3A_418 = arith.constant 0 : i32
    %dma_wait3A_419 = arith.constant 0 : i32
    %dma_wait3A_420 = tpu.memref_slice %arg9[%dma_wait3A_418, %dma_wait3A_419] : memref<2560x32xf32, #tpu.memory_space<vmem>> -> memref<512x32xf32, #tpu.memory_space<vmem>>
    %dma_wait3A_421 = arith.constant 0 : i32
    %dma_wait3A_422 = tpu.memref_slice %arg7[%dma_wait3A_417, %dma_wait3A_421] : memref<20x512xi32, #tpu.memory_space<vmem>> -> memref<1x512xi32, #tpu.memory_space<vmem>>
    %dma_wait3A_423 = tpu.memref_squeeze %dma_wait3A_422 : memref<1x512xi32, #tpu.memory_space<vmem>> -> memref<512xi32, #tpu.memory_space<vmem>>
    %dma_wait3A_424 = arith.constant 0 : i32
    %dma_wait3A_425 = arith.constant 0 : i32
    %dma_wait3A_426 = tpu.memref_slice %arg4[%dma_wait3A_424, %dma_wait3A_425] : memref<10000x32xf32, #tpu.memory_space<hbm>> -> memref<10000x32xf32, #tpu.memory_space<hbm>>
    tpu.wait_indirect_dma semaphore(%arg13 : memref<!tpu.dma_semaphore, #tpu.memory_space<semaphore_mem>>) src(%dma_wait3A_426 : memref<10000x32xf32, #tpu.memory_space<hbm>>) dst(%dma_wait3A_420 : memref<512x32xf32, #tpu.memory_space<vmem>>)
    %dma_start3A_427 = arith.constant 10 : i32
    %dma_start3A_428 = arith.constant 0 : i32
    %dma_start3A_429 = arith.constant 0 : i32
    %dma_start3A_430 = tpu.memref_slice %arg9[%dma_start3A_428, %dma_start3A_429] : memref<2560x32xf32, #tpu.memory_space<vmem>> -> memref<512x32xf32, #tpu.memory_space<vmem>>
    %dma_start3A_431 = arith.constant 0 : i32
    %dma_start3A_432 = tpu.memref_slice %arg8[%dma_start3A_427, %dma_start3A_431] : memref<20x512xi32, #tpu.memory_space<vmem>> -> memref<1x512xi32, #tpu.memory_space<vmem>>
    %dma_start3A_433 = tpu.memref_squeeze %dma_start3A_432 : memref<1x512xi32, #tpu.memory_space<vmem>> -> memref<512xi32, #tpu.memory_space<vmem>>
    %dma_start3A_434 = arith.constant 0 : i32
    %dma_start3A_435 = arith.constant 0 : i32
    %dma_start3A_436 = tpu.memref_slice %arg10[%dma_start3A_434, %dma_start3A_435] : memref<10000x32xf32, #tpu.memory_space<vmem_shared>> -> memref<10000x32xf32, #tpu.memory_space<vmem_shared>>
    tpu.enqueue_indirect_dma source(%dma_start3A_430 : memref<512x32xf32, #tpu.memory_space<vmem>>) target(%dma_start3A_436 : memref<10000x32xf32, #tpu.memory_space<vmem_shared>>) offsets(%dma_start3A_433 : memref<512xi32, #tpu.memory_space<vmem>>) semaphore(%arg17 : memref<!tpu.dma_semaphore, #tpu.memory_space<semaphore_mem>>) {add = true}
    %dma_wait3A_437 = arith.constant 8 : i32
    %dma_wait3A_438 = arith.constant 1536 : i32
    %dma_wait3A_439 = arith.constant 0 : i32
    %dma_wait3A_440 = tpu.memref_slice %arg9[%dma_wait3A_438, %dma_wait3A_439] : memref<2560x32xf32, #tpu.memory_space<vmem>> -> memref<512x32xf32, #tpu.memory_space<vmem>>
    %dma_wait3A_441 = arith.constant 0 : i32
    %dma_wait3A_442 = tpu.memref_slice %arg8[%dma_wait3A_437, %dma_wait3A_441] : memref<20x512xi32, #tpu.memory_space<vmem>> -> memref<1x512xi32, #tpu.memory_space<vmem>>
    %dma_wait3A_443 = tpu.memref_squeeze %dma_wait3A_442 : memref<1x512xi32, #tpu.memory_space<vmem>> -> memref<512xi32, #tpu.memory_space<vmem>>
    %dma_wait3A_444 = arith.constant 0 : i32
    %dma_wait3A_445 = arith.constant 0 : i32
    %dma_wait3A_446 = tpu.memref_slice %arg10[%dma_wait3A_444, %dma_wait3A_445] : memref<10000x32xf32, #tpu.memory_space<vmem_shared>> -> memref<10000x32xf32, #tpu.memory_space<vmem_shared>>
    tpu.wait_indirect_dma semaphore(%arg15 : memref<!tpu.dma_semaphore, #tpu.memory_space<semaphore_mem>>) src(%dma_wait3A_440 : memref<512x32xf32, #tpu.memory_space<vmem>>) dst(%dma_wait3A_446 : memref<10000x32xf32, #tpu.memory_space<vmem_shared>>)
    %dma_start3A_447 = arith.constant 13 : i32
    %dma_start3A_448 = arith.constant 1536 : i32
    %dma_start3A_449 = arith.constant 0 : i32
    %dma_start3A_450 = tpu.memref_slice %arg9[%dma_start3A_448, %dma_start3A_449] : memref<2560x32xf32, #tpu.memory_space<vmem>> -> memref<512x32xf32, #tpu.memory_space<vmem>>
    %dma_start3A_451 = arith.constant 0 : i32
    %dma_start3A_452 = tpu.memref_slice %arg7[%dma_start3A_447, %dma_start3A_451] : memref<20x512xi32, #tpu.memory_space<vmem>> -> memref<1x512xi32, #tpu.memory_space<vmem>>
    %dma_start3A_453 = tpu.memref_squeeze %dma_start3A_452 : memref<1x512xi32, #tpu.memory_space<vmem>> -> memref<512xi32, #tpu.memory_space<vmem>>
    %dma_start3A_454 = arith.constant 0 : i32
    %dma_start3A_455 = arith.constant 0 : i32
    %dma_start3A_456 = tpu.memref_slice %arg4[%dma_start3A_454, %dma_start3A_455] : memref<10000x32xf32, #tpu.memory_space<hbm>> -> memref<10000x32xf32, #tpu.memory_space<hbm>>
    tpu.enqueue_indirect_dma source(%dma_start3A_456 : memref<10000x32xf32, #tpu.memory_space<hbm>>) target(%dma_start3A_450 : memref<512x32xf32, #tpu.memory_space<vmem>>) offsets(%dma_start3A_453 : memref<512xi32, #tpu.memory_space<vmem>>) semaphore(%arg12 : memref<!tpu.dma_semaphore, #tpu.memory_space<semaphore_mem>>)
    %dma_wait3A_457 = arith.constant 11 : i32
    %dma_wait3A_458 = arith.constant 512 : i32
    %dma_wait3A_459 = arith.constant 0 : i32
    %dma_wait3A_460 = tpu.memref_slice %arg9[%dma_wait3A_458, %dma_wait3A_459] : memref<2560x32xf32, #tpu.memory_space<vmem>> -> memref<512x32xf32, #tpu.memory_space<vmem>>
    %dma_wait3A_461 = arith.constant 0 : i32
    %dma_wait3A_462 = tpu.memref_slice %arg7[%dma_wait3A_457, %dma_wait3A_461] : memref<20x512xi32, #tpu.memory_space<vmem>> -> memref<1x512xi32, #tpu.memory_space<vmem>>
    %dma_wait3A_463 = tpu.memref_squeeze %dma_wait3A_462 : memref<1x512xi32, #tpu.memory_space<vmem>> -> memref<512xi32, #tpu.memory_space<vmem>>
    %dma_wait3A_464 = arith.constant 0 : i32
    %dma_wait3A_465 = arith.constant 0 : i32
    %dma_wait3A_466 = tpu.memref_slice %arg4[%dma_wait3A_464, %dma_wait3A_465] : memref<10000x32xf32, #tpu.memory_space<hbm>> -> memref<10000x32xf32, #tpu.memory_space<hbm>>
    tpu.wait_indirect_dma semaphore(%arg14 : memref<!tpu.dma_semaphore, #tpu.memory_space<semaphore_mem>>) src(%dma_wait3A_466 : memref<10000x32xf32, #tpu.memory_space<hbm>>) dst(%dma_wait3A_460 : memref<512x32xf32, #tpu.memory_space<vmem>>)
    %dma_start3A_467 = arith.constant 11 : i32
    %dma_start3A_468 = arith.constant 512 : i32
    %dma_start3A_469 = arith.constant 0 : i32
    %dma_start3A_470 = tpu.memref_slice %arg9[%dma_start3A_468, %dma_start3A_469] : memref<2560x32xf32, #tpu.memory_space<vmem>> -> memref<512x32xf32, #tpu.memory_space<vmem>>
    %dma_start3A_471 = arith.constant 0 : i32
    %dma_start3A_472 = tpu.memref_slice %arg8[%dma_start3A_467, %dma_start3A_471] : memref<20x512xi32, #tpu.memory_space<vmem>> -> memref<1x512xi32, #tpu.memory_space<vmem>>
    %dma_start3A_473 = tpu.memref_squeeze %dma_start3A_472 : memref<1x512xi32, #tpu.memory_space<vmem>> -> memref<512xi32, #tpu.memory_space<vmem>>
    %dma_start3A_474 = arith.constant 0 : i32
    %dma_start3A_475 = arith.constant 0 : i32
    %dma_start3A_476 = tpu.memref_slice %arg10[%dma_start3A_474, %dma_start3A_475] : memref<10000x32xf32, #tpu.memory_space<vmem_shared>> -> memref<10000x32xf32, #tpu.memory_space<vmem_shared>>
    tpu.enqueue_indirect_dma source(%dma_start3A_470 : memref<512x32xf32, #tpu.memory_space<vmem>>) target(%dma_start3A_476 : memref<10000x32xf32, #tpu.memory_space<vmem_shared>>) offsets(%dma_start3A_473 : memref<512xi32, #tpu.memory_space<vmem>>) semaphore(%arg18 : memref<!tpu.dma_semaphore, #tpu.memory_space<semaphore_mem>>) {add = true}
    %dma_wait3A_477 = arith.constant 9 : i32
    %dma_wait3A_478 = arith.constant 2048 : i32
    %dma_wait3A_479 = arith.constant 0 : i32
    %dma_wait3A_480 = tpu.memref_slice %arg9[%dma_wait3A_478, %dma_wait3A_479] : memref<2560x32xf32, #tpu.memory_space<vmem>> -> memref<512x32xf32, #tpu.memory_space<vmem>>
    %dma_wait3A_481 = arith.constant 0 : i32
    %dma_wait3A_482 = tpu.memref_slice %arg8[%dma_wait3A_477, %dma_wait3A_481] : memref<20x512xi32, #tpu.memory_space<vmem>> -> memref<1x512xi32, #tpu.memory_space<vmem>>
    %dma_wait3A_483 = tpu.memref_squeeze %dma_wait3A_482 : memref<1x512xi32, #tpu.memory_space<vmem>> -> memref<512xi32, #tpu.memory_space<vmem>>
    %dma_wait3A_484 = arith.constant 0 : i32
    %dma_wait3A_485 = arith.constant 0 : i32
    %dma_wait3A_486 = tpu.memref_slice %arg10[%dma_wait3A_484, %dma_wait3A_485] : memref<10000x32xf32, #tpu.memory_space<vmem_shared>> -> memref<10000x32xf32, #tpu.memory_space<vmem_shared>>
    tpu.wait_indirect_dma semaphore(%arg16 : memref<!tpu.dma_semaphore, #tpu.memory_space<semaphore_mem>>) src(%dma_wait3A_480 : memref<512x32xf32, #tpu.memory_space<vmem>>) dst(%dma_wait3A_486 : memref<10000x32xf32, #tpu.memory_space<vmem_shared>>)
    %dma_start3A_487 = arith.constant 14 : i32
    %dma_start3A_488 = arith.constant 2048 : i32
    %dma_start3A_489 = arith.constant 0 : i32
    %dma_start3A_490 = tpu.memref_slice %arg9[%dma_start3A_488, %dma_start3A_489] : memref<2560x32xf32, #tpu.memory_space<vmem>> -> memref<512x32xf32, #tpu.memory_space<vmem>>
    %dma_start3A_491 = arith.constant 0 : i32
    %dma_start3A_492 = tpu.memref_slice %arg7[%dma_start3A_487, %dma_start3A_491] : memref<20x512xi32, #tpu.memory_space<vmem>> -> memref<1x512xi32, #tpu.memory_space<vmem>>
    %dma_start3A_493 = tpu.memref_squeeze %dma_start3A_492 : memref<1x512xi32, #tpu.memory_space<vmem>> -> memref<512xi32, #tpu.memory_space<vmem>>
    %dma_start3A_494 = arith.constant 0 : i32
    %dma_start3A_495 = arith.constant 0 : i32
    %dma_start3A_496 = tpu.memref_slice %arg4[%dma_start3A_494, %dma_start3A_495] : memref<10000x32xf32, #tpu.memory_space<hbm>> -> memref<10000x32xf32, #tpu.memory_space<hbm>>
    tpu.enqueue_indirect_dma source(%dma_start3A_496 : memref<10000x32xf32, #tpu.memory_space<hbm>>) target(%dma_start3A_490 : memref<512x32xf32, #tpu.memory_space<vmem>>) offsets(%dma_start3A_493 : memref<512xi32, #tpu.memory_space<vmem>>) semaphore(%arg13 : memref<!tpu.dma_semaphore, #tpu.memory_space<semaphore_mem>>)
    %dma_wait3A_497 = arith.constant 12 : i32
    %dma_wait3A_498 = arith.constant 1024 : i32
    %dma_wait3A_499 = arith.constant 0 : i32
    %dma_wait3A_500 = tpu.memref_slice %arg9[%dma_wait3A_498, %dma_wait3A_499] : memref<2560x32xf32, #tpu.memory_space<vmem>> -> memref<512x32xf32, #tpu.memory_space<vmem>>
    %dma_wait3A_501 = arith.constant 0 : i32
    %dma_wait3A_502 = tpu.memref_slice %arg7[%dma_wait3A_497, %dma_wait3A_501] : memref<20x512xi32, #tpu.memory_space<vmem>> -> memref<1x512xi32, #tpu.memory_space<vmem>>
    %dma_wait3A_503 = tpu.memref_squeeze %dma_wait3A_502 : memref<1x512xi32, #tpu.memory_space<vmem>> -> memref<512xi32, #tpu.memory_space<vmem>>
    %dma_wait3A_504 = arith.constant 0 : i32
    %dma_wait3A_505 = arith.constant 0 : i32
    %dma_wait3A_506 = tpu.memref_slice %arg4[%dma_wait3A_504, %dma_wait3A_505] : memref<10000x32xf32, #tpu.memory_space<hbm>> -> memref<10000x32xf32, #tpu.memory_space<hbm>>
    tpu.wait_indirect_dma semaphore(%arg11 : memref<!tpu.dma_semaphore, #tpu.memory_space<semaphore_mem>>) src(%dma_wait3A_506 : memref<10000x32xf32, #tpu.memory_space<hbm>>) dst(%dma_wait3A_500 : memref<512x32xf32, #tpu.memory_space<vmem>>)
    %dma_start3A_507 = arith.constant 12 : i32
    %dma_start3A_508 = arith.constant 1024 : i32
    %dma_start3A_509 = arith.constant 0 : i32
    %dma_start3A_510 = tpu.memref_slice %arg9[%dma_start3A_508, %dma_start3A_509] : memref<2560x32xf32, #tpu.memory_space<vmem>> -> memref<512x32xf32, #tpu.memory_space<vmem>>
    %dma_start3A_511 = arith.constant 0 : i32
    %dma_start3A_512 = tpu.memref_slice %arg8[%dma_start3A_507, %dma_start3A_511] : memref<20x512xi32, #tpu.memory_space<vmem>> -> memref<1x512xi32, #tpu.memory_space<vmem>>
    %dma_start3A_513 = tpu.memref_squeeze %dma_start3A_512 : memref<1x512xi32, #tpu.memory_space<vmem>> -> memref<512xi32, #tpu.memory_space<vmem>>
    %dma_start3A_514 = arith.constant 0 : i32
    %dma_start3A_515 = arith.constant 0 : i32
    %dma_start3A_516 = tpu.memref_slice %arg10[%dma_start3A_514, %dma_start3A_515] : memref<10000x32xf32, #tpu.memory_space<vmem_shared>> -> memref<10000x32xf32, #tpu.memory_space<vmem_shared>>
    tpu.enqueue_indirect_dma source(%dma_start3A_510 : memref<512x32xf32, #tpu.memory_space<vmem>>) target(%dma_start3A_516 : memref<10000x32xf32, #tpu.memory_space<vmem_shared>>) offsets(%dma_start3A_513 : memref<512xi32, #tpu.memory_space<vmem>>) semaphore(%arg15 : memref<!tpu.dma_semaphore, #tpu.memory_space<semaphore_mem>>) {add = true}
    %dma_wait3A_517 = arith.constant 10 : i32
    %dma_wait3A_518 = arith.constant 0 : i32
    %dma_wait3A_519 = arith.constant 0 : i32
    %dma_wait3A_520 = tpu.memref_slice %arg9[%dma_wait3A_518, %dma_wait3A_519] : memref<2560x32xf32, #tpu.memory_space<vmem>> -> memref<512x32xf32, #tpu.memory_space<vmem>>
    %dma_wait3A_521 = arith.constant 0 : i32
    %dma_wait3A_522 = tpu.memref_slice %arg8[%dma_wait3A_517, %dma_wait3A_521] : memref<20x512xi32, #tpu.memory_space<vmem>> -> memref<1x512xi32, #tpu.memory_space<vmem>>
    %dma_wait3A_523 = tpu.memref_squeeze %dma_wait3A_522 : memref<1x512xi32, #tpu.memory_space<vmem>> -> memref<512xi32, #tpu.memory_space<vmem>>
    %dma_wait3A_524 = arith.constant 0 : i32
    %dma_wait3A_525 = arith.constant 0 : i32
    %dma_wait3A_526 = tpu.memref_slice %arg10[%dma_wait3A_524, %dma_wait3A_525] : memref<10000x32xf32, #tpu.memory_space<vmem_shared>> -> memref<10000x32xf32, #tpu.memory_space<vmem_shared>>
    tpu.wait_indirect_dma semaphore(%arg17 : memref<!tpu.dma_semaphore, #tpu.memory_space<semaphore_mem>>) src(%dma_wait3A_520 : memref<512x32xf32, #tpu.memory_space<vmem>>) dst(%dma_wait3A_526 : memref<10000x32xf32, #tpu.memory_space<vmem_shared>>)
    %dma_start3A_527 = arith.constant 15 : i32
    %dma_start3A_528 = arith.constant 0 : i32
    %dma_start3A_529 = arith.constant 0 : i32
    %dma_start3A_530 = tpu.memref_slice %arg9[%dma_start3A_528, %dma_start3A_529] : memref<2560x32xf32, #tpu.memory_space<vmem>> -> memref<512x32xf32, #tpu.memory_space<vmem>>
    %dma_start3A_531 = arith.constant 0 : i32
    %dma_start3A_532 = tpu.memref_slice %arg7[%dma_start3A_527, %dma_start3A_531] : memref<20x512xi32, #tpu.memory_space<vmem>> -> memref<1x512xi32, #tpu.memory_space<vmem>>
    %dma_start3A_533 = tpu.memref_squeeze %dma_start3A_532 : memref<1x512xi32, #tpu.memory_space<vmem>> -> memref<512xi32, #tpu.memory_space<vmem>>
    %dma_start3A_534 = arith.constant 0 : i32
    %dma_start3A_535 = arith.constant 0 : i32
    %dma_start3A_536 = tpu.memref_slice %arg4[%dma_start3A_534, %dma_start3A_535] : memref<10000x32xf32, #tpu.memory_space<hbm>> -> memref<10000x32xf32, #tpu.memory_space<hbm>>
    tpu.enqueue_indirect_dma source(%dma_start3A_536 : memref<10000x32xf32, #tpu.memory_space<hbm>>) target(%dma_start3A_530 : memref<512x32xf32, #tpu.memory_space<vmem>>) offsets(%dma_start3A_533 : memref<512xi32, #tpu.memory_space<vmem>>) semaphore(%arg14 : memref<!tpu.dma_semaphore, #tpu.memory_space<semaphore_mem>>)
    %dma_wait3A_537 = arith.constant 13 : i32
    %dma_wait3A_538 = arith.constant 1536 : i32
    %dma_wait3A_539 = arith.constant 0 : i32
    %dma_wait3A_540 = tpu.memref_slice %arg9[%dma_wait3A_538, %dma_wait3A_539] : memref<2560x32xf32, #tpu.memory_space<vmem>> -> memref<512x32xf32, #tpu.memory_space<vmem>>
    %dma_wait3A_541 = arith.constant 0 : i32
    %dma_wait3A_542 = tpu.memref_slice %arg7[%dma_wait3A_537, %dma_wait3A_541] : memref<20x512xi32, #tpu.memory_space<vmem>> -> memref<1x512xi32, #tpu.memory_space<vmem>>
    %dma_wait3A_543 = tpu.memref_squeeze %dma_wait3A_542 : memref<1x512xi32, #tpu.memory_space<vmem>> -> memref<512xi32, #tpu.memory_space<vmem>>
    %dma_wait3A_544 = arith.constant 0 : i32
    %dma_wait3A_545 = arith.constant 0 : i32
    %dma_wait3A_546 = tpu.memref_slice %arg4[%dma_wait3A_544, %dma_wait3A_545] : memref<10000x32xf32, #tpu.memory_space<hbm>> -> memref<10000x32xf32, #tpu.memory_space<hbm>>
    tpu.wait_indirect_dma semaphore(%arg12 : memref<!tpu.dma_semaphore, #tpu.memory_space<semaphore_mem>>) src(%dma_wait3A_546 : memref<10000x32xf32, #tpu.memory_space<hbm>>) dst(%dma_wait3A_540 : memref<512x32xf32, #tpu.memory_space<vmem>>)
    %dma_start3A_547 = arith.constant 13 : i32
    %dma_start3A_548 = arith.constant 1536 : i32
    %dma_start3A_549 = arith.constant 0 : i32
    %dma_start3A_550 = tpu.memref_slice %arg9[%dma_start3A_548, %dma_start3A_549] : memref<2560x32xf32, #tpu.memory_space<vmem>> -> memref<512x32xf32, #tpu.memory_space<vmem>>
    %dma_start3A_551 = arith.constant 0 : i32
    %dma_start3A_552 = tpu.memref_slice %arg8[%dma_start3A_547, %dma_start3A_551] : memref<20x512xi32, #tpu.memory_space<vmem>> -> memref<1x512xi32, #tpu.memory_space<vmem>>
    %dma_start3A_553 = tpu.memref_squeeze %dma_start3A_552 : memref<1x512xi32, #tpu.memory_space<vmem>> -> memref<512xi32, #tpu.memory_space<vmem>>
    %dma_start3A_554 = arith.constant 0 : i32
    %dma_start3A_555 = arith.constant 0 : i32
    %dma_start3A_556 = tpu.memref_slice %arg10[%dma_start3A_554, %dma_start3A_555] : memref<10000x32xf32, #tpu.memory_space<vmem_shared>> -> memref<10000x32xf32, #tpu.memory_space<vmem_shared>>
    tpu.enqueue_indirect_dma source(%dma_start3A_550 : memref<512x32xf32, #tpu.memory_space<vmem>>) target(%dma_start3A_556 : memref<10000x32xf32, #tpu.memory_space<vmem_shared>>) offsets(%dma_start3A_553 : memref<512xi32, #tpu.memory_space<vmem>>) semaphore(%arg16 : memref<!tpu.dma_semaphore, #tpu.memory_space<semaphore_mem>>) {add = true}
    %dma_wait3A_557 = arith.constant 11 : i32
    %dma_wait3A_558 = arith.constant 512 : i32
    %dma_wait3A_559 = arith.constant 0 : i32
    %dma_wait3A_560 = tpu.memref_slice %arg9[%dma_wait3A_558, %dma_wait3A_559] : memref<2560x32xf32, #tpu.memory_space<vmem>> -> memref<512x32xf32, #tpu.memory_space<vmem>>
    %dma_wait3A_561 = arith.constant 0 : i32
    %dma_wait3A_562 = tpu.memref_slice %arg8[%dma_wait3A_557, %dma_wait3A_561] : memref<20x512xi32, #tpu.memory_space<vmem>> -> memref<1x512xi32, #tpu.memory_space<vmem>>
    %dma_wait3A_563 = tpu.memref_squeeze %dma_wait3A_562 : memref<1x512xi32, #tpu.memory_space<vmem>> -> memref<512xi32, #tpu.memory_space<vmem>>
    %dma_wait3A_564 = arith.constant 0 : i32
    %dma_wait3A_565 = arith.constant 0 : i32
    %dma_wait3A_566 = tpu.memref_slice %arg10[%dma_wait3A_564, %dma_wait3A_565] : memref<10000x32xf32, #tpu.memory_space<vmem_shared>> -> memref<10000x32xf32, #tpu.memory_space<vmem_shared>>
    tpu.wait_indirect_dma semaphore(%arg18 : memref<!tpu.dma_semaphore, #tpu.memory_space<semaphore_mem>>) src(%dma_wait3A_560 : memref<512x32xf32, #tpu.memory_space<vmem>>) dst(%dma_wait3A_566 : memref<10000x32xf32, #tpu.memory_space<vmem_shared>>)
    %dma_start3A_567 = arith.constant 16 : i32
    %dma_start3A_568 = arith.constant 512 : i32
    %dma_start3A_569 = arith.constant 0 : i32
    %dma_start3A_570 = tpu.memref_slice %arg9[%dma_start3A_568, %dma_start3A_569] : memref<2560x32xf32, #tpu.memory_space<vmem>> -> memref<512x32xf32, #tpu.memory_space<vmem>>
    %dma_start3A_571 = arith.constant 0 : i32
    %dma_start3A_572 = tpu.memref_slice %arg7[%dma_start3A_567, %dma_start3A_571] : memref<20x512xi32, #tpu.memory_space<vmem>> -> memref<1x512xi32, #tpu.memory_space<vmem>>
    %dma_start3A_573 = tpu.memref_squeeze %dma_start3A_572 : memref<1x512xi32, #tpu.memory_space<vmem>> -> memref<512xi32, #tpu.memory_space<vmem>>
    %dma_start3A_574 = arith.constant 0 : i32
    %dma_start3A_575 = arith.constant 0 : i32
    %dma_start3A_576 = tpu.memref_slice %arg4[%dma_start3A_574, %dma_start3A_575] : memref<10000x32xf32, #tpu.memory_space<hbm>> -> memref<10000x32xf32, #tpu.memory_space<hbm>>
    tpu.enqueue_indirect_dma source(%dma_start3A_576 : memref<10000x32xf32, #tpu.memory_space<hbm>>) target(%dma_start3A_570 : memref<512x32xf32, #tpu.memory_space<vmem>>) offsets(%dma_start3A_573 : memref<512xi32, #tpu.memory_space<vmem>>) semaphore(%arg11 : memref<!tpu.dma_semaphore, #tpu.memory_space<semaphore_mem>>)
    %dma_wait3A_577 = arith.constant 14 : i32
    %dma_wait3A_578 = arith.constant 2048 : i32
    %dma_wait3A_579 = arith.constant 0 : i32
    %dma_wait3A_580 = tpu.memref_slice %arg9[%dma_wait3A_578, %dma_wait3A_579] : memref<2560x32xf32, #tpu.memory_space<vmem>> -> memref<512x32xf32, #tpu.memory_space<vmem>>
    %dma_wait3A_581 = arith.constant 0 : i32
    %dma_wait3A_582 = tpu.memref_slice %arg7[%dma_wait3A_577, %dma_wait3A_581] : memref<20x512xi32, #tpu.memory_space<vmem>> -> memref<1x512xi32, #tpu.memory_space<vmem>>
    %dma_wait3A_583 = tpu.memref_squeeze %dma_wait3A_582 : memref<1x512xi32, #tpu.memory_space<vmem>> -> memref<512xi32, #tpu.memory_space<vmem>>
    %dma_wait3A_584 = arith.constant 0 : i32
    %dma_wait3A_585 = arith.constant 0 : i32
    %dma_wait3A_586 = tpu.memref_slice %arg4[%dma_wait3A_584, %dma_wait3A_585] : memref<10000x32xf32, #tpu.memory_space<hbm>> -> memref<10000x32xf32, #tpu.memory_space<hbm>>
    tpu.wait_indirect_dma semaphore(%arg13 : memref<!tpu.dma_semaphore, #tpu.memory_space<semaphore_mem>>) src(%dma_wait3A_586 : memref<10000x32xf32, #tpu.memory_space<hbm>>) dst(%dma_wait3A_580 : memref<512x32xf32, #tpu.memory_space<vmem>>)
    %dma_start3A_587 = arith.constant 14 : i32
    %dma_start3A_588 = arith.constant 2048 : i32
    %dma_start3A_589 = arith.constant 0 : i32
    %dma_start3A_590 = tpu.memref_slice %arg9[%dma_start3A_588, %dma_start3A_589] : memref<2560x32xf32, #tpu.memory_space<vmem>> -> memref<512x32xf32, #tpu.memory_space<vmem>>
    %dma_start3A_591 = arith.constant 0 : i32
    %dma_start3A_592 = tpu.memref_slice %arg8[%dma_start3A_587, %dma_start3A_591] : memref<20x512xi32, #tpu.memory_space<vmem>> -> memref<1x512xi32, #tpu.memory_space<vmem>>
    %dma_start3A_593 = tpu.memref_squeeze %dma_start3A_592 : memref<1x512xi32, #tpu.memory_space<vmem>> -> memref<512xi32, #tpu.memory_space<vmem>>
    %dma_start3A_594 = arith.constant 0 : i32
    %dma_start3A_595 = arith.constant 0 : i32
    %dma_start3A_596 = tpu.memref_slice %arg10[%dma_start3A_594, %dma_start3A_595] : memref<10000x32xf32, #tpu.memory_space<vmem_shared>> -> memref<10000x32xf32, #tpu.memory_space<vmem_shared>>
    tpu.enqueue_indirect_dma source(%dma_start3A_590 : memref<512x32xf32, #tpu.memory_space<vmem>>) target(%dma_start3A_596 : memref<10000x32xf32, #tpu.memory_space<vmem_shared>>) offsets(%dma_start3A_593 : memref<512xi32, #tpu.memory_space<vmem>>) semaphore(%arg17 : memref<!tpu.dma_semaphore, #tpu.memory_space<semaphore_mem>>) {add = true}
    %dma_wait3A_597 = arith.constant 12 : i32
    %dma_wait3A_598 = arith.constant 1024 : i32
    %dma_wait3A_599 = arith.constant 0 : i32
    %dma_wait3A_600 = tpu.memref_slice %arg9[%dma_wait3A_598, %dma_wait3A_599] : memref<2560x32xf32, #tpu.memory_space<vmem>> -> memref<512x32xf32, #tpu.memory_space<vmem>>
    %dma_wait3A_601 = arith.constant 0 : i32
    %dma_wait3A_602 = tpu.memref_slice %arg8[%dma_wait3A_597, %dma_wait3A_601] : memref<20x512xi32, #tpu.memory_space<vmem>> -> memref<1x512xi32, #tpu.memory_space<vmem>>
    %dma_wait3A_603 = tpu.memref_squeeze %dma_wait3A_602 : memref<1x512xi32, #tpu.memory_space<vmem>> -> memref<512xi32, #tpu.memory_space<vmem>>
    %dma_wait3A_604 = arith.constant 0 : i32
    %dma_wait3A_605 = arith.constant 0 : i32
    %dma_wait3A_606 = tpu.memref_slice %arg10[%dma_wait3A_604, %dma_wait3A_605] : memref<10000x32xf32, #tpu.memory_space<vmem_shared>> -> memref<10000x32xf32, #tpu.memory_space<vmem_shared>>
    tpu.wait_indirect_dma semaphore(%arg15 : memref<!tpu.dma_semaphore, #tpu.memory_space<semaphore_mem>>) src(%dma_wait3A_600 : memref<512x32xf32, #tpu.memory_space<vmem>>) dst(%dma_wait3A_606 : memref<10000x32xf32, #tpu.memory_space<vmem_shared>>)
    %dma_start3A_607 = arith.constant 17 : i32
    %dma_start3A_608 = arith.constant 1024 : i32
    %dma_start3A_609 = arith.constant 0 : i32
    %dma_start3A_610 = tpu.memref_slice %arg9[%dma_start3A_608, %dma_start3A_609] : memref<2560x32xf32, #tpu.memory_space<vmem>> -> memref<512x32xf32, #tpu.memory_space<vmem>>
    %dma_start3A_611 = arith.constant 0 : i32
    %dma_start3A_612 = tpu.memref_slice %arg7[%dma_start3A_607, %dma_start3A_611] : memref<20x512xi32, #tpu.memory_space<vmem>> -> memref<1x512xi32, #tpu.memory_space<vmem>>
    %dma_start3A_613 = tpu.memref_squeeze %dma_start3A_612 : memref<1x512xi32, #tpu.memory_space<vmem>> -> memref<512xi32, #tpu.memory_space<vmem>>
    %dma_start3A_614 = arith.constant 0 : i32
    %dma_start3A_615 = arith.constant 0 : i32
    %dma_start3A_616 = tpu.memref_slice %arg4[%dma_start3A_614, %dma_start3A_615] : memref<10000x32xf32, #tpu.memory_space<hbm>> -> memref<10000x32xf32, #tpu.memory_space<hbm>>
    tpu.enqueue_indirect_dma source(%dma_start3A_616 : memref<10000x32xf32, #tpu.memory_space<hbm>>) target(%dma_start3A_610 : memref<512x32xf32, #tpu.memory_space<vmem>>) offsets(%dma_start3A_613 : memref<512xi32, #tpu.memory_space<vmem>>) semaphore(%arg12 : memref<!tpu.dma_semaphore, #tpu.memory_space<semaphore_mem>>)
    %dma_wait3A_617 = arith.constant 15 : i32
    %dma_wait3A_618 = arith.constant 0 : i32
    %dma_wait3A_619 = arith.constant 0 : i32
    %dma_wait3A_620 = tpu.memref_slice %arg9[%dma_wait3A_618, %dma_wait3A_619] : memref<2560x32xf32, #tpu.memory_space<vmem>> -> memref<512x32xf32, #tpu.memory_space<vmem>>
    %dma_wait3A_621 = arith.constant 0 : i32
    %dma_wait3A_622 = tpu.memref_slice %arg7[%dma_wait3A_617, %dma_wait3A_621] : memref<20x512xi32, #tpu.memory_space<vmem>> -> memref<1x512xi32, #tpu.memory_space<vmem>>
    %dma_wait3A_623 = tpu.memref_squeeze %dma_wait3A_622 : memref<1x512xi32, #tpu.memory_space<vmem>> -> memref<512xi32, #tpu.memory_space<vmem>>
    %dma_wait3A_624 = arith.constant 0 : i32
    %dma_wait3A_625 = arith.constant 0 : i32
    %dma_wait3A_626 = tpu.memref_slice %arg4[%dma_wait3A_624, %dma_wait3A_625] : memref<10000x32xf32, #tpu.memory_space<hbm>> -> memref<10000x32xf32, #tpu.memory_space<hbm>>
    tpu.wait_indirect_dma semaphore(%arg14 : memref<!tpu.dma_semaphore, #tpu.memory_space<semaphore_mem>>) src(%dma_wait3A_626 : memref<10000x32xf32, #tpu.memory_space<hbm>>) dst(%dma_wait3A_620 : memref<512x32xf32, #tpu.memory_space<vmem>>)
    %dma_start3A_627 = arith.constant 15 : i32
    %dma_start3A_628 = arith.constant 0 : i32
    %dma_start3A_629 = arith.constant 0 : i32
    %dma_start3A_630 = tpu.memref_slice %arg9[%dma_start3A_628, %dma_start3A_629] : memref<2560x32xf32, #tpu.memory_space<vmem>> -> memref<512x32xf32, #tpu.memory_space<vmem>>
    %dma_start3A_631 = arith.constant 0 : i32
    %dma_start3A_632 = tpu.memref_slice %arg8[%dma_start3A_627, %dma_start3A_631] : memref<20x512xi32, #tpu.memory_space<vmem>> -> memref<1x512xi32, #tpu.memory_space<vmem>>
    %dma_start3A_633 = tpu.memref_squeeze %dma_start3A_632 : memref<1x512xi32, #tpu.memory_space<vmem>> -> memref<512xi32, #tpu.memory_space<vmem>>
    %dma_start3A_634 = arith.constant 0 : i32
    %dma_start3A_635 = arith.constant 0 : i32
    %dma_start3A_636 = tpu.memref_slice %arg10[%dma_start3A_634, %dma_start3A_635] : memref<10000x32xf32, #tpu.memory_space<vmem_shared>> -> memref<10000x32xf32, #tpu.memory_space<vmem_shared>>
    tpu.enqueue_indirect_dma source(%dma_start3A_630 : memref<512x32xf32, #tpu.memory_space<vmem>>) target(%dma_start3A_636 : memref<10000x32xf32, #tpu.memory_space<vmem_shared>>) offsets(%dma_start3A_633 : memref<512xi32, #tpu.memory_space<vmem>>) semaphore(%arg18 : memref<!tpu.dma_semaphore, #tpu.memory_space<semaphore_mem>>) {add = true}
    %dma_wait3A_637 = arith.constant 13 : i32
    %dma_wait3A_638 = arith.constant 1536 : i32
    %dma_wait3A_639 = arith.constant 0 : i32
    %dma_wait3A_640 = tpu.memref_slice %arg9[%dma_wait3A_638, %dma_wait3A_639] : memref<2560x32xf32, #tpu.memory_space<vmem>> -> memref<512x32xf32, #tpu.memory_space<vmem>>
    %dma_wait3A_641 = arith.constant 0 : i32
    %dma_wait3A_642 = tpu.memref_slice %arg8[%dma_wait3A_637, %dma_wait3A_641] : memref<20x512xi32, #tpu.memory_space<vmem>> -> memref<1x512xi32, #tpu.memory_space<vmem>>
    %dma_wait3A_643 = tpu.memref_squeeze %dma_wait3A_642 : memref<1x512xi32, #tpu.memory_space<vmem>> -> memref<512xi32, #tpu.memory_space<vmem>>
    %dma_wait3A_644 = arith.constant 0 : i32
    %dma_wait3A_645 = arith.constant 0 : i32
    %dma_wait3A_646 = tpu.memref_slice %arg10[%dma_wait3A_644, %dma_wait3A_645] : memref<10000x32xf32, #tpu.memory_space<vmem_shared>> -> memref<10000x32xf32, #tpu.memory_space<vmem_shared>>
    tpu.wait_indirect_dma semaphore(%arg16 : memref<!tpu.dma_semaphore, #tpu.memory_space<semaphore_mem>>) src(%dma_wait3A_640 : memref<512x32xf32, #tpu.memory_space<vmem>>) dst(%dma_wait3A_646 : memref<10000x32xf32, #tpu.memory_space<vmem_shared>>)
    %dma_start3A_647 = arith.constant 18 : i32
    %dma_start3A_648 = arith.constant 1536 : i32
    %dma_start3A_649 = arith.constant 0 : i32
    %dma_start3A_650 = tpu.memref_slice %arg9[%dma_start3A_648, %dma_start3A_649] : memref<2560x32xf32, #tpu.memory_space<vmem>> -> memref<512x32xf32, #tpu.memory_space<vmem>>
    %dma_start3A_651 = arith.constant 0 : i32
    %dma_start3A_652 = tpu.memref_slice %arg7[%dma_start3A_647, %dma_start3A_651] : memref<20x512xi32, #tpu.memory_space<vmem>> -> memref<1x512xi32, #tpu.memory_space<vmem>>
    %dma_start3A_653 = tpu.memref_squeeze %dma_start3A_652 : memref<1x512xi32, #tpu.memory_space<vmem>> -> memref<512xi32, #tpu.memory_space<vmem>>
    %dma_start3A_654 = arith.constant 0 : i32
    %dma_start3A_655 = arith.constant 0 : i32
    %dma_start3A_656 = tpu.memref_slice %arg4[%dma_start3A_654, %dma_start3A_655] : memref<10000x32xf32, #tpu.memory_space<hbm>> -> memref<10000x32xf32, #tpu.memory_space<hbm>>
    tpu.enqueue_indirect_dma source(%dma_start3A_656 : memref<10000x32xf32, #tpu.memory_space<hbm>>) target(%dma_start3A_650 : memref<512x32xf32, #tpu.memory_space<vmem>>) offsets(%dma_start3A_653 : memref<512xi32, #tpu.memory_space<vmem>>) semaphore(%arg13 : memref<!tpu.dma_semaphore, #tpu.memory_space<semaphore_mem>>)
    %dma_wait3A_657 = arith.constant 16 : i32
    %dma_wait3A_658 = arith.constant 512 : i32
    %dma_wait3A_659 = arith.constant 0 : i32
    %dma_wait3A_660 = tpu.memref_slice %arg9[%dma_wait3A_658, %dma_wait3A_659] : memref<2560x32xf32, #tpu.memory_space<vmem>> -> memref<512x32xf32, #tpu.memory_space<vmem>>
    %dma_wait3A_661 = arith.constant 0 : i32
    %dma_wait3A_662 = tpu.memref_slice %arg7[%dma_wait3A_657, %dma_wait3A_661] : memref<20x512xi32, #tpu.memory_space<vmem>> -> memref<1x512xi32, #tpu.memory_space<vmem>>
    %dma_wait3A_663 = tpu.memref_squeeze %dma_wait3A_662 : memref<1x512xi32, #tpu.memory_space<vmem>> -> memref<512xi32, #tpu.memory_space<vmem>>
    %dma_wait3A_664 = arith.constant 0 : i32
    %dma_wait3A_665 = arith.constant 0 : i32
    %dma_wait3A_666 = tpu.memref_slice %arg4[%dma_wait3A_664, %dma_wait3A_665] : memref<10000x32xf32, #tpu.memory_space<hbm>> -> memref<10000x32xf32, #tpu.memory_space<hbm>>
    tpu.wait_indirect_dma semaphore(%arg11 : memref<!tpu.dma_semaphore, #tpu.memory_space<semaphore_mem>>) src(%dma_wait3A_666 : memref<10000x32xf32, #tpu.memory_space<hbm>>) dst(%dma_wait3A_660 : memref<512x32xf32, #tpu.memory_space<vmem>>)
    %dma_start3A_667 = arith.constant 16 : i32
    %dma_start3A_668 = arith.constant 512 : i32
    %dma_start3A_669 = arith.constant 0 : i32
    %dma_start3A_670 = tpu.memref_slice %arg9[%dma_start3A_668, %dma_start3A_669] : memref<2560x32xf32, #tpu.memory_space<vmem>> -> memref<512x32xf32, #tpu.memory_space<vmem>>
    %dma_start3A_671 = arith.constant 0 : i32
    %dma_start3A_672 = tpu.memref_slice %arg8[%dma_start3A_667, %dma_start3A_671] : memref<20x512xi32, #tpu.memory_space<vmem>> -> memref<1x512xi32, #tpu.memory_space<vmem>>
    %dma_start3A_673 = tpu.memref_squeeze %dma_start3A_672 : memref<1x512xi32, #tpu.memory_space<vmem>> -> memref<512xi32, #tpu.memory_space<vmem>>
    %dma_start3A_674 = arith.constant 0 : i32
    %dma_start3A_675 = arith.constant 0 : i32
    %dma_start3A_676 = tpu.memref_slice %arg10[%dma_start3A_674, %dma_start3A_675] : memref<10000x32xf32, #tpu.memory_space<vmem_shared>> -> memref<10000x32xf32, #tpu.memory_space<vmem_shared>>
    tpu.enqueue_indirect_dma source(%dma_start3A_670 : memref<512x32xf32, #tpu.memory_space<vmem>>) target(%dma_start3A_676 : memref<10000x32xf32, #tpu.memory_space<vmem_shared>>) offsets(%dma_start3A_673 : memref<512xi32, #tpu.memory_space<vmem>>) semaphore(%arg15 : memref<!tpu.dma_semaphore, #tpu.memory_space<semaphore_mem>>) {add = true}
    %dma_wait3A_677 = arith.constant 14 : i32
    %dma_wait3A_678 = arith.constant 2048 : i32
    %dma_wait3A_679 = arith.constant 0 : i32
    %dma_wait3A_680 = tpu.memref_slice %arg9[%dma_wait3A_678, %dma_wait3A_679] : memref<2560x32xf32, #tpu.memory_space<vmem>> -> memref<512x32xf32, #tpu.memory_space<vmem>>
    %dma_wait3A_681 = arith.constant 0 : i32
    %dma_wait3A_682 = tpu.memref_slice %arg8[%dma_wait3A_677, %dma_wait3A_681] : memref<20x512xi32, #tpu.memory_space<vmem>> -> memref<1x512xi32, #tpu.memory_space<vmem>>
    %dma_wait3A_683 = tpu.memref_squeeze %dma_wait3A_682 : memref<1x512xi32, #tpu.memory_space<vmem>> -> memref<512xi32, #tpu.memory_space<vmem>>
    %dma_wait3A_684 = arith.constant 0 : i32
    %dma_wait3A_685 = arith.constant 0 : i32
    %dma_wait3A_686 = tpu.memref_slice %arg10[%dma_wait3A_684, %dma_wait3A_685] : memref<10000x32xf32, #tpu.memory_space<vmem_shared>> -> memref<10000x32xf32, #tpu.memory_space<vmem_shared>>
    tpu.wait_indirect_dma semaphore(%arg17 : memref<!tpu.dma_semaphore, #tpu.memory_space<semaphore_mem>>) src(%dma_wait3A_680 : memref<512x32xf32, #tpu.memory_space<vmem>>) dst(%dma_wait3A_686 : memref<10000x32xf32, #tpu.memory_space<vmem_shared>>)
    %dma_wait3A_687 = arith.constant 17 : i32
    %dma_wait3A_688 = arith.constant 1024 : i32
    %dma_wait3A_689 = arith.constant 0 : i32
    %dma_wait3A_690 = tpu.memref_slice %arg9[%dma_wait3A_688, %dma_wait3A_689] : memref<2560x32xf32, #tpu.memory_space<vmem>> -> memref<512x32xf32, #tpu.memory_space<vmem>>
    %dma_wait3A_691 = arith.constant 0 : i32
    %dma_wait3A_692 = tpu.memref_slice %arg7[%dma_wait3A_687, %dma_wait3A_691] : memref<20x512xi32, #tpu.memory_space<vmem>> -> memref<1x512xi32, #tpu.memory_space<vmem>>
    %dma_wait3A_693 = tpu.memref_squeeze %dma_wait3A_692 : memref<1x512xi32, #tpu.memory_space<vmem>> -> memref<512xi32, #tpu.memory_space<vmem>>
    %dma_wait3A_694 = arith.constant 0 : i32
    %dma_wait3A_695 = arith.constant 0 : i32
    %dma_wait3A_696 = tpu.memref_slice %arg4[%dma_wait3A_694, %dma_wait3A_695] : memref<10000x32xf32, #tpu.memory_space<hbm>> -> memref<10000x32xf32, #tpu.memory_space<hbm>>
    tpu.wait_indirect_dma semaphore(%arg12 : memref<!tpu.dma_semaphore, #tpu.memory_space<semaphore_mem>>) src(%dma_wait3A_696 : memref<10000x32xf32, #tpu.memory_space<hbm>>) dst(%dma_wait3A_690 : memref<512x32xf32, #tpu.memory_space<vmem>>)
    %dma_start3A_697 = arith.constant 17 : i32
    %dma_start3A_698 = arith.constant 1024 : i32
    %dma_start3A_699 = arith.constant 0 : i32
    %dma_start3A_700 = tpu.memref_slice %arg9[%dma_start3A_698, %dma_start3A_699] : memref<2560x32xf32, #tpu.memory_space<vmem>> -> memref<512x32xf32, #tpu.memory_space<vmem>>
    %dma_start3A_701 = arith.constant 0 : i32
    %dma_start3A_702 = tpu.memref_slice %arg8[%dma_start3A_697, %dma_start3A_701] : memref<20x512xi32, #tpu.memory_space<vmem>> -> memref<1x512xi32, #tpu.memory_space<vmem>>
    %dma_start3A_703 = tpu.memref_squeeze %dma_start3A_702 : memref<1x512xi32, #tpu.memory_space<vmem>> -> memref<512xi32, #tpu.memory_space<vmem>>
    %dma_start3A_704 = arith.constant 0 : i32
    %dma_start3A_705 = arith.constant 0 : i32
    %dma_start3A_706 = tpu.memref_slice %arg10[%dma_start3A_704, %dma_start3A_705] : memref<10000x32xf32, #tpu.memory_space<vmem_shared>> -> memref<10000x32xf32, #tpu.memory_space<vmem_shared>>
    tpu.enqueue_indirect_dma source(%dma_start3A_700 : memref<512x32xf32, #tpu.memory_space<vmem>>) target(%dma_start3A_706 : memref<10000x32xf32, #tpu.memory_space<vmem_shared>>) offsets(%dma_start3A_703 : memref<512xi32, #tpu.memory_space<vmem>>) semaphore(%arg16 : memref<!tpu.dma_semaphore, #tpu.memory_space<semaphore_mem>>) {add = true}
    %dma_wait3A_707 = arith.constant 15 : i32
    %dma_wait3A_708 = arith.constant 0 : i32
    %dma_wait3A_709 = arith.constant 0 : i32
    %dma_wait3A_710 = tpu.memref_slice %arg9[%dma_wait3A_708, %dma_wait3A_709] : memref<2560x32xf32, #tpu.memory_space<vmem>> -> memref<512x32xf32, #tpu.memory_space<vmem>>
    %dma_wait3A_711 = arith.constant 0 : i32
    %dma_wait3A_712 = tpu.memref_slice %arg8[%dma_wait3A_707, %dma_wait3A_711] : memref<20x512xi32, #tpu.memory_space<vmem>> -> memref<1x512xi32, #tpu.memory_space<vmem>>
    %dma_wait3A_713 = tpu.memref_squeeze %dma_wait3A_712 : memref<1x512xi32, #tpu.memory_space<vmem>> -> memref<512xi32, #tpu.memory_space<vmem>>
    %dma_wait3A_714 = arith.constant 0 : i32
    %dma_wait3A_715 = arith.constant 0 : i32
    %dma_wait3A_716 = tpu.memref_slice %arg10[%dma_wait3A_714, %dma_wait3A_715] : memref<10000x32xf32, #tpu.memory_space<vmem_shared>> -> memref<10000x32xf32, #tpu.memory_space<vmem_shared>>
    tpu.wait_indirect_dma semaphore(%arg18 : memref<!tpu.dma_semaphore, #tpu.memory_space<semaphore_mem>>) src(%dma_wait3A_710 : memref<512x32xf32, #tpu.memory_space<vmem>>) dst(%dma_wait3A_716 : memref<10000x32xf32, #tpu.memory_space<vmem_shared>>)
    %dma_wait3A_717 = arith.constant 18 : i32
    %dma_wait3A_718 = arith.constant 1536 : i32
    %dma_wait3A_719 = arith.constant 0 : i32
    %dma_wait3A_720 = tpu.memref_slice %arg9[%dma_wait3A_718, %dma_wait3A_719] : memref<2560x32xf32, #tpu.memory_space<vmem>> -> memref<512x32xf32, #tpu.memory_space<vmem>>
    %dma_wait3A_721 = arith.constant 0 : i32
    %dma_wait3A_722 = tpu.memref_slice %arg7[%dma_wait3A_717, %dma_wait3A_721] : memref<20x512xi32, #tpu.memory_space<vmem>> -> memref<1x512xi32, #tpu.memory_space<vmem>>
    %dma_wait3A_723 = tpu.memref_squeeze %dma_wait3A_722 : memref<1x512xi32, #tpu.memory_space<vmem>> -> memref<512xi32, #tpu.memory_space<vmem>>
    %dma_wait3A_724 = arith.constant 0 : i32
    %dma_wait3A_725 = arith.constant 0 : i32
    %dma_wait3A_726 = tpu.memref_slice %arg4[%dma_wait3A_724, %dma_wait3A_725] : memref<10000x32xf32, #tpu.memory_space<hbm>> -> memref<10000x32xf32, #tpu.memory_space<hbm>>
    tpu.wait_indirect_dma semaphore(%arg13 : memref<!tpu.dma_semaphore, #tpu.memory_space<semaphore_mem>>) src(%dma_wait3A_726 : memref<10000x32xf32, #tpu.memory_space<hbm>>) dst(%dma_wait3A_720 : memref<512x32xf32, #tpu.memory_space<vmem>>)
    %dma_start3A_727 = arith.constant 18 : i32
    %dma_start3A_728 = arith.constant 1536 : i32
    %dma_start3A_729 = arith.constant 0 : i32
    %dma_start3A_730 = tpu.memref_slice %arg9[%dma_start3A_728, %dma_start3A_729] : memref<2560x32xf32, #tpu.memory_space<vmem>> -> memref<512x32xf32, #tpu.memory_space<vmem>>
    %dma_start3A_731 = arith.constant 0 : i32
    %dma_start3A_732 = tpu.memref_slice %arg8[%dma_start3A_727, %dma_start3A_731] : memref<20x512xi32, #tpu.memory_space<vmem>> -> memref<1x512xi32, #tpu.memory_space<vmem>>
    %dma_start3A_733 = tpu.memref_squeeze %dma_start3A_732 : memref<1x512xi32, #tpu.memory_space<vmem>> -> memref<512xi32, #tpu.memory_space<vmem>>
    %dma_start3A_734 = arith.constant 0 : i32
    %dma_start3A_735 = arith.constant 0 : i32
    %dma_start3A_736 = tpu.memref_slice %arg10[%dma_start3A_734, %dma_start3A_735] : memref<10000x32xf32, #tpu.memory_space<vmem_shared>> -> memref<10000x32xf32, #tpu.memory_space<vmem_shared>>
    tpu.enqueue_indirect_dma source(%dma_start3A_730 : memref<512x32xf32, #tpu.memory_space<vmem>>) target(%dma_start3A_736 : memref<10000x32xf32, #tpu.memory_space<vmem_shared>>) offsets(%dma_start3A_733 : memref<512xi32, #tpu.memory_space<vmem>>) semaphore(%arg17 : memref<!tpu.dma_semaphore, #tpu.memory_space<semaphore_mem>>) {add = true}
    %dma_wait3A_737 = arith.constant 16 : i32
    %dma_wait3A_738 = arith.constant 512 : i32
    %dma_wait3A_739 = arith.constant 0 : i32
    %dma_wait3A_740 = tpu.memref_slice %arg9[%dma_wait3A_738, %dma_wait3A_739] : memref<2560x32xf32, #tpu.memory_space<vmem>> -> memref<512x32xf32, #tpu.memory_space<vmem>>
    %dma_wait3A_741 = arith.constant 0 : i32
    %dma_wait3A_742 = tpu.memref_slice %arg8[%dma_wait3A_737, %dma_wait3A_741] : memref<20x512xi32, #tpu.memory_space<vmem>> -> memref<1x512xi32, #tpu.memory_space<vmem>>
    %dma_wait3A_743 = tpu.memref_squeeze %dma_wait3A_742 : memref<1x512xi32, #tpu.memory_space<vmem>> -> memref<512xi32, #tpu.memory_space<vmem>>
    %dma_wait3A_744 = arith.constant 0 : i32
    %dma_wait3A_745 = arith.constant 0 : i32
    %dma_wait3A_746 = tpu.memref_slice %arg10[%dma_wait3A_744, %dma_wait3A_745] : memref<10000x32xf32, #tpu.memory_space<vmem_shared>> -> memref<10000x32xf32, #tpu.memory_space<vmem_shared>>
    tpu.wait_indirect_dma semaphore(%arg15 : memref<!tpu.dma_semaphore, #tpu.memory_space<semaphore_mem>>) src(%dma_wait3A_740 : memref<512x32xf32, #tpu.memory_space<vmem>>) dst(%dma_wait3A_746 : memref<10000x32xf32, #tpu.memory_space<vmem_shared>>)
    %dma_wait3A_747 = arith.constant 17 : i32
    %dma_wait3A_748 = arith.constant 1024 : i32
    %dma_wait3A_749 = arith.constant 0 : i32
    %dma_wait3A_750 = tpu.memref_slice %arg9[%dma_wait3A_748, %dma_wait3A_749] : memref<2560x32xf32, #tpu.memory_space<vmem>> -> memref<512x32xf32, #tpu.memory_space<vmem>>
    %dma_wait3A_751 = arith.constant 0 : i32
    %dma_wait3A_752 = tpu.memref_slice %arg8[%dma_wait3A_747, %dma_wait3A_751] : memref<20x512xi32, #tpu.memory_space<vmem>> -> memref<1x512xi32, #tpu.memory_space<vmem>>
    %dma_wait3A_753 = tpu.memref_squeeze %dma_wait3A_752 : memref<1x512xi32, #tpu.memory_space<vmem>> -> memref<512xi32, #tpu.memory_space<vmem>>
    %dma_wait3A_754 = arith.constant 0 : i32
    %dma_wait3A_755 = arith.constant 0 : i32
    %dma_wait3A_756 = tpu.memref_slice %arg10[%dma_wait3A_754, %dma_wait3A_755] : memref<10000x32xf32, #tpu.memory_space<vmem_shared>> -> memref<10000x32xf32, #tpu.memory_space<vmem_shared>>
    tpu.wait_indirect_dma semaphore(%arg16 : memref<!tpu.dma_semaphore, #tpu.memory_space<semaphore_mem>>) src(%dma_wait3A_750 : memref<512x32xf32, #tpu.memory_space<vmem>>) dst(%dma_wait3A_756 : memref<10000x32xf32, #tpu.memory_space<vmem_shared>>)
    %dma_wait3A_757 = arith.constant 18 : i32
    %dma_wait3A_758 = arith.constant 1536 : i32
    %dma_wait3A_759 = arith.constant 0 : i32
    %dma_wait3A_760 = tpu.memref_slice %arg9[%dma_wait3A_758, %dma_wait3A_759] : memref<2560x32xf32, #tpu.memory_space<vmem>> -> memref<512x32xf32, #tpu.memory_space<vmem>>
    %dma_wait3A_761 = arith.constant 0 : i32
    %dma_wait3A_762 = tpu.memref_slice %arg8[%dma_wait3A_757, %dma_wait3A_761] : memref<20x512xi32, #tpu.memory_space<vmem>> -> memref<1x512xi32, #tpu.memory_space<vmem>>
    %dma_wait3A_763 = tpu.memref_squeeze %dma_wait3A_762 : memref<1x512xi32, #tpu.memory_space<vmem>> -> memref<512xi32, #tpu.memory_space<vmem>>
    %dma_wait3A_764 = arith.constant 0 : i32
    %dma_wait3A_765 = arith.constant 0 : i32
    %dma_wait3A_766 = tpu.memref_slice %arg10[%dma_wait3A_764, %dma_wait3A_765] : memref<10000x32xf32, #tpu.memory_space<vmem_shared>> -> memref<10000x32xf32, #tpu.memory_space<vmem_shared>>
    tpu.wait_indirect_dma semaphore(%arg17 : memref<!tpu.dma_semaphore, #tpu.memory_space<semaphore_mem>>) src(%dma_wait3A_760 : memref<512x32xf32, #tpu.memory_space<vmem>>) dst(%dma_wait3A_766 : memref<10000x32xf32, #tpu.memory_space<vmem_shared>>)
    %convert_element_type3A_767 = arith.extui %lt3A_1 : i1 to i32
    %cond3A_768 = arith.constant 0 : i32
    %cond3A_769 = arith.cmpi ne, %convert_element_type3A_767, %cond3A_768 : i32
    scf.if %cond3A_769 {
      %dma_start3A_775 = arith.constant 19 : i32
      %dma_start3A_776 = arith.constant 2048 : i32
      %dma_start3A_777 = arith.constant 0 : i32
      %dma_start3A_778 = tpu.memref_slice %arg9[%dma_start3A_776, %dma_start3A_777] : memref<2560x32xf32, #tpu.memory_space<vmem>> -> memref<512x32xf32, #tpu.memory_space<vmem>>
      %dma_start3A_779 = arith.constant 0 : i32
      %dma_start3A_780 = tpu.memref_slice %arg7[%dma_start3A_775, %dma_start3A_779] : memref<20x512xi32, #tpu.memory_space<vmem>> -> memref<1x512xi32, #tpu.memory_space<vmem>>
      %dma_start3A_781 = tpu.memref_squeeze %dma_start3A_780 : memref<1x512xi32, #tpu.memory_space<vmem>> -> memref<512xi32, #tpu.memory_space<vmem>>
      %dma_start3A_782 = arith.constant 0 : i32
      %dma_start3A_783 = arith.constant 0 : i32
      %dma_start3A_784 = tpu.memref_slice %arg4[%dma_start3A_782, %dma_start3A_783] : memref<10000x32xf32, #tpu.memory_space<hbm>> -> memref<10000x32xf32, #tpu.memory_space<hbm>>
      tpu.enqueue_indirect_dma source(%dma_start3A_784 : memref<10000x32xf32, #tpu.memory_space<hbm>>) target(%dma_start3A_778 : memref<512x32xf32, #tpu.memory_space<vmem>>) offsets(%dma_start3A_781 : memref<512xi32, #tpu.memory_space<vmem>>) semaphore(%arg14 : memref<!tpu.dma_semaphore, #tpu.memory_space<semaphore_mem>>)
      %dma_wait3A_785 = arith.constant 19 : i32
      %dma_wait3A_786 = arith.constant 2048 : i32
      %dma_wait3A_787 = arith.constant 0 : i32
      %dma_wait3A_788 = tpu.memref_slice %arg9[%dma_wait3A_786, %dma_wait3A_787] : memref<2560x32xf32, #tpu.memory_space<vmem>> -> memref<512x32xf32, #tpu.memory_space<vmem>>
      %dma_wait3A_789 = arith.constant 0 : i32
      %dma_wait3A_790 = tpu.memref_slice %arg7[%dma_wait3A_785, %dma_wait3A_789] : memref<20x512xi32, #tpu.memory_space<vmem>> -> memref<1x512xi32, #tpu.memory_space<vmem>>
      %dma_wait3A_791 = tpu.memref_squeeze %dma_wait3A_790 : memref<1x512xi32, #tpu.memory_space<vmem>> -> memref<512xi32, #tpu.memory_space<vmem>>
      %dma_wait3A_792 = arith.constant 0 : i32
      %dma_wait3A_793 = arith.constant 0 : i32
      %dma_wait3A_794 = tpu.memref_slice %arg4[%dma_wait3A_792, %dma_wait3A_793] : memref<10000x32xf32, #tpu.memory_space<hbm>> -> memref<10000x32xf32, #tpu.memory_space<hbm>>
      tpu.wait_indirect_dma semaphore(%arg14 : memref<!tpu.dma_semaphore, #tpu.memory_space<semaphore_mem>>) src(%dma_wait3A_794 : memref<10000x32xf32, #tpu.memory_space<hbm>>) dst(%dma_wait3A_788 : memref<512x32xf32, #tpu.memory_space<vmem>>)
      %dma_start3A_795 = arith.constant 19 : i32
      %dma_start3A_796 = arith.constant 2048 : i32
      %dma_start3A_797 = arith.constant 0 : i32
      %dma_start3A_798 = tpu.memref_slice %arg9[%dma_start3A_796, %dma_start3A_797] : memref<2560x32xf32, #tpu.memory_space<vmem>> -> memref<512x32xf32, #tpu.memory_space<vmem>>
      %dma_start3A_799 = arith.constant 0 : i32
      %dma_start3A_800 = tpu.memref_slice %arg8[%dma_start3A_795, %dma_start3A_799] : memref<20x512xi32, #tpu.memory_space<vmem>> -> memref<1x512xi32, #tpu.memory_space<vmem>>
      %dma_start3A_801 = tpu.memref_squeeze %dma_start3A_800 : memref<1x512xi32, #tpu.memory_space<vmem>> -> memref<512xi32, #tpu.memory_space<vmem>>
      %dma_start3A_802 = arith.constant 0 : i32
      %dma_start3A_803 = arith.constant 0 : i32
      %dma_start3A_804 = tpu.memref_slice %arg10[%dma_start3A_802, %dma_start3A_803] : memref<10000x32xf32, #tpu.memory_space<vmem_shared>> -> memref<10000x32xf32, #tpu.memory_space<vmem_shared>>
      tpu.enqueue_indirect_dma source(%dma_start3A_798 : memref<512x32xf32, #tpu.memory_space<vmem>>) target(%dma_start3A_804 : memref<10000x32xf32, #tpu.memory_space<vmem_shared>>) offsets(%dma_start3A_801 : memref<512xi32, #tpu.memory_space<vmem>>) semaphore(%arg18 : memref<!tpu.dma_semaphore, #tpu.memory_space<semaphore_mem>>) {add = true}
      %dma_wait3A_805 = arith.constant 19 : i32
      %dma_wait3A_806 = arith.constant 2048 : i32
      %dma_wait3A_807 = arith.constant 0 : i32
      %dma_wait3A_808 = tpu.memref_slice %arg9[%dma_wait3A_806, %dma_wait3A_807] : memref<2560x32xf32, #tpu.memory_space<vmem>> -> memref<512x32xf32, #tpu.memory_space<vmem>>
      %dma_wait3A_809 = arith.constant 0 : i32
      %dma_wait3A_810 = tpu.memref_slice %arg8[%dma_wait3A_805, %dma_wait3A_809] : memref<20x512xi32, #tpu.memory_space<vmem>> -> memref<1x512xi32, #tpu.memory_space<vmem>>
      %dma_wait3A_811 = tpu.memref_squeeze %dma_wait3A_810 : memref<1x512xi32, #tpu.memory_space<vmem>> -> memref<512xi32, #tpu.memory_space<vmem>>
      %dma_wait3A_812 = arith.constant 0 : i32
      %dma_wait3A_813 = arith.constant 0 : i32
      %dma_wait3A_814 = tpu.memref_slice %arg10[%dma_wait3A_812, %dma_wait3A_813] : memref<10000x32xf32, #tpu.memory_space<vmem_shared>> -> memref<10000x32xf32, #tpu.memory_space<vmem_shared>>
      tpu.wait_indirect_dma semaphore(%arg18 : memref<!tpu.dma_semaphore, #tpu.memory_space<semaphore_mem>>) src(%dma_wait3A_808 : memref<512x32xf32, #tpu.memory_space<vmem>>) dst(%dma_wait3A_814 : memref<10000x32xf32, #tpu.memory_space<vmem_shared>>)
    } else {
    }
    %barrier3A_770 = arith.constant 0 : index
    tpu.barrier barrier_id(%barrier3A_770)
    %mul3A_771 = arith.constant 625 : i32
    %mul3A_772 = arith.muli %arg1, %mul3A_771 : i32
    %mul3A_773 = arith.constant 625 : i32
    %mul3A_774 = arith.muli %arg1, %mul3A_773 : i32
    "tpu.region"() ({
      %run_scoped3A = tpu.sem_alloc : memref<!tpu.dma_semaphore, #tpu.memory_space<semaphore_mem>>
      %dma_start3A_775 = arith.constant 0 : i32
      %dma_start3A_776 = tpu.memref_slice %arg6[%arg0, %mul3A_774, %dma_start3A_775] : memref<2x10000x32xf32, #tpu.memory_space<hbm>> -> memref<1x625x32xf32, #tpu.memory_space<hbm>>
      %dma_start3A_777 = tpu.memref_squeeze %dma_start3A_776 : memref<1x625x32xf32, #tpu.memory_space<hbm>> -> memref<625x32xf32, #tpu.memory_space<hbm>>
      %dma_start3A_778 = arith.constant 0 : i32
      %dma_start3A_779 = tpu.memref_slice %arg10[%mul3A_772, %dma_start3A_778] : memref<10000x32xf32, #tpu.memory_space<vmem_shared>> -> memref<625x32xf32, #tpu.memory_space<vmem_shared>>
      tpu.enqueue_dma source(%dma_start3A_779 : memref<625x32xf32, #tpu.memory_space<vmem_shared>>) target(%dma_start3A_777 : memref<625x32xf32, #tpu.memory_space<hbm>>) target_semaphore(%run_scoped3A : memref<!tpu.dma_semaphore, #tpu.memory_space<semaphore_mem>>)
      %dma_wait3A_780 = arith.constant 0 : i32
      %dma_wait3A_781 = tpu.memref_slice %arg6[%arg0, %mul3A_774, %dma_wait3A_780] : memref<2x10000x32xf32, #tpu.memory_space<hbm>> -> memref<1x625x32xf32, #tpu.memory_space<hbm>>
      %dma_wait3A_782 = tpu.memref_squeeze %dma_wait3A_781 : memref<1x625x32xf32, #tpu.memory_space<hbm>> -> memref<625x32xf32, #tpu.memory_space<hbm>>
      %dma_wait3A_783 = arith.constant 0 : i32
      %dma_wait3A_784 = tpu.memref_slice %arg10[%mul3A_772, %dma_wait3A_783] : memref<10000x32xf32, #tpu.memory_space<vmem_shared>> -> memref<625x32xf32, #tpu.memory_space<vmem_shared>>
      tpu.wait_dma2 semaphore(%run_scoped3A : memref<!tpu.dma_semaphore, #tpu.memory_space<semaphore_mem>>) src(%dma_wait3A_784 : memref<625x32xf32, #tpu.memory_space<vmem_shared>>) dst(%dma_wait3A_782 : memref<625x32xf32, #tpu.memory_space<hbm>>)
      tpu.yield
    }) : () -> ()
    return
  }
}

#map = affine_map<(d0, d1) -> (0, 0)>
#map1 = affine_map<(d0, d1) -> (0, 0, 0)>
module attributes {stable_mosaic.version = 14 : i64} {
  func.func @agg(%arg0: i32, %arg1: i32, %arg2: memref<625x512xi32, #tpu.memory_space<hbm>>, %arg3: memref<625x512xi32, #tpu.memory_space<hbm>>, %arg4: memref<10000x16xf32, #tpu.memory_space<hbm>>, %arg5: memref<625x16xf32, #tpu.memory_space<hbm>>, %arg6: memref<2x10000x16xf32, #tpu.memory_space<hbm>>, %arg7: memref<20x512xi32, #tpu.memory_space<vmem>>, %arg8: memref<20x512xi32, #tpu.memory_space<vmem>>, %arg9: memref<2560x16xf32, #tpu.memory_space<vmem>>, %arg10: memref<10000x16xf32, #tpu.memory_space<vmem_shared>>, %arg11: memref<!tpu.dma_semaphore, #tpu.memory_space<semaphore_mem>>, %arg12: memref<!tpu.dma_semaphore, #tpu.memory_space<semaphore_mem>>, %arg13: memref<!tpu.dma_semaphore, #tpu.memory_space<semaphore_mem>>, %arg14: memref<!tpu.dma_semaphore, #tpu.memory_space<semaphore_mem>>, %arg15: memref<!tpu.dma_semaphore, #tpu.memory_space<semaphore_mem>>, %arg16: memref<!tpu.dma_semaphore, #tpu.memory_space<semaphore_mem>>, %arg17: memref<!tpu.dma_semaphore, #tpu.memory_space<semaphore_mem>>, %arg18: memref<!tpu.dma_semaphore, #tpu.memory_space<semaphore_mem>>) attributes {dimension_semantics = [#tpu.dimension_semantics<core_parallel>, #tpu.dimension_semantics<subcore_parallel>], iteration_bounds = array<i64: 2, 16>, scalar_prefetch = 0 : i64, scratch_operands = 12 : i64, tpu.core_type = #tpu.core_type<sc_vector_subcore>, window_params = [{transform_indices = #map}, {transform_indices = #map}, {transform_indices = #map}, {transform_indices = #map}, {transform_indices = #map1}]} {
    %mul3A = arith.constant 2 : i32
    %mul3A_0 = arith.muli %arg1, %mul3A : i32
    %add3A = arith.addi %mul3A_0, %arg0 : i32
    %lt3A = arith.constant 17 : i32
    %lt3A_1 = arith.cmpi slt, %add3A, %lt3A : i32
    %mul3A_2 = arith.constant 19 : i32
    %mul3A_3 = arith.muli %add3A, %mul3A_2 : i32
    %min3A = arith.constant 17 : i32
    %min3A_4 = arith.minsi %add3A, %min3A : i32
    %add3A_5 = arith.addi %mul3A_3, %min3A_4 : i32
    %mul3A_6 = arith.constant 625 : i32
    %mul3A_7 = arith.muli %arg1, %mul3A_6 : i32
    "tpu.region"() ({
      %run_scoped3A = tpu.sem_alloc : memref<!tpu.dma_semaphore, #tpu.memory_space<semaphore_mem>>
      %dma_start3A_775 = arith.constant 0 : i32
      %dma_start3A_776 = tpu.memref_slice %arg10[%mul3A_7, %dma_start3A_775] : memref<10000x16xf32, #tpu.memory_space<vmem_shared>> -> memref<625x16xf32, #tpu.memory_space<vmem_shared>>
      tpu.enqueue_dma source(%arg5 : memref<625x16xf32, #tpu.memory_space<hbm>>) target(%dma_start3A_776 : memref<625x16xf32, #tpu.memory_space<vmem_shared>>) target_semaphore(%run_scoped3A : memref<!tpu.dma_semaphore, #tpu.memory_space<semaphore_mem>>)
      %dma_wait3A_777 = arith.constant 0 : i32
      %dma_wait3A_778 = tpu.memref_slice %arg10[%mul3A_7, %dma_wait3A_777] : memref<10000x16xf32, #tpu.memory_space<vmem_shared>> -> memref<625x16xf32, #tpu.memory_space<vmem_shared>>
      tpu.wait_dma2 semaphore(%run_scoped3A : memref<!tpu.dma_semaphore, #tpu.memory_space<semaphore_mem>>) src(%arg5 : memref<625x16xf32, #tpu.memory_space<hbm>>) dst(%dma_wait3A_778 : memref<625x16xf32, #tpu.memory_space<vmem_shared>>)
      tpu.yield
    }) : () -> ()
    "tpu.region"() ({
      %run_scoped3A = tpu.sem_alloc : memref<!tpu.dma_semaphore, #tpu.memory_space<semaphore_mem>>
      %dma_start3A_775 = arith.constant 0 : i32
      %dma_start3A_776 = arith.constant 0 : i32
      %dma_start3A_777 = tpu.memref_slice %arg7[%dma_start3A_775, %dma_start3A_776] : memref<20x512xi32, #tpu.memory_space<vmem>> -> memref<19x512xi32, #tpu.memory_space<vmem>>
      %dma_start3A_778 = arith.constant 0 : i32
      %dma_start3A_779 = tpu.memref_slice %arg2[%add3A_5, %dma_start3A_778] : memref<625x512xi32, #tpu.memory_space<hbm>> -> memref<19x512xi32, #tpu.memory_space<hbm>>
      %dma_start3A_780 = arith.constant 0 : i32
      %dma_start3A_781 = arith.constant 0 : i32
      %dma_start3A_782 = tpu.memref_slice %arg7[%dma_start3A_780, %dma_start3A_781] : memref<20x512xi32, #tpu.memory_space<vmem>> -> memref<19x512xi32, #tpu.memory_space<vmem>>
      %dma_start3A_783 = arith.constant 0 : i32
      %dma_start3A_784 = tpu.memref_slice %arg2[%add3A_5, %dma_start3A_783] : memref<625x512xi32, #tpu.memory_space<hbm>> -> memref<19x512xi32, #tpu.memory_space<hbm>>
      tpu.enqueue_dma source(%dma_start3A_784 : memref<19x512xi32, #tpu.memory_space<hbm>>) target(%dma_start3A_782 : memref<19x512xi32, #tpu.memory_space<vmem>>) target_semaphore(%run_scoped3A : memref<!tpu.dma_semaphore, #tpu.memory_space<semaphore_mem>>)
      %dma_wait3A_785 = arith.constant 0 : i32
      %dma_wait3A_786 = arith.constant 0 : i32
      %dma_wait3A_787 = tpu.memref_slice %arg7[%dma_wait3A_785, %dma_wait3A_786] : memref<20x512xi32, #tpu.memory_space<vmem>> -> memref<19x512xi32, #tpu.memory_space<vmem>>
      %dma_wait3A_788 = arith.constant 0 : i32
      %dma_wait3A_789 = tpu.memref_slice %arg2[%add3A_5, %dma_wait3A_788] : memref<625x512xi32, #tpu.memory_space<hbm>> -> memref<19x512xi32, #tpu.memory_space<hbm>>
      %dma_wait3A_790 = arith.constant 0 : i32
      %dma_wait3A_791 = arith.constant 0 : i32
      %dma_wait3A_792 = tpu.memref_slice %arg7[%dma_wait3A_790, %dma_wait3A_791] : memref<20x512xi32, #tpu.memory_space<vmem>> -> memref<19x512xi32, #tpu.memory_space<vmem>>
      %dma_wait3A_793 = arith.constant 0 : i32
      %dma_wait3A_794 = tpu.memref_slice %arg2[%add3A_5, %dma_wait3A_793] : memref<625x512xi32, #tpu.memory_space<hbm>> -> memref<19x512xi32, #tpu.memory_space<hbm>>
      tpu.wait_dma2 semaphore(%run_scoped3A : memref<!tpu.dma_semaphore, #tpu.memory_space<semaphore_mem>>) src(%dma_wait3A_794 : memref<19x512xi32, #tpu.memory_space<hbm>>) dst(%dma_wait3A_792 : memref<19x512xi32, #tpu.memory_space<vmem>>)
      tpu.yield
    }) : () -> ()
    "tpu.region"() ({
      %run_scoped3A = tpu.sem_alloc : memref<!tpu.dma_semaphore, #tpu.memory_space<semaphore_mem>>
      %dma_start3A_775 = arith.constant 0 : i32
      %dma_start3A_776 = arith.constant 0 : i32
      %dma_start3A_777 = tpu.memref_slice %arg8[%dma_start3A_775, %dma_start3A_776] : memref<20x512xi32, #tpu.memory_space<vmem>> -> memref<19x512xi32, #tpu.memory_space<vmem>>
      %dma_start3A_778 = arith.constant 0 : i32
      %dma_start3A_779 = tpu.memref_slice %arg3[%add3A_5, %dma_start3A_778] : memref<625x512xi32, #tpu.memory_space<hbm>> -> memref<19x512xi32, #tpu.memory_space<hbm>>
      %dma_start3A_780 = arith.constant 0 : i32
      %dma_start3A_781 = arith.constant 0 : i32
      %dma_start3A_782 = tpu.memref_slice %arg8[%dma_start3A_780, %dma_start3A_781] : memref<20x512xi32, #tpu.memory_space<vmem>> -> memref<19x512xi32, #tpu.memory_space<vmem>>
      %dma_start3A_783 = arith.constant 0 : i32
      %dma_start3A_784 = tpu.memref_slice %arg3[%add3A_5, %dma_start3A_783] : memref<625x512xi32, #tpu.memory_space<hbm>> -> memref<19x512xi32, #tpu.memory_space<hbm>>
      tpu.enqueue_dma source(%dma_start3A_784 : memref<19x512xi32, #tpu.memory_space<hbm>>) target(%dma_start3A_782 : memref<19x512xi32, #tpu.memory_space<vmem>>) target_semaphore(%run_scoped3A : memref<!tpu.dma_semaphore, #tpu.memory_space<semaphore_mem>>)
      %dma_wait3A_785 = arith.constant 0 : i32
      %dma_wait3A_786 = arith.constant 0 : i32
      %dma_wait3A_787 = tpu.memref_slice %arg8[%dma_wait3A_785, %dma_wait3A_786] : memref<20x512xi32, #tpu.memory_space<vmem>> -> memref<19x512xi32, #tpu.memory_space<vmem>>
      %dma_wait3A_788 = arith.constant 0 : i32
      %dma_wait3A_789 = tpu.memref_slice %arg3[%add3A_5, %dma_wait3A_788] : memref<625x512xi32, #tpu.memory_space<hbm>> -> memref<19x512xi32, #tpu.memory_space<hbm>>
      %dma_wait3A_790 = arith.constant 0 : i32
      %dma_wait3A_791 = arith.constant 0 : i32
      %dma_wait3A_792 = tpu.memref_slice %arg8[%dma_wait3A_790, %dma_wait3A_791] : memref<20x512xi32, #tpu.memory_space<vmem>> -> memref<19x512xi32, #tpu.memory_space<vmem>>
      %dma_wait3A_793 = arith.constant 0 : i32
      %dma_wait3A_794 = tpu.memref_slice %arg3[%add3A_5, %dma_wait3A_793] : memref<625x512xi32, #tpu.memory_space<hbm>> -> memref<19x512xi32, #tpu.memory_space<hbm>>
      tpu.wait_dma2 semaphore(%run_scoped3A : memref<!tpu.dma_semaphore, #tpu.memory_space<semaphore_mem>>) src(%dma_wait3A_794 : memref<19x512xi32, #tpu.memory_space<hbm>>) dst(%dma_wait3A_792 : memref<19x512xi32, #tpu.memory_space<vmem>>)
      tpu.yield
    }) : () -> ()
    %convert_element_type3A = arith.extui %lt3A_1 : i1 to i32
    %cond3A = arith.constant 0 : i32
    %cond3A_8 = arith.cmpi ne, %convert_element_type3A, %cond3A : i32
    scf.if %cond3A_8 {
      %add3A_775 = arith.constant 19 : i32
      %add3A_776 = arith.addi %add3A_5, %add3A_775 : i32
      "tpu.region"() ({
        %run_scoped3A = tpu.sem_alloc : memref<!tpu.dma_semaphore, #tpu.memory_space<semaphore_mem>>
        %dma_start3A_779 = arith.constant 19 : i32
        %dma_start3A_780 = arith.constant 0 : i32
        %dma_start3A_781 = tpu.memref_slice %arg7[%dma_start3A_779, %dma_start3A_780] : memref<20x512xi32, #tpu.memory_space<vmem>> -> memref<1x512xi32, #tpu.memory_space<vmem>>
        %dma_start3A_782 = arith.constant 0 : i32
        %dma_start3A_783 = tpu.memref_slice %arg2[%add3A_776, %dma_start3A_782] : memref<625x512xi32, #tpu.memory_space<hbm>> -> memref<1x512xi32, #tpu.memory_space<hbm>>
        %dma_start3A_784 = arith.constant 19 : i32
        %dma_start3A_785 = arith.constant 0 : i32
        %dma_start3A_786 = tpu.memref_slice %arg7[%dma_start3A_784, %dma_start3A_785] : memref<20x512xi32, #tpu.memory_space<vmem>> -> memref<1x512xi32, #tpu.memory_space<vmem>>
        %dma_start3A_787 = arith.constant 0 : i32
        %dma_start3A_788 = tpu.memref_slice %arg2[%add3A_776, %dma_start3A_787] : memref<625x512xi32, #tpu.memory_space<hbm>> -> memref<1x512xi32, #tpu.memory_space<hbm>>
        tpu.enqueue_dma source(%dma_start3A_788 : memref<1x512xi32, #tpu.memory_space<hbm>>) target(%dma_start3A_786 : memref<1x512xi32, #tpu.memory_space<vmem>>) target_semaphore(%run_scoped3A : memref<!tpu.dma_semaphore, #tpu.memory_space<semaphore_mem>>)
        %dma_wait3A_789 = arith.constant 19 : i32
        %dma_wait3A_790 = arith.constant 0 : i32
        %dma_wait3A_791 = tpu.memref_slice %arg7[%dma_wait3A_789, %dma_wait3A_790] : memref<20x512xi32, #tpu.memory_space<vmem>> -> memref<1x512xi32, #tpu.memory_space<vmem>>
        %dma_wait3A_792 = arith.constant 0 : i32
        %dma_wait3A_793 = tpu.memref_slice %arg2[%add3A_776, %dma_wait3A_792] : memref<625x512xi32, #tpu.memory_space<hbm>> -> memref<1x512xi32, #tpu.memory_space<hbm>>
        %dma_wait3A_794 = arith.constant 19 : i32
        %dma_wait3A_795 = arith.constant 0 : i32
        %dma_wait3A_796 = tpu.memref_slice %arg7[%dma_wait3A_794, %dma_wait3A_795] : memref<20x512xi32, #tpu.memory_space<vmem>> -> memref<1x512xi32, #tpu.memory_space<vmem>>
        %dma_wait3A_797 = arith.constant 0 : i32
        %dma_wait3A_798 = tpu.memref_slice %arg2[%add3A_776, %dma_wait3A_797] : memref<625x512xi32, #tpu.memory_space<hbm>> -> memref<1x512xi32, #tpu.memory_space<hbm>>
        tpu.wait_dma2 semaphore(%run_scoped3A : memref<!tpu.dma_semaphore, #tpu.memory_space<semaphore_mem>>) src(%dma_wait3A_798 : memref<1x512xi32, #tpu.memory_space<hbm>>) dst(%dma_wait3A_796 : memref<1x512xi32, #tpu.memory_space<vmem>>)
        tpu.yield
      }) : () -> ()
      %add3A_777 = arith.constant 19 : i32
      %add3A_778 = arith.addi %add3A_5, %add3A_777 : i32
      "tpu.region"() ({
        %run_scoped3A = tpu.sem_alloc : memref<!tpu.dma_semaphore, #tpu.memory_space<semaphore_mem>>
        %dma_start3A_779 = arith.constant 19 : i32
        %dma_start3A_780 = arith.constant 0 : i32
        %dma_start3A_781 = tpu.memref_slice %arg8[%dma_start3A_779, %dma_start3A_780] : memref<20x512xi32, #tpu.memory_space<vmem>> -> memref<1x512xi32, #tpu.memory_space<vmem>>
        %dma_start3A_782 = arith.constant 0 : i32
        %dma_start3A_783 = tpu.memref_slice %arg3[%add3A_778, %dma_start3A_782] : memref<625x512xi32, #tpu.memory_space<hbm>> -> memref<1x512xi32, #tpu.memory_space<hbm>>
        %dma_start3A_784 = arith.constant 19 : i32
        %dma_start3A_785 = arith.constant 0 : i32
        %dma_start3A_786 = tpu.memref_slice %arg8[%dma_start3A_784, %dma_start3A_785] : memref<20x512xi32, #tpu.memory_space<vmem>> -> memref<1x512xi32, #tpu.memory_space<vmem>>
        %dma_start3A_787 = arith.constant 0 : i32
        %dma_start3A_788 = tpu.memref_slice %arg3[%add3A_778, %dma_start3A_787] : memref<625x512xi32, #tpu.memory_space<hbm>> -> memref<1x512xi32, #tpu.memory_space<hbm>>
        tpu.enqueue_dma source(%dma_start3A_788 : memref<1x512xi32, #tpu.memory_space<hbm>>) target(%dma_start3A_786 : memref<1x512xi32, #tpu.memory_space<vmem>>) target_semaphore(%run_scoped3A : memref<!tpu.dma_semaphore, #tpu.memory_space<semaphore_mem>>)
        %dma_wait3A_789 = arith.constant 19 : i32
        %dma_wait3A_790 = arith.constant 0 : i32
        %dma_wait3A_791 = tpu.memref_slice %arg8[%dma_wait3A_789, %dma_wait3A_790] : memref<20x512xi32, #tpu.memory_space<vmem>> -> memref<1x512xi32, #tpu.memory_space<vmem>>
        %dma_wait3A_792 = arith.constant 0 : i32
        %dma_wait3A_793 = tpu.memref_slice %arg3[%add3A_778, %dma_wait3A_792] : memref<625x512xi32, #tpu.memory_space<hbm>> -> memref<1x512xi32, #tpu.memory_space<hbm>>
        %dma_wait3A_794 = arith.constant 19 : i32
        %dma_wait3A_795 = arith.constant 0 : i32
        %dma_wait3A_796 = tpu.memref_slice %arg8[%dma_wait3A_794, %dma_wait3A_795] : memref<20x512xi32, #tpu.memory_space<vmem>> -> memref<1x512xi32, #tpu.memory_space<vmem>>
        %dma_wait3A_797 = arith.constant 0 : i32
        %dma_wait3A_798 = tpu.memref_slice %arg3[%add3A_778, %dma_wait3A_797] : memref<625x512xi32, #tpu.memory_space<hbm>> -> memref<1x512xi32, #tpu.memory_space<hbm>>
        tpu.wait_dma2 semaphore(%run_scoped3A : memref<!tpu.dma_semaphore, #tpu.memory_space<semaphore_mem>>) src(%dma_wait3A_798 : memref<1x512xi32, #tpu.memory_space<hbm>>) dst(%dma_wait3A_796 : memref<1x512xi32, #tpu.memory_space<vmem>>)
        tpu.yield
      }) : () -> ()
    } else {
    }
    %barrier3A = arith.constant 0 : index
    tpu.barrier barrier_id(%barrier3A)
    %dma_start3A = arith.constant 0 : i32
    %dma_start3A_9 = arith.constant 0 : i32
    %dma_start3A_10 = arith.constant 0 : i32
    %dma_start3A_11 = tpu.memref_slice %arg9[%dma_start3A_9, %dma_start3A_10] : memref<2560x16xf32, #tpu.memory_space<vmem>> -> memref<512x16xf32, #tpu.memory_space<vmem>>
    %dma_start3A_12 = arith.constant 0 : i32
    %dma_start3A_13 = tpu.memref_slice %arg7[%dma_start3A, %dma_start3A_12] : memref<20x512xi32, #tpu.memory_space<vmem>> -> memref<1x512xi32, #tpu.memory_space<vmem>>
    %dma_start3A_14 = tpu.memref_squeeze %dma_start3A_13 : memref<1x512xi32, #tpu.memory_space<vmem>> -> memref<512xi32, #tpu.memory_space<vmem>>
    %dma_start3A_15 = arith.constant 0 : i32
    %dma_start3A_16 = arith.constant 0 : i32
    %dma_start3A_17 = tpu.memref_slice %arg4[%dma_start3A_15, %dma_start3A_16] : memref<10000x16xf32, #tpu.memory_space<hbm>> -> memref<10000x16xf32, #tpu.memory_space<hbm>>
    tpu.enqueue_indirect_dma source(%dma_start3A_17 : memref<10000x16xf32, #tpu.memory_space<hbm>>) target(%dma_start3A_11 : memref<512x16xf32, #tpu.memory_space<vmem>>) offsets(%dma_start3A_14 : memref<512xi32, #tpu.memory_space<vmem>>) semaphore(%arg11 : memref<!tpu.dma_semaphore, #tpu.memory_space<semaphore_mem>>)
    %dma_start3A_18 = arith.constant 1 : i32
    %dma_start3A_19 = arith.constant 512 : i32
    %dma_start3A_20 = arith.constant 0 : i32
    %dma_start3A_21 = tpu.memref_slice %arg9[%dma_start3A_19, %dma_start3A_20] : memref<2560x16xf32, #tpu.memory_space<vmem>> -> memref<512x16xf32, #tpu.memory_space<vmem>>
    %dma_start3A_22 = arith.constant 0 : i32
    %dma_start3A_23 = tpu.memref_slice %arg7[%dma_start3A_18, %dma_start3A_22] : memref<20x512xi32, #tpu.memory_space<vmem>> -> memref<1x512xi32, #tpu.memory_space<vmem>>
    %dma_start3A_24 = tpu.memref_squeeze %dma_start3A_23 : memref<1x512xi32, #tpu.memory_space<vmem>> -> memref<512xi32, #tpu.memory_space<vmem>>
    %dma_start3A_25 = arith.constant 0 : i32
    %dma_start3A_26 = arith.constant 0 : i32
    %dma_start3A_27 = tpu.memref_slice %arg4[%dma_start3A_25, %dma_start3A_26] : memref<10000x16xf32, #tpu.memory_space<hbm>> -> memref<10000x16xf32, #tpu.memory_space<hbm>>
    tpu.enqueue_indirect_dma source(%dma_start3A_27 : memref<10000x16xf32, #tpu.memory_space<hbm>>) target(%dma_start3A_21 : memref<512x16xf32, #tpu.memory_space<vmem>>) offsets(%dma_start3A_24 : memref<512xi32, #tpu.memory_space<vmem>>) semaphore(%arg12 : memref<!tpu.dma_semaphore, #tpu.memory_space<semaphore_mem>>)
    %dma_start3A_28 = arith.constant 2 : i32
    %dma_start3A_29 = arith.constant 1024 : i32
    %dma_start3A_30 = arith.constant 0 : i32
    %dma_start3A_31 = tpu.memref_slice %arg9[%dma_start3A_29, %dma_start3A_30] : memref<2560x16xf32, #tpu.memory_space<vmem>> -> memref<512x16xf32, #tpu.memory_space<vmem>>
    %dma_start3A_32 = arith.constant 0 : i32
    %dma_start3A_33 = tpu.memref_slice %arg7[%dma_start3A_28, %dma_start3A_32] : memref<20x512xi32, #tpu.memory_space<vmem>> -> memref<1x512xi32, #tpu.memory_space<vmem>>
    %dma_start3A_34 = tpu.memref_squeeze %dma_start3A_33 : memref<1x512xi32, #tpu.memory_space<vmem>> -> memref<512xi32, #tpu.memory_space<vmem>>
    %dma_start3A_35 = arith.constant 0 : i32
    %dma_start3A_36 = arith.constant 0 : i32
    %dma_start3A_37 = tpu.memref_slice %arg4[%dma_start3A_35, %dma_start3A_36] : memref<10000x16xf32, #tpu.memory_space<hbm>> -> memref<10000x16xf32, #tpu.memory_space<hbm>>
    tpu.enqueue_indirect_dma source(%dma_start3A_37 : memref<10000x16xf32, #tpu.memory_space<hbm>>) target(%dma_start3A_31 : memref<512x16xf32, #tpu.memory_space<vmem>>) offsets(%dma_start3A_34 : memref<512xi32, #tpu.memory_space<vmem>>) semaphore(%arg13 : memref<!tpu.dma_semaphore, #tpu.memory_space<semaphore_mem>>)
    %dma_wait3A = arith.constant 0 : i32
    %dma_wait3A_38 = arith.constant 0 : i32
    %dma_wait3A_39 = arith.constant 0 : i32
    %dma_wait3A_40 = tpu.memref_slice %arg9[%dma_wait3A_38, %dma_wait3A_39] : memref<2560x16xf32, #tpu.memory_space<vmem>> -> memref<512x16xf32, #tpu.memory_space<vmem>>
    %dma_wait3A_41 = arith.constant 0 : i32
    %dma_wait3A_42 = tpu.memref_slice %arg7[%dma_wait3A, %dma_wait3A_41] : memref<20x512xi32, #tpu.memory_space<vmem>> -> memref<1x512xi32, #tpu.memory_space<vmem>>
    %dma_wait3A_43 = tpu.memref_squeeze %dma_wait3A_42 : memref<1x512xi32, #tpu.memory_space<vmem>> -> memref<512xi32, #tpu.memory_space<vmem>>
    %dma_wait3A_44 = arith.constant 0 : i32
    %dma_wait3A_45 = arith.constant 0 : i32
    %dma_wait3A_46 = tpu.memref_slice %arg4[%dma_wait3A_44, %dma_wait3A_45] : memref<10000x16xf32, #tpu.memory_space<hbm>> -> memref<10000x16xf32, #tpu.memory_space<hbm>>
    tpu.wait_indirect_dma semaphore(%arg11 : memref<!tpu.dma_semaphore, #tpu.memory_space<semaphore_mem>>) src(%dma_wait3A_46 : memref<10000x16xf32, #tpu.memory_space<hbm>>) dst(%dma_wait3A_40 : memref<512x16xf32, #tpu.memory_space<vmem>>)
    %dma_start3A_47 = arith.constant 0 : i32
    %dma_start3A_48 = arith.constant 0 : i32
    %dma_start3A_49 = arith.constant 0 : i32
    %dma_start3A_50 = tpu.memref_slice %arg9[%dma_start3A_48, %dma_start3A_49] : memref<2560x16xf32, #tpu.memory_space<vmem>> -> memref<512x16xf32, #tpu.memory_space<vmem>>
    %dma_start3A_51 = arith.constant 0 : i32
    %dma_start3A_52 = tpu.memref_slice %arg8[%dma_start3A_47, %dma_start3A_51] : memref<20x512xi32, #tpu.memory_space<vmem>> -> memref<1x512xi32, #tpu.memory_space<vmem>>
    %dma_start3A_53 = tpu.memref_squeeze %dma_start3A_52 : memref<1x512xi32, #tpu.memory_space<vmem>> -> memref<512xi32, #tpu.memory_space<vmem>>
    %dma_start3A_54 = arith.constant 0 : i32
    %dma_start3A_55 = arith.constant 0 : i32
    %dma_start3A_56 = tpu.memref_slice %arg10[%dma_start3A_54, %dma_start3A_55] : memref<10000x16xf32, #tpu.memory_space<vmem_shared>> -> memref<10000x16xf32, #tpu.memory_space<vmem_shared>>
    tpu.enqueue_indirect_dma source(%dma_start3A_50 : memref<512x16xf32, #tpu.memory_space<vmem>>) target(%dma_start3A_56 : memref<10000x16xf32, #tpu.memory_space<vmem_shared>>) offsets(%dma_start3A_53 : memref<512xi32, #tpu.memory_space<vmem>>) semaphore(%arg15 : memref<!tpu.dma_semaphore, #tpu.memory_space<semaphore_mem>>) {add = true}
    %dma_start3A_57 = arith.constant 3 : i32
    %dma_start3A_58 = arith.constant 1536 : i32
    %dma_start3A_59 = arith.constant 0 : i32
    %dma_start3A_60 = tpu.memref_slice %arg9[%dma_start3A_58, %dma_start3A_59] : memref<2560x16xf32, #tpu.memory_space<vmem>> -> memref<512x16xf32, #tpu.memory_space<vmem>>
    %dma_start3A_61 = arith.constant 0 : i32
    %dma_start3A_62 = tpu.memref_slice %arg7[%dma_start3A_57, %dma_start3A_61] : memref<20x512xi32, #tpu.memory_space<vmem>> -> memref<1x512xi32, #tpu.memory_space<vmem>>
    %dma_start3A_63 = tpu.memref_squeeze %dma_start3A_62 : memref<1x512xi32, #tpu.memory_space<vmem>> -> memref<512xi32, #tpu.memory_space<vmem>>
    %dma_start3A_64 = arith.constant 0 : i32
    %dma_start3A_65 = arith.constant 0 : i32
    %dma_start3A_66 = tpu.memref_slice %arg4[%dma_start3A_64, %dma_start3A_65] : memref<10000x16xf32, #tpu.memory_space<hbm>> -> memref<10000x16xf32, #tpu.memory_space<hbm>>
    tpu.enqueue_indirect_dma source(%dma_start3A_66 : memref<10000x16xf32, #tpu.memory_space<hbm>>) target(%dma_start3A_60 : memref<512x16xf32, #tpu.memory_space<vmem>>) offsets(%dma_start3A_63 : memref<512xi32, #tpu.memory_space<vmem>>) semaphore(%arg14 : memref<!tpu.dma_semaphore, #tpu.memory_space<semaphore_mem>>)
    %dma_wait3A_67 = arith.constant 1 : i32
    %dma_wait3A_68 = arith.constant 512 : i32
    %dma_wait3A_69 = arith.constant 0 : i32
    %dma_wait3A_70 = tpu.memref_slice %arg9[%dma_wait3A_68, %dma_wait3A_69] : memref<2560x16xf32, #tpu.memory_space<vmem>> -> memref<512x16xf32, #tpu.memory_space<vmem>>
    %dma_wait3A_71 = arith.constant 0 : i32
    %dma_wait3A_72 = tpu.memref_slice %arg7[%dma_wait3A_67, %dma_wait3A_71] : memref<20x512xi32, #tpu.memory_space<vmem>> -> memref<1x512xi32, #tpu.memory_space<vmem>>
    %dma_wait3A_73 = tpu.memref_squeeze %dma_wait3A_72 : memref<1x512xi32, #tpu.memory_space<vmem>> -> memref<512xi32, #tpu.memory_space<vmem>>
    %dma_wait3A_74 = arith.constant 0 : i32
    %dma_wait3A_75 = arith.constant 0 : i32
    %dma_wait3A_76 = tpu.memref_slice %arg4[%dma_wait3A_74, %dma_wait3A_75] : memref<10000x16xf32, #tpu.memory_space<hbm>> -> memref<10000x16xf32, #tpu.memory_space<hbm>>
    tpu.wait_indirect_dma semaphore(%arg12 : memref<!tpu.dma_semaphore, #tpu.memory_space<semaphore_mem>>) src(%dma_wait3A_76 : memref<10000x16xf32, #tpu.memory_space<hbm>>) dst(%dma_wait3A_70 : memref<512x16xf32, #tpu.memory_space<vmem>>)
    %dma_start3A_77 = arith.constant 1 : i32
    %dma_start3A_78 = arith.constant 512 : i32
    %dma_start3A_79 = arith.constant 0 : i32
    %dma_start3A_80 = tpu.memref_slice %arg9[%dma_start3A_78, %dma_start3A_79] : memref<2560x16xf32, #tpu.memory_space<vmem>> -> memref<512x16xf32, #tpu.memory_space<vmem>>
    %dma_start3A_81 = arith.constant 0 : i32
    %dma_start3A_82 = tpu.memref_slice %arg8[%dma_start3A_77, %dma_start3A_81] : memref<20x512xi32, #tpu.memory_space<vmem>> -> memref<1x512xi32, #tpu.memory_space<vmem>>
    %dma_start3A_83 = tpu.memref_squeeze %dma_start3A_82 : memref<1x512xi32, #tpu.memory_space<vmem>> -> memref<512xi32, #tpu.memory_space<vmem>>
    %dma_start3A_84 = arith.constant 0 : i32
    %dma_start3A_85 = arith.constant 0 : i32
    %dma_start3A_86 = tpu.memref_slice %arg10[%dma_start3A_84, %dma_start3A_85] : memref<10000x16xf32, #tpu.memory_space<vmem_shared>> -> memref<10000x16xf32, #tpu.memory_space<vmem_shared>>
    tpu.enqueue_indirect_dma source(%dma_start3A_80 : memref<512x16xf32, #tpu.memory_space<vmem>>) target(%dma_start3A_86 : memref<10000x16xf32, #tpu.memory_space<vmem_shared>>) offsets(%dma_start3A_83 : memref<512xi32, #tpu.memory_space<vmem>>) semaphore(%arg16 : memref<!tpu.dma_semaphore, #tpu.memory_space<semaphore_mem>>) {add = true}
    %dma_start3A_87 = arith.constant 4 : i32
    %dma_start3A_88 = arith.constant 2048 : i32
    %dma_start3A_89 = arith.constant 0 : i32
    %dma_start3A_90 = tpu.memref_slice %arg9[%dma_start3A_88, %dma_start3A_89] : memref<2560x16xf32, #tpu.memory_space<vmem>> -> memref<512x16xf32, #tpu.memory_space<vmem>>
    %dma_start3A_91 = arith.constant 0 : i32
    %dma_start3A_92 = tpu.memref_slice %arg7[%dma_start3A_87, %dma_start3A_91] : memref<20x512xi32, #tpu.memory_space<vmem>> -> memref<1x512xi32, #tpu.memory_space<vmem>>
    %dma_start3A_93 = tpu.memref_squeeze %dma_start3A_92 : memref<1x512xi32, #tpu.memory_space<vmem>> -> memref<512xi32, #tpu.memory_space<vmem>>
    %dma_start3A_94 = arith.constant 0 : i32
    %dma_start3A_95 = arith.constant 0 : i32
    %dma_start3A_96 = tpu.memref_slice %arg4[%dma_start3A_94, %dma_start3A_95] : memref<10000x16xf32, #tpu.memory_space<hbm>> -> memref<10000x16xf32, #tpu.memory_space<hbm>>
    tpu.enqueue_indirect_dma source(%dma_start3A_96 : memref<10000x16xf32, #tpu.memory_space<hbm>>) target(%dma_start3A_90 : memref<512x16xf32, #tpu.memory_space<vmem>>) offsets(%dma_start3A_93 : memref<512xi32, #tpu.memory_space<vmem>>) semaphore(%arg11 : memref<!tpu.dma_semaphore, #tpu.memory_space<semaphore_mem>>)
    %dma_wait3A_97 = arith.constant 2 : i32
    %dma_wait3A_98 = arith.constant 1024 : i32
    %dma_wait3A_99 = arith.constant 0 : i32
    %dma_wait3A_100 = tpu.memref_slice %arg9[%dma_wait3A_98, %dma_wait3A_99] : memref<2560x16xf32, #tpu.memory_space<vmem>> -> memref<512x16xf32, #tpu.memory_space<vmem>>
    %dma_wait3A_101 = arith.constant 0 : i32
    %dma_wait3A_102 = tpu.memref_slice %arg7[%dma_wait3A_97, %dma_wait3A_101] : memref<20x512xi32, #tpu.memory_space<vmem>> -> memref<1x512xi32, #tpu.memory_space<vmem>>
    %dma_wait3A_103 = tpu.memref_squeeze %dma_wait3A_102 : memref<1x512xi32, #tpu.memory_space<vmem>> -> memref<512xi32, #tpu.memory_space<vmem>>
    %dma_wait3A_104 = arith.constant 0 : i32
    %dma_wait3A_105 = arith.constant 0 : i32
    %dma_wait3A_106 = tpu.memref_slice %arg4[%dma_wait3A_104, %dma_wait3A_105] : memref<10000x16xf32, #tpu.memory_space<hbm>> -> memref<10000x16xf32, #tpu.memory_space<hbm>>
    tpu.wait_indirect_dma semaphore(%arg13 : memref<!tpu.dma_semaphore, #tpu.memory_space<semaphore_mem>>) src(%dma_wait3A_106 : memref<10000x16xf32, #tpu.memory_space<hbm>>) dst(%dma_wait3A_100 : memref<512x16xf32, #tpu.memory_space<vmem>>)
    %dma_start3A_107 = arith.constant 2 : i32
    %dma_start3A_108 = arith.constant 1024 : i32
    %dma_start3A_109 = arith.constant 0 : i32
    %dma_start3A_110 = tpu.memref_slice %arg9[%dma_start3A_108, %dma_start3A_109] : memref<2560x16xf32, #tpu.memory_space<vmem>> -> memref<512x16xf32, #tpu.memory_space<vmem>>
    %dma_start3A_111 = arith.constant 0 : i32
    %dma_start3A_112 = tpu.memref_slice %arg8[%dma_start3A_107, %dma_start3A_111] : memref<20x512xi32, #tpu.memory_space<vmem>> -> memref<1x512xi32, #tpu.memory_space<vmem>>
    %dma_start3A_113 = tpu.memref_squeeze %dma_start3A_112 : memref<1x512xi32, #tpu.memory_space<vmem>> -> memref<512xi32, #tpu.memory_space<vmem>>
    %dma_start3A_114 = arith.constant 0 : i32
    %dma_start3A_115 = arith.constant 0 : i32
    %dma_start3A_116 = tpu.memref_slice %arg10[%dma_start3A_114, %dma_start3A_115] : memref<10000x16xf32, #tpu.memory_space<vmem_shared>> -> memref<10000x16xf32, #tpu.memory_space<vmem_shared>>
    tpu.enqueue_indirect_dma source(%dma_start3A_110 : memref<512x16xf32, #tpu.memory_space<vmem>>) target(%dma_start3A_116 : memref<10000x16xf32, #tpu.memory_space<vmem_shared>>) offsets(%dma_start3A_113 : memref<512xi32, #tpu.memory_space<vmem>>) semaphore(%arg17 : memref<!tpu.dma_semaphore, #tpu.memory_space<semaphore_mem>>) {add = true}
    %dma_wait3A_117 = arith.constant 0 : i32
    %dma_wait3A_118 = arith.constant 0 : i32
    %dma_wait3A_119 = arith.constant 0 : i32
    %dma_wait3A_120 = tpu.memref_slice %arg9[%dma_wait3A_118, %dma_wait3A_119] : memref<2560x16xf32, #tpu.memory_space<vmem>> -> memref<512x16xf32, #tpu.memory_space<vmem>>
    %dma_wait3A_121 = arith.constant 0 : i32
    %dma_wait3A_122 = tpu.memref_slice %arg8[%dma_wait3A_117, %dma_wait3A_121] : memref<20x512xi32, #tpu.memory_space<vmem>> -> memref<1x512xi32, #tpu.memory_space<vmem>>
    %dma_wait3A_123 = tpu.memref_squeeze %dma_wait3A_122 : memref<1x512xi32, #tpu.memory_space<vmem>> -> memref<512xi32, #tpu.memory_space<vmem>>
    %dma_wait3A_124 = arith.constant 0 : i32
    %dma_wait3A_125 = arith.constant 0 : i32
    %dma_wait3A_126 = tpu.memref_slice %arg10[%dma_wait3A_124, %dma_wait3A_125] : memref<10000x16xf32, #tpu.memory_space<vmem_shared>> -> memref<10000x16xf32, #tpu.memory_space<vmem_shared>>
    tpu.wait_indirect_dma semaphore(%arg15 : memref<!tpu.dma_semaphore, #tpu.memory_space<semaphore_mem>>) src(%dma_wait3A_120 : memref<512x16xf32, #tpu.memory_space<vmem>>) dst(%dma_wait3A_126 : memref<10000x16xf32, #tpu.memory_space<vmem_shared>>)
    %dma_start3A_127 = arith.constant 5 : i32
    %dma_start3A_128 = arith.constant 0 : i32
    %dma_start3A_129 = arith.constant 0 : i32
    %dma_start3A_130 = tpu.memref_slice %arg9[%dma_start3A_128, %dma_start3A_129] : memref<2560x16xf32, #tpu.memory_space<vmem>> -> memref<512x16xf32, #tpu.memory_space<vmem>>
    %dma_start3A_131 = arith.constant 0 : i32
    %dma_start3A_132 = tpu.memref_slice %arg7[%dma_start3A_127, %dma_start3A_131] : memref<20x512xi32, #tpu.memory_space<vmem>> -> memref<1x512xi32, #tpu.memory_space<vmem>>
    %dma_start3A_133 = tpu.memref_squeeze %dma_start3A_132 : memref<1x512xi32, #tpu.memory_space<vmem>> -> memref<512xi32, #tpu.memory_space<vmem>>
    %dma_start3A_134 = arith.constant 0 : i32
    %dma_start3A_135 = arith.constant 0 : i32
    %dma_start3A_136 = tpu.memref_slice %arg4[%dma_start3A_134, %dma_start3A_135] : memref<10000x16xf32, #tpu.memory_space<hbm>> -> memref<10000x16xf32, #tpu.memory_space<hbm>>
    tpu.enqueue_indirect_dma source(%dma_start3A_136 : memref<10000x16xf32, #tpu.memory_space<hbm>>) target(%dma_start3A_130 : memref<512x16xf32, #tpu.memory_space<vmem>>) offsets(%dma_start3A_133 : memref<512xi32, #tpu.memory_space<vmem>>) semaphore(%arg12 : memref<!tpu.dma_semaphore, #tpu.memory_space<semaphore_mem>>)
    %dma_wait3A_137 = arith.constant 3 : i32
    %dma_wait3A_138 = arith.constant 1536 : i32
    %dma_wait3A_139 = arith.constant 0 : i32
    %dma_wait3A_140 = tpu.memref_slice %arg9[%dma_wait3A_138, %dma_wait3A_139] : memref<2560x16xf32, #tpu.memory_space<vmem>> -> memref<512x16xf32, #tpu.memory_space<vmem>>
    %dma_wait3A_141 = arith.constant 0 : i32
    %dma_wait3A_142 = tpu.memref_slice %arg7[%dma_wait3A_137, %dma_wait3A_141] : memref<20x512xi32, #tpu.memory_space<vmem>> -> memref<1x512xi32, #tpu.memory_space<vmem>>
    %dma_wait3A_143 = tpu.memref_squeeze %dma_wait3A_142 : memref<1x512xi32, #tpu.memory_space<vmem>> -> memref<512xi32, #tpu.memory_space<vmem>>
    %dma_wait3A_144 = arith.constant 0 : i32
    %dma_wait3A_145 = arith.constant 0 : i32
    %dma_wait3A_146 = tpu.memref_slice %arg4[%dma_wait3A_144, %dma_wait3A_145] : memref<10000x16xf32, #tpu.memory_space<hbm>> -> memref<10000x16xf32, #tpu.memory_space<hbm>>
    tpu.wait_indirect_dma semaphore(%arg14 : memref<!tpu.dma_semaphore, #tpu.memory_space<semaphore_mem>>) src(%dma_wait3A_146 : memref<10000x16xf32, #tpu.memory_space<hbm>>) dst(%dma_wait3A_140 : memref<512x16xf32, #tpu.memory_space<vmem>>)
    %dma_start3A_147 = arith.constant 3 : i32
    %dma_start3A_148 = arith.constant 1536 : i32
    %dma_start3A_149 = arith.constant 0 : i32
    %dma_start3A_150 = tpu.memref_slice %arg9[%dma_start3A_148, %dma_start3A_149] : memref<2560x16xf32, #tpu.memory_space<vmem>> -> memref<512x16xf32, #tpu.memory_space<vmem>>
    %dma_start3A_151 = arith.constant 0 : i32
    %dma_start3A_152 = tpu.memref_slice %arg8[%dma_start3A_147, %dma_start3A_151] : memref<20x512xi32, #tpu.memory_space<vmem>> -> memref<1x512xi32, #tpu.memory_space<vmem>>
    %dma_start3A_153 = tpu.memref_squeeze %dma_start3A_152 : memref<1x512xi32, #tpu.memory_space<vmem>> -> memref<512xi32, #tpu.memory_space<vmem>>
    %dma_start3A_154 = arith.constant 0 : i32
    %dma_start3A_155 = arith.constant 0 : i32
    %dma_start3A_156 = tpu.memref_slice %arg10[%dma_start3A_154, %dma_start3A_155] : memref<10000x16xf32, #tpu.memory_space<vmem_shared>> -> memref<10000x16xf32, #tpu.memory_space<vmem_shared>>
    tpu.enqueue_indirect_dma source(%dma_start3A_150 : memref<512x16xf32, #tpu.memory_space<vmem>>) target(%dma_start3A_156 : memref<10000x16xf32, #tpu.memory_space<vmem_shared>>) offsets(%dma_start3A_153 : memref<512xi32, #tpu.memory_space<vmem>>) semaphore(%arg18 : memref<!tpu.dma_semaphore, #tpu.memory_space<semaphore_mem>>) {add = true}
    %dma_wait3A_157 = arith.constant 1 : i32
    %dma_wait3A_158 = arith.constant 512 : i32
    %dma_wait3A_159 = arith.constant 0 : i32
    %dma_wait3A_160 = tpu.memref_slice %arg9[%dma_wait3A_158, %dma_wait3A_159] : memref<2560x16xf32, #tpu.memory_space<vmem>> -> memref<512x16xf32, #tpu.memory_space<vmem>>
    %dma_wait3A_161 = arith.constant 0 : i32
    %dma_wait3A_162 = tpu.memref_slice %arg8[%dma_wait3A_157, %dma_wait3A_161] : memref<20x512xi32, #tpu.memory_space<vmem>> -> memref<1x512xi32, #tpu.memory_space<vmem>>
    %dma_wait3A_163 = tpu.memref_squeeze %dma_wait3A_162 : memref<1x512xi32, #tpu.memory_space<vmem>> -> memref<512xi32, #tpu.memory_space<vmem>>
    %dma_wait3A_164 = arith.constant 0 : i32
    %dma_wait3A_165 = arith.constant 0 : i32
    %dma_wait3A_166 = tpu.memref_slice %arg10[%dma_wait3A_164, %dma_wait3A_165] : memref<10000x16xf32, #tpu.memory_space<vmem_shared>> -> memref<10000x16xf32, #tpu.memory_space<vmem_shared>>
    tpu.wait_indirect_dma semaphore(%arg16 : memref<!tpu.dma_semaphore, #tpu.memory_space<semaphore_mem>>) src(%dma_wait3A_160 : memref<512x16xf32, #tpu.memory_space<vmem>>) dst(%dma_wait3A_166 : memref<10000x16xf32, #tpu.memory_space<vmem_shared>>)
    %dma_start3A_167 = arith.constant 6 : i32
    %dma_start3A_168 = arith.constant 512 : i32
    %dma_start3A_169 = arith.constant 0 : i32
    %dma_start3A_170 = tpu.memref_slice %arg9[%dma_start3A_168, %dma_start3A_169] : memref<2560x16xf32, #tpu.memory_space<vmem>> -> memref<512x16xf32, #tpu.memory_space<vmem>>
    %dma_start3A_171 = arith.constant 0 : i32
    %dma_start3A_172 = tpu.memref_slice %arg7[%dma_start3A_167, %dma_start3A_171] : memref<20x512xi32, #tpu.memory_space<vmem>> -> memref<1x512xi32, #tpu.memory_space<vmem>>
    %dma_start3A_173 = tpu.memref_squeeze %dma_start3A_172 : memref<1x512xi32, #tpu.memory_space<vmem>> -> memref<512xi32, #tpu.memory_space<vmem>>
    %dma_start3A_174 = arith.constant 0 : i32
    %dma_start3A_175 = arith.constant 0 : i32
    %dma_start3A_176 = tpu.memref_slice %arg4[%dma_start3A_174, %dma_start3A_175] : memref<10000x16xf32, #tpu.memory_space<hbm>> -> memref<10000x16xf32, #tpu.memory_space<hbm>>
    tpu.enqueue_indirect_dma source(%dma_start3A_176 : memref<10000x16xf32, #tpu.memory_space<hbm>>) target(%dma_start3A_170 : memref<512x16xf32, #tpu.memory_space<vmem>>) offsets(%dma_start3A_173 : memref<512xi32, #tpu.memory_space<vmem>>) semaphore(%arg13 : memref<!tpu.dma_semaphore, #tpu.memory_space<semaphore_mem>>)
    %dma_wait3A_177 = arith.constant 4 : i32
    %dma_wait3A_178 = arith.constant 2048 : i32
    %dma_wait3A_179 = arith.constant 0 : i32
    %dma_wait3A_180 = tpu.memref_slice %arg9[%dma_wait3A_178, %dma_wait3A_179] : memref<2560x16xf32, #tpu.memory_space<vmem>> -> memref<512x16xf32, #tpu.memory_space<vmem>>
    %dma_wait3A_181 = arith.constant 0 : i32
    %dma_wait3A_182 = tpu.memref_slice %arg7[%dma_wait3A_177, %dma_wait3A_181] : memref<20x512xi32, #tpu.memory_space<vmem>> -> memref<1x512xi32, #tpu.memory_space<vmem>>
    %dma_wait3A_183 = tpu.memref_squeeze %dma_wait3A_182 : memref<1x512xi32, #tpu.memory_space<vmem>> -> memref<512xi32, #tpu.memory_space<vmem>>
    %dma_wait3A_184 = arith.constant 0 : i32
    %dma_wait3A_185 = arith.constant 0 : i32
    %dma_wait3A_186 = tpu.memref_slice %arg4[%dma_wait3A_184, %dma_wait3A_185] : memref<10000x16xf32, #tpu.memory_space<hbm>> -> memref<10000x16xf32, #tpu.memory_space<hbm>>
    tpu.wait_indirect_dma semaphore(%arg11 : memref<!tpu.dma_semaphore, #tpu.memory_space<semaphore_mem>>) src(%dma_wait3A_186 : memref<10000x16xf32, #tpu.memory_space<hbm>>) dst(%dma_wait3A_180 : memref<512x16xf32, #tpu.memory_space<vmem>>)
    %dma_start3A_187 = arith.constant 4 : i32
    %dma_start3A_188 = arith.constant 2048 : i32
    %dma_start3A_189 = arith.constant 0 : i32
    %dma_start3A_190 = tpu.memref_slice %arg9[%dma_start3A_188, %dma_start3A_189] : memref<2560x16xf32, #tpu.memory_space<vmem>> -> memref<512x16xf32, #tpu.memory_space<vmem>>
    %dma_start3A_191 = arith.constant 0 : i32
    %dma_start3A_192 = tpu.memref_slice %arg8[%dma_start3A_187, %dma_start3A_191] : memref<20x512xi32, #tpu.memory_space<vmem>> -> memref<1x512xi32, #tpu.memory_space<vmem>>
    %dma_start3A_193 = tpu.memref_squeeze %dma_start3A_192 : memref<1x512xi32, #tpu.memory_space<vmem>> -> memref<512xi32, #tpu.memory_space<vmem>>
    %dma_start3A_194 = arith.constant 0 : i32
    %dma_start3A_195 = arith.constant 0 : i32
    %dma_start3A_196 = tpu.memref_slice %arg10[%dma_start3A_194, %dma_start3A_195] : memref<10000x16xf32, #tpu.memory_space<vmem_shared>> -> memref<10000x16xf32, #tpu.memory_space<vmem_shared>>
    tpu.enqueue_indirect_dma source(%dma_start3A_190 : memref<512x16xf32, #tpu.memory_space<vmem>>) target(%dma_start3A_196 : memref<10000x16xf32, #tpu.memory_space<vmem_shared>>) offsets(%dma_start3A_193 : memref<512xi32, #tpu.memory_space<vmem>>) semaphore(%arg15 : memref<!tpu.dma_semaphore, #tpu.memory_space<semaphore_mem>>) {add = true}
    %dma_wait3A_197 = arith.constant 2 : i32
    %dma_wait3A_198 = arith.constant 1024 : i32
    %dma_wait3A_199 = arith.constant 0 : i32
    %dma_wait3A_200 = tpu.memref_slice %arg9[%dma_wait3A_198, %dma_wait3A_199] : memref<2560x16xf32, #tpu.memory_space<vmem>> -> memref<512x16xf32, #tpu.memory_space<vmem>>
    %dma_wait3A_201 = arith.constant 0 : i32
    %dma_wait3A_202 = tpu.memref_slice %arg8[%dma_wait3A_197, %dma_wait3A_201] : memref<20x512xi32, #tpu.memory_space<vmem>> -> memref<1x512xi32, #tpu.memory_space<vmem>>
    %dma_wait3A_203 = tpu.memref_squeeze %dma_wait3A_202 : memref<1x512xi32, #tpu.memory_space<vmem>> -> memref<512xi32, #tpu.memory_space<vmem>>
    %dma_wait3A_204 = arith.constant 0 : i32
    %dma_wait3A_205 = arith.constant 0 : i32
    %dma_wait3A_206 = tpu.memref_slice %arg10[%dma_wait3A_204, %dma_wait3A_205] : memref<10000x16xf32, #tpu.memory_space<vmem_shared>> -> memref<10000x16xf32, #tpu.memory_space<vmem_shared>>
    tpu.wait_indirect_dma semaphore(%arg17 : memref<!tpu.dma_semaphore, #tpu.memory_space<semaphore_mem>>) src(%dma_wait3A_200 : memref<512x16xf32, #tpu.memory_space<vmem>>) dst(%dma_wait3A_206 : memref<10000x16xf32, #tpu.memory_space<vmem_shared>>)
    %dma_start3A_207 = arith.constant 7 : i32
    %dma_start3A_208 = arith.constant 1024 : i32
    %dma_start3A_209 = arith.constant 0 : i32
    %dma_start3A_210 = tpu.memref_slice %arg9[%dma_start3A_208, %dma_start3A_209] : memref<2560x16xf32, #tpu.memory_space<vmem>> -> memref<512x16xf32, #tpu.memory_space<vmem>>
    %dma_start3A_211 = arith.constant 0 : i32
    %dma_start3A_212 = tpu.memref_slice %arg7[%dma_start3A_207, %dma_start3A_211] : memref<20x512xi32, #tpu.memory_space<vmem>> -> memref<1x512xi32, #tpu.memory_space<vmem>>
    %dma_start3A_213 = tpu.memref_squeeze %dma_start3A_212 : memref<1x512xi32, #tpu.memory_space<vmem>> -> memref<512xi32, #tpu.memory_space<vmem>>
    %dma_start3A_214 = arith.constant 0 : i32
    %dma_start3A_215 = arith.constant 0 : i32
    %dma_start3A_216 = tpu.memref_slice %arg4[%dma_start3A_214, %dma_start3A_215] : memref<10000x16xf32, #tpu.memory_space<hbm>> -> memref<10000x16xf32, #tpu.memory_space<hbm>>
    tpu.enqueue_indirect_dma source(%dma_start3A_216 : memref<10000x16xf32, #tpu.memory_space<hbm>>) target(%dma_start3A_210 : memref<512x16xf32, #tpu.memory_space<vmem>>) offsets(%dma_start3A_213 : memref<512xi32, #tpu.memory_space<vmem>>) semaphore(%arg14 : memref<!tpu.dma_semaphore, #tpu.memory_space<semaphore_mem>>)
    %dma_wait3A_217 = arith.constant 5 : i32
    %dma_wait3A_218 = arith.constant 0 : i32
    %dma_wait3A_219 = arith.constant 0 : i32
    %dma_wait3A_220 = tpu.memref_slice %arg9[%dma_wait3A_218, %dma_wait3A_219] : memref<2560x16xf32, #tpu.memory_space<vmem>> -> memref<512x16xf32, #tpu.memory_space<vmem>>
    %dma_wait3A_221 = arith.constant 0 : i32
    %dma_wait3A_222 = tpu.memref_slice %arg7[%dma_wait3A_217, %dma_wait3A_221] : memref<20x512xi32, #tpu.memory_space<vmem>> -> memref<1x512xi32, #tpu.memory_space<vmem>>
    %dma_wait3A_223 = tpu.memref_squeeze %dma_wait3A_222 : memref<1x512xi32, #tpu.memory_space<vmem>> -> memref<512xi32, #tpu.memory_space<vmem>>
    %dma_wait3A_224 = arith.constant 0 : i32
    %dma_wait3A_225 = arith.constant 0 : i32
    %dma_wait3A_226 = tpu.memref_slice %arg4[%dma_wait3A_224, %dma_wait3A_225] : memref<10000x16xf32, #tpu.memory_space<hbm>> -> memref<10000x16xf32, #tpu.memory_space<hbm>>
    tpu.wait_indirect_dma semaphore(%arg12 : memref<!tpu.dma_semaphore, #tpu.memory_space<semaphore_mem>>) src(%dma_wait3A_226 : memref<10000x16xf32, #tpu.memory_space<hbm>>) dst(%dma_wait3A_220 : memref<512x16xf32, #tpu.memory_space<vmem>>)
    %dma_start3A_227 = arith.constant 5 : i32
    %dma_start3A_228 = arith.constant 0 : i32
    %dma_start3A_229 = arith.constant 0 : i32
    %dma_start3A_230 = tpu.memref_slice %arg9[%dma_start3A_228, %dma_start3A_229] : memref<2560x16xf32, #tpu.memory_space<vmem>> -> memref<512x16xf32, #tpu.memory_space<vmem>>
    %dma_start3A_231 = arith.constant 0 : i32
    %dma_start3A_232 = tpu.memref_slice %arg8[%dma_start3A_227, %dma_start3A_231] : memref<20x512xi32, #tpu.memory_space<vmem>> -> memref<1x512xi32, #tpu.memory_space<vmem>>
    %dma_start3A_233 = tpu.memref_squeeze %dma_start3A_232 : memref<1x512xi32, #tpu.memory_space<vmem>> -> memref<512xi32, #tpu.memory_space<vmem>>
    %dma_start3A_234 = arith.constant 0 : i32
    %dma_start3A_235 = arith.constant 0 : i32
    %dma_start3A_236 = tpu.memref_slice %arg10[%dma_start3A_234, %dma_start3A_235] : memref<10000x16xf32, #tpu.memory_space<vmem_shared>> -> memref<10000x16xf32, #tpu.memory_space<vmem_shared>>
    tpu.enqueue_indirect_dma source(%dma_start3A_230 : memref<512x16xf32, #tpu.memory_space<vmem>>) target(%dma_start3A_236 : memref<10000x16xf32, #tpu.memory_space<vmem_shared>>) offsets(%dma_start3A_233 : memref<512xi32, #tpu.memory_space<vmem>>) semaphore(%arg16 : memref<!tpu.dma_semaphore, #tpu.memory_space<semaphore_mem>>) {add = true}
    %dma_wait3A_237 = arith.constant 3 : i32
    %dma_wait3A_238 = arith.constant 1536 : i32
    %dma_wait3A_239 = arith.constant 0 : i32
    %dma_wait3A_240 = tpu.memref_slice %arg9[%dma_wait3A_238, %dma_wait3A_239] : memref<2560x16xf32, #tpu.memory_space<vmem>> -> memref<512x16xf32, #tpu.memory_space<vmem>>
    %dma_wait3A_241 = arith.constant 0 : i32
    %dma_wait3A_242 = tpu.memref_slice %arg8[%dma_wait3A_237, %dma_wait3A_241] : memref<20x512xi32, #tpu.memory_space<vmem>> -> memref<1x512xi32, #tpu.memory_space<vmem>>
    %dma_wait3A_243 = tpu.memref_squeeze %dma_wait3A_242 : memref<1x512xi32, #tpu.memory_space<vmem>> -> memref<512xi32, #tpu.memory_space<vmem>>
    %dma_wait3A_244 = arith.constant 0 : i32
    %dma_wait3A_245 = arith.constant 0 : i32
    %dma_wait3A_246 = tpu.memref_slice %arg10[%dma_wait3A_244, %dma_wait3A_245] : memref<10000x16xf32, #tpu.memory_space<vmem_shared>> -> memref<10000x16xf32, #tpu.memory_space<vmem_shared>>
    tpu.wait_indirect_dma semaphore(%arg18 : memref<!tpu.dma_semaphore, #tpu.memory_space<semaphore_mem>>) src(%dma_wait3A_240 : memref<512x16xf32, #tpu.memory_space<vmem>>) dst(%dma_wait3A_246 : memref<10000x16xf32, #tpu.memory_space<vmem_shared>>)
    %dma_start3A_247 = arith.constant 8 : i32
    %dma_start3A_248 = arith.constant 1536 : i32
    %dma_start3A_249 = arith.constant 0 : i32
    %dma_start3A_250 = tpu.memref_slice %arg9[%dma_start3A_248, %dma_start3A_249] : memref<2560x16xf32, #tpu.memory_space<vmem>> -> memref<512x16xf32, #tpu.memory_space<vmem>>
    %dma_start3A_251 = arith.constant 0 : i32
    %dma_start3A_252 = tpu.memref_slice %arg7[%dma_start3A_247, %dma_start3A_251] : memref<20x512xi32, #tpu.memory_space<vmem>> -> memref<1x512xi32, #tpu.memory_space<vmem>>
    %dma_start3A_253 = tpu.memref_squeeze %dma_start3A_252 : memref<1x512xi32, #tpu.memory_space<vmem>> -> memref<512xi32, #tpu.memory_space<vmem>>
    %dma_start3A_254 = arith.constant 0 : i32
    %dma_start3A_255 = arith.constant 0 : i32
    %dma_start3A_256 = tpu.memref_slice %arg4[%dma_start3A_254, %dma_start3A_255] : memref<10000x16xf32, #tpu.memory_space<hbm>> -> memref<10000x16xf32, #tpu.memory_space<hbm>>
    tpu.enqueue_indirect_dma source(%dma_start3A_256 : memref<10000x16xf32, #tpu.memory_space<hbm>>) target(%dma_start3A_250 : memref<512x16xf32, #tpu.memory_space<vmem>>) offsets(%dma_start3A_253 : memref<512xi32, #tpu.memory_space<vmem>>) semaphore(%arg11 : memref<!tpu.dma_semaphore, #tpu.memory_space<semaphore_mem>>)
    %dma_wait3A_257 = arith.constant 6 : i32
    %dma_wait3A_258 = arith.constant 512 : i32
    %dma_wait3A_259 = arith.constant 0 : i32
    %dma_wait3A_260 = tpu.memref_slice %arg9[%dma_wait3A_258, %dma_wait3A_259] : memref<2560x16xf32, #tpu.memory_space<vmem>> -> memref<512x16xf32, #tpu.memory_space<vmem>>
    %dma_wait3A_261 = arith.constant 0 : i32
    %dma_wait3A_262 = tpu.memref_slice %arg7[%dma_wait3A_257, %dma_wait3A_261] : memref<20x512xi32, #tpu.memory_space<vmem>> -> memref<1x512xi32, #tpu.memory_space<vmem>>
    %dma_wait3A_263 = tpu.memref_squeeze %dma_wait3A_262 : memref<1x512xi32, #tpu.memory_space<vmem>> -> memref<512xi32, #tpu.memory_space<vmem>>
    %dma_wait3A_264 = arith.constant 0 : i32
    %dma_wait3A_265 = arith.constant 0 : i32
    %dma_wait3A_266 = tpu.memref_slice %arg4[%dma_wait3A_264, %dma_wait3A_265] : memref<10000x16xf32, #tpu.memory_space<hbm>> -> memref<10000x16xf32, #tpu.memory_space<hbm>>
    tpu.wait_indirect_dma semaphore(%arg13 : memref<!tpu.dma_semaphore, #tpu.memory_space<semaphore_mem>>) src(%dma_wait3A_266 : memref<10000x16xf32, #tpu.memory_space<hbm>>) dst(%dma_wait3A_260 : memref<512x16xf32, #tpu.memory_space<vmem>>)
    %dma_start3A_267 = arith.constant 6 : i32
    %dma_start3A_268 = arith.constant 512 : i32
    %dma_start3A_269 = arith.constant 0 : i32
    %dma_start3A_270 = tpu.memref_slice %arg9[%dma_start3A_268, %dma_start3A_269] : memref<2560x16xf32, #tpu.memory_space<vmem>> -> memref<512x16xf32, #tpu.memory_space<vmem>>
    %dma_start3A_271 = arith.constant 0 : i32
    %dma_start3A_272 = tpu.memref_slice %arg8[%dma_start3A_267, %dma_start3A_271] : memref<20x512xi32, #tpu.memory_space<vmem>> -> memref<1x512xi32, #tpu.memory_space<vmem>>
    %dma_start3A_273 = tpu.memref_squeeze %dma_start3A_272 : memref<1x512xi32, #tpu.memory_space<vmem>> -> memref<512xi32, #tpu.memory_space<vmem>>
    %dma_start3A_274 = arith.constant 0 : i32
    %dma_start3A_275 = arith.constant 0 : i32
    %dma_start3A_276 = tpu.memref_slice %arg10[%dma_start3A_274, %dma_start3A_275] : memref<10000x16xf32, #tpu.memory_space<vmem_shared>> -> memref<10000x16xf32, #tpu.memory_space<vmem_shared>>
    tpu.enqueue_indirect_dma source(%dma_start3A_270 : memref<512x16xf32, #tpu.memory_space<vmem>>) target(%dma_start3A_276 : memref<10000x16xf32, #tpu.memory_space<vmem_shared>>) offsets(%dma_start3A_273 : memref<512xi32, #tpu.memory_space<vmem>>) semaphore(%arg17 : memref<!tpu.dma_semaphore, #tpu.memory_space<semaphore_mem>>) {add = true}
    %dma_wait3A_277 = arith.constant 4 : i32
    %dma_wait3A_278 = arith.constant 2048 : i32
    %dma_wait3A_279 = arith.constant 0 : i32
    %dma_wait3A_280 = tpu.memref_slice %arg9[%dma_wait3A_278, %dma_wait3A_279] : memref<2560x16xf32, #tpu.memory_space<vmem>> -> memref<512x16xf32, #tpu.memory_space<vmem>>
    %dma_wait3A_281 = arith.constant 0 : i32
    %dma_wait3A_282 = tpu.memref_slice %arg8[%dma_wait3A_277, %dma_wait3A_281] : memref<20x512xi32, #tpu.memory_space<vmem>> -> memref<1x512xi32, #tpu.memory_space<vmem>>
    %dma_wait3A_283 = tpu.memref_squeeze %dma_wait3A_282 : memref<1x512xi32, #tpu.memory_space<vmem>> -> memref<512xi32, #tpu.memory_space<vmem>>
    %dma_wait3A_284 = arith.constant 0 : i32
    %dma_wait3A_285 = arith.constant 0 : i32
    %dma_wait3A_286 = tpu.memref_slice %arg10[%dma_wait3A_284, %dma_wait3A_285] : memref<10000x16xf32, #tpu.memory_space<vmem_shared>> -> memref<10000x16xf32, #tpu.memory_space<vmem_shared>>
    tpu.wait_indirect_dma semaphore(%arg15 : memref<!tpu.dma_semaphore, #tpu.memory_space<semaphore_mem>>) src(%dma_wait3A_280 : memref<512x16xf32, #tpu.memory_space<vmem>>) dst(%dma_wait3A_286 : memref<10000x16xf32, #tpu.memory_space<vmem_shared>>)
    %dma_start3A_287 = arith.constant 9 : i32
    %dma_start3A_288 = arith.constant 2048 : i32
    %dma_start3A_289 = arith.constant 0 : i32
    %dma_start3A_290 = tpu.memref_slice %arg9[%dma_start3A_288, %dma_start3A_289] : memref<2560x16xf32, #tpu.memory_space<vmem>> -> memref<512x16xf32, #tpu.memory_space<vmem>>
    %dma_start3A_291 = arith.constant 0 : i32
    %dma_start3A_292 = tpu.memref_slice %arg7[%dma_start3A_287, %dma_start3A_291] : memref<20x512xi32, #tpu.memory_space<vmem>> -> memref<1x512xi32, #tpu.memory_space<vmem>>
    %dma_start3A_293 = tpu.memref_squeeze %dma_start3A_292 : memref<1x512xi32, #tpu.memory_space<vmem>> -> memref<512xi32, #tpu.memory_space<vmem>>
    %dma_start3A_294 = arith.constant 0 : i32
    %dma_start3A_295 = arith.constant 0 : i32
    %dma_start3A_296 = tpu.memref_slice %arg4[%dma_start3A_294, %dma_start3A_295] : memref<10000x16xf32, #tpu.memory_space<hbm>> -> memref<10000x16xf32, #tpu.memory_space<hbm>>
    tpu.enqueue_indirect_dma source(%dma_start3A_296 : memref<10000x16xf32, #tpu.memory_space<hbm>>) target(%dma_start3A_290 : memref<512x16xf32, #tpu.memory_space<vmem>>) offsets(%dma_start3A_293 : memref<512xi32, #tpu.memory_space<vmem>>) semaphore(%arg12 : memref<!tpu.dma_semaphore, #tpu.memory_space<semaphore_mem>>)
    %dma_wait3A_297 = arith.constant 7 : i32
    %dma_wait3A_298 = arith.constant 1024 : i32
    %dma_wait3A_299 = arith.constant 0 : i32
    %dma_wait3A_300 = tpu.memref_slice %arg9[%dma_wait3A_298, %dma_wait3A_299] : memref<2560x16xf32, #tpu.memory_space<vmem>> -> memref<512x16xf32, #tpu.memory_space<vmem>>
    %dma_wait3A_301 = arith.constant 0 : i32
    %dma_wait3A_302 = tpu.memref_slice %arg7[%dma_wait3A_297, %dma_wait3A_301] : memref<20x512xi32, #tpu.memory_space<vmem>> -> memref<1x512xi32, #tpu.memory_space<vmem>>
    %dma_wait3A_303 = tpu.memref_squeeze %dma_wait3A_302 : memref<1x512xi32, #tpu.memory_space<vmem>> -> memref<512xi32, #tpu.memory_space<vmem>>
    %dma_wait3A_304 = arith.constant 0 : i32
    %dma_wait3A_305 = arith.constant 0 : i32
    %dma_wait3A_306 = tpu.memref_slice %arg4[%dma_wait3A_304, %dma_wait3A_305] : memref<10000x16xf32, #tpu.memory_space<hbm>> -> memref<10000x16xf32, #tpu.memory_space<hbm>>
    tpu.wait_indirect_dma semaphore(%arg14 : memref<!tpu.dma_semaphore, #tpu.memory_space<semaphore_mem>>) src(%dma_wait3A_306 : memref<10000x16xf32, #tpu.memory_space<hbm>>) dst(%dma_wait3A_300 : memref<512x16xf32, #tpu.memory_space<vmem>>)
    %dma_start3A_307 = arith.constant 7 : i32
    %dma_start3A_308 = arith.constant 1024 : i32
    %dma_start3A_309 = arith.constant 0 : i32
    %dma_start3A_310 = tpu.memref_slice %arg9[%dma_start3A_308, %dma_start3A_309] : memref<2560x16xf32, #tpu.memory_space<vmem>> -> memref<512x16xf32, #tpu.memory_space<vmem>>
    %dma_start3A_311 = arith.constant 0 : i32
    %dma_start3A_312 = tpu.memref_slice %arg8[%dma_start3A_307, %dma_start3A_311] : memref<20x512xi32, #tpu.memory_space<vmem>> -> memref<1x512xi32, #tpu.memory_space<vmem>>
    %dma_start3A_313 = tpu.memref_squeeze %dma_start3A_312 : memref<1x512xi32, #tpu.memory_space<vmem>> -> memref<512xi32, #tpu.memory_space<vmem>>
    %dma_start3A_314 = arith.constant 0 : i32
    %dma_start3A_315 = arith.constant 0 : i32
    %dma_start3A_316 = tpu.memref_slice %arg10[%dma_start3A_314, %dma_start3A_315] : memref<10000x16xf32, #tpu.memory_space<vmem_shared>> -> memref<10000x16xf32, #tpu.memory_space<vmem_shared>>
    tpu.enqueue_indirect_dma source(%dma_start3A_310 : memref<512x16xf32, #tpu.memory_space<vmem>>) target(%dma_start3A_316 : memref<10000x16xf32, #tpu.memory_space<vmem_shared>>) offsets(%dma_start3A_313 : memref<512xi32, #tpu.memory_space<vmem>>) semaphore(%arg18 : memref<!tpu.dma_semaphore, #tpu.memory_space<semaphore_mem>>) {add = true}
    %dma_wait3A_317 = arith.constant 5 : i32
    %dma_wait3A_318 = arith.constant 0 : i32
    %dma_wait3A_319 = arith.constant 0 : i32
    %dma_wait3A_320 = tpu.memref_slice %arg9[%dma_wait3A_318, %dma_wait3A_319] : memref<2560x16xf32, #tpu.memory_space<vmem>> -> memref<512x16xf32, #tpu.memory_space<vmem>>
    %dma_wait3A_321 = arith.constant 0 : i32
    %dma_wait3A_322 = tpu.memref_slice %arg8[%dma_wait3A_317, %dma_wait3A_321] : memref<20x512xi32, #tpu.memory_space<vmem>> -> memref<1x512xi32, #tpu.memory_space<vmem>>
    %dma_wait3A_323 = tpu.memref_squeeze %dma_wait3A_322 : memref<1x512xi32, #tpu.memory_space<vmem>> -> memref<512xi32, #tpu.memory_space<vmem>>
    %dma_wait3A_324 = arith.constant 0 : i32
    %dma_wait3A_325 = arith.constant 0 : i32
    %dma_wait3A_326 = tpu.memref_slice %arg10[%dma_wait3A_324, %dma_wait3A_325] : memref<10000x16xf32, #tpu.memory_space<vmem_shared>> -> memref<10000x16xf32, #tpu.memory_space<vmem_shared>>
    tpu.wait_indirect_dma semaphore(%arg16 : memref<!tpu.dma_semaphore, #tpu.memory_space<semaphore_mem>>) src(%dma_wait3A_320 : memref<512x16xf32, #tpu.memory_space<vmem>>) dst(%dma_wait3A_326 : memref<10000x16xf32, #tpu.memory_space<vmem_shared>>)
    %dma_start3A_327 = arith.constant 10 : i32
    %dma_start3A_328 = arith.constant 0 : i32
    %dma_start3A_329 = arith.constant 0 : i32
    %dma_start3A_330 = tpu.memref_slice %arg9[%dma_start3A_328, %dma_start3A_329] : memref<2560x16xf32, #tpu.memory_space<vmem>> -> memref<512x16xf32, #tpu.memory_space<vmem>>
    %dma_start3A_331 = arith.constant 0 : i32
    %dma_start3A_332 = tpu.memref_slice %arg7[%dma_start3A_327, %dma_start3A_331] : memref<20x512xi32, #tpu.memory_space<vmem>> -> memref<1x512xi32, #tpu.memory_space<vmem>>
    %dma_start3A_333 = tpu.memref_squeeze %dma_start3A_332 : memref<1x512xi32, #tpu.memory_space<vmem>> -> memref<512xi32, #tpu.memory_space<vmem>>
    %dma_start3A_334 = arith.constant 0 : i32
    %dma_start3A_335 = arith.constant 0 : i32
    %dma_start3A_336 = tpu.memref_slice %arg4[%dma_start3A_334, %dma_start3A_335] : memref<10000x16xf32, #tpu.memory_space<hbm>> -> memref<10000x16xf32, #tpu.memory_space<hbm>>
    tpu.enqueue_indirect_dma source(%dma_start3A_336 : memref<10000x16xf32, #tpu.memory_space<hbm>>) target(%dma_start3A_330 : memref<512x16xf32, #tpu.memory_space<vmem>>) offsets(%dma_start3A_333 : memref<512xi32, #tpu.memory_space<vmem>>) semaphore(%arg13 : memref<!tpu.dma_semaphore, #tpu.memory_space<semaphore_mem>>)
    %dma_wait3A_337 = arith.constant 8 : i32
    %dma_wait3A_338 = arith.constant 1536 : i32
    %dma_wait3A_339 = arith.constant 0 : i32
    %dma_wait3A_340 = tpu.memref_slice %arg9[%dma_wait3A_338, %dma_wait3A_339] : memref<2560x16xf32, #tpu.memory_space<vmem>> -> memref<512x16xf32, #tpu.memory_space<vmem>>
    %dma_wait3A_341 = arith.constant 0 : i32
    %dma_wait3A_342 = tpu.memref_slice %arg7[%dma_wait3A_337, %dma_wait3A_341] : memref<20x512xi32, #tpu.memory_space<vmem>> -> memref<1x512xi32, #tpu.memory_space<vmem>>
    %dma_wait3A_343 = tpu.memref_squeeze %dma_wait3A_342 : memref<1x512xi32, #tpu.memory_space<vmem>> -> memref<512xi32, #tpu.memory_space<vmem>>
    %dma_wait3A_344 = arith.constant 0 : i32
    %dma_wait3A_345 = arith.constant 0 : i32
    %dma_wait3A_346 = tpu.memref_slice %arg4[%dma_wait3A_344, %dma_wait3A_345] : memref<10000x16xf32, #tpu.memory_space<hbm>> -> memref<10000x16xf32, #tpu.memory_space<hbm>>
    tpu.wait_indirect_dma semaphore(%arg11 : memref<!tpu.dma_semaphore, #tpu.memory_space<semaphore_mem>>) src(%dma_wait3A_346 : memref<10000x16xf32, #tpu.memory_space<hbm>>) dst(%dma_wait3A_340 : memref<512x16xf32, #tpu.memory_space<vmem>>)
    %dma_start3A_347 = arith.constant 8 : i32
    %dma_start3A_348 = arith.constant 1536 : i32
    %dma_start3A_349 = arith.constant 0 : i32
    %dma_start3A_350 = tpu.memref_slice %arg9[%dma_start3A_348, %dma_start3A_349] : memref<2560x16xf32, #tpu.memory_space<vmem>> -> memref<512x16xf32, #tpu.memory_space<vmem>>
    %dma_start3A_351 = arith.constant 0 : i32
    %dma_start3A_352 = tpu.memref_slice %arg8[%dma_start3A_347, %dma_start3A_351] : memref<20x512xi32, #tpu.memory_space<vmem>> -> memref<1x512xi32, #tpu.memory_space<vmem>>
    %dma_start3A_353 = tpu.memref_squeeze %dma_start3A_352 : memref<1x512xi32, #tpu.memory_space<vmem>> -> memref<512xi32, #tpu.memory_space<vmem>>
    %dma_start3A_354 = arith.constant 0 : i32
    %dma_start3A_355 = arith.constant 0 : i32
    %dma_start3A_356 = tpu.memref_slice %arg10[%dma_start3A_354, %dma_start3A_355] : memref<10000x16xf32, #tpu.memory_space<vmem_shared>> -> memref<10000x16xf32, #tpu.memory_space<vmem_shared>>
    tpu.enqueue_indirect_dma source(%dma_start3A_350 : memref<512x16xf32, #tpu.memory_space<vmem>>) target(%dma_start3A_356 : memref<10000x16xf32, #tpu.memory_space<vmem_shared>>) offsets(%dma_start3A_353 : memref<512xi32, #tpu.memory_space<vmem>>) semaphore(%arg15 : memref<!tpu.dma_semaphore, #tpu.memory_space<semaphore_mem>>) {add = true}
    %dma_wait3A_357 = arith.constant 6 : i32
    %dma_wait3A_358 = arith.constant 512 : i32
    %dma_wait3A_359 = arith.constant 0 : i32
    %dma_wait3A_360 = tpu.memref_slice %arg9[%dma_wait3A_358, %dma_wait3A_359] : memref<2560x16xf32, #tpu.memory_space<vmem>> -> memref<512x16xf32, #tpu.memory_space<vmem>>
    %dma_wait3A_361 = arith.constant 0 : i32
    %dma_wait3A_362 = tpu.memref_slice %arg8[%dma_wait3A_357, %dma_wait3A_361] : memref<20x512xi32, #tpu.memory_space<vmem>> -> memref<1x512xi32, #tpu.memory_space<vmem>>
    %dma_wait3A_363 = tpu.memref_squeeze %dma_wait3A_362 : memref<1x512xi32, #tpu.memory_space<vmem>> -> memref<512xi32, #tpu.memory_space<vmem>>
    %dma_wait3A_364 = arith.constant 0 : i32
    %dma_wait3A_365 = arith.constant 0 : i32
    %dma_wait3A_366 = tpu.memref_slice %arg10[%dma_wait3A_364, %dma_wait3A_365] : memref<10000x16xf32, #tpu.memory_space<vmem_shared>> -> memref<10000x16xf32, #tpu.memory_space<vmem_shared>>
    tpu.wait_indirect_dma semaphore(%arg17 : memref<!tpu.dma_semaphore, #tpu.memory_space<semaphore_mem>>) src(%dma_wait3A_360 : memref<512x16xf32, #tpu.memory_space<vmem>>) dst(%dma_wait3A_366 : memref<10000x16xf32, #tpu.memory_space<vmem_shared>>)
    %dma_start3A_367 = arith.constant 11 : i32
    %dma_start3A_368 = arith.constant 512 : i32
    %dma_start3A_369 = arith.constant 0 : i32
    %dma_start3A_370 = tpu.memref_slice %arg9[%dma_start3A_368, %dma_start3A_369] : memref<2560x16xf32, #tpu.memory_space<vmem>> -> memref<512x16xf32, #tpu.memory_space<vmem>>
    %dma_start3A_371 = arith.constant 0 : i32
    %dma_start3A_372 = tpu.memref_slice %arg7[%dma_start3A_367, %dma_start3A_371] : memref<20x512xi32, #tpu.memory_space<vmem>> -> memref<1x512xi32, #tpu.memory_space<vmem>>
    %dma_start3A_373 = tpu.memref_squeeze %dma_start3A_372 : memref<1x512xi32, #tpu.memory_space<vmem>> -> memref<512xi32, #tpu.memory_space<vmem>>
    %dma_start3A_374 = arith.constant 0 : i32
    %dma_start3A_375 = arith.constant 0 : i32
    %dma_start3A_376 = tpu.memref_slice %arg4[%dma_start3A_374, %dma_start3A_375] : memref<10000x16xf32, #tpu.memory_space<hbm>> -> memref<10000x16xf32, #tpu.memory_space<hbm>>
    tpu.enqueue_indirect_dma source(%dma_start3A_376 : memref<10000x16xf32, #tpu.memory_space<hbm>>) target(%dma_start3A_370 : memref<512x16xf32, #tpu.memory_space<vmem>>) offsets(%dma_start3A_373 : memref<512xi32, #tpu.memory_space<vmem>>) semaphore(%arg14 : memref<!tpu.dma_semaphore, #tpu.memory_space<semaphore_mem>>)
    %dma_wait3A_377 = arith.constant 9 : i32
    %dma_wait3A_378 = arith.constant 2048 : i32
    %dma_wait3A_379 = arith.constant 0 : i32
    %dma_wait3A_380 = tpu.memref_slice %arg9[%dma_wait3A_378, %dma_wait3A_379] : memref<2560x16xf32, #tpu.memory_space<vmem>> -> memref<512x16xf32, #tpu.memory_space<vmem>>
    %dma_wait3A_381 = arith.constant 0 : i32
    %dma_wait3A_382 = tpu.memref_slice %arg7[%dma_wait3A_377, %dma_wait3A_381] : memref<20x512xi32, #tpu.memory_space<vmem>> -> memref<1x512xi32, #tpu.memory_space<vmem>>
    %dma_wait3A_383 = tpu.memref_squeeze %dma_wait3A_382 : memref<1x512xi32, #tpu.memory_space<vmem>> -> memref<512xi32, #tpu.memory_space<vmem>>
    %dma_wait3A_384 = arith.constant 0 : i32
    %dma_wait3A_385 = arith.constant 0 : i32
    %dma_wait3A_386 = tpu.memref_slice %arg4[%dma_wait3A_384, %dma_wait3A_385] : memref<10000x16xf32, #tpu.memory_space<hbm>> -> memref<10000x16xf32, #tpu.memory_space<hbm>>
    tpu.wait_indirect_dma semaphore(%arg12 : memref<!tpu.dma_semaphore, #tpu.memory_space<semaphore_mem>>) src(%dma_wait3A_386 : memref<10000x16xf32, #tpu.memory_space<hbm>>) dst(%dma_wait3A_380 : memref<512x16xf32, #tpu.memory_space<vmem>>)
    %dma_start3A_387 = arith.constant 9 : i32
    %dma_start3A_388 = arith.constant 2048 : i32
    %dma_start3A_389 = arith.constant 0 : i32
    %dma_start3A_390 = tpu.memref_slice %arg9[%dma_start3A_388, %dma_start3A_389] : memref<2560x16xf32, #tpu.memory_space<vmem>> -> memref<512x16xf32, #tpu.memory_space<vmem>>
    %dma_start3A_391 = arith.constant 0 : i32
    %dma_start3A_392 = tpu.memref_slice %arg8[%dma_start3A_387, %dma_start3A_391] : memref<20x512xi32, #tpu.memory_space<vmem>> -> memref<1x512xi32, #tpu.memory_space<vmem>>
    %dma_start3A_393 = tpu.memref_squeeze %dma_start3A_392 : memref<1x512xi32, #tpu.memory_space<vmem>> -> memref<512xi32, #tpu.memory_space<vmem>>
    %dma_start3A_394 = arith.constant 0 : i32
    %dma_start3A_395 = arith.constant 0 : i32
    %dma_start3A_396 = tpu.memref_slice %arg10[%dma_start3A_394, %dma_start3A_395] : memref<10000x16xf32, #tpu.memory_space<vmem_shared>> -> memref<10000x16xf32, #tpu.memory_space<vmem_shared>>
    tpu.enqueue_indirect_dma source(%dma_start3A_390 : memref<512x16xf32, #tpu.memory_space<vmem>>) target(%dma_start3A_396 : memref<10000x16xf32, #tpu.memory_space<vmem_shared>>) offsets(%dma_start3A_393 : memref<512xi32, #tpu.memory_space<vmem>>) semaphore(%arg16 : memref<!tpu.dma_semaphore, #tpu.memory_space<semaphore_mem>>) {add = true}
    %dma_wait3A_397 = arith.constant 7 : i32
    %dma_wait3A_398 = arith.constant 1024 : i32
    %dma_wait3A_399 = arith.constant 0 : i32
    %dma_wait3A_400 = tpu.memref_slice %arg9[%dma_wait3A_398, %dma_wait3A_399] : memref<2560x16xf32, #tpu.memory_space<vmem>> -> memref<512x16xf32, #tpu.memory_space<vmem>>
    %dma_wait3A_401 = arith.constant 0 : i32
    %dma_wait3A_402 = tpu.memref_slice %arg8[%dma_wait3A_397, %dma_wait3A_401] : memref<20x512xi32, #tpu.memory_space<vmem>> -> memref<1x512xi32, #tpu.memory_space<vmem>>
    %dma_wait3A_403 = tpu.memref_squeeze %dma_wait3A_402 : memref<1x512xi32, #tpu.memory_space<vmem>> -> memref<512xi32, #tpu.memory_space<vmem>>
    %dma_wait3A_404 = arith.constant 0 : i32
    %dma_wait3A_405 = arith.constant 0 : i32
    %dma_wait3A_406 = tpu.memref_slice %arg10[%dma_wait3A_404, %dma_wait3A_405] : memref<10000x16xf32, #tpu.memory_space<vmem_shared>> -> memref<10000x16xf32, #tpu.memory_space<vmem_shared>>
    tpu.wait_indirect_dma semaphore(%arg18 : memref<!tpu.dma_semaphore, #tpu.memory_space<semaphore_mem>>) src(%dma_wait3A_400 : memref<512x16xf32, #tpu.memory_space<vmem>>) dst(%dma_wait3A_406 : memref<10000x16xf32, #tpu.memory_space<vmem_shared>>)
    %dma_start3A_407 = arith.constant 12 : i32
    %dma_start3A_408 = arith.constant 1024 : i32
    %dma_start3A_409 = arith.constant 0 : i32
    %dma_start3A_410 = tpu.memref_slice %arg9[%dma_start3A_408, %dma_start3A_409] : memref<2560x16xf32, #tpu.memory_space<vmem>> -> memref<512x16xf32, #tpu.memory_space<vmem>>
    %dma_start3A_411 = arith.constant 0 : i32
    %dma_start3A_412 = tpu.memref_slice %arg7[%dma_start3A_407, %dma_start3A_411] : memref<20x512xi32, #tpu.memory_space<vmem>> -> memref<1x512xi32, #tpu.memory_space<vmem>>
    %dma_start3A_413 = tpu.memref_squeeze %dma_start3A_412 : memref<1x512xi32, #tpu.memory_space<vmem>> -> memref<512xi32, #tpu.memory_space<vmem>>
    %dma_start3A_414 = arith.constant 0 : i32
    %dma_start3A_415 = arith.constant 0 : i32
    %dma_start3A_416 = tpu.memref_slice %arg4[%dma_start3A_414, %dma_start3A_415] : memref<10000x16xf32, #tpu.memory_space<hbm>> -> memref<10000x16xf32, #tpu.memory_space<hbm>>
    tpu.enqueue_indirect_dma source(%dma_start3A_416 : memref<10000x16xf32, #tpu.memory_space<hbm>>) target(%dma_start3A_410 : memref<512x16xf32, #tpu.memory_space<vmem>>) offsets(%dma_start3A_413 : memref<512xi32, #tpu.memory_space<vmem>>) semaphore(%arg11 : memref<!tpu.dma_semaphore, #tpu.memory_space<semaphore_mem>>)
    %dma_wait3A_417 = arith.constant 10 : i32
    %dma_wait3A_418 = arith.constant 0 : i32
    %dma_wait3A_419 = arith.constant 0 : i32
    %dma_wait3A_420 = tpu.memref_slice %arg9[%dma_wait3A_418, %dma_wait3A_419] : memref<2560x16xf32, #tpu.memory_space<vmem>> -> memref<512x16xf32, #tpu.memory_space<vmem>>
    %dma_wait3A_421 = arith.constant 0 : i32
    %dma_wait3A_422 = tpu.memref_slice %arg7[%dma_wait3A_417, %dma_wait3A_421] : memref<20x512xi32, #tpu.memory_space<vmem>> -> memref<1x512xi32, #tpu.memory_space<vmem>>
    %dma_wait3A_423 = tpu.memref_squeeze %dma_wait3A_422 : memref<1x512xi32, #tpu.memory_space<vmem>> -> memref<512xi32, #tpu.memory_space<vmem>>
    %dma_wait3A_424 = arith.constant 0 : i32
    %dma_wait3A_425 = arith.constant 0 : i32
    %dma_wait3A_426 = tpu.memref_slice %arg4[%dma_wait3A_424, %dma_wait3A_425] : memref<10000x16xf32, #tpu.memory_space<hbm>> -> memref<10000x16xf32, #tpu.memory_space<hbm>>
    tpu.wait_indirect_dma semaphore(%arg13 : memref<!tpu.dma_semaphore, #tpu.memory_space<semaphore_mem>>) src(%dma_wait3A_426 : memref<10000x16xf32, #tpu.memory_space<hbm>>) dst(%dma_wait3A_420 : memref<512x16xf32, #tpu.memory_space<vmem>>)
    %dma_start3A_427 = arith.constant 10 : i32
    %dma_start3A_428 = arith.constant 0 : i32
    %dma_start3A_429 = arith.constant 0 : i32
    %dma_start3A_430 = tpu.memref_slice %arg9[%dma_start3A_428, %dma_start3A_429] : memref<2560x16xf32, #tpu.memory_space<vmem>> -> memref<512x16xf32, #tpu.memory_space<vmem>>
    %dma_start3A_431 = arith.constant 0 : i32
    %dma_start3A_432 = tpu.memref_slice %arg8[%dma_start3A_427, %dma_start3A_431] : memref<20x512xi32, #tpu.memory_space<vmem>> -> memref<1x512xi32, #tpu.memory_space<vmem>>
    %dma_start3A_433 = tpu.memref_squeeze %dma_start3A_432 : memref<1x512xi32, #tpu.memory_space<vmem>> -> memref<512xi32, #tpu.memory_space<vmem>>
    %dma_start3A_434 = arith.constant 0 : i32
    %dma_start3A_435 = arith.constant 0 : i32
    %dma_start3A_436 = tpu.memref_slice %arg10[%dma_start3A_434, %dma_start3A_435] : memref<10000x16xf32, #tpu.memory_space<vmem_shared>> -> memref<10000x16xf32, #tpu.memory_space<vmem_shared>>
    tpu.enqueue_indirect_dma source(%dma_start3A_430 : memref<512x16xf32, #tpu.memory_space<vmem>>) target(%dma_start3A_436 : memref<10000x16xf32, #tpu.memory_space<vmem_shared>>) offsets(%dma_start3A_433 : memref<512xi32, #tpu.memory_space<vmem>>) semaphore(%arg17 : memref<!tpu.dma_semaphore, #tpu.memory_space<semaphore_mem>>) {add = true}
    %dma_wait3A_437 = arith.constant 8 : i32
    %dma_wait3A_438 = arith.constant 1536 : i32
    %dma_wait3A_439 = arith.constant 0 : i32
    %dma_wait3A_440 = tpu.memref_slice %arg9[%dma_wait3A_438, %dma_wait3A_439] : memref<2560x16xf32, #tpu.memory_space<vmem>> -> memref<512x16xf32, #tpu.memory_space<vmem>>
    %dma_wait3A_441 = arith.constant 0 : i32
    %dma_wait3A_442 = tpu.memref_slice %arg8[%dma_wait3A_437, %dma_wait3A_441] : memref<20x512xi32, #tpu.memory_space<vmem>> -> memref<1x512xi32, #tpu.memory_space<vmem>>
    %dma_wait3A_443 = tpu.memref_squeeze %dma_wait3A_442 : memref<1x512xi32, #tpu.memory_space<vmem>> -> memref<512xi32, #tpu.memory_space<vmem>>
    %dma_wait3A_444 = arith.constant 0 : i32
    %dma_wait3A_445 = arith.constant 0 : i32
    %dma_wait3A_446 = tpu.memref_slice %arg10[%dma_wait3A_444, %dma_wait3A_445] : memref<10000x16xf32, #tpu.memory_space<vmem_shared>> -> memref<10000x16xf32, #tpu.memory_space<vmem_shared>>
    tpu.wait_indirect_dma semaphore(%arg15 : memref<!tpu.dma_semaphore, #tpu.memory_space<semaphore_mem>>) src(%dma_wait3A_440 : memref<512x16xf32, #tpu.memory_space<vmem>>) dst(%dma_wait3A_446 : memref<10000x16xf32, #tpu.memory_space<vmem_shared>>)
    %dma_start3A_447 = arith.constant 13 : i32
    %dma_start3A_448 = arith.constant 1536 : i32
    %dma_start3A_449 = arith.constant 0 : i32
    %dma_start3A_450 = tpu.memref_slice %arg9[%dma_start3A_448, %dma_start3A_449] : memref<2560x16xf32, #tpu.memory_space<vmem>> -> memref<512x16xf32, #tpu.memory_space<vmem>>
    %dma_start3A_451 = arith.constant 0 : i32
    %dma_start3A_452 = tpu.memref_slice %arg7[%dma_start3A_447, %dma_start3A_451] : memref<20x512xi32, #tpu.memory_space<vmem>> -> memref<1x512xi32, #tpu.memory_space<vmem>>
    %dma_start3A_453 = tpu.memref_squeeze %dma_start3A_452 : memref<1x512xi32, #tpu.memory_space<vmem>> -> memref<512xi32, #tpu.memory_space<vmem>>
    %dma_start3A_454 = arith.constant 0 : i32
    %dma_start3A_455 = arith.constant 0 : i32
    %dma_start3A_456 = tpu.memref_slice %arg4[%dma_start3A_454, %dma_start3A_455] : memref<10000x16xf32, #tpu.memory_space<hbm>> -> memref<10000x16xf32, #tpu.memory_space<hbm>>
    tpu.enqueue_indirect_dma source(%dma_start3A_456 : memref<10000x16xf32, #tpu.memory_space<hbm>>) target(%dma_start3A_450 : memref<512x16xf32, #tpu.memory_space<vmem>>) offsets(%dma_start3A_453 : memref<512xi32, #tpu.memory_space<vmem>>) semaphore(%arg12 : memref<!tpu.dma_semaphore, #tpu.memory_space<semaphore_mem>>)
    %dma_wait3A_457 = arith.constant 11 : i32
    %dma_wait3A_458 = arith.constant 512 : i32
    %dma_wait3A_459 = arith.constant 0 : i32
    %dma_wait3A_460 = tpu.memref_slice %arg9[%dma_wait3A_458, %dma_wait3A_459] : memref<2560x16xf32, #tpu.memory_space<vmem>> -> memref<512x16xf32, #tpu.memory_space<vmem>>
    %dma_wait3A_461 = arith.constant 0 : i32
    %dma_wait3A_462 = tpu.memref_slice %arg7[%dma_wait3A_457, %dma_wait3A_461] : memref<20x512xi32, #tpu.memory_space<vmem>> -> memref<1x512xi32, #tpu.memory_space<vmem>>
    %dma_wait3A_463 = tpu.memref_squeeze %dma_wait3A_462 : memref<1x512xi32, #tpu.memory_space<vmem>> -> memref<512xi32, #tpu.memory_space<vmem>>
    %dma_wait3A_464 = arith.constant 0 : i32
    %dma_wait3A_465 = arith.constant 0 : i32
    %dma_wait3A_466 = tpu.memref_slice %arg4[%dma_wait3A_464, %dma_wait3A_465] : memref<10000x16xf32, #tpu.memory_space<hbm>> -> memref<10000x16xf32, #tpu.memory_space<hbm>>
    tpu.wait_indirect_dma semaphore(%arg14 : memref<!tpu.dma_semaphore, #tpu.memory_space<semaphore_mem>>) src(%dma_wait3A_466 : memref<10000x16xf32, #tpu.memory_space<hbm>>) dst(%dma_wait3A_460 : memref<512x16xf32, #tpu.memory_space<vmem>>)
    %dma_start3A_467 = arith.constant 11 : i32
    %dma_start3A_468 = arith.constant 512 : i32
    %dma_start3A_469 = arith.constant 0 : i32
    %dma_start3A_470 = tpu.memref_slice %arg9[%dma_start3A_468, %dma_start3A_469] : memref<2560x16xf32, #tpu.memory_space<vmem>> -> memref<512x16xf32, #tpu.memory_space<vmem>>
    %dma_start3A_471 = arith.constant 0 : i32
    %dma_start3A_472 = tpu.memref_slice %arg8[%dma_start3A_467, %dma_start3A_471] : memref<20x512xi32, #tpu.memory_space<vmem>> -> memref<1x512xi32, #tpu.memory_space<vmem>>
    %dma_start3A_473 = tpu.memref_squeeze %dma_start3A_472 : memref<1x512xi32, #tpu.memory_space<vmem>> -> memref<512xi32, #tpu.memory_space<vmem>>
    %dma_start3A_474 = arith.constant 0 : i32
    %dma_start3A_475 = arith.constant 0 : i32
    %dma_start3A_476 = tpu.memref_slice %arg10[%dma_start3A_474, %dma_start3A_475] : memref<10000x16xf32, #tpu.memory_space<vmem_shared>> -> memref<10000x16xf32, #tpu.memory_space<vmem_shared>>
    tpu.enqueue_indirect_dma source(%dma_start3A_470 : memref<512x16xf32, #tpu.memory_space<vmem>>) target(%dma_start3A_476 : memref<10000x16xf32, #tpu.memory_space<vmem_shared>>) offsets(%dma_start3A_473 : memref<512xi32, #tpu.memory_space<vmem>>) semaphore(%arg18 : memref<!tpu.dma_semaphore, #tpu.memory_space<semaphore_mem>>) {add = true}
    %dma_wait3A_477 = arith.constant 9 : i32
    %dma_wait3A_478 = arith.constant 2048 : i32
    %dma_wait3A_479 = arith.constant 0 : i32
    %dma_wait3A_480 = tpu.memref_slice %arg9[%dma_wait3A_478, %dma_wait3A_479] : memref<2560x16xf32, #tpu.memory_space<vmem>> -> memref<512x16xf32, #tpu.memory_space<vmem>>
    %dma_wait3A_481 = arith.constant 0 : i32
    %dma_wait3A_482 = tpu.memref_slice %arg8[%dma_wait3A_477, %dma_wait3A_481] : memref<20x512xi32, #tpu.memory_space<vmem>> -> memref<1x512xi32, #tpu.memory_space<vmem>>
    %dma_wait3A_483 = tpu.memref_squeeze %dma_wait3A_482 : memref<1x512xi32, #tpu.memory_space<vmem>> -> memref<512xi32, #tpu.memory_space<vmem>>
    %dma_wait3A_484 = arith.constant 0 : i32
    %dma_wait3A_485 = arith.constant 0 : i32
    %dma_wait3A_486 = tpu.memref_slice %arg10[%dma_wait3A_484, %dma_wait3A_485] : memref<10000x16xf32, #tpu.memory_space<vmem_shared>> -> memref<10000x16xf32, #tpu.memory_space<vmem_shared>>
    tpu.wait_indirect_dma semaphore(%arg16 : memref<!tpu.dma_semaphore, #tpu.memory_space<semaphore_mem>>) src(%dma_wait3A_480 : memref<512x16xf32, #tpu.memory_space<vmem>>) dst(%dma_wait3A_486 : memref<10000x16xf32, #tpu.memory_space<vmem_shared>>)
    %dma_start3A_487 = arith.constant 14 : i32
    %dma_start3A_488 = arith.constant 2048 : i32
    %dma_start3A_489 = arith.constant 0 : i32
    %dma_start3A_490 = tpu.memref_slice %arg9[%dma_start3A_488, %dma_start3A_489] : memref<2560x16xf32, #tpu.memory_space<vmem>> -> memref<512x16xf32, #tpu.memory_space<vmem>>
    %dma_start3A_491 = arith.constant 0 : i32
    %dma_start3A_492 = tpu.memref_slice %arg7[%dma_start3A_487, %dma_start3A_491] : memref<20x512xi32, #tpu.memory_space<vmem>> -> memref<1x512xi32, #tpu.memory_space<vmem>>
    %dma_start3A_493 = tpu.memref_squeeze %dma_start3A_492 : memref<1x512xi32, #tpu.memory_space<vmem>> -> memref<512xi32, #tpu.memory_space<vmem>>
    %dma_start3A_494 = arith.constant 0 : i32
    %dma_start3A_495 = arith.constant 0 : i32
    %dma_start3A_496 = tpu.memref_slice %arg4[%dma_start3A_494, %dma_start3A_495] : memref<10000x16xf32, #tpu.memory_space<hbm>> -> memref<10000x16xf32, #tpu.memory_space<hbm>>
    tpu.enqueue_indirect_dma source(%dma_start3A_496 : memref<10000x16xf32, #tpu.memory_space<hbm>>) target(%dma_start3A_490 : memref<512x16xf32, #tpu.memory_space<vmem>>) offsets(%dma_start3A_493 : memref<512xi32, #tpu.memory_space<vmem>>) semaphore(%arg13 : memref<!tpu.dma_semaphore, #tpu.memory_space<semaphore_mem>>)
    %dma_wait3A_497 = arith.constant 12 : i32
    %dma_wait3A_498 = arith.constant 1024 : i32
    %dma_wait3A_499 = arith.constant 0 : i32
    %dma_wait3A_500 = tpu.memref_slice %arg9[%dma_wait3A_498, %dma_wait3A_499] : memref<2560x16xf32, #tpu.memory_space<vmem>> -> memref<512x16xf32, #tpu.memory_space<vmem>>
    %dma_wait3A_501 = arith.constant 0 : i32
    %dma_wait3A_502 = tpu.memref_slice %arg7[%dma_wait3A_497, %dma_wait3A_501] : memref<20x512xi32, #tpu.memory_space<vmem>> -> memref<1x512xi32, #tpu.memory_space<vmem>>
    %dma_wait3A_503 = tpu.memref_squeeze %dma_wait3A_502 : memref<1x512xi32, #tpu.memory_space<vmem>> -> memref<512xi32, #tpu.memory_space<vmem>>
    %dma_wait3A_504 = arith.constant 0 : i32
    %dma_wait3A_505 = arith.constant 0 : i32
    %dma_wait3A_506 = tpu.memref_slice %arg4[%dma_wait3A_504, %dma_wait3A_505] : memref<10000x16xf32, #tpu.memory_space<hbm>> -> memref<10000x16xf32, #tpu.memory_space<hbm>>
    tpu.wait_indirect_dma semaphore(%arg11 : memref<!tpu.dma_semaphore, #tpu.memory_space<semaphore_mem>>) src(%dma_wait3A_506 : memref<10000x16xf32, #tpu.memory_space<hbm>>) dst(%dma_wait3A_500 : memref<512x16xf32, #tpu.memory_space<vmem>>)
    %dma_start3A_507 = arith.constant 12 : i32
    %dma_start3A_508 = arith.constant 1024 : i32
    %dma_start3A_509 = arith.constant 0 : i32
    %dma_start3A_510 = tpu.memref_slice %arg9[%dma_start3A_508, %dma_start3A_509] : memref<2560x16xf32, #tpu.memory_space<vmem>> -> memref<512x16xf32, #tpu.memory_space<vmem>>
    %dma_start3A_511 = arith.constant 0 : i32
    %dma_start3A_512 = tpu.memref_slice %arg8[%dma_start3A_507, %dma_start3A_511] : memref<20x512xi32, #tpu.memory_space<vmem>> -> memref<1x512xi32, #tpu.memory_space<vmem>>
    %dma_start3A_513 = tpu.memref_squeeze %dma_start3A_512 : memref<1x512xi32, #tpu.memory_space<vmem>> -> memref<512xi32, #tpu.memory_space<vmem>>
    %dma_start3A_514 = arith.constant 0 : i32
    %dma_start3A_515 = arith.constant 0 : i32
    %dma_start3A_516 = tpu.memref_slice %arg10[%dma_start3A_514, %dma_start3A_515] : memref<10000x16xf32, #tpu.memory_space<vmem_shared>> -> memref<10000x16xf32, #tpu.memory_space<vmem_shared>>
    tpu.enqueue_indirect_dma source(%dma_start3A_510 : memref<512x16xf32, #tpu.memory_space<vmem>>) target(%dma_start3A_516 : memref<10000x16xf32, #tpu.memory_space<vmem_shared>>) offsets(%dma_start3A_513 : memref<512xi32, #tpu.memory_space<vmem>>) semaphore(%arg15 : memref<!tpu.dma_semaphore, #tpu.memory_space<semaphore_mem>>) {add = true}
    %dma_wait3A_517 = arith.constant 10 : i32
    %dma_wait3A_518 = arith.constant 0 : i32
    %dma_wait3A_519 = arith.constant 0 : i32
    %dma_wait3A_520 = tpu.memref_slice %arg9[%dma_wait3A_518, %dma_wait3A_519] : memref<2560x16xf32, #tpu.memory_space<vmem>> -> memref<512x16xf32, #tpu.memory_space<vmem>>
    %dma_wait3A_521 = arith.constant 0 : i32
    %dma_wait3A_522 = tpu.memref_slice %arg8[%dma_wait3A_517, %dma_wait3A_521] : memref<20x512xi32, #tpu.memory_space<vmem>> -> memref<1x512xi32, #tpu.memory_space<vmem>>
    %dma_wait3A_523 = tpu.memref_squeeze %dma_wait3A_522 : memref<1x512xi32, #tpu.memory_space<vmem>> -> memref<512xi32, #tpu.memory_space<vmem>>
    %dma_wait3A_524 = arith.constant 0 : i32
    %dma_wait3A_525 = arith.constant 0 : i32
    %dma_wait3A_526 = tpu.memref_slice %arg10[%dma_wait3A_524, %dma_wait3A_525] : memref<10000x16xf32, #tpu.memory_space<vmem_shared>> -> memref<10000x16xf32, #tpu.memory_space<vmem_shared>>
    tpu.wait_indirect_dma semaphore(%arg17 : memref<!tpu.dma_semaphore, #tpu.memory_space<semaphore_mem>>) src(%dma_wait3A_520 : memref<512x16xf32, #tpu.memory_space<vmem>>) dst(%dma_wait3A_526 : memref<10000x16xf32, #tpu.memory_space<vmem_shared>>)
    %dma_start3A_527 = arith.constant 15 : i32
    %dma_start3A_528 = arith.constant 0 : i32
    %dma_start3A_529 = arith.constant 0 : i32
    %dma_start3A_530 = tpu.memref_slice %arg9[%dma_start3A_528, %dma_start3A_529] : memref<2560x16xf32, #tpu.memory_space<vmem>> -> memref<512x16xf32, #tpu.memory_space<vmem>>
    %dma_start3A_531 = arith.constant 0 : i32
    %dma_start3A_532 = tpu.memref_slice %arg7[%dma_start3A_527, %dma_start3A_531] : memref<20x512xi32, #tpu.memory_space<vmem>> -> memref<1x512xi32, #tpu.memory_space<vmem>>
    %dma_start3A_533 = tpu.memref_squeeze %dma_start3A_532 : memref<1x512xi32, #tpu.memory_space<vmem>> -> memref<512xi32, #tpu.memory_space<vmem>>
    %dma_start3A_534 = arith.constant 0 : i32
    %dma_start3A_535 = arith.constant 0 : i32
    %dma_start3A_536 = tpu.memref_slice %arg4[%dma_start3A_534, %dma_start3A_535] : memref<10000x16xf32, #tpu.memory_space<hbm>> -> memref<10000x16xf32, #tpu.memory_space<hbm>>
    tpu.enqueue_indirect_dma source(%dma_start3A_536 : memref<10000x16xf32, #tpu.memory_space<hbm>>) target(%dma_start3A_530 : memref<512x16xf32, #tpu.memory_space<vmem>>) offsets(%dma_start3A_533 : memref<512xi32, #tpu.memory_space<vmem>>) semaphore(%arg14 : memref<!tpu.dma_semaphore, #tpu.memory_space<semaphore_mem>>)
    %dma_wait3A_537 = arith.constant 13 : i32
    %dma_wait3A_538 = arith.constant 1536 : i32
    %dma_wait3A_539 = arith.constant 0 : i32
    %dma_wait3A_540 = tpu.memref_slice %arg9[%dma_wait3A_538, %dma_wait3A_539] : memref<2560x16xf32, #tpu.memory_space<vmem>> -> memref<512x16xf32, #tpu.memory_space<vmem>>
    %dma_wait3A_541 = arith.constant 0 : i32
    %dma_wait3A_542 = tpu.memref_slice %arg7[%dma_wait3A_537, %dma_wait3A_541] : memref<20x512xi32, #tpu.memory_space<vmem>> -> memref<1x512xi32, #tpu.memory_space<vmem>>
    %dma_wait3A_543 = tpu.memref_squeeze %dma_wait3A_542 : memref<1x512xi32, #tpu.memory_space<vmem>> -> memref<512xi32, #tpu.memory_space<vmem>>
    %dma_wait3A_544 = arith.constant 0 : i32
    %dma_wait3A_545 = arith.constant 0 : i32
    %dma_wait3A_546 = tpu.memref_slice %arg4[%dma_wait3A_544, %dma_wait3A_545] : memref<10000x16xf32, #tpu.memory_space<hbm>> -> memref<10000x16xf32, #tpu.memory_space<hbm>>
    tpu.wait_indirect_dma semaphore(%arg12 : memref<!tpu.dma_semaphore, #tpu.memory_space<semaphore_mem>>) src(%dma_wait3A_546 : memref<10000x16xf32, #tpu.memory_space<hbm>>) dst(%dma_wait3A_540 : memref<512x16xf32, #tpu.memory_space<vmem>>)
    %dma_start3A_547 = arith.constant 13 : i32
    %dma_start3A_548 = arith.constant 1536 : i32
    %dma_start3A_549 = arith.constant 0 : i32
    %dma_start3A_550 = tpu.memref_slice %arg9[%dma_start3A_548, %dma_start3A_549] : memref<2560x16xf32, #tpu.memory_space<vmem>> -> memref<512x16xf32, #tpu.memory_space<vmem>>
    %dma_start3A_551 = arith.constant 0 : i32
    %dma_start3A_552 = tpu.memref_slice %arg8[%dma_start3A_547, %dma_start3A_551] : memref<20x512xi32, #tpu.memory_space<vmem>> -> memref<1x512xi32, #tpu.memory_space<vmem>>
    %dma_start3A_553 = tpu.memref_squeeze %dma_start3A_552 : memref<1x512xi32, #tpu.memory_space<vmem>> -> memref<512xi32, #tpu.memory_space<vmem>>
    %dma_start3A_554 = arith.constant 0 : i32
    %dma_start3A_555 = arith.constant 0 : i32
    %dma_start3A_556 = tpu.memref_slice %arg10[%dma_start3A_554, %dma_start3A_555] : memref<10000x16xf32, #tpu.memory_space<vmem_shared>> -> memref<10000x16xf32, #tpu.memory_space<vmem_shared>>
    tpu.enqueue_indirect_dma source(%dma_start3A_550 : memref<512x16xf32, #tpu.memory_space<vmem>>) target(%dma_start3A_556 : memref<10000x16xf32, #tpu.memory_space<vmem_shared>>) offsets(%dma_start3A_553 : memref<512xi32, #tpu.memory_space<vmem>>) semaphore(%arg16 : memref<!tpu.dma_semaphore, #tpu.memory_space<semaphore_mem>>) {add = true}
    %dma_wait3A_557 = arith.constant 11 : i32
    %dma_wait3A_558 = arith.constant 512 : i32
    %dma_wait3A_559 = arith.constant 0 : i32
    %dma_wait3A_560 = tpu.memref_slice %arg9[%dma_wait3A_558, %dma_wait3A_559] : memref<2560x16xf32, #tpu.memory_space<vmem>> -> memref<512x16xf32, #tpu.memory_space<vmem>>
    %dma_wait3A_561 = arith.constant 0 : i32
    %dma_wait3A_562 = tpu.memref_slice %arg8[%dma_wait3A_557, %dma_wait3A_561] : memref<20x512xi32, #tpu.memory_space<vmem>> -> memref<1x512xi32, #tpu.memory_space<vmem>>
    %dma_wait3A_563 = tpu.memref_squeeze %dma_wait3A_562 : memref<1x512xi32, #tpu.memory_space<vmem>> -> memref<512xi32, #tpu.memory_space<vmem>>
    %dma_wait3A_564 = arith.constant 0 : i32
    %dma_wait3A_565 = arith.constant 0 : i32
    %dma_wait3A_566 = tpu.memref_slice %arg10[%dma_wait3A_564, %dma_wait3A_565] : memref<10000x16xf32, #tpu.memory_space<vmem_shared>> -> memref<10000x16xf32, #tpu.memory_space<vmem_shared>>
    tpu.wait_indirect_dma semaphore(%arg18 : memref<!tpu.dma_semaphore, #tpu.memory_space<semaphore_mem>>) src(%dma_wait3A_560 : memref<512x16xf32, #tpu.memory_space<vmem>>) dst(%dma_wait3A_566 : memref<10000x16xf32, #tpu.memory_space<vmem_shared>>)
    %dma_start3A_567 = arith.constant 16 : i32
    %dma_start3A_568 = arith.constant 512 : i32
    %dma_start3A_569 = arith.constant 0 : i32
    %dma_start3A_570 = tpu.memref_slice %arg9[%dma_start3A_568, %dma_start3A_569] : memref<2560x16xf32, #tpu.memory_space<vmem>> -> memref<512x16xf32, #tpu.memory_space<vmem>>
    %dma_start3A_571 = arith.constant 0 : i32
    %dma_start3A_572 = tpu.memref_slice %arg7[%dma_start3A_567, %dma_start3A_571] : memref<20x512xi32, #tpu.memory_space<vmem>> -> memref<1x512xi32, #tpu.memory_space<vmem>>
    %dma_start3A_573 = tpu.memref_squeeze %dma_start3A_572 : memref<1x512xi32, #tpu.memory_space<vmem>> -> memref<512xi32, #tpu.memory_space<vmem>>
    %dma_start3A_574 = arith.constant 0 : i32
    %dma_start3A_575 = arith.constant 0 : i32
    %dma_start3A_576 = tpu.memref_slice %arg4[%dma_start3A_574, %dma_start3A_575] : memref<10000x16xf32, #tpu.memory_space<hbm>> -> memref<10000x16xf32, #tpu.memory_space<hbm>>
    tpu.enqueue_indirect_dma source(%dma_start3A_576 : memref<10000x16xf32, #tpu.memory_space<hbm>>) target(%dma_start3A_570 : memref<512x16xf32, #tpu.memory_space<vmem>>) offsets(%dma_start3A_573 : memref<512xi32, #tpu.memory_space<vmem>>) semaphore(%arg11 : memref<!tpu.dma_semaphore, #tpu.memory_space<semaphore_mem>>)
    %dma_wait3A_577 = arith.constant 14 : i32
    %dma_wait3A_578 = arith.constant 2048 : i32
    %dma_wait3A_579 = arith.constant 0 : i32
    %dma_wait3A_580 = tpu.memref_slice %arg9[%dma_wait3A_578, %dma_wait3A_579] : memref<2560x16xf32, #tpu.memory_space<vmem>> -> memref<512x16xf32, #tpu.memory_space<vmem>>
    %dma_wait3A_581 = arith.constant 0 : i32
    %dma_wait3A_582 = tpu.memref_slice %arg7[%dma_wait3A_577, %dma_wait3A_581] : memref<20x512xi32, #tpu.memory_space<vmem>> -> memref<1x512xi32, #tpu.memory_space<vmem>>
    %dma_wait3A_583 = tpu.memref_squeeze %dma_wait3A_582 : memref<1x512xi32, #tpu.memory_space<vmem>> -> memref<512xi32, #tpu.memory_space<vmem>>
    %dma_wait3A_584 = arith.constant 0 : i32
    %dma_wait3A_585 = arith.constant 0 : i32
    %dma_wait3A_586 = tpu.memref_slice %arg4[%dma_wait3A_584, %dma_wait3A_585] : memref<10000x16xf32, #tpu.memory_space<hbm>> -> memref<10000x16xf32, #tpu.memory_space<hbm>>
    tpu.wait_indirect_dma semaphore(%arg13 : memref<!tpu.dma_semaphore, #tpu.memory_space<semaphore_mem>>) src(%dma_wait3A_586 : memref<10000x16xf32, #tpu.memory_space<hbm>>) dst(%dma_wait3A_580 : memref<512x16xf32, #tpu.memory_space<vmem>>)
    %dma_start3A_587 = arith.constant 14 : i32
    %dma_start3A_588 = arith.constant 2048 : i32
    %dma_start3A_589 = arith.constant 0 : i32
    %dma_start3A_590 = tpu.memref_slice %arg9[%dma_start3A_588, %dma_start3A_589] : memref<2560x16xf32, #tpu.memory_space<vmem>> -> memref<512x16xf32, #tpu.memory_space<vmem>>
    %dma_start3A_591 = arith.constant 0 : i32
    %dma_start3A_592 = tpu.memref_slice %arg8[%dma_start3A_587, %dma_start3A_591] : memref<20x512xi32, #tpu.memory_space<vmem>> -> memref<1x512xi32, #tpu.memory_space<vmem>>
    %dma_start3A_593 = tpu.memref_squeeze %dma_start3A_592 : memref<1x512xi32, #tpu.memory_space<vmem>> -> memref<512xi32, #tpu.memory_space<vmem>>
    %dma_start3A_594 = arith.constant 0 : i32
    %dma_start3A_595 = arith.constant 0 : i32
    %dma_start3A_596 = tpu.memref_slice %arg10[%dma_start3A_594, %dma_start3A_595] : memref<10000x16xf32, #tpu.memory_space<vmem_shared>> -> memref<10000x16xf32, #tpu.memory_space<vmem_shared>>
    tpu.enqueue_indirect_dma source(%dma_start3A_590 : memref<512x16xf32, #tpu.memory_space<vmem>>) target(%dma_start3A_596 : memref<10000x16xf32, #tpu.memory_space<vmem_shared>>) offsets(%dma_start3A_593 : memref<512xi32, #tpu.memory_space<vmem>>) semaphore(%arg17 : memref<!tpu.dma_semaphore, #tpu.memory_space<semaphore_mem>>) {add = true}
    %dma_wait3A_597 = arith.constant 12 : i32
    %dma_wait3A_598 = arith.constant 1024 : i32
    %dma_wait3A_599 = arith.constant 0 : i32
    %dma_wait3A_600 = tpu.memref_slice %arg9[%dma_wait3A_598, %dma_wait3A_599] : memref<2560x16xf32, #tpu.memory_space<vmem>> -> memref<512x16xf32, #tpu.memory_space<vmem>>
    %dma_wait3A_601 = arith.constant 0 : i32
    %dma_wait3A_602 = tpu.memref_slice %arg8[%dma_wait3A_597, %dma_wait3A_601] : memref<20x512xi32, #tpu.memory_space<vmem>> -> memref<1x512xi32, #tpu.memory_space<vmem>>
    %dma_wait3A_603 = tpu.memref_squeeze %dma_wait3A_602 : memref<1x512xi32, #tpu.memory_space<vmem>> -> memref<512xi32, #tpu.memory_space<vmem>>
    %dma_wait3A_604 = arith.constant 0 : i32
    %dma_wait3A_605 = arith.constant 0 : i32
    %dma_wait3A_606 = tpu.memref_slice %arg10[%dma_wait3A_604, %dma_wait3A_605] : memref<10000x16xf32, #tpu.memory_space<vmem_shared>> -> memref<10000x16xf32, #tpu.memory_space<vmem_shared>>
    tpu.wait_indirect_dma semaphore(%arg15 : memref<!tpu.dma_semaphore, #tpu.memory_space<semaphore_mem>>) src(%dma_wait3A_600 : memref<512x16xf32, #tpu.memory_space<vmem>>) dst(%dma_wait3A_606 : memref<10000x16xf32, #tpu.memory_space<vmem_shared>>)
    %dma_start3A_607 = arith.constant 17 : i32
    %dma_start3A_608 = arith.constant 1024 : i32
    %dma_start3A_609 = arith.constant 0 : i32
    %dma_start3A_610 = tpu.memref_slice %arg9[%dma_start3A_608, %dma_start3A_609] : memref<2560x16xf32, #tpu.memory_space<vmem>> -> memref<512x16xf32, #tpu.memory_space<vmem>>
    %dma_start3A_611 = arith.constant 0 : i32
    %dma_start3A_612 = tpu.memref_slice %arg7[%dma_start3A_607, %dma_start3A_611] : memref<20x512xi32, #tpu.memory_space<vmem>> -> memref<1x512xi32, #tpu.memory_space<vmem>>
    %dma_start3A_613 = tpu.memref_squeeze %dma_start3A_612 : memref<1x512xi32, #tpu.memory_space<vmem>> -> memref<512xi32, #tpu.memory_space<vmem>>
    %dma_start3A_614 = arith.constant 0 : i32
    %dma_start3A_615 = arith.constant 0 : i32
    %dma_start3A_616 = tpu.memref_slice %arg4[%dma_start3A_614, %dma_start3A_615] : memref<10000x16xf32, #tpu.memory_space<hbm>> -> memref<10000x16xf32, #tpu.memory_space<hbm>>
    tpu.enqueue_indirect_dma source(%dma_start3A_616 : memref<10000x16xf32, #tpu.memory_space<hbm>>) target(%dma_start3A_610 : memref<512x16xf32, #tpu.memory_space<vmem>>) offsets(%dma_start3A_613 : memref<512xi32, #tpu.memory_space<vmem>>) semaphore(%arg12 : memref<!tpu.dma_semaphore, #tpu.memory_space<semaphore_mem>>)
    %dma_wait3A_617 = arith.constant 15 : i32
    %dma_wait3A_618 = arith.constant 0 : i32
    %dma_wait3A_619 = arith.constant 0 : i32
    %dma_wait3A_620 = tpu.memref_slice %arg9[%dma_wait3A_618, %dma_wait3A_619] : memref<2560x16xf32, #tpu.memory_space<vmem>> -> memref<512x16xf32, #tpu.memory_space<vmem>>
    %dma_wait3A_621 = arith.constant 0 : i32
    %dma_wait3A_622 = tpu.memref_slice %arg7[%dma_wait3A_617, %dma_wait3A_621] : memref<20x512xi32, #tpu.memory_space<vmem>> -> memref<1x512xi32, #tpu.memory_space<vmem>>
    %dma_wait3A_623 = tpu.memref_squeeze %dma_wait3A_622 : memref<1x512xi32, #tpu.memory_space<vmem>> -> memref<512xi32, #tpu.memory_space<vmem>>
    %dma_wait3A_624 = arith.constant 0 : i32
    %dma_wait3A_625 = arith.constant 0 : i32
    %dma_wait3A_626 = tpu.memref_slice %arg4[%dma_wait3A_624, %dma_wait3A_625] : memref<10000x16xf32, #tpu.memory_space<hbm>> -> memref<10000x16xf32, #tpu.memory_space<hbm>>
    tpu.wait_indirect_dma semaphore(%arg14 : memref<!tpu.dma_semaphore, #tpu.memory_space<semaphore_mem>>) src(%dma_wait3A_626 : memref<10000x16xf32, #tpu.memory_space<hbm>>) dst(%dma_wait3A_620 : memref<512x16xf32, #tpu.memory_space<vmem>>)
    %dma_start3A_627 = arith.constant 15 : i32
    %dma_start3A_628 = arith.constant 0 : i32
    %dma_start3A_629 = arith.constant 0 : i32
    %dma_start3A_630 = tpu.memref_slice %arg9[%dma_start3A_628, %dma_start3A_629] : memref<2560x16xf32, #tpu.memory_space<vmem>> -> memref<512x16xf32, #tpu.memory_space<vmem>>
    %dma_start3A_631 = arith.constant 0 : i32
    %dma_start3A_632 = tpu.memref_slice %arg8[%dma_start3A_627, %dma_start3A_631] : memref<20x512xi32, #tpu.memory_space<vmem>> -> memref<1x512xi32, #tpu.memory_space<vmem>>
    %dma_start3A_633 = tpu.memref_squeeze %dma_start3A_632 : memref<1x512xi32, #tpu.memory_space<vmem>> -> memref<512xi32, #tpu.memory_space<vmem>>
    %dma_start3A_634 = arith.constant 0 : i32
    %dma_start3A_635 = arith.constant 0 : i32
    %dma_start3A_636 = tpu.memref_slice %arg10[%dma_start3A_634, %dma_start3A_635] : memref<10000x16xf32, #tpu.memory_space<vmem_shared>> -> memref<10000x16xf32, #tpu.memory_space<vmem_shared>>
    tpu.enqueue_indirect_dma source(%dma_start3A_630 : memref<512x16xf32, #tpu.memory_space<vmem>>) target(%dma_start3A_636 : memref<10000x16xf32, #tpu.memory_space<vmem_shared>>) offsets(%dma_start3A_633 : memref<512xi32, #tpu.memory_space<vmem>>) semaphore(%arg18 : memref<!tpu.dma_semaphore, #tpu.memory_space<semaphore_mem>>) {add = true}
    %dma_wait3A_637 = arith.constant 13 : i32
    %dma_wait3A_638 = arith.constant 1536 : i32
    %dma_wait3A_639 = arith.constant 0 : i32
    %dma_wait3A_640 = tpu.memref_slice %arg9[%dma_wait3A_638, %dma_wait3A_639] : memref<2560x16xf32, #tpu.memory_space<vmem>> -> memref<512x16xf32, #tpu.memory_space<vmem>>
    %dma_wait3A_641 = arith.constant 0 : i32
    %dma_wait3A_642 = tpu.memref_slice %arg8[%dma_wait3A_637, %dma_wait3A_641] : memref<20x512xi32, #tpu.memory_space<vmem>> -> memref<1x512xi32, #tpu.memory_space<vmem>>
    %dma_wait3A_643 = tpu.memref_squeeze %dma_wait3A_642 : memref<1x512xi32, #tpu.memory_space<vmem>> -> memref<512xi32, #tpu.memory_space<vmem>>
    %dma_wait3A_644 = arith.constant 0 : i32
    %dma_wait3A_645 = arith.constant 0 : i32
    %dma_wait3A_646 = tpu.memref_slice %arg10[%dma_wait3A_644, %dma_wait3A_645] : memref<10000x16xf32, #tpu.memory_space<vmem_shared>> -> memref<10000x16xf32, #tpu.memory_space<vmem_shared>>
    tpu.wait_indirect_dma semaphore(%arg16 : memref<!tpu.dma_semaphore, #tpu.memory_space<semaphore_mem>>) src(%dma_wait3A_640 : memref<512x16xf32, #tpu.memory_space<vmem>>) dst(%dma_wait3A_646 : memref<10000x16xf32, #tpu.memory_space<vmem_shared>>)
    %dma_start3A_647 = arith.constant 18 : i32
    %dma_start3A_648 = arith.constant 1536 : i32
    %dma_start3A_649 = arith.constant 0 : i32
    %dma_start3A_650 = tpu.memref_slice %arg9[%dma_start3A_648, %dma_start3A_649] : memref<2560x16xf32, #tpu.memory_space<vmem>> -> memref<512x16xf32, #tpu.memory_space<vmem>>
    %dma_start3A_651 = arith.constant 0 : i32
    %dma_start3A_652 = tpu.memref_slice %arg7[%dma_start3A_647, %dma_start3A_651] : memref<20x512xi32, #tpu.memory_space<vmem>> -> memref<1x512xi32, #tpu.memory_space<vmem>>
    %dma_start3A_653 = tpu.memref_squeeze %dma_start3A_652 : memref<1x512xi32, #tpu.memory_space<vmem>> -> memref<512xi32, #tpu.memory_space<vmem>>
    %dma_start3A_654 = arith.constant 0 : i32
    %dma_start3A_655 = arith.constant 0 : i32
    %dma_start3A_656 = tpu.memref_slice %arg4[%dma_start3A_654, %dma_start3A_655] : memref<10000x16xf32, #tpu.memory_space<hbm>> -> memref<10000x16xf32, #tpu.memory_space<hbm>>
    tpu.enqueue_indirect_dma source(%dma_start3A_656 : memref<10000x16xf32, #tpu.memory_space<hbm>>) target(%dma_start3A_650 : memref<512x16xf32, #tpu.memory_space<vmem>>) offsets(%dma_start3A_653 : memref<512xi32, #tpu.memory_space<vmem>>) semaphore(%arg13 : memref<!tpu.dma_semaphore, #tpu.memory_space<semaphore_mem>>)
    %dma_wait3A_657 = arith.constant 16 : i32
    %dma_wait3A_658 = arith.constant 512 : i32
    %dma_wait3A_659 = arith.constant 0 : i32
    %dma_wait3A_660 = tpu.memref_slice %arg9[%dma_wait3A_658, %dma_wait3A_659] : memref<2560x16xf32, #tpu.memory_space<vmem>> -> memref<512x16xf32, #tpu.memory_space<vmem>>
    %dma_wait3A_661 = arith.constant 0 : i32
    %dma_wait3A_662 = tpu.memref_slice %arg7[%dma_wait3A_657, %dma_wait3A_661] : memref<20x512xi32, #tpu.memory_space<vmem>> -> memref<1x512xi32, #tpu.memory_space<vmem>>
    %dma_wait3A_663 = tpu.memref_squeeze %dma_wait3A_662 : memref<1x512xi32, #tpu.memory_space<vmem>> -> memref<512xi32, #tpu.memory_space<vmem>>
    %dma_wait3A_664 = arith.constant 0 : i32
    %dma_wait3A_665 = arith.constant 0 : i32
    %dma_wait3A_666 = tpu.memref_slice %arg4[%dma_wait3A_664, %dma_wait3A_665] : memref<10000x16xf32, #tpu.memory_space<hbm>> -> memref<10000x16xf32, #tpu.memory_space<hbm>>
    tpu.wait_indirect_dma semaphore(%arg11 : memref<!tpu.dma_semaphore, #tpu.memory_space<semaphore_mem>>) src(%dma_wait3A_666 : memref<10000x16xf32, #tpu.memory_space<hbm>>) dst(%dma_wait3A_660 : memref<512x16xf32, #tpu.memory_space<vmem>>)
    %dma_start3A_667 = arith.constant 16 : i32
    %dma_start3A_668 = arith.constant 512 : i32
    %dma_start3A_669 = arith.constant 0 : i32
    %dma_start3A_670 = tpu.memref_slice %arg9[%dma_start3A_668, %dma_start3A_669] : memref<2560x16xf32, #tpu.memory_space<vmem>> -> memref<512x16xf32, #tpu.memory_space<vmem>>
    %dma_start3A_671 = arith.constant 0 : i32
    %dma_start3A_672 = tpu.memref_slice %arg8[%dma_start3A_667, %dma_start3A_671] : memref<20x512xi32, #tpu.memory_space<vmem>> -> memref<1x512xi32, #tpu.memory_space<vmem>>
    %dma_start3A_673 = tpu.memref_squeeze %dma_start3A_672 : memref<1x512xi32, #tpu.memory_space<vmem>> -> memref<512xi32, #tpu.memory_space<vmem>>
    %dma_start3A_674 = arith.constant 0 : i32
    %dma_start3A_675 = arith.constant 0 : i32
    %dma_start3A_676 = tpu.memref_slice %arg10[%dma_start3A_674, %dma_start3A_675] : memref<10000x16xf32, #tpu.memory_space<vmem_shared>> -> memref<10000x16xf32, #tpu.memory_space<vmem_shared>>
    tpu.enqueue_indirect_dma source(%dma_start3A_670 : memref<512x16xf32, #tpu.memory_space<vmem>>) target(%dma_start3A_676 : memref<10000x16xf32, #tpu.memory_space<vmem_shared>>) offsets(%dma_start3A_673 : memref<512xi32, #tpu.memory_space<vmem>>) semaphore(%arg15 : memref<!tpu.dma_semaphore, #tpu.memory_space<semaphore_mem>>) {add = true}
    %dma_wait3A_677 = arith.constant 14 : i32
    %dma_wait3A_678 = arith.constant 2048 : i32
    %dma_wait3A_679 = arith.constant 0 : i32
    %dma_wait3A_680 = tpu.memref_slice %arg9[%dma_wait3A_678, %dma_wait3A_679] : memref<2560x16xf32, #tpu.memory_space<vmem>> -> memref<512x16xf32, #tpu.memory_space<vmem>>
    %dma_wait3A_681 = arith.constant 0 : i32
    %dma_wait3A_682 = tpu.memref_slice %arg8[%dma_wait3A_677, %dma_wait3A_681] : memref<20x512xi32, #tpu.memory_space<vmem>> -> memref<1x512xi32, #tpu.memory_space<vmem>>
    %dma_wait3A_683 = tpu.memref_squeeze %dma_wait3A_682 : memref<1x512xi32, #tpu.memory_space<vmem>> -> memref<512xi32, #tpu.memory_space<vmem>>
    %dma_wait3A_684 = arith.constant 0 : i32
    %dma_wait3A_685 = arith.constant 0 : i32
    %dma_wait3A_686 = tpu.memref_slice %arg10[%dma_wait3A_684, %dma_wait3A_685] : memref<10000x16xf32, #tpu.memory_space<vmem_shared>> -> memref<10000x16xf32, #tpu.memory_space<vmem_shared>>
    tpu.wait_indirect_dma semaphore(%arg17 : memref<!tpu.dma_semaphore, #tpu.memory_space<semaphore_mem>>) src(%dma_wait3A_680 : memref<512x16xf32, #tpu.memory_space<vmem>>) dst(%dma_wait3A_686 : memref<10000x16xf32, #tpu.memory_space<vmem_shared>>)
    %dma_wait3A_687 = arith.constant 17 : i32
    %dma_wait3A_688 = arith.constant 1024 : i32
    %dma_wait3A_689 = arith.constant 0 : i32
    %dma_wait3A_690 = tpu.memref_slice %arg9[%dma_wait3A_688, %dma_wait3A_689] : memref<2560x16xf32, #tpu.memory_space<vmem>> -> memref<512x16xf32, #tpu.memory_space<vmem>>
    %dma_wait3A_691 = arith.constant 0 : i32
    %dma_wait3A_692 = tpu.memref_slice %arg7[%dma_wait3A_687, %dma_wait3A_691] : memref<20x512xi32, #tpu.memory_space<vmem>> -> memref<1x512xi32, #tpu.memory_space<vmem>>
    %dma_wait3A_693 = tpu.memref_squeeze %dma_wait3A_692 : memref<1x512xi32, #tpu.memory_space<vmem>> -> memref<512xi32, #tpu.memory_space<vmem>>
    %dma_wait3A_694 = arith.constant 0 : i32
    %dma_wait3A_695 = arith.constant 0 : i32
    %dma_wait3A_696 = tpu.memref_slice %arg4[%dma_wait3A_694, %dma_wait3A_695] : memref<10000x16xf32, #tpu.memory_space<hbm>> -> memref<10000x16xf32, #tpu.memory_space<hbm>>
    tpu.wait_indirect_dma semaphore(%arg12 : memref<!tpu.dma_semaphore, #tpu.memory_space<semaphore_mem>>) src(%dma_wait3A_696 : memref<10000x16xf32, #tpu.memory_space<hbm>>) dst(%dma_wait3A_690 : memref<512x16xf32, #tpu.memory_space<vmem>>)
    %dma_start3A_697 = arith.constant 17 : i32
    %dma_start3A_698 = arith.constant 1024 : i32
    %dma_start3A_699 = arith.constant 0 : i32
    %dma_start3A_700 = tpu.memref_slice %arg9[%dma_start3A_698, %dma_start3A_699] : memref<2560x16xf32, #tpu.memory_space<vmem>> -> memref<512x16xf32, #tpu.memory_space<vmem>>
    %dma_start3A_701 = arith.constant 0 : i32
    %dma_start3A_702 = tpu.memref_slice %arg8[%dma_start3A_697, %dma_start3A_701] : memref<20x512xi32, #tpu.memory_space<vmem>> -> memref<1x512xi32, #tpu.memory_space<vmem>>
    %dma_start3A_703 = tpu.memref_squeeze %dma_start3A_702 : memref<1x512xi32, #tpu.memory_space<vmem>> -> memref<512xi32, #tpu.memory_space<vmem>>
    %dma_start3A_704 = arith.constant 0 : i32
    %dma_start3A_705 = arith.constant 0 : i32
    %dma_start3A_706 = tpu.memref_slice %arg10[%dma_start3A_704, %dma_start3A_705] : memref<10000x16xf32, #tpu.memory_space<vmem_shared>> -> memref<10000x16xf32, #tpu.memory_space<vmem_shared>>
    tpu.enqueue_indirect_dma source(%dma_start3A_700 : memref<512x16xf32, #tpu.memory_space<vmem>>) target(%dma_start3A_706 : memref<10000x16xf32, #tpu.memory_space<vmem_shared>>) offsets(%dma_start3A_703 : memref<512xi32, #tpu.memory_space<vmem>>) semaphore(%arg16 : memref<!tpu.dma_semaphore, #tpu.memory_space<semaphore_mem>>) {add = true}
    %dma_wait3A_707 = arith.constant 15 : i32
    %dma_wait3A_708 = arith.constant 0 : i32
    %dma_wait3A_709 = arith.constant 0 : i32
    %dma_wait3A_710 = tpu.memref_slice %arg9[%dma_wait3A_708, %dma_wait3A_709] : memref<2560x16xf32, #tpu.memory_space<vmem>> -> memref<512x16xf32, #tpu.memory_space<vmem>>
    %dma_wait3A_711 = arith.constant 0 : i32
    %dma_wait3A_712 = tpu.memref_slice %arg8[%dma_wait3A_707, %dma_wait3A_711] : memref<20x512xi32, #tpu.memory_space<vmem>> -> memref<1x512xi32, #tpu.memory_space<vmem>>
    %dma_wait3A_713 = tpu.memref_squeeze %dma_wait3A_712 : memref<1x512xi32, #tpu.memory_space<vmem>> -> memref<512xi32, #tpu.memory_space<vmem>>
    %dma_wait3A_714 = arith.constant 0 : i32
    %dma_wait3A_715 = arith.constant 0 : i32
    %dma_wait3A_716 = tpu.memref_slice %arg10[%dma_wait3A_714, %dma_wait3A_715] : memref<10000x16xf32, #tpu.memory_space<vmem_shared>> -> memref<10000x16xf32, #tpu.memory_space<vmem_shared>>
    tpu.wait_indirect_dma semaphore(%arg18 : memref<!tpu.dma_semaphore, #tpu.memory_space<semaphore_mem>>) src(%dma_wait3A_710 : memref<512x16xf32, #tpu.memory_space<vmem>>) dst(%dma_wait3A_716 : memref<10000x16xf32, #tpu.memory_space<vmem_shared>>)
    %dma_wait3A_717 = arith.constant 18 : i32
    %dma_wait3A_718 = arith.constant 1536 : i32
    %dma_wait3A_719 = arith.constant 0 : i32
    %dma_wait3A_720 = tpu.memref_slice %arg9[%dma_wait3A_718, %dma_wait3A_719] : memref<2560x16xf32, #tpu.memory_space<vmem>> -> memref<512x16xf32, #tpu.memory_space<vmem>>
    %dma_wait3A_721 = arith.constant 0 : i32
    %dma_wait3A_722 = tpu.memref_slice %arg7[%dma_wait3A_717, %dma_wait3A_721] : memref<20x512xi32, #tpu.memory_space<vmem>> -> memref<1x512xi32, #tpu.memory_space<vmem>>
    %dma_wait3A_723 = tpu.memref_squeeze %dma_wait3A_722 : memref<1x512xi32, #tpu.memory_space<vmem>> -> memref<512xi32, #tpu.memory_space<vmem>>
    %dma_wait3A_724 = arith.constant 0 : i32
    %dma_wait3A_725 = arith.constant 0 : i32
    %dma_wait3A_726 = tpu.memref_slice %arg4[%dma_wait3A_724, %dma_wait3A_725] : memref<10000x16xf32, #tpu.memory_space<hbm>> -> memref<10000x16xf32, #tpu.memory_space<hbm>>
    tpu.wait_indirect_dma semaphore(%arg13 : memref<!tpu.dma_semaphore, #tpu.memory_space<semaphore_mem>>) src(%dma_wait3A_726 : memref<10000x16xf32, #tpu.memory_space<hbm>>) dst(%dma_wait3A_720 : memref<512x16xf32, #tpu.memory_space<vmem>>)
    %dma_start3A_727 = arith.constant 18 : i32
    %dma_start3A_728 = arith.constant 1536 : i32
    %dma_start3A_729 = arith.constant 0 : i32
    %dma_start3A_730 = tpu.memref_slice %arg9[%dma_start3A_728, %dma_start3A_729] : memref<2560x16xf32, #tpu.memory_space<vmem>> -> memref<512x16xf32, #tpu.memory_space<vmem>>
    %dma_start3A_731 = arith.constant 0 : i32
    %dma_start3A_732 = tpu.memref_slice %arg8[%dma_start3A_727, %dma_start3A_731] : memref<20x512xi32, #tpu.memory_space<vmem>> -> memref<1x512xi32, #tpu.memory_space<vmem>>
    %dma_start3A_733 = tpu.memref_squeeze %dma_start3A_732 : memref<1x512xi32, #tpu.memory_space<vmem>> -> memref<512xi32, #tpu.memory_space<vmem>>
    %dma_start3A_734 = arith.constant 0 : i32
    %dma_start3A_735 = arith.constant 0 : i32
    %dma_start3A_736 = tpu.memref_slice %arg10[%dma_start3A_734, %dma_start3A_735] : memref<10000x16xf32, #tpu.memory_space<vmem_shared>> -> memref<10000x16xf32, #tpu.memory_space<vmem_shared>>
    tpu.enqueue_indirect_dma source(%dma_start3A_730 : memref<512x16xf32, #tpu.memory_space<vmem>>) target(%dma_start3A_736 : memref<10000x16xf32, #tpu.memory_space<vmem_shared>>) offsets(%dma_start3A_733 : memref<512xi32, #tpu.memory_space<vmem>>) semaphore(%arg17 : memref<!tpu.dma_semaphore, #tpu.memory_space<semaphore_mem>>) {add = true}
    %dma_wait3A_737 = arith.constant 16 : i32
    %dma_wait3A_738 = arith.constant 512 : i32
    %dma_wait3A_739 = arith.constant 0 : i32
    %dma_wait3A_740 = tpu.memref_slice %arg9[%dma_wait3A_738, %dma_wait3A_739] : memref<2560x16xf32, #tpu.memory_space<vmem>> -> memref<512x16xf32, #tpu.memory_space<vmem>>
    %dma_wait3A_741 = arith.constant 0 : i32
    %dma_wait3A_742 = tpu.memref_slice %arg8[%dma_wait3A_737, %dma_wait3A_741] : memref<20x512xi32, #tpu.memory_space<vmem>> -> memref<1x512xi32, #tpu.memory_space<vmem>>
    %dma_wait3A_743 = tpu.memref_squeeze %dma_wait3A_742 : memref<1x512xi32, #tpu.memory_space<vmem>> -> memref<512xi32, #tpu.memory_space<vmem>>
    %dma_wait3A_744 = arith.constant 0 : i32
    %dma_wait3A_745 = arith.constant 0 : i32
    %dma_wait3A_746 = tpu.memref_slice %arg10[%dma_wait3A_744, %dma_wait3A_745] : memref<10000x16xf32, #tpu.memory_space<vmem_shared>> -> memref<10000x16xf32, #tpu.memory_space<vmem_shared>>
    tpu.wait_indirect_dma semaphore(%arg15 : memref<!tpu.dma_semaphore, #tpu.memory_space<semaphore_mem>>) src(%dma_wait3A_740 : memref<512x16xf32, #tpu.memory_space<vmem>>) dst(%dma_wait3A_746 : memref<10000x16xf32, #tpu.memory_space<vmem_shared>>)
    %dma_wait3A_747 = arith.constant 17 : i32
    %dma_wait3A_748 = arith.constant 1024 : i32
    %dma_wait3A_749 = arith.constant 0 : i32
    %dma_wait3A_750 = tpu.memref_slice %arg9[%dma_wait3A_748, %dma_wait3A_749] : memref<2560x16xf32, #tpu.memory_space<vmem>> -> memref<512x16xf32, #tpu.memory_space<vmem>>
    %dma_wait3A_751 = arith.constant 0 : i32
    %dma_wait3A_752 = tpu.memref_slice %arg8[%dma_wait3A_747, %dma_wait3A_751] : memref<20x512xi32, #tpu.memory_space<vmem>> -> memref<1x512xi32, #tpu.memory_space<vmem>>
    %dma_wait3A_753 = tpu.memref_squeeze %dma_wait3A_752 : memref<1x512xi32, #tpu.memory_space<vmem>> -> memref<512xi32, #tpu.memory_space<vmem>>
    %dma_wait3A_754 = arith.constant 0 : i32
    %dma_wait3A_755 = arith.constant 0 : i32
    %dma_wait3A_756 = tpu.memref_slice %arg10[%dma_wait3A_754, %dma_wait3A_755] : memref<10000x16xf32, #tpu.memory_space<vmem_shared>> -> memref<10000x16xf32, #tpu.memory_space<vmem_shared>>
    tpu.wait_indirect_dma semaphore(%arg16 : memref<!tpu.dma_semaphore, #tpu.memory_space<semaphore_mem>>) src(%dma_wait3A_750 : memref<512x16xf32, #tpu.memory_space<vmem>>) dst(%dma_wait3A_756 : memref<10000x16xf32, #tpu.memory_space<vmem_shared>>)
    %dma_wait3A_757 = arith.constant 18 : i32
    %dma_wait3A_758 = arith.constant 1536 : i32
    %dma_wait3A_759 = arith.constant 0 : i32
    %dma_wait3A_760 = tpu.memref_slice %arg9[%dma_wait3A_758, %dma_wait3A_759] : memref<2560x16xf32, #tpu.memory_space<vmem>> -> memref<512x16xf32, #tpu.memory_space<vmem>>
    %dma_wait3A_761 = arith.constant 0 : i32
    %dma_wait3A_762 = tpu.memref_slice %arg8[%dma_wait3A_757, %dma_wait3A_761] : memref<20x512xi32, #tpu.memory_space<vmem>> -> memref<1x512xi32, #tpu.memory_space<vmem>>
    %dma_wait3A_763 = tpu.memref_squeeze %dma_wait3A_762 : memref<1x512xi32, #tpu.memory_space<vmem>> -> memref<512xi32, #tpu.memory_space<vmem>>
    %dma_wait3A_764 = arith.constant 0 : i32
    %dma_wait3A_765 = arith.constant 0 : i32
    %dma_wait3A_766 = tpu.memref_slice %arg10[%dma_wait3A_764, %dma_wait3A_765] : memref<10000x16xf32, #tpu.memory_space<vmem_shared>> -> memref<10000x16xf32, #tpu.memory_space<vmem_shared>>
    tpu.wait_indirect_dma semaphore(%arg17 : memref<!tpu.dma_semaphore, #tpu.memory_space<semaphore_mem>>) src(%dma_wait3A_760 : memref<512x16xf32, #tpu.memory_space<vmem>>) dst(%dma_wait3A_766 : memref<10000x16xf32, #tpu.memory_space<vmem_shared>>)
    %convert_element_type3A_767 = arith.extui %lt3A_1 : i1 to i32
    %cond3A_768 = arith.constant 0 : i32
    %cond3A_769 = arith.cmpi ne, %convert_element_type3A_767, %cond3A_768 : i32
    scf.if %cond3A_769 {
      %dma_start3A_775 = arith.constant 19 : i32
      %dma_start3A_776 = arith.constant 2048 : i32
      %dma_start3A_777 = arith.constant 0 : i32
      %dma_start3A_778 = tpu.memref_slice %arg9[%dma_start3A_776, %dma_start3A_777] : memref<2560x16xf32, #tpu.memory_space<vmem>> -> memref<512x16xf32, #tpu.memory_space<vmem>>
      %dma_start3A_779 = arith.constant 0 : i32
      %dma_start3A_780 = tpu.memref_slice %arg7[%dma_start3A_775, %dma_start3A_779] : memref<20x512xi32, #tpu.memory_space<vmem>> -> memref<1x512xi32, #tpu.memory_space<vmem>>
      %dma_start3A_781 = tpu.memref_squeeze %dma_start3A_780 : memref<1x512xi32, #tpu.memory_space<vmem>> -> memref<512xi32, #tpu.memory_space<vmem>>
      %dma_start3A_782 = arith.constant 0 : i32
      %dma_start3A_783 = arith.constant 0 : i32
      %dma_start3A_784 = tpu.memref_slice %arg4[%dma_start3A_782, %dma_start3A_783] : memref<10000x16xf32, #tpu.memory_space<hbm>> -> memref<10000x16xf32, #tpu.memory_space<hbm>>
      tpu.enqueue_indirect_dma source(%dma_start3A_784 : memref<10000x16xf32, #tpu.memory_space<hbm>>) target(%dma_start3A_778 : memref<512x16xf32, #tpu.memory_space<vmem>>) offsets(%dma_start3A_781 : memref<512xi32, #tpu.memory_space<vmem>>) semaphore(%arg14 : memref<!tpu.dma_semaphore, #tpu.memory_space<semaphore_mem>>)
      %dma_wait3A_785 = arith.constant 19 : i32
      %dma_wait3A_786 = arith.constant 2048 : i32
      %dma_wait3A_787 = arith.constant 0 : i32
      %dma_wait3A_788 = tpu.memref_slice %arg9[%dma_wait3A_786, %dma_wait3A_787] : memref<2560x16xf32, #tpu.memory_space<vmem>> -> memref<512x16xf32, #tpu.memory_space<vmem>>
      %dma_wait3A_789 = arith.constant 0 : i32
      %dma_wait3A_790 = tpu.memref_slice %arg7[%dma_wait3A_785, %dma_wait3A_789] : memref<20x512xi32, #tpu.memory_space<vmem>> -> memref<1x512xi32, #tpu.memory_space<vmem>>
      %dma_wait3A_791 = tpu.memref_squeeze %dma_wait3A_790 : memref<1x512xi32, #tpu.memory_space<vmem>> -> memref<512xi32, #tpu.memory_space<vmem>>
      %dma_wait3A_792 = arith.constant 0 : i32
      %dma_wait3A_793 = arith.constant 0 : i32
      %dma_wait3A_794 = tpu.memref_slice %arg4[%dma_wait3A_792, %dma_wait3A_793] : memref<10000x16xf32, #tpu.memory_space<hbm>> -> memref<10000x16xf32, #tpu.memory_space<hbm>>
      tpu.wait_indirect_dma semaphore(%arg14 : memref<!tpu.dma_semaphore, #tpu.memory_space<semaphore_mem>>) src(%dma_wait3A_794 : memref<10000x16xf32, #tpu.memory_space<hbm>>) dst(%dma_wait3A_788 : memref<512x16xf32, #tpu.memory_space<vmem>>)
      %dma_start3A_795 = arith.constant 19 : i32
      %dma_start3A_796 = arith.constant 2048 : i32
      %dma_start3A_797 = arith.constant 0 : i32
      %dma_start3A_798 = tpu.memref_slice %arg9[%dma_start3A_796, %dma_start3A_797] : memref<2560x16xf32, #tpu.memory_space<vmem>> -> memref<512x16xf32, #tpu.memory_space<vmem>>
      %dma_start3A_799 = arith.constant 0 : i32
      %dma_start3A_800 = tpu.memref_slice %arg8[%dma_start3A_795, %dma_start3A_799] : memref<20x512xi32, #tpu.memory_space<vmem>> -> memref<1x512xi32, #tpu.memory_space<vmem>>
      %dma_start3A_801 = tpu.memref_squeeze %dma_start3A_800 : memref<1x512xi32, #tpu.memory_space<vmem>> -> memref<512xi32, #tpu.memory_space<vmem>>
      %dma_start3A_802 = arith.constant 0 : i32
      %dma_start3A_803 = arith.constant 0 : i32
      %dma_start3A_804 = tpu.memref_slice %arg10[%dma_start3A_802, %dma_start3A_803] : memref<10000x16xf32, #tpu.memory_space<vmem_shared>> -> memref<10000x16xf32, #tpu.memory_space<vmem_shared>>
      tpu.enqueue_indirect_dma source(%dma_start3A_798 : memref<512x16xf32, #tpu.memory_space<vmem>>) target(%dma_start3A_804 : memref<10000x16xf32, #tpu.memory_space<vmem_shared>>) offsets(%dma_start3A_801 : memref<512xi32, #tpu.memory_space<vmem>>) semaphore(%arg18 : memref<!tpu.dma_semaphore, #tpu.memory_space<semaphore_mem>>) {add = true}
      %dma_wait3A_805 = arith.constant 19 : i32
      %dma_wait3A_806 = arith.constant 2048 : i32
      %dma_wait3A_807 = arith.constant 0 : i32
      %dma_wait3A_808 = tpu.memref_slice %arg9[%dma_wait3A_806, %dma_wait3A_807] : memref<2560x16xf32, #tpu.memory_space<vmem>> -> memref<512x16xf32, #tpu.memory_space<vmem>>
      %dma_wait3A_809 = arith.constant 0 : i32
      %dma_wait3A_810 = tpu.memref_slice %arg8[%dma_wait3A_805, %dma_wait3A_809] : memref<20x512xi32, #tpu.memory_space<vmem>> -> memref<1x512xi32, #tpu.memory_space<vmem>>
      %dma_wait3A_811 = tpu.memref_squeeze %dma_wait3A_810 : memref<1x512xi32, #tpu.memory_space<vmem>> -> memref<512xi32, #tpu.memory_space<vmem>>
      %dma_wait3A_812 = arith.constant 0 : i32
      %dma_wait3A_813 = arith.constant 0 : i32
      %dma_wait3A_814 = tpu.memref_slice %arg10[%dma_wait3A_812, %dma_wait3A_813] : memref<10000x16xf32, #tpu.memory_space<vmem_shared>> -> memref<10000x16xf32, #tpu.memory_space<vmem_shared>>
      tpu.wait_indirect_dma semaphore(%arg18 : memref<!tpu.dma_semaphore, #tpu.memory_space<semaphore_mem>>) src(%dma_wait3A_808 : memref<512x16xf32, #tpu.memory_space<vmem>>) dst(%dma_wait3A_814 : memref<10000x16xf32, #tpu.memory_space<vmem_shared>>)
    } else {
    }
    %barrier3A_770 = arith.constant 0 : index
    tpu.barrier barrier_id(%barrier3A_770)
    %mul3A_771 = arith.constant 625 : i32
    %mul3A_772 = arith.muli %arg1, %mul3A_771 : i32
    %mul3A_773 = arith.constant 625 : i32
    %mul3A_774 = arith.muli %arg1, %mul3A_773 : i32
    "tpu.region"() ({
      %run_scoped3A = tpu.sem_alloc : memref<!tpu.dma_semaphore, #tpu.memory_space<semaphore_mem>>
      %dma_start3A_775 = arith.constant 0 : i32
      %dma_start3A_776 = tpu.memref_slice %arg6[%arg0, %mul3A_774, %dma_start3A_775] : memref<2x10000x16xf32, #tpu.memory_space<hbm>> -> memref<1x625x16xf32, #tpu.memory_space<hbm>>
      %dma_start3A_777 = tpu.memref_squeeze %dma_start3A_776 : memref<1x625x16xf32, #tpu.memory_space<hbm>> -> memref<625x16xf32, #tpu.memory_space<hbm>>
      %dma_start3A_778 = arith.constant 0 : i32
      %dma_start3A_779 = tpu.memref_slice %arg10[%mul3A_772, %dma_start3A_778] : memref<10000x16xf32, #tpu.memory_space<vmem_shared>> -> memref<625x16xf32, #tpu.memory_space<vmem_shared>>
      tpu.enqueue_dma source(%dma_start3A_779 : memref<625x16xf32, #tpu.memory_space<vmem_shared>>) target(%dma_start3A_777 : memref<625x16xf32, #tpu.memory_space<hbm>>) target_semaphore(%run_scoped3A : memref<!tpu.dma_semaphore, #tpu.memory_space<semaphore_mem>>)
      %dma_wait3A_780 = arith.constant 0 : i32
      %dma_wait3A_781 = tpu.memref_slice %arg6[%arg0, %mul3A_774, %dma_wait3A_780] : memref<2x10000x16xf32, #tpu.memory_space<hbm>> -> memref<1x625x16xf32, #tpu.memory_space<hbm>>
      %dma_wait3A_782 = tpu.memref_squeeze %dma_wait3A_781 : memref<1x625x16xf32, #tpu.memory_space<hbm>> -> memref<625x16xf32, #tpu.memory_space<hbm>>
      %dma_wait3A_783 = arith.constant 0 : i32
      %dma_wait3A_784 = tpu.memref_slice %arg10[%mul3A_772, %dma_wait3A_783] : memref<10000x16xf32, #tpu.memory_space<vmem_shared>> -> memref<625x16xf32, #tpu.memory_space<vmem_shared>>
      tpu.wait_dma2 semaphore(%run_scoped3A : memref<!tpu.dma_semaphore, #tpu.memory_space<semaphore_mem>>) src(%dma_wait3A_784 : memref<625x16xf32, #tpu.memory_space<vmem_shared>>) dst(%dma_wait3A_782 : memref<625x16xf32, #tpu.memory_space<hbm>>)
      tpu.yield
    }) : () -> ()
    return
  }
}

module attributes {stable_mosaic.version = 14 : i64} {
  func.func @body(%arg0: memref<10000x128xf32, #tpu.memory_space<vmem>>, %arg1: memref<128x32xf32, #tpu.memory_space<vmem>>, %arg2: memref<10000x32xf32, #tpu.memory_space<vmem>>) attributes {dimension_semantics = [], scalar_prefetch = 0 : i64, scratch_operands = 0 : i64, tpu.core_type = #tpu.core_type<tc>} {
    %get3A = arith.constant 0 : index
    %get3A_0 = arith.constant 0 : index
    %get3A_1 = vector.load %arg0[%get3A, %get3A_0] : memref<10000x128xf32, #tpu.memory_space<vmem>>, vector<10000x128xf32>
    %get3A_2 = arith.constant 0 : index
    %get3A_3 = arith.constant 0 : index
    %get3A_4 = vector.load %arg1[%get3A_2, %get3A_3] : memref<128x32xf32, #tpu.memory_space<vmem>>, vector<128x32xf32>
    %dot_general3A = arith.constant dense<0.000000e+00> : vector<10000x32xf32>
    %dot_general3A_5 = tpu.matmul %get3A_1, %get3A_4, %dot_general3A {dimension_numbers = #tpu.dot_dimension_numbers<[1], [0], [0], [1], [0, 0, 1, 1], [], []>, transpose_lhs_hint = false} : vector<10000x128xf32>, vector<128x32xf32>, vector<10000x32xf32> -> vector<10000x32xf32>
    %swap3A = arith.constant 0 : index
    %swap3A_6 = arith.constant 0 : index
    %swap3A_7 = vector.load %arg2[%swap3A, %swap3A_6] : memref<10000x32xf32, #tpu.memory_space<vmem>>, vector<10000x32xf32>
    tpu.vector_store %arg2[%swap3A, %swap3A_6], %dot_general3A_5 {strides = array<i32>} : memref<10000x32xf32, #tpu.memory_space<vmem>>, vector<10000x32xf32>,
    return
  }
}

module attributes {stable_mosaic.version = 14 : i64} {
  func.func @body(%arg0: memref<10000x2xf32, #tpu.memory_space<vmem>>, %arg1: memref<10000x32xf32, #tpu.memory_space<vmem>>, %arg2: memref<10000x32xf32, #tpu.memory_space<vmem>>) attributes {dimension_semantics = [], scalar_prefetch = 0 : i64, scratch_operands = 0 : i64, tpu.core_type = #tpu.core_type<tc>} {
    %get3A = arith.constant 0 : index
    %get3A_0 = arith.constant 0 : index
    %get3A_1 = vector.load %arg0[%get3A, %get3A_0] : memref<10000x2xf32, #tpu.memory_space<vmem>>, vector<10000x1xf32>
    %get3A_2 = arith.constant 0 : index
    %get3A_3 = arith.constant 1 : index
    %get3A_4 = vector.load %arg0[%get3A_2, %get3A_3] : memref<10000x2xf32, #tpu.memory_space<vmem>>, vector<10000x1xf32>
    %add3A = arith.addf %get3A_1, %get3A_4 : vector<10000x1xf32>
    %add3A_5 = arith.constant 1.000000e+00 : f32
    %add3A_6 = vector.broadcast %add3A_5 : f32 to vector<10000x1xf32>
    %add3A_7 = arith.addf %add3A, %add3A_6 : vector<10000x1xf32>
    %get3A_8 = arith.constant 0 : index
    %get3A_9 = arith.constant 0 : index
    %get3A_10 = vector.load %arg1[%get3A_8, %get3A_9] : memref<10000x32xf32, #tpu.memory_space<vmem>>, vector<10000x32xf32>
    %rsqrt3A = math.rsqrt %add3A_7 : vector<10000x1xf32>
    %mul3A = vector.broadcast %rsqrt3A : vector<10000x1xf32> to vector<10000x32xf32>
    %mul3A_11 = arith.mulf %get3A_10, %mul3A : vector<10000x32xf32>
    %swap3A = arith.constant 0 : index
    %swap3A_12 = arith.constant 0 : index
    %swap3A_13 = vector.load %arg2[%swap3A, %swap3A_12] : memref<10000x32xf32, #tpu.memory_space<vmem>>, vector<10000x32xf32>
    tpu.vector_store %arg2[%swap3A, %swap3A_12], %mul3A_11 {strides = array<i32>} : memref<10000x32xf32, #tpu.memory_space<vmem>>, vector<10000x32xf32>,
    return
  }
}

module attributes {stable_mosaic.version = 14 : i64} {
  func.func @body(%arg0: memref<10000x2xf32, #tpu.memory_space<vmem>>, %arg1: memref<2x10000x32xf32, #tpu.memory_space<vmem>>, %arg2: memref<10000x32xf32, #tpu.memory_space<vmem>>, %arg3: memref<1x32xf32, #tpu.memory_space<vmem>>, %arg4: memref<32x16xf32, #tpu.memory_space<vmem>>, %arg5: memref<10000x16xf32, #tpu.memory_space<vmem>>) attributes {dimension_semantics = [], scalar_prefetch = 0 : i64, scratch_operands = 0 : i64, tpu.core_type = #tpu.core_type<tc>} {
    %get3A = arith.constant 0 : index
    %get3A_0 = arith.constant 0 : index
    %get3A_1 = vector.load %arg0[%get3A, %get3A_0] : memref<10000x2xf32, #tpu.memory_space<vmem>>, vector<10000x1xf32>
    %get3A_2 = arith.constant 0 : index
    %get3A_3 = arith.constant 1 : index
    %get3A_4 = vector.load %arg0[%get3A_2, %get3A_3] : memref<10000x2xf32, #tpu.memory_space<vmem>>, vector<10000x1xf32>
    %add3A = arith.addf %get3A_1, %get3A_4 : vector<10000x1xf32>
    %add3A_5 = arith.constant 1.000000e+00 : f32
    %add3A_6 = vector.broadcast %add3A_5 : f32 to vector<10000x1xf32>
    %add3A_7 = arith.addf %add3A, %add3A_6 : vector<10000x1xf32>
    %rsqrt3A = math.rsqrt %add3A_7 : vector<10000x1xf32>
    %get3A_8 = arith.constant 0 : index
    %get3A_9 = arith.constant 0 : index
    %get3A_10 = arith.constant 0 : index
    %get3A_11 = vector.load %arg1[%get3A_8, %get3A_9, %get3A_10] : memref<2x10000x32xf32, #tpu.memory_space<vmem>>, vector<1x10000x32xf32>
    %get3A_12 = vector.shape_cast %get3A_11 : vector<1x10000x32xf32> to vector<10000x32xf32>
    %get3A_13 = arith.constant 1 : index
    %get3A_14 = arith.constant 0 : index
    %get3A_15 = arith.constant 0 : index
    %get3A_16 = vector.load %arg1[%get3A_13, %get3A_14, %get3A_15] : memref<2x10000x32xf32, #tpu.memory_space<vmem>>, vector<1x10000x32xf32>
    %get3A_17 = vector.shape_cast %get3A_16 : vector<1x10000x32xf32> to vector<10000x32xf32>
    %add3A_18 = arith.addf %get3A_12, %get3A_17 : vector<10000x32xf32>
    %get3A_19 = arith.constant 0 : index
    %get3A_20 = arith.constant 0 : index
    %get3A_21 = vector.load %arg2[%get3A_19, %get3A_20] : memref<10000x32xf32, #tpu.memory_space<vmem>>, vector<10000x32xf32>
    %add3A_22 = arith.addf %add3A_18, %get3A_21 : vector<10000x32xf32>
    %mul3A = vector.broadcast %rsqrt3A : vector<10000x1xf32> to vector<10000x32xf32>
    %mul3A_23 = arith.mulf %add3A_22, %mul3A : vector<10000x32xf32>
    %get3A_24 = arith.constant 0 : index
    %get3A_25 = arith.constant 0 : index
    %get3A_26 = vector.load %arg3[%get3A_24, %get3A_25] : memref<1x32xf32, #tpu.memory_space<vmem>>, vector<1x32xf32>
    %add3A_27 = vector.broadcast %get3A_26 : vector<1x32xf32> to vector<10000x32xf32>
    %add3A_28 = arith.addf %mul3A_23, %add3A_27 : vector<10000x32xf32>
    %max3A = arith.constant 0.000000e+00 : f32
    %max3A_29 = vector.broadcast %max3A : f32 to vector<10000x32xf32>
    %max3A_30 = arith.maximumf %add3A_28, %max3A_29 : vector<10000x32xf32>
    %get3A_31 = arith.constant 0 : index
    %get3A_32 = arith.constant 0 : index
    %get3A_33 = vector.load %arg4[%get3A_31, %get3A_32] : memref<32x16xf32, #tpu.memory_space<vmem>>, vector<32x16xf32>
    %dot_general3A = arith.constant dense<0.000000e+00> : vector<10000x16xf32>
    %dot_general3A_34 = tpu.matmul %max3A_30, %get3A_33, %dot_general3A {dimension_numbers = #tpu.dot_dimension_numbers<[1], [0], [0], [1], [0, 0, 1, 1], [], []>, transpose_lhs_hint = false} : vector<10000x32xf32>, vector<32x16xf32>, vector<10000x16xf32> -> vector<10000x16xf32>
    %mul3A_35 = vector.broadcast %rsqrt3A : vector<10000x1xf32> to vector<10000x16xf32>
    %mul3A_36 = arith.mulf %dot_general3A_34, %mul3A_35 : vector<10000x16xf32>
    %swap3A = arith.constant 0 : index
    %swap3A_37 = arith.constant 0 : index
    %swap3A_38 = vector.load %arg5[%swap3A, %swap3A_37] : memref<10000x16xf32, #tpu.memory_space<vmem>>, vector<10000x16xf32>
    tpu.vector_store %arg5[%swap3A, %swap3A_37], %mul3A_36 {strides = array<i32>} : memref<10000x16xf32, #tpu.memory_space<vmem>>, vector<10000x16xf32>,
    return
  }
}

module attributes {stable_mosaic.version = 14 : i64} {
  func.func @body(%arg0: memref<10000x2xf32, #tpu.memory_space<vmem>>, %arg1: memref<2x10000x16xf32, #tpu.memory_space<vmem>>, %arg2: memref<10000x16xf32, #tpu.memory_space<vmem>>, %arg3: memref<1x16xf32, #tpu.memory_space<vmem>>, %arg4: memref<10000x2xf32, #tpu.memory_space<vmem>>) attributes {dimension_semantics = [], scalar_prefetch = 0 : i64, scratch_operands = 0 : i64, tpu.core_type = #tpu.core_type<tc>} {
    %get3A = arith.constant 0 : index
    %get3A_0 = arith.constant 0 : index
    %get3A_1 = vector.load %arg0[%get3A, %get3A_0] : memref<10000x2xf32, #tpu.memory_space<vmem>>, vector<10000x1xf32>
    %get3A_2 = arith.constant 0 : index
    %get3A_3 = arith.constant 1 : index
    %get3A_4 = vector.load %arg0[%get3A_2, %get3A_3] : memref<10000x2xf32, #tpu.memory_space<vmem>>, vector<10000x1xf32>
    %add3A = arith.addf %get3A_1, %get3A_4 : vector<10000x1xf32>
    %add3A_5 = arith.constant 1.000000e+00 : f32
    %add3A_6 = vector.broadcast %add3A_5 : f32 to vector<10000x1xf32>
    %add3A_7 = arith.addf %add3A, %add3A_6 : vector<10000x1xf32>
    %rsqrt3A = math.rsqrt %add3A_7 : vector<10000x1xf32>
    %get3A_8 = arith.constant 0 : index
    %get3A_9 = arith.constant 0 : index
    %get3A_10 = arith.constant 0 : index
    %get3A_11 = vector.load %arg1[%get3A_8, %get3A_9, %get3A_10] : memref<2x10000x16xf32, #tpu.memory_space<vmem>>, vector<1x10000x16xf32>
    %get3A_12 = vector.shape_cast %get3A_11 : vector<1x10000x16xf32> to vector<10000x16xf32>
    %get3A_13 = arith.constant 1 : index
    %get3A_14 = arith.constant 0 : index
    %get3A_15 = arith.constant 0 : index
    %get3A_16 = vector.load %arg1[%get3A_13, %get3A_14, %get3A_15] : memref<2x10000x16xf32, #tpu.memory_space<vmem>>, vector<1x10000x16xf32>
    %get3A_17 = vector.shape_cast %get3A_16 : vector<1x10000x16xf32> to vector<10000x16xf32>
    %add3A_18 = arith.addf %get3A_12, %get3A_17 : vector<10000x16xf32>
    %get3A_19 = arith.constant 0 : index
    %get3A_20 = arith.constant 0 : index
    %get3A_21 = vector.load %arg2[%get3A_19, %get3A_20] : memref<10000x16xf32, #tpu.memory_space<vmem>>, vector<10000x16xf32>
    %add3A_22 = arith.addf %add3A_18, %get3A_21 : vector<10000x16xf32>
    %mul3A = vector.broadcast %rsqrt3A : vector<10000x1xf32> to vector<10000x16xf32>
    %mul3A_23 = arith.mulf %add3A_22, %mul3A : vector<10000x16xf32>
    %get3A_24 = arith.constant 0 : index
    %get3A_25 = arith.constant 0 : index
    %get3A_26 = vector.load %arg3[%get3A_24, %get3A_25] : memref<1x16xf32, #tpu.memory_space<vmem>>, vector<1x16xf32>
    %add3A_27 = vector.broadcast %get3A_26 : vector<1x16xf32> to vector<10000x16xf32>
    %add3A_28 = arith.addf %mul3A_23, %add3A_27 : vector<10000x16xf32>
    %slice3A = vector.extract_strided_slice %add3A_28 {offsets = [0, 0], sizes = [10000, 2], strides = [1, 1]} : vector<10000x16xf32> to vector<10000x2xf32>
    %swap3A = arith.constant 0 : index
    %swap3A_29 = arith.constant 0 : index
    %swap3A_30 = vector.load %arg4[%swap3A, %swap3A_29] : memref<10000x2xf32, #tpu.memory_space<vmem>>, vector<10000x2xf32>
    tpu.vector_store %arg4[%swap3A, %swap3A_29], %slice3A {strides = array<i32>} : memref<10000x2xf32, #tpu.memory_space<vmem>>, vector<10000x2xf32>,
    return
  }
}

</mosaic_0001>

<sc_bundles>
// kernel: kernel.12.cloned.1.call-start
scs
__scs_entry_jumppad:
0x0: {  	(pc) =	sbr.rel $0x88, $3  }
0x1: {  	(tag) =	ssettag $0x0;
	lr =	simm.s32 $0x1  }
0x2: {  	[smem:$0x3F9B] =	sst lr;
	_ =	strace $0xD0000000  }
0x3: {  	_ = 	snop  }
0x4: {  	_ = 	snop  }
0x5: {  	_ = 	snop  }
0x6: {  	_ = 	snop  }
0x7: {  	_ = 	snop  }
__scs_overlays_trampoline_lowered:
0x8: {  	[smem:$0x3FAA] =	sst s0  }
0x9: {  	[smem:$0x3FAB] =	sst s1  }
0xa: {  	[smem:$0x3FAC] =	sst s2  }
0xb: {  	[smem:$0x3FAD] =	sst s3  }
0xc: {  	[smem:$0x3FAE] =	sst s4  }
0xd: {  	[smem:$0x3FAF] =	sst s5  }
0xe: {  	[smem:$0x3FB0] =	sst s6  }
0xf: {  	[smem:$0x3FB1] =	sst s7  }
0x10: {  	[smem:$0x3FB2] =	sst s8  }
0x11: {  	[smem:$0x3FB3] =	sst s9;
	s0 =	simm.s32 @!p0 $0x0  }
0x12: {  	s1 =	sld [smem:$0x3F99];
	s0 =	simm.s32 @p0 $0x1  }
0x13: {  	[smem:$0x3FB4] =	sst s0;
	s0 =	simm.s32 @!p1 $0x0  }
0x14: {  	s2 =	sld [smem:$0x3F98];
	s0 =	simm.s32 @p1 $0x1  }
0x15: {  	[smem:$0x3FB5] =	sst s0;
	s0 =	simm.s32 @!p2 $0x0  }
0x16: {  	s3 =	sld [smem:$0x3FDB];
	s0 =	simm.s32 @p2 $0x1  }
0x17: {  	s4 =	simm.s32 $0x1BF5;
	[smem:$0x3FB7] =	sst s0  }
0x18: {  	s0 =	sld [smem:$0x3F9A];
	_ =	swait.ge [sflag:s4], $0x0  }
0x19: {  	s7 =	sld [smem:$0x3F9B]  }
0x1a: {  	s8 =	sadd.s32 $0xFFFFE003, lr  }
0x1b: {  	s9 =	sadd.s32 $0xFFFFFEF7, lr;
	s5 =	simm.s32 $0xFFFFFFFF;
	p2 =	slt.u32 s8, $0xFFFFF086  }
0x1c: {  	p1 =	slt.u32 s9, $0xF7A;
	s5 =	simm.s32 @!p2 $0x0  }
0x1d: {  	s5 =	simm.s32 @p1 $0x1;
	p0 =	seq.s32 s7, s2  }
0x1e: {  	s7 =	smul.u32 @!p0 $0xF7A, s2;
	p2 =	seq.s32 @!p0 s5, $0x0  }
0x1f: {  	s9 =	smul.u32 $0xF7A, s1;
	s8 =	simm.s32 @!p0 $0x1BF5;
	p2 =	por !p2, p0  }
0x20: {  	[sflag:s8] =	ssyncset.s32 @!p0 $0xFFFFF086;
	s6 =	sadd.s32 @!p0 s3, s7;
	s7 =	simm.s32 @!p0 $0x108  }
0x21: {  	s3 =	sadd.s32 s3, s9;
	s6 =	sadd.s32 @!p0 $0x88, s6;
	s7 =	simm.s32 @p2 $0x1082  }
0x22: {  	[simem:s7], [sflag:s8] =	dma.local @!p0 [hbm:s6], $0xF7A  }
0x23: {  	s9 =	sor.u32 $0xD0000000, s2;
	s6 =	simm.s32 $0x108;
	_ =	swait.ge @!p0 [sflag:s8], $0x0  }
0x24: {  	s3 =	sadd.s32 $0x88, s3;
	s6 =	simm.s32 @!p1 $0x1082;
	[sflag:s4] =	ssyncset.s32 $0xFFFFF086  }
0x25: {  	[simem:s6], [sflag:s4] =	dma.local [hbm:s3], $0xF7A  }
0x26: {  	[smem:$0x3F9B] =	sst s1;
	(tag) =	ssettag s2;
	_ =	strace s9  }
0x27: {  	s1 =	sld [smem:$0x3FAB]  }
0x28: {  	s2 =	sld [smem:$0x3FAC]  }
0x29: {  	s4 =	sld [smem:$0x3FAE]  }
0x2a: {  	p0 =	seq.s32 s5, $0x0;
	s5 =	sld [smem:$0x3FAF]  }
0x2b: {  	s6 =	sld [smem:$0x3FB0]  }
0x2c: {  	s7 =	sld [smem:$0x3FB1]  }
0x2d: {  	s3 =	simm.s32 $0x108;
	s8 =	sld [smem:$0x3FB2]  }
0x2e: {  	s3 =	simm.s32 @!p0 $0x1082;
	s9 =	sld [smem:$0x3FB3]  }
0x2f: {  	lr =	sadd.s32 s0, s3;
	s0 =	sld [smem:$0x3FAA]  }
0x30: {  	s3 =	sld [smem:$0x3FAD]  }
0x31: {  	[smem:$0x3FB6] =	sst s10  }
0x32: {  	s10 =	sld [smem:$0x3FB4];
	_ =	sdelay $0x3  }
0x33: {  	p0 =	seq.s32 s10, $0x1;
	s10 =	sld [smem:$0x3FB6];
	_ =	sdelay $0x3  }
0x34: {  	[smem:$0x3FB6] =	sst s10  }
0x35: {  	s10 =	sld [smem:$0x3FB5];
	_ =	sdelay $0x3  }
0x36: {  	p1 =	seq.s32 s10, $0x1;
	s10 =	sld [smem:$0x3FB6];
	_ =	sdelay $0x3  }
0x37: {  	[smem:$0x3FB6] =	sst s10  }
0x38: {  	s10 =	sld [smem:$0x3FB7]  }
0x39: {  	_ = 	snop;
	(pc) =	sbr.ind lr, $3  }
0x3a: {  	_ = 	snop  }
0x3b: {  	_ = 	snop  }
0x3c: {  	p2 =	seq.s32 s10, $0x1;
	s10 =	sld [smem:$0x3FB6]  }
0x3d: {  	_ =	shalt  }
0x3e: {  	_ =	shalt  }
0x3f: {  	_ =	shalt  }
0x40: {  	_ =	shalt  }
0x41: {  	_ =	shalt  }
0x42: {  	_ =	shalt  }
0x43: {  	_ =	shalt  }
0x44: {  	_ =	shalt  }
0x45: {  	_ =	shalt  }
0x46: {  	_ =	shalt  }
0x47: {  	_ =	shalt  }
0x48: {  	_ =	shalt  }
0x49: {  	_ =	shalt  }
0x4a: {  	_ =	shalt  }
0x4b: {  	_ =	shalt  }
0x4c: {  	_ =	shalt  }
0x4d: {  	_ =	shalt  }
0x4e: {  	_ =	shalt  }
0x4f: {  	_ =	shalt  }
0x50: {  	_ =	shalt  }
0x51: {  	_ =	shalt  }
0x52: {  	_ =	shalt  }
0x53: {  	_ =	shalt  }
0x54: {  	_ =	shalt  }
0x55: {  	_ =	shalt  }
0x56: {  	_ =	shalt  }
0x57: {  	_ =	shalt  }
0x58: {  	_ =	shalt  }
0x59: {  	_ =	shalt  }
0x5a: {  	_ =	shalt  }
0x5b: {  	_ =	shalt  }
0x5c: {  	_ =	shalt  }
0x5d: {  	_ =	shalt  }
0x5e: {  	_ =	shalt  }
0x5f: {  	_ =	shalt  }
0x60: {  	_ =	shalt  }
0x61: {  	_ =	shalt  }
0x62: {  	_ =	shalt  }
0x63: {  	_ =	shalt  }
0x64: {  	_ =	shalt  }
0x65: {  	_ =	shalt  }
0x66: {  	_ =	shalt  }
0x67: {  	_ =	shalt  }
0x68: {  	_ =	shalt  }
0x69: {  	_ =	shalt  }
0x6a: {  	_ =	shalt  }
0x6b: {  	_ =	shalt  }
0x6c: {  	_ =	shalt  }
0x6d: {  	_ =	shalt  }
0x6e: {  	_ =	shalt  }
0x6f: {  	_ =	shalt  }
0x70: {  	_ =	shalt  }
0x71: {  	_ =	shalt  }
0x72: {  	_ =	shalt  }
0x73: {  	_ =	shalt  }
0x74: {  	_ =	shalt  }
0x75: {  	_ =	shalt  }
0x76: {  	_ =	shalt  }
0x77: {  	_ =	shalt  }
0x78: {  	_ =	shalt  }
0x79: {  	_ =	shalt  }
0x7a: {  	_ =	shalt  }
0x7b: {  	_ =	shalt  }
0x7c: {  	_ =	shalt  }
0x7d: {  	_ =	shalt  }
0x7e: {  	_ =	shalt  }
0x7f: {  	_ =	shalt  }
0x80: {  	_ =	shalt  }
0x81: {  	_ =	shalt  }
0x82: {  	_ =	shalt  }
0x83: {  	_ =	shalt  }
0x84: {  	_ =	shalt  }
0x85: {  	_ =	shalt  }
0x86: {  	_ =	shalt  }
0x87: {  	_ =	shalt  }
.Lfunc_end0:
.L_simem_size_0:
called_computation.1_lowered:
.L_overlay_start_0:
0x88: {  	s2 =	sld [smem:$0x3FD9]  }
0x89: {  	s3 =	sld [smem:$0x3FFE];
	_ =	sdelay $0x1  }
0x8a: {  	s1 =	srdreg.scid  }
0x8b: {  	s0 =	sand.u32 $0x1, s1  }
0x8c: {  	s16 =	sshll.u32 s0, $0xA;
	s2 =	sadd.s32 s3, s2  }
0x8d: {  	s2 =	sadd.s32 s2, s16  }
0x8e: {  	[smem:$0x3FC2] =	sst s2  }
0x8f: {  	_ = 	snop  }
0x90: {  	(tm) =	ssettm $0x1  }
0x91: {  	s17 =	sld [smem:$0x3FFB];
	_ =	sdelay $0x3  }
0x92: {  	_ =	strace s17  }
0x93: {  	s2 =	sld [smem:$0x3FFC];
	_ =	sdelay $0x3  }
0x94: {  	_ =	strace s2  }
0x95: {  	s2 =	sld [smem:$0x3FFD];
	_ =	sdelay $0x3  }
0x96: {  	_ =	strace s2  }
0x97: {  	_ =	strace $0x8FFFFFFF  }
0x98: {  	s18 =	sld [smem:$0x3FDB];
	_ =	sdelay $0x1  }
0x99: {  	s19 =	simm.s32 $_scs_section_size  }
0x9a: {  	s4 =	simm.s32 $_size__tile_overlayer_lowered;
	s5 =	simm.s32 $_tile_overlayer_lowered  }
0x9b: {  	s22 =	simm.s32 $0x1BFF;
	s21 =	sshll.u32 s5, $0x1;
	s2 =	sadd.s32 s19, s18  }
0x9c: {  	s6 =	simm.s32 $0x0;
	s20 =	sshll.u32 s4, $0x1;
	s4 =	sadd.s32 s21, s2  }
0x9d: {  	[timem:s6], [sflag:s22] =	dma.local [hbm:s4], s20  }
0x9e: {  	_ =	swait.ge [sflag:s22], s20  }
0x9f: {  	s3 =	ssub.s32 $0x0, s20;
	[sflag:s22] =	ssyncset.done $0x0  }
0xa0: {  	[sflag:s22] =	ssyncadd.s32 s3;
	_ =	sdelay $0x1  }
0xa1: {  	s23 =	simm.s32 $0x1B8B  }
0xa2: {  	_ =	swait.ge [sflag:s23], $0x1  }
0xa3: {  	[sflag:s23] =	ssyncset.done $0x0  }
0xa4: {  	s25 =	simm.s32 $0x1B8E;
	s24 =	sld [smem:$0x3FFE];
	[sflag:s23] =	ssyncadd.s32 $0xFFFFFFFF  }
0xa5: {  	s26 =	simm.s32 $execute0_lowered;
	[smem:$0x3FD2] =	sst s25  }
0xa6: {  	s4 =	sshll.u32 s26, $0x1;
	_ =	strace $0x80000049;
	[dreg:$0x1] =	wrdreg $0xFFFFFFFF  }
0xa7: {  	s28 =	simm.s32 $_size_execute0_lowered;
	s2 =	sadd.s32 s2, s4;
	[dreg:$0x0] =	wrdreg $0x0  }
0xa8: {  	s4 =	sshll.u32 s28, $0x1;
	[dreg:$0x2] =	wrdreg s2  }
0xa9: {  	[dreg:$0x3] =	wrdreg s4  }
0xaa: {  	[dreg:$0x4] =	wrdreg $0xC0  }
0xab: {  	_ =	task [dreg:s6], $0x5FFFF  }
0xac: {  	[dreg:$0x1] =	wrdreg $0xFFFFFFFF  }
0xad: {  	[dreg:$0x0] =	wrdreg $0x60  }
0xae: {  	[dreg:$0x2] =	wrdreg s24  }
0xaf: {  	[dreg:$0x3] =	wrdreg $0x190000  }
0xb0: {  	[dreg:$0x4] =	wrdreg $0x9  }
0xb1: {  	_ =	task.clear_ibuf [dreg:s6], $0x5FFFF;
	_ =	strace $0x90000049  }
0xb2: {  	s29 =	simm.s32 $0x9;
	_ =	strace $0x8000004B  }
0xb3: {  	_ =	swait.ge [sflag:s29], $0x1  }
0xb4: {  	[sflag:s29] =	ssyncadd.s32 $0xFFFFFFFF  }
0xb5: {  	_ =	strace $0x9000004B  }
0xb6: {  	_ =	sfence  }
0xb7: {  	s30 =	sld [smem:$0x0];
	_ =	sdelay $0x2  }
0xb8: {  	s31 =	sshll.u32 s1, $0xD;
	s1 =	sshrl.u32 s1, $0x2  }
0xb9: {  	s3 =	sand.u32 $0x4000, s31;
	s1 =	sadd.s32 s1, s30  }
0xba: {  	s0 =	sor.u32 s3, s0;
	s1 =	sshll.u32 s1, $0x11  }
0xbb: {  	s0 =	sor.u32 s1, s0  }
0xbc: {  	s0 =	sadd.s32 $0x8F2B, s0  }
0xbd: {  	[sflag:s0] =	ssyncadd.remote.s32 $0x1  }
0xbe: {  	_ =	sfence.sel $0xFFFF  }
0xbf: {  	[dreg:$0x0] =	wrdreg $0xFFFFFFFF;
	(pc) =	sbr.abs _section_cstart, $3  }
0xc0: {  	[dreg:$0x1] =	wrdreg $0xFFFFFFFF  }
0xc1: {  	_ =	task.clear_ibuf [dreg:s6], $0x2FFFF;
	_ =	strace $0x9FFFFFFF  }
0xc2: {  	(tm) =	ssettm $0x7FFFFFFF  }
0xc3: {  	_ =	shalt  }
tec
execute0_lowered:
.L_overlay_start_1:
0x0: {  	(tag) =	ssettag $0x1  }
0x1: {  	s1 =	rddreg [dreg:$0x0]  }
0x2: {  	s2 =	rddreg [dreg:$0x1]  }
0x3: {  	s26 =	rddreg [dreg:$0x2];
	s22 =	simm.s32 $0x0  }
0x4: {  	[smem:$0x7FF] =	sst s22;
	s9 =	sadd.s32 $0x1EE00, s1  }
0x5: {  	s19 =	simm.s32 $0x400;
	_ =	strace $0x8000004A;
	[dreg:$0x3] =	wrdreg s9  }
0x6: {  	s0 =	srdreg.scid;
	s20 =	simm.s32 $0x600;
	[dreg:$0x9] =	wrdreg s19  }
0x7: {  	s25 =	stileid.u32;
	s21 =	simm.s32 $0x2A00;
	[dreg:$0xa] =	wrdreg s20  }
0x8: {  	s23 =	simm.s32 $0x800;
	s24 =	simm.s32 $0x2C00;
	[dreg:$0xb] =	wrdreg s21  }
0x9: {  	s28 =	simm.s32 $0xA00;
	s30 =	simm.s32 $0x2E00;
	[dreg:$0xc] =	wrdreg s23  }
0xa: {  	s31 =	simm.s32 $0xC00;
	s10 =	simm.s32 $0x3200;
	[dreg:$0xd] =	wrdreg s24  }
0xb: {  	s11 =	simm.s32 $0x1000;
	s12 =	simm.s32 $0x3400;
	[dreg:$0xe] =	wrdreg s28  }
0xc: {  	s29 =	simm.s32 $0x4C00;
	p1 =	por $0x0, $0x0;
	[dreg:$0xf] =	wrdreg s30  }
0xd: {  	s4 =	sand.u32 $0x1, s0;
	s14 =	sshll.u32 s25, $0x1;
	[dreg:$0x10] =	wrdreg s31  }
0xe: {  	s5 =	smul.u32 $0x4E20, s25;
	s7 =	sadd.s32 $0x1400, s1;
	[dreg:$0x13] =	wrdreg s10  }
0xf: {  	s15 =	sadd.s32 $0xB200, s1;
	s13 =	sshll.u32 s25, $0x6;
	[dreg:$0x14] =	wrdreg s11  }
0x10: {  	s0 =	sor.u32 s4, s14;
	[dreg:$0x15] =	wrdreg s12;
	s14 =	simm.s32 $0x1200  }
0x11: {  	s8 =	smul.u32 $0x4E200, s4;
	s19 =	simm.s32 $0x1600;
	[dreg:$0x16] =	wrdreg s14  }
0x12: {  	s4 =	ssub.s32 $0x2, s4;
	s20 =	simm.s32 $0x3A00;
	[dreg:$0x1a] =	wrdreg s19  }
0x13: {  	s23 =	simm.s32 $0x2800;
	s21 =	simm.s32 $0x1800;
	[dreg:$0x1b] =	wrdreg s20  }
0x14: {  	s24 =	simm.s32 $0x3C00;
	s28 =	simm.s32 $0x1A00;
	[dreg:$0x1c] =	wrdreg s21  }
0x15: {  	s10 =	simm.s32 $0x9000;
	s30 =	simm.s32 $0x3E00;
	[dreg:$0x1d] =	wrdreg s24  }
0x16: {  	s31 =	simm.s32 $0x1C00;
	s11 =	simm.s32 $0x1E00;
	[dreg:$0x1e] =	wrdreg s28  }
0x17: {  	s12 =	simm.s32 $0x4200;
	s3 =	smul.u32 $0x13, s0;
	[dreg:$0x1f] =	wrdreg s30  }
0x18: {  	s6 =	smin.u32 s0, $0x11;
	s9 =	sshrl.u32 s4, $0x1;
	[smem:$0x7F3] =	sst s31  }
0x19: {  	p0 =	sgt.u32 s0, $0x10;
	[smem:$0x7F5] =	sst s11;
	s20 =	simm.s32 $0x15000  }
0x1a: {  	[smem:$0x7F6] =	sst s12;
	s14 =	simm.s32 $0x2000;
	s12 =	simm.s32 $0x3  }
0x1b: {  	s11 =	simm.s32 $0x5;
	s19 =	simm.s32 $0x2200;
	[smem:$0x7F7] =	sst s14  }
0x1c: {  	s21 =	simm.s32 $0x4;
	s24 =	simm.s32 $0x4600;
	[smem:$0x7F9] =	sst s19  }
0x1d: {  	s28 =	simm.s32 $0x2400;
	s30 =	simm.s32 $0x4800;
	[smem:$0x7FA] =	sst s24  }
0x1e: {  	s31 =	simm.s32 $0x4A00;
	s8 =	sadd.s32 s5, s8;
	[smem:$0x7FB] =	sst s28  }
0x1f: {  	s5 =	sadd.s32 s5, s2;
	s14 =	simm.s32 $0x6;
	[smem:$0x7FC] =	sst s30  }
0x20: {  	s19 =	simm.s32 $0x8;
	[smem:$0x7FD] =	sst s31;
	s3 =	sadd.s32 s6, s3  }
0x21: {  	s8 =	sshrl.u32 s8, $0x3;
	s6 =	ssub.s32 s4, s9;
	s3 =	sshll.u32 s3, $0x6  }
0x22: {  	s4 =	sor.u32 $0x1C09, s13;
	s5 =	sshrl.u32 s5, $0x3;
	s16 =	sadd.s32 s7, s3  }
0x23: {  	s8 =	sadd.s32 s8, s1;
	s17 =	sadd.s32 s15, s3;
	[dreg:$0x4] =	wrdreg s16  }
0x24: {  	s9 =	simm.s32 $0xD000;
	s18 =	sadd.s32 $0x1F800, s8;
	[dreg:$0x5] =	wrdreg s17  }
0x25: {  	s3 =	sadd.s32 $0x4C0, s3;
	s8 =	simm.s32 $0xE00;
	[dreg:$0x8] =	wrdreg s18  }
0x26: {  	s13 =	simm.s32 $0x2;
	s7 =	sadd.s32 s7, s3;
	[dreg:$0x12] =	wrdreg s8  }
0x27: {  	s3 =	sadd.s32 s15, s3;
	s15 =	simm.s32 $0x3600;
	[dreg:$0x6] =	wrdreg s7  }
0x28: {  	s18 =	smax.u32 s6, $0x1;
	s16 =	simm.s32 $0x1400;
	[dreg:$0x7] =	wrdreg s3  }
0x29: {  	s17 =	simm.s32 $0x3800;
	[dreg:$0x17] =	wrdreg s15;
	s0 =	sadd.s32 $0xFFFFFFFF, s18  }
0x2a: {  	s6 =	simm.s32 $0x9;
	[dreg:$0x18] =	wrdreg s16;
	p2 =	sne.s32 s0, $0x0  }
.Ltmp0:
0x2b: {  	s8 =	simm.s32 $0x11000;
	[dreg:$0x19] =	wrdreg s17;
	(pc) =	sbr.rel @!p2 .LBB2_5-.Ltmp0, $4  }
0x2c: {  	s3 =	sadd.s32 $0x15000, s1;
	s7 =	simm.s32 $0x3000;
	s18 =	rddreg [dreg:$0x3]  }
0x2d: {  	s16 =	simm.s32 $0x5000;
	s1 =	simm.s32 $0x4000;
	[dreg:$0x11] =	wrdreg s7  }
0x2e: {  	s17 =	simm.s32 $0x1;
	s15 =	simm.s32 $0x4400;
	[smem:$0x7F4] =	sst s1  }
0x2f: {  	s7 =	simm.s32 $0x200;
	[smem:$0x7F8] =	sst s15;
	s15 =	simm.s32 $0x7  }
0x30: {  	[spmem:s5], [sflag:s4] =	dma.local [hbm:s18], $0x9C4  }
0x31: {  	_ =	swait.ge [sflag:s6], $0x9C4  }
0x32: {  	[sflag:s6] =	ssyncset.done $0x0  }
0x33: {  	s1 =	rddreg [dreg:$0x4];
	[sflag:s6] =	ssyncadd.s32 $0xFFFFF63C  }
0x34: {  	[tilespmem:s22], [sflag:$0x9] =	stream.linear.gather [hbm4b:s1+s22], $0x2600, $0x38;
	[tilespmem:$0x1DE20] =	vst v63  }
0x35: {  	_ =	swait.ge [sflag:s6], $0x2600  }
0x36: {  	[sflag:s6] =	ssyncset.done $0x0  }
0x37: {  	s26 =	rddreg [dreg:$0x5];
	[sflag:s6] =	ssyncadd.s32 $0xFFFFDA00  }
0x38: {  	[tilespmem:s23], [sflag:$0x9] =	stream.linear.gather [hbm4b:s26+s22], $0x2600, $0x38;
	[tilespmem:$0x1DE20] =	vst v63  }
0x39: {  	_ =	swait.ge [sflag:s6], $0x2600  }
0x3a: {  	s24 =	simm.s32 @!p0 $0x9;
	s25 =	simm.s32 @!p0 $0x0;
	[sflag:s6] =	ssyncset.done $0x0  }
0x3b: {  	s26 =	simm.s32 @!p0 $0x2600;
	s1 =	rddreg [dreg:$0x6];
	[sflag:s6] =	ssyncadd.s32 $0xFFFFDA00  }
0x3c: {  	[tilespmem:s26], [sflag:$0x9] =	stream.linear.gather @!p0 [hbm4b:s1+s25], $0x200, $0x38;
	[tilespmem:$0x1DE20] =	vst v63  }
0x3d: {  	_ =	swait.ge @!p0 [sflag:s24], $0x200  }
0x3e: {  	[sflag:s24] =	ssyncset.done @!p0 $0x0  }
0x3f: {  	s28 =	simm.s32 @!p0 $0x4E00;
	s1 =	rddreg [dreg:$0x7];
	[sflag:s24] =	ssyncadd.s32 @!p0 $0xFFFFFE00  }
0x40: {  	[tilespmem:s28], [sflag:$0x9] =	stream.linear.gather @!p0 [hbm4b:s1+s25], $0x200, $0x38;
	[tilespmem:$0x1DE20] =	vst v63  }
0x41: {  	_ =	swait.ge @!p0 [sflag:s24], $0x200  }
0x42: {  	[sflag:s24] =	ssyncset.done @!p0 $0x0  }
0x43: {  	[sflag:s24] =	ssyncadd.s32 @!p0 $0xFFFFFE00  }
0x44: {  	[bflag:$0x0] =	sbarrier.arrive $0xFFFF  }
0x45: {  	[tilespmem:s16], [sflag:$0x1] =	stream.indirect.gather [hbm4b:s3+s7], $0x20, s22, s7, $0xb8;
	[tilespmem:$0x1DE20] =	vst v63  }
0x46: {  	_ = 	snop  }
0x47: {  	[tilespmem:s10], [sflag:$0x2] =	stream.indirect.gather [hbm4b:s3+s7], $0x20, s7, s7, $0xb8;
	[tilespmem:$0x1DE20] =	vst v63  }
0x48: {  	s18 =	rddreg [dreg:$0x9]  }
0x49: {  	[tilespmem:s9], [sflag:$0x3] =	stream.indirect.gather [hbm4b:s3+s7], $0x20, s18, s7, $0xb8;
	[tilespmem:$0x1DE20] =	vst v63  }
0x4a: {  	_ =	swait.ge [sflag:s17], $0x4000  }
0x4b: {  	[sflag:s17] =	ssyncset.done $0x0  }
0x4c: {  	[sflag:s17] =	ssyncadd.s32 $0xFFFFC000  }
0x4d: {  	[spmem:s2] =	stream.indirect.scatter.add.f32 [tilespmem:s16], [sflag:$0x5], $0x20, s23, s7, $0xb8;
	[tilespmem:$0x1DE20] =	vst v63  }
0x4e: {  	s18 =	rddreg [dreg:$0xa]  }
0x4f: {  	[tilespmem:s8], [sflag:$0x4] =	stream.indirect.gather [hbm4b:s3+s7], $0x20, s18, s7, $0xb8;
	[tilespmem:$0x1DE20] =	vst v63  }
0x50: {  	_ =	swait.ge [sflag:s13], $0x4000  }
0x51: {  	[sflag:s13] =	ssyncset.done $0x0  }
0x52: {  	s1 =	rddreg [dreg:$0xb];
	[sflag:s13] =	ssyncadd.s32 $0xFFFFC000  }
0x53: {  	[spmem:s2] =	stream.indirect.scatter.add.f32 [tilespmem:s10], [sflag:$0x6], $0x20, s1, s7, $0xb8;
	[tilespmem:$0x1DE20] =	vst v63  }
0x54: {  	s18 =	rddreg [dreg:$0xc]  }
0x55: {  	[tilespmem:s20], [sflag:$0x1] =	stream.indirect.gather [hbm4b:s3+s7], $0x20, s18, s7, $0xb8;
	[tilespmem:$0x1DE20] =	vst v63  }
0x56: {  	_ =	swait.ge [sflag:s12], $0x4000  }
0x57: {  	[sflag:s12] =	ssyncset.done $0x0  }
0x58: {  	s18 =	rddreg [dreg:$0xd];
	[sflag:s12] =	ssyncadd.s32 $0xFFFFC000  }
0x59: {  	[spmem:s2] =	stream.indirect.scatter.add.f32 [tilespmem:s9], [sflag:$0x7], $0x20, s18, s7, $0xb8;
	[tilespmem:$0x1DE20] =	vst v63  }
0x5a: {  	_ =	swait.ge [sflag:s11], $0x4000  }
0x5b: {  	[sflag:s11] =	ssyncset.done $0x0  }
0x5c: {  	s18 =	rddreg [dreg:$0xe];
	[sflag:s11] =	ssyncadd.s32 $0xFFFFC000  }
0x5d: {  	[tilespmem:s16], [sflag:$0x2] =	stream.indirect.gather [hbm4b:s3+s7], $0x20, s18, s7, $0xb8;
	[tilespmem:$0x1DE20] =	vst v63  }
0x5e: {  	_ =	swait.ge [sflag:s21], $0x4000  }
0x5f: {  	[sflag:s21] =	ssyncset.done $0x0  }
0x60: {  	s18 =	rddreg [dreg:$0xf];
	[sflag:s21] =	ssyncadd.s32 $0xFFFFC000  }
0x61: {  	[spmem:s2] =	stream.indirect.scatter.add.f32 [tilespmem:s8], [sflag:$0x8], $0x20, s18, s7, $0xb8;
	[tilespmem:$0x1DE20] =	vst v63  }
0x62: {  	_ =	swait.ge [sflag:s14], $0x4000  }
0x63: {  	[sflag:s14] =	ssyncset.done $0x0  }
0x64: {  	s18 =	rddreg [dreg:$0x10];
	[sflag:s14] =	ssyncadd.s32 $0xFFFFC000  }
0x65: {  	[tilespmem:s10], [sflag:$0x3] =	stream.indirect.gather [hbm4b:s3+s7], $0x20, s18, s7, $0xb8;
	[tilespmem:$0x1DE20] =	vst v63  }
0x66: {  	_ =	swait.ge [sflag:s17], $0x4000  }
0x67: {  	[sflag:s17] =	ssyncset.done $0x0  }
0x68: {  	s18 =	rddreg [dreg:$0x11];
	[sflag:s17] =	ssyncadd.s32 $0xFFFFC000  }
0x69: {  	[spmem:s2] =	stream.indirect.scatter.add.f32 [tilespmem:s20], [sflag:$0x5], $0x20, s18, s7, $0xb8;
	[tilespmem:$0x1DE20] =	vst v63  }
0x6a: {  	_ =	swait.ge [sflag:s15], $0x4000  }
0x6b: {  	[sflag:s15] =	ssyncset.done $0x0  }
0x6c: {  	s18 =	rddreg [dreg:$0x12];
	[sflag:s15] =	ssyncadd.s32 $0xFFFFC000  }
0x6d: {  	[tilespmem:s9], [sflag:$0x4] =	stream.indirect.gather [hbm4b:s3+s7], $0x20, s18, s7, $0xb8;
	[tilespmem:$0x1DE20] =	vst v63  }
0x6e: {  	_ =	swait.ge [sflag:s13], $0x4000  }
0x6f: {  	[sflag:s13] =	ssyncset.done $0x0  }
0x70: {  	s18 =	rddreg [dreg:$0x13];
	[sflag:s13] =	ssyncadd.s32 $0xFFFFC000  }
0x71: {  	[spmem:s2] =	stream.indirect.scatter.add.f32 [tilespmem:s16], [sflag:$0x6], $0x20, s18, s7, $0xb8;
	[tilespmem:$0x1DE20] =	vst v63  }
0x72: {  	_ =	swait.ge [sflag:s19], $0x4000  }
0x73: {  	[sflag:s19] =	ssyncset.done $0x0  }
0x74: {  	s18 =	rddreg [dreg:$0x14];
	[sflag:s19] =	ssyncadd.s32 $0xFFFFC000  }
0x75: {  	[tilespmem:s8], [sflag:$0x1] =	stream.indirect.gather [hbm4b:s3+s7], $0x20, s18, s7, $0xb8;
	[tilespmem:$0x1DE20] =	vst v63  }
0x76: {  	_ =	swait.ge [sflag:s12], $0x4000  }
0x77: {  	[sflag:s12] =	ssyncset.done $0x0  }
0x78: {  	s18 =	rddreg [dreg:$0x15];
	[sflag:s12] =	ssyncadd.s32 $0xFFFFC000  }
0x79: {  	[spmem:s2] =	stream.indirect.scatter.add.f32 [tilespmem:s10], [sflag:$0x7], $0x20, s18, s7, $0xb8;
	[tilespmem:$0x1DE20] =	vst v63  }
0x7a: {  	_ =	swait.ge [sflag:s11], $0x4000  }
0x7b: {  	[sflag:s11] =	ssyncset.done $0x0  }
0x7c: {  	s18 =	rddreg [dreg:$0x16];
	[sflag:s11] =	ssyncadd.s32 $0xFFFFC000  }
0x7d: {  	[tilespmem:s20], [sflag:$0x2] =	stream.indirect.gather [hbm4b:s3+s7], $0x20, s18, s7, $0xb8;
	[tilespmem:$0x1DE20] =	vst v63  }
0x7e: {  	_ =	swait.ge [sflag:s21], $0x4000  }
0x7f: {  	[sflag:s21] =	ssyncset.done $0x0  }
0x80: {  	s18 =	rddreg [dreg:$0x17];
	[sflag:s21] =	ssyncadd.s32 $0xFFFFC000  }
0x81: {  	[spmem:s2] =	stream.indirect.scatter.add.f32 [tilespmem:s9], [sflag:$0x8], $0x20, s18, s7, $0xb8;
	[tilespmem:$0x1DE20] =	vst v63  }
0x82: {  	_ =	swait.ge [sflag:s14], $0x4000  }
0x83: {  	[sflag:s14] =	ssyncset.done $0x0  }
0x84: {  	s18 =	rddreg [dreg:$0x18];
	[sflag:s14] =	ssyncadd.s32 $0xFFFFC000  }
0x85: {  	[tilespmem:s16], [sflag:$0x3] =	stream.indirect.gather [hbm4b:s3+s7], $0x20, s18, s7, $0xb8;
	[tilespmem:$0x1DE20] =	vst v63  }
0x86: {  	_ =	swait.ge [sflag:s17], $0x4000  }
0x87: {  	[sflag:s17] =	ssyncset.done $0x0  }
0x88: {  	s18 =	rddreg [dreg:$0x19];
	[sflag:s17] =	ssyncadd.s32 $0xFFFFC000  }
0x89: {  	[spmem:s2] =	stream.indirect.scatter.add.f32 [tilespmem:s8], [sflag:$0x5], $0x20, s18, s7, $0xb8;
	[tilespmem:$0x1DE20] =	vst v63  }
0x8a: {  	_ =	swait.ge [sflag:s15], $0x4000  }
0x8b: {  	[sflag:s15] =	ssyncset.done $0x0  }
0x8c: {  	s18 =	rddreg [dreg:$0x1a];
	[sflag:s15] =	ssyncadd.s32 $0xFFFFC000  }
0x8d: {  	[tilespmem:s10], [sflag:$0x4] =	stream.indirect.gather [hbm4b:s3+s7], $0x20, s18, s7, $0xb8;
	[tilespmem:$0x1DE20] =	vst v63  }
0x8e: {  	_ =	swait.ge [sflag:s13], $0x4000  }
0x8f: {  	[sflag:s13] =	ssyncset.done $0x0  }
0x90: {  	s18 =	rddreg [dreg:$0x1b];
	[sflag:s13] =	ssyncadd.s32 $0xFFFFC000  }
0x91: {  	[spmem:s2] =	stream.indirect.scatter.add.f32 [tilespmem:s20], [sflag:$0x6], $0x20, s18, s7, $0xb8;
	[tilespmem:$0x1DE20] =	vst v63  }
0x92: {  	_ =	swait.ge [sflag:s19], $0x4000  }
0x93: {  	[sflag:s19] =	ssyncset.done $0x0  }
0x94: {  	s18 =	rddreg [dreg:$0x1c];
	[sflag:s19] =	ssyncadd.s32 $0xFFFFC000  }
0x95: {  	[tilespmem:s9], [sflag:$0x1] =	stream.indirect.gather [hbm4b:s3+s7], $0x20, s18, s7, $0xb8;
	[tilespmem:$0x1DE20] =	vst v63  }
0x96: {  	_ =	swait.ge [sflag:s12], $0x4000  }
0x97: {  	[sflag:s12] =	ssyncset.done $0x0  }
0x98: {  	s18 =	rddreg [dreg:$0x1d];
	[sflag:s12] =	ssyncadd.s32 $0xFFFFC000  }
0x99: {  	[spmem:s2] =	stream.indirect.scatter.add.f32 [tilespmem:s16], [sflag:$0x7], $0x20, s18, s7, $0xb8;
	[tilespmem:$0x1DE20] =	vst v63  }
0x9a: {  	_ =	swait.ge [sflag:s11], $0x4000  }
0x9b: {  	[sflag:s11] =	ssyncset.done $0x0  }
0x9c: {  	s18 =	rddreg [dreg:$0x1e];
	[sflag:s11] =	ssyncadd.s32 $0xFFFFC000  }
0x9d: {  	[tilespmem:s8], [sflag:$0x2] =	stream.indirect.gather [hbm4b:s3+s7], $0x20, s18, s7, $0xb8;
	[tilespmem:$0x1DE20] =	vst v63  }
0x9e: {  	_ =	swait.ge [sflag:s21], $0x4000  }
0x9f: {  	[sflag:s21] =	ssyncset.done $0x0  }
0xa0: {  	s18 =	rddreg [dreg:$0x1f];
	[sflag:s21] =	ssyncadd.s32 $0xFFFFC000  }
0xa1: {  	[spmem:s2] =	stream.indirect.scatter.add.f32 [tilespmem:s10], [sflag:$0x8], $0x20, s18, s7, $0xb8;
	[tilespmem:$0x1DE20] =	vst v63  }
0xa2: {  	_ =	swait.ge [sflag:s14], $0x4000  }
0xa3: {  	s18 =	sld [smem:$0x7F3]  }
0xa4: {  	[sflag:s14] =	ssyncset.done $0x0  }
0xa5: {  	[sflag:s14] =	ssyncadd.s32 $0xFFFFC000  }
0xa6: {  	[tilespmem:s20], [sflag:$0x3] =	stream.indirect.gather [hbm4b:s3+s7], $0x20, s18, s7, $0xb8;
	[tilespmem:$0x1DE20] =	vst v63  }
0xa7: {  	_ =	swait.ge [sflag:s17], $0x4000  }
0xa8: {  	s18 =	sld [smem:$0x7F4]  }
0xa9: {  	[sflag:s17] =	ssyncset.done $0x0  }
0xaa: {  	[sflag:s17] =	ssyncadd.s32 $0xFFFFC000  }
0xab: {  	[spmem:s2] =	stream.indirect.scatter.add.f32 [tilespmem:s9], [sflag:$0x5], $0x20, s18, s7, $0xb8;
	[tilespmem:$0x1DE20] =	vst v63  }
0xac: {  	_ =	swait.ge [sflag:s15], $0x4000  }
0xad: {  	s18 =	sld [smem:$0x7F5]  }
0xae: {  	[sflag:s15] =	ssyncset.done $0x0  }
0xaf: {  	[sflag:s15] =	ssyncadd.s32 $0xFFFFC000  }
0xb0: {  	[tilespmem:s16], [sflag:$0x4] =	stream.indirect.gather [hbm4b:s3+s7], $0x20, s18, s7, $0xb8;
	[tilespmem:$0x1DE20] =	vst v63  }
0xb1: {  	_ =	swait.ge [sflag:s13], $0x4000  }
0xb2: {  	s18 =	sld [smem:$0x7F6]  }
0xb3: {  	[sflag:s13] =	ssyncset.done $0x0  }
0xb4: {  	[sflag:s13] =	ssyncadd.s32 $0xFFFFC000  }
0xb5: {  	[spmem:s2] =	stream.indirect.scatter.add.f32 [tilespmem:s8], [sflag:$0x6], $0x20, s18, s7, $0xb8;
	[tilespmem:$0x1DE20] =	vst v63  }
0xb6: {  	_ =	swait.ge [sflag:s19], $0x4000  }
0xb7: {  	s18 =	sld [smem:$0x7F7]  }
0xb8: {  	[sflag:s19] =	ssyncset.done $0x0  }
0xb9: {  	[sflag:s19] =	ssyncadd.s32 $0xFFFFC000  }
0xba: {  	[tilespmem:s10], [sflag:$0x1] =	stream.indirect.gather [hbm4b:s3+s7], $0x20, s18, s7, $0xb8;
	[tilespmem:$0x1DE20] =	vst v63  }
0xbb: {  	_ =	swait.ge [sflag:s12], $0x4000  }
0xbc: {  	s18 =	sld [smem:$0x7F8]  }
0xbd: {  	[sflag:s12] =	ssyncset.done $0x0  }
0xbe: {  	[sflag:s12] =	ssyncadd.s32 $0xFFFFC000  }
0xbf: {  	[spmem:s2] =	stream.indirect.scatter.add.f32 [tilespmem:s20], [sflag:$0x7], $0x20, s18, s7, $0xb8;
	[tilespmem:$0x1DE20] =	vst v63  }
0xc0: {  	_ =	swait.ge [sflag:s11], $0x4000  }
0xc1: {  	s18 =	sld [smem:$0x7F9]  }
0xc2: {  	[sflag:s11] =	ssyncset.done $0x0  }
0xc3: {  	[sflag:s11] =	ssyncadd.s32 $0xFFFFC000  }
0xc4: {  	[tilespmem:s9], [sflag:$0x2] =	stream.indirect.gather [hbm4b:s3+s7], $0x20, s18, s7, $0xb8;
	[tilespmem:$0x1DE20] =	vst v63  }
0xc5: {  	_ =	swait.ge [sflag:s21], $0x4000  }
0xc6: {  	s18 =	sld [smem:$0x7FA]  }
0xc7: {  	[sflag:s21] =	ssyncset.done $0x0  }
0xc8: {  	[sflag:s21] =	ssyncadd.s32 $0xFFFFC000  }
0xc9: {  	[spmem:s2] =	stream.indirect.scatter.add.f32 [tilespmem:s16], [sflag:$0x8], $0x20, s18, s7, $0xb8;
	[tilespmem:$0x1DE20] =	vst v63  }
0xca: {  	_ =	swait.ge [sflag:s14], $0x4000  }
0xcb: {  	s18 =	sld [smem:$0x7FB]  }
0xcc: {  	[sflag:s14] =	ssyncset.done $0x0  }
0xcd: {  	[sflag:s14] =	ssyncadd.s32 $0xFFFFC000  }
0xce: {  	[tilespmem:s8], [sflag:$0x3] =	stream.indirect.gather [hbm4b:s3+s7], $0x20, s18, s7, $0xb8;
	[tilespmem:$0x1DE20] =	vst v63  }
0xcf: {  	_ =	swait.ge [sflag:s17], $0x4000  }
0xd0: {  	s18 =	sld [smem:$0x7FC]  }
0xd1: {  	[sflag:s17] =	ssyncset.done $0x0  }
0xd2: {  	[sflag:s17] =	ssyncadd.s32 $0xFFFFC000  }
0xd3: {  	[spmem:s2] =	stream.indirect.scatter.add.f32 [tilespmem:s10], [sflag:$0x5], $0x20, s18, s7, $0xb8;
	[tilespmem:$0x1DE20] =	vst v63  }
0xd4: {  	_ =	swait.ge [sflag:s15], $0x4000  }
0xd5: {  	[sflag:s15] =	ssyncset.done $0x0  }
0xd6: {  	[sflag:s15] =	ssyncadd.s32 $0xFFFFC000  }
0xd7: {  	_ =	swait.ge [sflag:s13], $0x4000  }
0xd8: {  	s18 =	sld [smem:$0x7FD]  }
0xd9: {  	[sflag:s13] =	ssyncset.done $0x0  }
0xda: {  	[sflag:s13] =	ssyncadd.s32 $0xFFFFC000  }
0xdb: {  	[spmem:s2] =	stream.indirect.scatter.add.f32 [tilespmem:s9], [sflag:$0x6], $0x20, s18, s7, $0xb8;
	[tilespmem:$0x1DE20] =	vst v63  }
0xdc: {  	_ =	swait.ge [sflag:s19], $0x4000  }
0xdd: {  	[sflag:s19] =	ssyncset.done $0x0  }
0xde: {  	[sflag:s19] =	ssyncadd.s32 $0xFFFFC000  }
0xdf: {  	_ =	swait.ge [sflag:s12], $0x4000  }
0xe0: {  	[sflag:s12] =	ssyncset.done $0x0  }
0xe1: {  	[sflag:s12] =	ssyncadd.s32 $0xFFFFC000  }
0xe2: {  	[spmem:s2] =	stream.indirect.scatter.add.f32 [tilespmem:s8], [sflag:$0x7], $0x20, s29, s7, $0xb8;
	[tilespmem:$0x1DE20] =	vst v63  }
0xe3: {  	_ =	swait.ge [sflag:s11], $0x4000  }
0xe4: {  	[sflag:s11] =	ssyncset.done $0x0  }
0xe5: {  	[sflag:s11] =	ssyncadd.s32 $0xFFFFC000  }
0xe6: {  	_ =	swait.ge [sflag:s14], $0x4000  }
0xe7: {  	[sflag:s14] =	ssyncset.done $0x0  }
0xe8: {  	[sflag:s14] =	ssyncadd.s32 $0xFFFFC000  }
0xe9: {  	_ =	swait.ge [sflag:s15], $0x4000  }
0xea: {  	s30 =	simm.s32 @!p0 $0x200;
	[sflag:s15] =	ssyncset.done $0x0  }
0xeb: {  	s31 =	simm.s32 @!p0 $0x15000;
	s29 =	simm.s32 @!p0 $0x4;
	[sflag:s15] =	ssyncadd.s32 $0xFFFFC000  }
0xec: {  	[tilespmem:s31], [sflag:$0x4] =	stream.indirect.gather @!p0 [hbm4b:s3+s30], $0x20, s26, s30, $0xb8;
	[tilespmem:$0x1DE20] =	vst v63  }
0xed: {  	_ =	swait.ge @!p0 [sflag:s29], $0x4000  }
0xee: {  	[sflag:s29] =	ssyncset.done @!p0 $0x0  }
0xef: {  	s1 =	simm.s32 @!p0 $0x8;
	[sflag:s29] =	ssyncadd.s32 @!p0 $0xFFFFC000  }
0xf0: {  	[spmem:s2] =	stream.indirect.scatter.add.f32 @!p0 [tilespmem:s31], [sflag:$0x8], $0x20, s28, s30, $0xb8;
	[tilespmem:$0x1DE20] =	vst v63  }
0xf1: {  	_ =	swait.ge @!p0 [sflag:s1], $0x4000  }
0xf2: {  	s0 =	sadd.s32 $0xFFFFFFFF, s0;
	[sflag:s1] =	ssyncset.done @!p0 $0x0  }
0xf3: {  	p2 =	sne.s32 s0, $0x0;
	[sflag:s1] =	ssyncadd.s32 @!p0 $0xFFFFC000  }
.Ltmp1:
0xf4: {  	[bflag:$0x0] =	sbarrier.arrive $0xFFFF;
	(pc) =	sbr.rel @!p2 .LBB2_2-.Ltmp1, $4  }
0xf5: {  	s18 =	rddreg [dreg:$0x8]  }
0xf6: {  	[hbm:s18], [sflag:s4] =	dma.local [spmem:s5], $0x9C4  }
0xf7: {  	_ =	swait.ge [sflag:s6], $0x9C4  }
0xf8: {  	p1 =	por $0x1, $0x1;
	s18 =	rddreg [dreg:$0x3];
	[sflag:s6] =	ssyncset.done $0x0  }
.LBB2_3:
0xf9: {  	[sflag:s6] =	ssyncadd.s32 $0xFFFFF63C  }
0xfa: {  	[spmem:s5], [sflag:s4] =	dma.local [hbm:s18], $0x9C4  }
0xfb: {  	_ =	swait.ge [sflag:s6], $0x9C4  }
0xfc: {  	[sflag:s6] =	ssyncset.done $0x0  }
0xfd: {  	s18 =	rddreg [dreg:$0x4];
	[sflag:s6] =	ssyncadd.s32 $0xFFFFF63C  }
0xfe: {  	[tilespmem:s22], [sflag:$0x9] =	stream.linear.gather [hbm4b:s18+s22], $0x2600, $0x38;
	[tilespmem:$0x1DE20] =	vst v63  }
0xff: {  	_ =	swait.ge [sflag:s6], $0x2600  }
0x100: {  	[sflag:s6] =	ssyncset.done $0x0  }
0x101: {  	s18 =	rddreg [dreg:$0x5];
	[sflag:s6] =	ssyncadd.s32 $0xFFFFDA00  }
0x102: {  	[tilespmem:s23], [sflag:$0x9] =	stream.linear.gather [hbm4b:s18+s22], $0x2600, $0x38;
	[tilespmem:$0x1DE20] =	vst v63  }
0x103: {  	_ =	swait.ge [sflag:s6], $0x2600  }
0x104: {  	[sflag:s6] =	ssyncset.done $0x0  }
0x105: {  	s18 =	rddreg [dreg:$0x6];
	[sflag:s6] =	ssyncadd.s32 $0xFFFFDA00  }
0x106: {  	[tilespmem:s26], [sflag:$0x9] =	stream.linear.gather @!p0 [hbm4b:s18+s25], $0x200, $0x38;
	[tilespmem:$0x1DE20] =	vst v63  }
0x107: {  	_ =	swait.ge @!p0 [sflag:s24], $0x200  }
0x108: {  	[sflag:s24] =	ssyncset.done @!p0 $0x0  }
0x109: {  	s18 =	rddreg [dreg:$0x7];
	[sflag:s24] =	ssyncadd.s32 @!p0 $0xFFFFFE00  }
0x10a: {  	[tilespmem:s28], [sflag:$0x9] =	stream.linear.gather @!p0 [hbm4b:s18+s25], $0x200, $0x38;
	[tilespmem:$0x1DE20] =	vst v63  }
0x10b: {  	_ =	swait.ge @!p0 [sflag:s24], $0x200  }
0x10c: {  	[sflag:s24] =	ssyncset.done @!p0 $0x0  }
0x10d: {  	[sflag:s24] =	ssyncadd.s32 @!p0 $0xFFFFFE00  }
0x10e: {  	[bflag:$0x0] =	sbarrier.arrive $0xFFFF  }
0x10f: {  	[tilespmem:s16], [sflag:$0x1] =	stream.indirect.gather [hbm4b:s3+s7], $0x20, s22, s7, $0xb8;
	[tilespmem:$0x1DE20] =	vst v63  }
0x110: {  	_ = 	snop  }
0x111: {  	[tilespmem:s10], [sflag:$0x2] =	stream.indirect.gather [hbm4b:s3+s7], $0x20, s7, s7, $0xb8;
	[tilespmem:$0x1DE20] =	vst v63  }
0x112: {  	s18 =	rddreg [dreg:$0x9]  }
0x113: {  	[tilespmem:s9], [sflag:$0x3] =	stream.indirect.gather [hbm4b:s3+s7], $0x20, s18, s7, $0xb8;
	[tilespmem:$0x1DE20] =	vst v63  }
0x114: {  	_ =	swait.ge [sflag:s17], $0x4000  }
0x115: {  	[sflag:s17] =	ssyncset.done $0x0  }
0x116: {  	[sflag:s17] =	ssyncadd.s32 $0xFFFFC000  }
0x117: {  	[spmem:s2] =	stream.indirect.scatter.add.f32 [tilespmem:s16], [sflag:$0x5], $0x20, s23, s7, $0xb8;
	[tilespmem:$0x1DE20] =	vst v63  }
0x118: {  	s18 =	rddreg [dreg:$0xa]  }
0x119: {  	[tilespmem:s8], [sflag:$0x4] =	stream.indirect.gather [hbm4b:s3+s7], $0x20, s18, s7, $0xb8;
	[tilespmem:$0x1DE20] =	vst v63  }
0x11a: {  	_ =	swait.ge [sflag:s13], $0x4000  }
0x11b: {  	[sflag:s13] =	ssyncset.done $0x0  }
0x11c: {  	s18 =	rddreg [dreg:$0xb];
	[sflag:s13] =	ssyncadd.s32 $0xFFFFC000  }
0x11d: {  	[spmem:s2] =	stream.indirect.scatter.add.f32 [tilespmem:s10], [sflag:$0x6], $0x20, s18, s7, $0xb8;
	[tilespmem:$0x1DE20] =	vst v63  }
0x11e: {  	s23 =	rddreg [dreg:$0xc]  }
0x11f: {  	[tilespmem:s20], [sflag:$0x1] =	stream.indirect.gather [hbm4b:s3+s7], $0x20, s23, s7, $0xb8;
	[tilespmem:$0x1DE20] =	vst v63  }
0x120: {  	_ =	swait.ge [sflag:s12], $0x4000  }
0x121: {  	[sflag:s12] =	ssyncset.done $0x0  }
0x122: {  	s18 =	rddreg [dreg:$0xd];
	[sflag:s12] =	ssyncadd.s32 $0xFFFFC000  }
0x123: {  	[spmem:s2] =	stream.indirect.scatter.add.f32 [tilespmem:s9], [sflag:$0x7], $0x20, s18, s7, $0xb8;
	[tilespmem:$0x1DE20] =	vst v63  }
0x124: {  	_ =	swait.ge [sflag:s11], $0x4000  }
0x125: {  	[sflag:s11] =	ssyncset.done $0x0  }
0x126: {  	s18 =	rddreg [dreg:$0xe];
	[sflag:s11] =	ssyncadd.s32 $0xFFFFC000  }
0x127: {  	[tilespmem:s16], [sflag:$0x2] =	stream.indirect.gather [hbm4b:s3+s7], $0x20, s18, s7, $0xb8;
	[tilespmem:$0x1DE20] =	vst v63  }
0x128: {  	_ =	swait.ge [sflag:s21], $0x4000  }
0x129: {  	[sflag:s21] =	ssyncset.done $0x0  }
0x12a: {  	s18 =	rddreg [dreg:$0xf];
	[sflag:s21] =	ssyncadd.s32 $0xFFFFC000  }
0x12b: {  	[spmem:s2] =	stream.indirect.scatter.add.f32 [tilespmem:s8], [sflag:$0x8], $0x20, s18, s7, $0xb8;
	[tilespmem:$0x1DE20] =	vst v63  }
0x12c: {  	_ =	swait.ge [sflag:s14], $0x4000  }
0x12d: {  	[sflag:s14] =	ssyncset.done $0x0  }
0x12e: {  	s18 =	rddreg [dreg:$0x10];
	[sflag:s14] =	ssyncadd.s32 $0xFFFFC000  }
0x12f: {  	[tilespmem:s10], [sflag:$0x3] =	stream.indirect.gather [hbm4b:s3+s7], $0x20, s18, s7, $0xb8;
	[tilespmem:$0x1DE20] =	vst v63  }
0x130: {  	_ =	swait.ge [sflag:s17], $0x4000  }
0x131: {  	[sflag:s17] =	ssyncset.done $0x0  }
0x132: {  	s18 =	rddreg [dreg:$0x11];
	[sflag:s17] =	ssyncadd.s32 $0xFFFFC000  }
0x133: {  	[spmem:s2] =	stream.indirect.scatter.add.f32 [tilespmem:s20], [sflag:$0x5], $0x20, s18, s7, $0xb8;
	[tilespmem:$0x1DE20] =	vst v63  }
0x134: {  	_ =	swait.ge [sflag:s15], $0x4000  }
0x135: {  	[sflag:s15] =	ssyncset.done $0x0  }
0x136: {  	s18 =	rddreg [dreg:$0x12];
	[sflag:s15] =	ssyncadd.s32 $0xFFFFC000  }
0x137: {  	[tilespmem:s9], [sflag:$0x4] =	stream.indirect.gather [hbm4b:s3+s7], $0x20, s18, s7, $0xb8;
	[tilespmem:$0x1DE20] =	vst v63  }
0x138: {  	_ =	swait.ge [sflag:s13], $0x4000  }
0x139: {  	[sflag:s13] =	ssyncset.done $0x0  }
0x13a: {  	s18 =	rddreg [dreg:$0x13];
	[sflag:s13] =	ssyncadd.s32 $0xFFFFC000  }
0x13b: {  	[spmem:s2] =	stream.indirect.scatter.add.f32 [tilespmem:s16], [sflag:$0x6], $0x20, s18, s7, $0xb8;
	[tilespmem:$0x1DE20] =	vst v63  }
0x13c: {  	_ =	swait.ge [sflag:s19], $0x4000  }
0x13d: {  	[sflag:s19] =	ssyncset.done $0x0  }
0x13e: {  	s18 =	rddreg [dreg:$0x14];
	[sflag:s19] =	ssyncadd.s32 $0xFFFFC000  }
0x13f: {  	[tilespmem:s8], [sflag:$0x1] =	stream.indirect.gather [hbm4b:s3+s7], $0x20, s18, s7, $0xb8;
	[tilespmem:$0x1DE20] =	vst v63  }
0x140: {  	_ =	swait.ge [sflag:s12], $0x4000  }
0x141: {  	[sflag:s12] =	ssyncset.done $0x0  }
0x142: {  	s18 =	rddreg [dreg:$0x15];
	[sflag:s12] =	ssyncadd.s32 $0xFFFFC000  }
0x143: {  	[spmem:s2] =	stream.indirect.scatter.add.f32 [tilespmem:s10], [sflag:$0x7], $0x20, s18, s7, $0xb8;
	[tilespmem:$0x1DE20] =	vst v63  }
0x144: {  	_ =	swait.ge [sflag:s11], $0x4000  }
0x145: {  	[sflag:s11] =	ssyncset.done $0x0  }
0x146: {  	s18 =	rddreg [dreg:$0x16];
	[sflag:s11] =	ssyncadd.s32 $0xFFFFC000  }
0x147: {  	[tilespmem:s20], [sflag:$0x2] =	stream.indirect.gather [hbm4b:s3+s7], $0x20, s18, s7, $0xb8;
	[tilespmem:$0x1DE20] =	vst v63  }
0x148: {  	_ =	swait.ge [sflag:s21], $0x4000  }
0x149: {  	[sflag:s21] =	ssyncset.done $0x0  }
0x14a: {  	s18 =	rddreg [dreg:$0x17];
	[sflag:s21] =	ssyncadd.s32 $0xFFFFC000  }
0x14b: {  	[spmem:s2] =	stream.indirect.scatter.add.f32 [tilespmem:s9], [sflag:$0x8], $0x20, s18, s7, $0xb8;
	[tilespmem:$0x1DE20] =	vst v63  }
0x14c: {  	_ =	swait.ge [sflag:s14], $0x4000  }
0x14d: {  	[sflag:s14] =	ssyncset.done $0x0  }
0x14e: {  	s18 =	rddreg [dreg:$0x18];
	[sflag:s14] =	ssyncadd.s32 $0xFFFFC000  }
0x14f: {  	[tilespmem:s16], [sflag:$0x3] =	stream.indirect.gather [hbm4b:s3+s7], $0x20, s18, s7, $0xb8;
	[tilespmem:$0x1DE20] =	vst v63  }
0x150: {  	_ =	swait.ge [sflag:s17], $0x4000  }
0x151: {  	[sflag:s17] =	ssyncset.done $0x0  }
0x152: {  	s18 =	rddreg [dreg:$0x19];
	[sflag:s17] =	ssyncadd.s32 $0xFFFFC000  }
0x153: {  	[spmem:s2] =	stream.indirect.scatter.add.f32 [tilespmem:s8], [sflag:$0x5], $0x20, s18, s7, $0xb8;
	[tilespmem:$0x1DE20] =	vst v63  }
0x154: {  	_ =	swait.ge [sflag:s15], $0x4000  }
0x155: {  	[sflag:s15] =	ssyncset.done $0x0  }
0x156: {  	s18 =	rddreg [dreg:$0x1a];
	[sflag:s15] =	ssyncadd.s32 $0xFFFFC000  }
0x157: {  	[tilespmem:s10], [sflag:$0x4] =	stream.indirect.gather [hbm4b:s3+s7], $0x20, s18, s7, $0xb8;
	[tilespmem:$0x1DE20] =	vst v63  }
0x158: {  	_ =	swait.ge [sflag:s13], $0x4000  }
0x159: {  	[sflag:s13] =	ssyncset.done $0x0  }
0x15a: {  	s18 =	rddreg [dreg:$0x1b];
	[sflag:s13] =	ssyncadd.s32 $0xFFFFC000  }
0x15b: {  	[spmem:s2] =	stream.indirect.scatter.add.f32 [tilespmem:s20], [sflag:$0x6], $0x20, s18, s7, $0xb8;
	[tilespmem:$0x1DE20] =	vst v63  }
0x15c: {  	_ =	swait.ge [sflag:s19], $0x4000  }
0x15d: {  	[sflag:s19] =	ssyncset.done $0x0  }
0x15e: {  	s18 =	rddreg [dreg:$0x1c];
	[sflag:s19] =	ssyncadd.s32 $0xFFFFC000  }
0x15f: {  	[tilespmem:s9], [sflag:$0x1] =	stream.indirect.gather [hbm4b:s3+s7], $0x20, s18, s7, $0xb8;
	[tilespmem:$0x1DE20] =	vst v63  }
0x160: {  	_ =	swait.ge [sflag:s12], $0x4000  }
0x161: {  	[sflag:s12] =	ssyncset.done $0x0  }
0x162: {  	s18 =	rddreg [dreg:$0x1d];
	[sflag:s12] =	ssyncadd.s32 $0xFFFFC000  }
0x163: {  	[spmem:s2] =	stream.indirect.scatter.add.f32 [tilespmem:s16], [sflag:$0x7], $0x20, s18, s7, $0xb8;
	[tilespmem:$0x1DE20] =	vst v63  }
0x164: {  	_ =	swait.ge [sflag:s11], $0x4000  }
0x165: {  	[sflag:s11] =	ssyncset.done $0x0  }
0x166: {  	s18 =	rddreg [dreg:$0x1e];
	[sflag:s11] =	ssyncadd.s32 $0xFFFFC000  }
0x167: {  	[tilespmem:s8], [sflag:$0x2] =	stream.indirect.gather [hbm4b:s3+s7], $0x20, s18, s7, $0xb8;
	[tilespmem:$0x1DE20] =	vst v63  }
0x168: {  	_ =	swait.ge [sflag:s21], $0x4000  }
0x169: {  	[sflag:s21] =	ssyncset.done $0x0  }
0x16a: {  	s18 =	rddreg [dreg:$0x1f];
	[sflag:s21] =	ssyncadd.s32 $0xFFFFC000  }
0x16b: {  	[spmem:s2] =	stream.indirect.scatter.add.f32 [tilespmem:s10], [sflag:$0x8], $0x20, s18, s7, $0xb8;
	[tilespmem:$0x1DE20] =	vst v63  }
0x16c: {  	_ =	swait.ge [sflag:s14], $0x4000  }
0x16d: {  	s18 =	sld [smem:$0x7F3]  }
0x16e: {  	[sflag:s14] =	ssyncset.done $0x0  }
0x16f: {  	[sflag:s14] =	ssyncadd.s32 $0xFFFFC000  }
0x170: {  	[tilespmem:s20], [sflag:$0x3] =	stream.indirect.gather [hbm4b:s3+s7], $0x20, s18, s7, $0xb8;
	[tilespmem:$0x1DE20] =	vst v63  }
0x171: {  	_ =	swait.ge [sflag:s17], $0x4000  }
0x172: {  	s18 =	sld [smem:$0x7F4]  }
0x173: {  	[sflag:s17] =	ssyncset.done $0x0  }
0x174: {  	[sflag:s17] =	ssyncadd.s32 $0xFFFFC000  }
0x175: {  	[spmem:s2] =	stream.indirect.scatter.add.f32 [tilespmem:s9], [sflag:$0x5], $0x20, s18, s7, $0xb8;
	[tilespmem:$0x1DE20] =	vst v63  }
0x176: {  	_ =	swait.ge [sflag:s15], $0x4000  }
0x177: {  	s18 =	sld [smem:$0x7F5]  }
0x178: {  	[sflag:s15] =	ssyncset.done $0x0  }
0x179: {  	[sflag:s15] =	ssyncadd.s32 $0xFFFFC000  }
0x17a: {  	[tilespmem:s16], [sflag:$0x4] =	stream.indirect.gather [hbm4b:s3+s7], $0x20, s18, s7, $0xb8;
	[tilespmem:$0x1DE20] =	vst v63  }
0x17b: {  	_ =	swait.ge [sflag:s13], $0x4000  }
0x17c: {  	s18 =	sld [smem:$0x7F6]  }
0x17d: {  	[sflag:s13] =	ssyncset.done $0x0  }
0x17e: {  	[sflag:s13] =	ssyncadd.s32 $0xFFFFC000  }
0x17f: {  	[spmem:s2] =	stream.indirect.scatter.add.f32 [tilespmem:s8], [sflag:$0x6], $0x20, s18, s7, $0xb8;
	[tilespmem:$0x1DE20] =	vst v63  }
0x180: {  	_ =	swait.ge [sflag:s19], $0x4000  }
0x181: {  	s18 =	sld [smem:$0x7F7]  }
0x182: {  	[sflag:s19] =	ssyncset.done $0x0  }
0x183: {  	[sflag:s19] =	ssyncadd.s32 $0xFFFFC000  }
0x184: {  	[tilespmem:s10], [sflag:$0x1] =	stream.indirect.gather [hbm4b:s3+s7], $0x20, s18, s7, $0xb8;
	[tilespmem:$0x1DE20] =	vst v63  }
0x185: {  	_ =	swait.ge [sflag:s12], $0x4000  }
0x186: {  	s18 =	sld [smem:$0x7F8]  }
0x187: {  	[sflag:s12] =	ssyncset.done $0x0  }
0x188: {  	[sflag:s12] =	ssyncadd.s32 $0xFFFFC000  }
0x189: {  	[spmem:s2] =	stream.indirect.scatter.add.f32 [tilespmem:s20], [sflag:$0x7], $0x20, s18, s7, $0xb8;
	[tilespmem:$0x1DE20] =	vst v63  }
0x18a: {  	_ =	swait.ge [sflag:s11], $0x4000  }
0x18b: {  	s18 =	sld [smem:$0x7F9]  }
0x18c: {  	[sflag:s11] =	ssyncset.done $0x0  }
0x18d: {  	[sflag:s11] =	ssyncadd.s32 $0xFFFFC000  }
0x18e: {  	[tilespmem:s9], [sflag:$0x2] =	stream.indirect.gather [hbm4b:s3+s7], $0x20, s18, s7, $0xb8;
	[tilespmem:$0x1DE20] =	vst v63  }
0x18f: {  	_ =	swait.ge [sflag:s21], $0x4000  }
0x190: {  	s18 =	sld [smem:$0x7FA]  }
0x191: {  	[sflag:s21] =	ssyncset.done $0x0  }
0x192: {  	[sflag:s21] =	ssyncadd.s32 $0xFFFFC000  }
0x193: {  	[spmem:s2] =	stream.indirect.scatter.add.f32 [tilespmem:s16], [sflag:$0x8], $0x20, s18, s7, $0xb8;
	[tilespmem:$0x1DE20] =	vst v63  }
0x194: {  	_ =	swait.ge [sflag:s14], $0x4000  }
0x195: {  	s18 =	sld [smem:$0x7FB]  }
0x196: {  	[sflag:s14] =	ssyncset.done $0x0  }
0x197: {  	[sflag:s14] =	ssyncadd.s32 $0xFFFFC000  }
0x198: {  	[tilespmem:s8], [sflag:$0x3] =	stream.indirect.gather [hbm4b:s3+s7], $0x20, s18, s7, $0xb8;
	[tilespmem:$0x1DE20] =	vst v63  }
0x199: {  	_ =	swait.ge [sflag:s17], $0x4000  }
0x19a: {  	s18 =	sld [smem:$0x7FC]  }
0x19b: {  	[sflag:s17] =	ssyncset.done $0x0  }
0x19c: {  	[sflag:s17] =	ssyncadd.s32 $0xFFFFC000  }
0x19d: {  	[spmem:s2] =	stream.indirect.scatter.add.f32 [tilespmem:s10], [sflag:$0x5], $0x20, s18, s7, $0xb8;
	[tilespmem:$0x1DE20] =	vst v63  }
0x19e: {  	_ =	swait.ge [sflag:s15], $0x4000  }
0x19f: {  	[sflag:s15] =	ssyncset.done $0x0  }
0x1a0: {  	[sflag:s15] =	ssyncadd.s32 $0xFFFFC000  }
0x1a1: {  	_ =	swait.ge [sflag:s13], $0x4000  }
0x1a2: {  	s18 =	sld [smem:$0x7FD]  }
0x1a3: {  	[sflag:s13] =	ssyncset.done $0x0  }
0x1a4: {  	[sflag:s13] =	ssyncadd.s32 $0xFFFFC000  }
0x1a5: {  	[spmem:s2] =	stream.indirect.scatter.add.f32 [tilespmem:s9], [sflag:$0x6], $0x20, s18, s7, $0xb8;
	[tilespmem:$0x1DE20] =	vst v63  }
0x1a6: {  	_ =	swait.ge [sflag:s19], $0x4000  }
0x1a7: {  	[sflag:s19] =	ssyncset.done $0x0  }
0x1a8: {  	[sflag:s19] =	ssyncadd.s32 $0xFFFFC000  }
0x1a9: {  	_ =	swait.ge [sflag:s12], $0x4000  }
0x1aa: {  	[sflag:s12] =	ssyncset.done $0x0  }
0x1ab: {  	s18 =	simm.s32 $0x4C00;
	[sflag:s12] =	ssyncadd.s32 $0xFFFFC000  }
0x1ac: {  	[spmem:s2] =	stream.indirect.scatter.add.f32 [tilespmem:s8], [sflag:$0x7], $0x20, s18, s7, $0xb8;
	[tilespmem:$0x1DE20] =	vst v63  }
0x1ad: {  	_ =	swait.ge [sflag:s11], $0x4000  }
0x1ae: {  	[sflag:s11] =	ssyncset.done $0x0  }
0x1af: {  	[sflag:s11] =	ssyncadd.s32 $0xFFFFC000  }
0x1b0: {  	_ =	swait.ge [sflag:s14], $0x4000  }
0x1b1: {  	[sflag:s14] =	ssyncset.done $0x0  }
0x1b2: {  	[sflag:s14] =	ssyncadd.s32 $0xFFFFC000  }
0x1b3: {  	_ =	swait.ge [sflag:s15], $0x4000  }
0x1b4: {  	[sflag:s15] =	ssyncset.done $0x0  }
0x1b5: {  	[sflag:s15] =	ssyncadd.s32 $0xFFFFC000  }
0x1b6: {  	[tilespmem:s31], [sflag:$0x4] =	stream.indirect.gather @!p0 [hbm4b:s3+s30], $0x20, s26, s30, $0xb8;
	[tilespmem:$0x1DE20] =	vst v63  }
0x1b7: {  	_ =	swait.ge @!p0 [sflag:s29], $0x4000  }
0x1b8: {  	[sflag:s29] =	ssyncset.done @!p0 $0x0  }
0x1b9: {  	[sflag:s29] =	ssyncadd.s32 @!p0 $0xFFFFC000  }
0x1ba: {  	[spmem:s2] =	stream.indirect.scatter.add.f32 @!p0 [tilespmem:s31], [sflag:$0x8], $0x20, s28, s30, $0xb8;
	[tilespmem:$0x1DE20] =	vst v63  }
0x1bb: {  	_ =	swait.ge @!p0 [sflag:s1], $0x4000  }
0x1bc: {  	s0 =	sadd.s32 $0xFFFFFFFF, s0;
	[sflag:s1] =	ssyncset.done @!p0 $0x0  }
0x1bd: {  	p2 =	sne.s32 s0, $0x0;
	[sflag:s1] =	ssyncadd.s32 @!p0 $0xFFFFC000  }
.Ltmp2:
0x1be: {  	[bflag:$0x0] =	sbarrier.arrive $0xFFFF;
	(pc) =	sbr.rel @p2 .LBB2_3-.Ltmp2, $4  }
0x1bf: {  	s18 =	rddreg [dreg:$0x8]  }
0x1c0: {  	[hbm:s18], [sflag:s4] =	dma.local [spmem:s5], $0x9C4  }
0x1c1: {  	_ =	swait.ge [sflag:s6], $0x9C4  }
0x1c2: {  	s23 =	simm.s32 $0x2800;
	s18 =	rddreg [dreg:$0x3];
	[sflag:s6] =	ssyncset.done $0x0  }
0x1c3: {  	s25 =	stileid.u32;
	s26 =	rddreg [dreg:$0x2];
	s29 =	simm.s32 $0x4C00  }
.LBB2_5:
0x1c4: {  	[sflag:s6] =	ssyncadd.s32 @p1 $0xFFFFF63C  }
0x1c5: {  	[spmem:s5], [sflag:s4] =	dma.local [hbm:s18], $0x9C4  }
0x1c6: {  	_ =	swait.ge [sflag:s6], $0x9C4  }
0x1c7: {  	[sflag:s6] =	ssyncset.done $0x0  }
0x1c8: {  	s0 =	rddreg [dreg:$0x4];
	[sflag:s6] =	ssyncadd.s32 $0xFFFFF63C  }
0x1c9: {  	[tilespmem:s22], [sflag:$0x9] =	stream.linear.gather [hbm4b:s0+s22], $0x2600, $0x38;
	[tilespmem:$0x1DE20] =	vst v63  }
0x1ca: {  	_ =	swait.ge [sflag:s6], $0x2600  }
0x1cb: {  	[sflag:s6] =	ssyncset.done $0x0  }
0x1cc: {  	s18 =	rddreg [dreg:$0x5];
	[sflag:s6] =	ssyncadd.s32 $0xFFFFDA00  }
0x1cd: {  	[tilespmem:s23], [sflag:$0x9] =	stream.linear.gather [hbm4b:s18+s22], $0x2600, $0x38;
	[tilespmem:$0x1DE20] =	vst v63  }
0x1ce: {  	_ =	swait.ge [sflag:s6], $0x2600  }
0x1cf: {  	s0 =	simm.s32 @!p0 $0x2600;
	s18 =	simm.s32 @!p0 $0x0;
	[sflag:s6] =	ssyncset.done $0x0  }
0x1d0: {  	s23 =	simm.s32 @!p0 $0x9;
	s1 =	rddreg [dreg:$0x6];
	[sflag:s6] =	ssyncadd.s32 $0xFFFFDA00  }
0x1d1: {  	[tilespmem:s0], [sflag:$0x9] =	stream.linear.gather @!p0 [hbm4b:s1+s18], $0x200, $0x38;
	[tilespmem:$0x1DE20] =	vst v63  }
0x1d2: {  	_ =	swait.ge @!p0 [sflag:s23], $0x200  }
0x1d3: {  	[sflag:s23] =	ssyncset.done @!p0 $0x0  }
0x1d4: {  	s1 =	simm.s32 @!p0 $0x4E00;
	s24 =	rddreg [dreg:$0x7];
	[sflag:s23] =	ssyncadd.s32 @!p0 $0xFFFFFE00  }
0x1d5: {  	[tilespmem:s1], [sflag:$0x9] =	stream.linear.gather @!p0 [hbm4b:s24+s18], $0x200, $0x38;
	[tilespmem:$0x1DE20] =	vst v63  }
0x1d6: {  	_ =	swait.ge @!p0 [sflag:s23], $0x200  }
0x1d7: {  	[sflag:s23] =	ssyncset.done @!p0 $0x0  }
0x1d8: {  	[sflag:s23] =	ssyncadd.s32 @!p0 $0xFFFFFE00  }
0x1d9: {  	[bflag:$0x0] =	sbarrier.arrive $0xFFFF  }
0x1da: {  	[tilespmem:s16], [sflag:$0x1] =	stream.indirect.gather [hbm4b:s3+s7], $0x20, s22, s7, $0xb8;
	[tilespmem:$0x1DE20] =	vst v63  }
0x1db: {  	_ = 	snop  }
0x1dc: {  	[tilespmem:s10], [sflag:$0x2] =	stream.indirect.gather [hbm4b:s3+s7], $0x20, s7, s7, $0xb8;
	[tilespmem:$0x1DE20] =	vst v63  }
0x1dd: {  	s23 =	rddreg [dreg:$0x9]  }
0x1de: {  	[tilespmem:s9], [sflag:$0x3] =	stream.indirect.gather [hbm4b:s3+s7], $0x20, s23, s7, $0xb8;
	[tilespmem:$0x1DE20] =	vst v63  }
0x1df: {  	_ =	swait.ge [sflag:s17], $0x4000  }
0x1e0: {  	[sflag:s17] =	ssyncset.done $0x0  }
0x1e1: {  	s28 =	simm.s32 $0x2800;
	[sflag:s17] =	ssyncadd.s32 $0xFFFFC000  }
0x1e2: {  	[spmem:s2] =	stream.indirect.scatter.add.f32 [tilespmem:s16], [sflag:$0x5], $0x20, s28, s7, $0xb8;
	[tilespmem:$0x1DE20] =	vst v63  }
0x1e3: {  	s24 =	rddreg [dreg:$0xa]  }
0x1e4: {  	[tilespmem:s8], [sflag:$0x4] =	stream.indirect.gather [hbm4b:s3+s7], $0x20, s24, s7, $0xb8;
	[tilespmem:$0x1DE20] =	vst v63  }
0x1e5: {  	_ =	swait.ge [sflag:s13], $0x4000  }
0x1e6: {  	[sflag:s13] =	ssyncset.done $0x0  }
0x1e7: {  	s28 =	rddreg [dreg:$0xb];
	[sflag:s13] =	ssyncadd.s32 $0xFFFFC000  }
0x1e8: {  	[spmem:s2] =	stream.indirect.scatter.add.f32 [tilespmem:s10], [sflag:$0x6], $0x20, s28, s7, $0xb8;
	[tilespmem:$0x1DE20] =	vst v63  }
0x1e9: {  	s30 =	rddreg [dreg:$0xc]  }
0x1ea: {  	[tilespmem:s20], [sflag:$0x1] =	stream.indirect.gather [hbm4b:s3+s7], $0x20, s30, s7, $0xb8;
	[tilespmem:$0x1DE20] =	vst v63  }
0x1eb: {  	_ =	swait.ge [sflag:s12], $0x4000  }
0x1ec: {  	[sflag:s12] =	ssyncset.done $0x0  }
0x1ed: {  	s31 =	rddreg [dreg:$0xd];
	[sflag:s12] =	ssyncadd.s32 $0xFFFFC000  }
0x1ee: {  	[spmem:s2] =	stream.indirect.scatter.add.f32 [tilespmem:s9], [sflag:$0x7], $0x20, s31, s7, $0xb8;
	[tilespmem:$0x1DE20] =	vst v63  }
0x1ef: {  	_ =	swait.ge [sflag:s11], $0x4000  }
0x1f0: {  	[sflag:s11] =	ssyncset.done $0x0  }
0x1f1: {  	s22 =	rddreg [dreg:$0xe];
	[sflag:s11] =	ssyncadd.s32 $0xFFFFC000  }
0x1f2: {  	[tilespmem:s16], [sflag:$0x2] =	stream.indirect.gather [hbm4b:s3+s7], $0x20, s22, s7, $0xb8;
	[tilespmem:$0x1DE20] =	vst v63  }
0x1f3: {  	_ =	swait.ge [sflag:s21], $0x4000  }
0x1f4: {  	[sflag:s21] =	ssyncset.done $0x0  }
0x1f5: {  	s23 =	rddreg [dreg:$0xf];
	[sflag:s21] =	ssyncadd.s32 $0xFFFFC000  }
0x1f6: {  	[spmem:s2] =	stream.indirect.scatter.add.f32 [tilespmem:s8], [sflag:$0x8], $0x20, s23, s7, $0xb8;
	[tilespmem:$0x1DE20] =	vst v63  }
0x1f7: {  	_ =	swait.ge [sflag:s14], $0x4000  }
0x1f8: {  	[sflag:s14] =	ssyncset.done $0x0  }
0x1f9: {  	s24 =	rddreg [dreg:$0x10];
	[sflag:s14] =	ssyncadd.s32 $0xFFFFC000  }
0x1fa: {  	[tilespmem:s10], [sflag:$0x3] =	stream.indirect.gather [hbm4b:s3+s7], $0x20, s24, s7, $0xb8;
	[tilespmem:$0x1DE20] =	vst v63  }
0x1fb: {  	_ =	swait.ge [sflag:s17], $0x4000  }
0x1fc: {  	[sflag:s17] =	ssyncset.done $0x0  }
0x1fd: {  	s28 =	rddreg [dreg:$0x11];
	[sflag:s17] =	ssyncadd.s32 $0xFFFFC000  }
0x1fe: {  	[spmem:s2] =	stream.indirect.scatter.add.f32 [tilespmem:s20], [sflag:$0x5], $0x20, s28, s7, $0xb8;
	[tilespmem:$0x1DE20] =	vst v63  }
0x1ff: {  	_ =	swait.ge [sflag:s15], $0x4000  }
0x200: {  	[sflag:s15] =	ssyncset.done $0x0  }
0x201: {  	s30 =	rddreg [dreg:$0x12];
	[sflag:s15] =	ssyncadd.s32 $0xFFFFC000  }
0x202: {  	[tilespmem:s9], [sflag:$0x4] =	stream.indirect.gather [hbm4b:s3+s7], $0x20, s30, s7, $0xb8;
	[tilespmem:$0x1DE20] =	vst v63  }
0x203: {  	_ =	swait.ge [sflag:s13], $0x4000  }
0x204: {  	[sflag:s13] =	ssyncset.done $0x0  }
0x205: {  	s31 =	rddreg [dreg:$0x13];
	[sflag:s13] =	ssyncadd.s32 $0xFFFFC000  }
0x206: {  	[spmem:s2] =	stream.indirect.scatter.add.f32 [tilespmem:s16], [sflag:$0x6], $0x20, s31, s7, $0xb8;
	[tilespmem:$0x1DE20] =	vst v63  }
0x207: {  	_ =	swait.ge [sflag:s19], $0x4000  }
0x208: {  	[sflag:s19] =	ssyncset.done $0x0  }
0x209: {  	s22 =	rddreg [dreg:$0x14];
	[sflag:s19] =	ssyncadd.s32 $0xFFFFC000  }
0x20a: {  	[tilespmem:s8], [sflag:$0x1] =	stream.indirect.gather [hbm4b:s3+s7], $0x20, s22, s7, $0xb8;
	[tilespmem:$0x1DE20] =	vst v63  }
0x20b: {  	_ =	swait.ge [sflag:s12], $0x4000  }
0x20c: {  	[sflag:s12] =	ssyncset.done $0x0  }
0x20d: {  	s23 =	rddreg [dreg:$0x15];
	[sflag:s12] =	ssyncadd.s32 $0xFFFFC000  }
0x20e: {  	[spmem:s2] =	stream.indirect.scatter.add.f32 [tilespmem:s10], [sflag:$0x7], $0x20, s23, s7, $0xb8;
	[tilespmem:$0x1DE20] =	vst v63  }
0x20f: {  	_ =	swait.ge [sflag:s11], $0x4000  }
0x210: {  	[sflag:s11] =	ssyncset.done $0x0  }
0x211: {  	s24 =	rddreg [dreg:$0x16];
	[sflag:s11] =	ssyncadd.s32 $0xFFFFC000  }
0x212: {  	[tilespmem:s20], [sflag:$0x2] =	stream.indirect.gather [hbm4b:s3+s7], $0x20, s24, s7, $0xb8;
	[tilespmem:$0x1DE20] =	vst v63  }
0x213: {  	_ =	swait.ge [sflag:s21], $0x4000  }
0x214: {  	[sflag:s21] =	ssyncset.done $0x0  }
0x215: {  	s28 =	rddreg [dreg:$0x17];
	[sflag:s21] =	ssyncadd.s32 $0xFFFFC000  }
0x216: {  	[spmem:s2] =	stream.indirect.scatter.add.f32 [tilespmem:s9], [sflag:$0x8], $0x20, s28, s7, $0xb8;
	[tilespmem:$0x1DE20] =	vst v63  }
0x217: {  	_ =	swait.ge [sflag:s14], $0x4000  }
0x218: {  	[sflag:s14] =	ssyncset.done $0x0  }
0x219: {  	s30 =	rddreg [dreg:$0x18];
	[sflag:s14] =	ssyncadd.s32 $0xFFFFC000  }
0x21a: {  	[tilespmem:s16], [sflag:$0x3] =	stream.indirect.gather [hbm4b:s3+s7], $0x20, s30, s7, $0xb8;
	[tilespmem:$0x1DE20] =	vst v63  }
0x21b: {  	_ =	swait.ge [sflag:s17], $0x4000  }
0x21c: {  	[sflag:s17] =	ssyncset.done $0x0  }
0x21d: {  	s31 =	rddreg [dreg:$0x19];
	[sflag:s17] =	ssyncadd.s32 $0xFFFFC000  }
0x21e: {  	[spmem:s2] =	stream.indirect.scatter.add.f32 [tilespmem:s8], [sflag:$0x5], $0x20, s31, s7, $0xb8;
	[tilespmem:$0x1DE20] =	vst v63  }
0x21f: {  	_ =	swait.ge [sflag:s15], $0x4000  }
0x220: {  	[sflag:s15] =	ssyncset.done $0x0  }
0x221: {  	s22 =	rddreg [dreg:$0x1a];
	[sflag:s15] =	ssyncadd.s32 $0xFFFFC000  }
0x222: {  	[tilespmem:s10], [sflag:$0x4] =	stream.indirect.gather [hbm4b:s3+s7], $0x20, s22, s7, $0xb8;
	[tilespmem:$0x1DE20] =	vst v63  }
0x223: {  	_ =	swait.ge [sflag:s13], $0x4000  }
0x224: {  	[sflag:s13] =	ssyncset.done $0x0  }
0x225: {  	s23 =	rddreg [dreg:$0x1b];
	[sflag:s13] =	ssyncadd.s32 $0xFFFFC000  }
0x226: {  	[spmem:s2] =	stream.indirect.scatter.add.f32 [tilespmem:s20], [sflag:$0x6], $0x20, s23, s7, $0xb8;
	[tilespmem:$0x1DE20] =	vst v63  }
0x227: {  	_ =	swait.ge [sflag:s19], $0x4000  }
0x228: {  	[sflag:s19] =	ssyncset.done $0x0  }
0x229: {  	s24 =	rddreg [dreg:$0x1c];
	[sflag:s19] =	ssyncadd.s32 $0xFFFFC000  }
0x22a: {  	[tilespmem:s9], [sflag:$0x1] =	stream.indirect.gather [hbm4b:s3+s7], $0x20, s24, s7, $0xb8;
	[tilespmem:$0x1DE20] =	vst v63  }
0x22b: {  	_ =	swait.ge [sflag:s12], $0x4000  }
0x22c: {  	[sflag:s12] =	ssyncset.done $0x0  }
0x22d: {  	s28 =	rddreg [dreg:$0x1d];
	[sflag:s12] =	ssyncadd.s32 $0xFFFFC000  }
0x22e: {  	[spmem:s2] =	stream.indirect.scatter.add.f32 [tilespmem:s16], [sflag:$0x7], $0x20, s28, s7, $0xb8;
	[tilespmem:$0x1DE20] =	vst v63  }
0x22f: {  	_ =	swait.ge [sflag:s11], $0x4000  }
0x230: {  	[sflag:s11] =	ssyncset.done $0x0  }
0x231: {  	s30 =	rddreg [dreg:$0x1e];
	[sflag:s11] =	ssyncadd.s32 $0xFFFFC000  }
0x232: {  	[tilespmem:s8], [sflag:$0x2] =	stream.indirect.gather [hbm4b:s3+s7], $0x20, s30, s7, $0xb8;
	[tilespmem:$0x1DE20] =	vst v63  }
0x233: {  	_ =	swait.ge [sflag:s21], $0x4000  }
0x234: {  	[sflag:s21] =	ssyncset.done $0x0  }
0x235: {  	s31 =	rddreg [dreg:$0x1f];
	[sflag:s21] =	ssyncadd.s32 $0xFFFFC000  }
0x236: {  	[spmem:s2] =	stream.indirect.scatter.add.f32 [tilespmem:s10], [sflag:$0x8], $0x20, s31, s7, $0xb8;
	[tilespmem:$0x1DE20] =	vst v63  }
0x237: {  	_ =	swait.ge [sflag:s14], $0x4000  }
0x238: {  	s22 =	sld [smem:$0x7F3]  }
0x239: {  	[sflag:s14] =	ssyncset.done $0x0  }
0x23a: {  	[sflag:s14] =	ssyncadd.s32 $0xFFFFC000  }
0x23b: {  	[tilespmem:s20], [sflag:$0x3] =	stream.indirect.gather [hbm4b:s3+s7], $0x20, s22, s7, $0xb8;
	[tilespmem:$0x1DE20] =	vst v63  }
0x23c: {  	_ =	swait.ge [sflag:s17], $0x4000  }
0x23d: {  	s23 =	sld [smem:$0x7F4]  }
0x23e: {  	[sflag:s17] =	ssyncset.done $0x0  }
0x23f: {  	[sflag:s17] =	ssyncadd.s32 $0xFFFFC000  }
0x240: {  	[spmem:s2] =	stream.indirect.scatter.add.f32 [tilespmem:s9], [sflag:$0x5], $0x20, s23, s7, $0xb8;
	[tilespmem:$0x1DE20] =	vst v63  }
0x241: {  	_ =	swait.ge [sflag:s15], $0x4000  }
0x242: {  	s24 =	sld [smem:$0x7F5]  }
0x243: {  	[sflag:s15] =	ssyncset.done $0x0  }
0x244: {  	[sflag:s15] =	ssyncadd.s32 $0xFFFFC000  }
0x245: {  	[tilespmem:s16], [sflag:$0x4] =	stream.indirect.gather [hbm4b:s3+s7], $0x20, s24, s7, $0xb8;
	[tilespmem:$0x1DE20] =	vst v63  }
0x246: {  	_ =	swait.ge [sflag:s13], $0x4000  }
0x247: {  	s28 =	sld [smem:$0x7F6]  }
0x248: {  	[sflag:s13] =	ssyncset.done $0x0  }
0x249: {  	[sflag:s13] =	ssyncadd.s32 $0xFFFFC000  }
0x24a: {  	[spmem:s2] =	stream.indirect.scatter.add.f32 [tilespmem:s8], [sflag:$0x6], $0x20, s28, s7, $0xb8;
	[tilespmem:$0x1DE20] =	vst v63  }
0x24b: {  	_ =	swait.ge [sflag:s19], $0x4000  }
0x24c: {  	s30 =	sld [smem:$0x7F7]  }
0x24d: {  	[sflag:s19] =	ssyncset.done $0x0  }
0x24e: {  	[sflag:s19] =	ssyncadd.s32 $0xFFFFC000  }
0x24f: {  	[tilespmem:s10], [sflag:$0x1] =	stream.indirect.gather [hbm4b:s3+s7], $0x20, s30, s7, $0xb8;
	[tilespmem:$0x1DE20] =	vst v63  }
0x250: {  	_ =	swait.ge [sflag:s12], $0x4000  }
0x251: {  	s31 =	sld [smem:$0x7F8]  }
0x252: {  	[sflag:s12] =	ssyncset.done $0x0  }
0x253: {  	[sflag:s12] =	ssyncadd.s32 $0xFFFFC000  }
0x254: {  	[spmem:s2] =	stream.indirect.scatter.add.f32 [tilespmem:s20], [sflag:$0x7], $0x20, s31, s7, $0xb8;
	[tilespmem:$0x1DE20] =	vst v63  }
0x255: {  	_ =	swait.ge [sflag:s11], $0x4000  }
0x256: {  	s22 =	sld [smem:$0x7F9]  }
0x257: {  	[sflag:s11] =	ssyncset.done $0x0  }
0x258: {  	[sflag:s11] =	ssyncadd.s32 $0xFFFFC000  }
0x259: {  	[tilespmem:s9], [sflag:$0x2] =	stream.indirect.gather [hbm4b:s3+s7], $0x20, s22, s7, $0xb8;
	[tilespmem:$0x1DE20] =	vst v63  }
0x25a: {  	_ =	swait.ge [sflag:s21], $0x4000  }
0x25b: {  	s23 =	sld [smem:$0x7FA]  }
0x25c: {  	[sflag:s21] =	ssyncset.done $0x0  }
0x25d: {  	[sflag:s21] =	ssyncadd.s32 $0xFFFFC000  }
0x25e: {  	[spmem:s2] =	stream.indirect.scatter.add.f32 [tilespmem:s16], [sflag:$0x8], $0x20, s23, s7, $0xb8;
	[tilespmem:$0x1DE20] =	vst v63  }
0x25f: {  	_ =	swait.ge [sflag:s14], $0x4000  }
0x260: {  	s24 =	sld [smem:$0x7FB]  }
0x261: {  	[sflag:s14] =	ssyncset.done $0x0  }
0x262: {  	[sflag:s14] =	ssyncadd.s32 $0xFFFFC000  }
0x263: {  	[tilespmem:s8], [sflag:$0x3] =	stream.indirect.gather [hbm4b:s3+s7], $0x20, s24, s7, $0xb8;
	[tilespmem:$0x1DE20] =	vst v63  }
0x264: {  	_ =	swait.ge [sflag:s17], $0x4000  }
0x265: {  	s28 =	sld [smem:$0x7FC]  }
0x266: {  	[sflag:s17] =	ssyncset.done $0x0  }
0x267: {  	[sflag:s17] =	ssyncadd.s32 $0xFFFFC000  }
0x268: {  	[spmem:s2] =	stream.indirect.scatter.add.f32 [tilespmem:s10], [sflag:$0x5], $0x20, s28, s7, $0xb8;
	[tilespmem:$0x1DE20] =	vst v63  }
0x269: {  	_ =	swait.ge [sflag:s15], $0x4000  }
0x26a: {  	[sflag:s15] =	ssyncset.done $0x0  }
0x26b: {  	[sflag:s15] =	ssyncadd.s32 $0xFFFFC000  }
0x26c: {  	_ =	swait.ge [sflag:s13], $0x4000  }
0x26d: {  	s30 =	sld [smem:$0x7FD]  }
0x26e: {  	[sflag:s13] =	ssyncset.done $0x0  }
0x26f: {  	[sflag:s13] =	ssyncadd.s32 $0xFFFFC000  }
0x270: {  	[spmem:s2] =	stream.indirect.scatter.add.f32 [tilespmem:s9], [sflag:$0x6], $0x20, s30, s7, $0xb8;
	[tilespmem:$0x1DE20] =	vst v63  }
0x271: {  	_ =	swait.ge [sflag:s19], $0x4000  }
0x272: {  	[sflag:s19] =	ssyncset.done $0x0  }
0x273: {  	[sflag:s19] =	ssyncadd.s32 $0xFFFFC000  }
0x274: {  	_ =	swait.ge [sflag:s12], $0x4000  }
0x275: {  	[sflag:s12] =	ssyncset.done $0x0  }
0x276: {  	[sflag:s12] =	ssyncadd.s32 $0xFFFFC000  }
0x277: {  	[spmem:s2] =	stream.indirect.scatter.add.f32 [tilespmem:s8], [sflag:$0x7], $0x20, s29, s7, $0xb8;
	[tilespmem:$0x1DE20] =	vst v63  }
0x278: {  	_ =	swait.ge [sflag:s11], $0x4000  }
0x279: {  	[sflag:s11] =	ssyncset.done $0x0  }
0x27a: {  	[sflag:s11] =	ssyncadd.s32 $0xFFFFC000  }
0x27b: {  	_ =	swait.ge [sflag:s14], $0x4000  }
0x27c: {  	[sflag:s14] =	ssyncset.done $0x0  }
0x27d: {  	[sflag:s14] =	ssyncadd.s32 $0xFFFFC000  }
0x27e: {  	_ =	swait.ge [sflag:s15], $0x4000  }
0x27f: {  	[sflag:s15] =	ssyncset.done $0x0  }
0x280: {  	s7 =	simm.s32 @!p0 $0x200;
	s8 =	simm.s32 @!p0 $0x15000;
	[sflag:s15] =	ssyncadd.s32 $0xFFFFC000  }
0x281: {  	[tilespmem:s8], [sflag:$0x4] =	stream.indirect.gather @!p0 [hbm4b:s3+s7], $0x20, s0, s7, $0xb8;
	[tilespmem:$0x1DE20] =	vst v63  }
0x282: {  	s0 =	simm.s32 @!p0 $0x4  }
0x283: {  	_ =	swait.ge @!p0 [sflag:s0], $0x4000  }
0x284: {  	[sflag:s0] =	ssyncset.done @!p0 $0x0  }
0x285: {  	[sflag:s0] =	ssyncadd.s32 @!p0 $0xFFFFC000;
	s0 =	simm.s32 @!p0 $0x8  }
0x286: {  	[spmem:s2] =	stream.indirect.scatter.add.f32 @!p0 [tilespmem:s8], [sflag:$0x8], $0x20, s1, s7, $0xb8;
	[tilespmem:$0x1DE20] =	vst v63  }
0x287: {  	_ =	swait.ge @!p0 [sflag:s0], $0x4000  }
0x288: {  	[sflag:s0] =	ssyncset.done @!p0 $0x0  }
0x289: {  	[sflag:s0] =	ssyncadd.s32 @!p0 $0xFFFFC000  }
0x28a: {  	[bflag:$0x0] =	sbarrier.arrive $0xFFFF  }
0x28b: {  	s31 =	rddreg [dreg:$0x8]  }
0x28c: {  	[hbm:s31], [sflag:s4] =	dma.local [spmem:s5], $0x9C4  }
0x28d: {  	_ =	swait.ge [sflag:s6], $0x9C4  }
0x28e: {  	[sflag:s6] =	ssyncset.done $0x0  }
0x28f: {  	[sflag:s6] =	ssyncadd.s32 $0xFFFFF63C  }
0x290: {  	_ =	sfence.sel $0x180000  }
0x291: {  	[bflag:$0x0] =	sbarrier.arrive $0xFFFF  }
0x292: {  	p0 =	sne.s32 s25, $0x0;
	_ =	strace $0x9000004A  }
0x293: {  	s0 =	sadd.s32 @!p0 $0x100000, s26;
	[bflag:$0x2] =	sbarrier.arrive $0xFFFF  }
0x294: {  	[sflag:s0] =	ssyncadd.tile.s32 @!p0 $0x1;
	_ =	shalt  }
.LBB2_2:
.Ltmp3:
0x295: {  	(pc) =	sbr.rel .LBB2_5-.Ltmp3, $2  }
0x296: {  	_ =	sdelay $0x2  }
0x297: {  	s25 =	stileid.u32;
	s26 =	rddreg [dreg:$0x2];
	s29 =	simm.s32 $0x4C00  }
.Lfunc_end2:
_tile_overlayer_lowered:
.L_overlay_start_2:
0x298: {  	(tag) =	ssettag $0x2  }
0x299: {  	s0 =	rddreg [dreg:$0x0];
	s2 =	stileid.u32  }
0x29a: {  	s1 =	rddreg [dreg:$0x1];
	p0 =	sne.s32 s2, $0x0  }
0x29b: {  	s3 =	rddreg [dreg:$0x2];
	[bflag:$0x3] =	sbarrier.arrive $0xFFFF;
	s2 =	simm.s32 @!p0 $0x1C09  }
0x29c: {  	[timem:s3], [sflag:s2] =	dma.local @!p0 [hbm:s0], s1  }
0x29d: {  	s0 =	simm.s32 @!p0 $0x9  }
0x29e: {  	_ =	swait.ge @!p0 [sflag:s0], s1  }
0x29f: {  	s1 =	ssub.s32 @!p0 $0x0, s1;
	[sflag:s0] =	ssyncset.done @!p0 $0x0  }
0x2a0: {  	[sflag:s0] =	ssyncadd.s32 @!p0 s1  }
0x2a1: {  	[bflag:$0x3] =	sbarrier.arrive $0xFFFF  }
0x2a2: {  	_ =	shalt  }

// kernel: kernel.15.cloned.1.call-start
scs
__scs_entry_jumppad:
0x0: {  	(pc) =	sbr.rel $0x88, $3  }
0x1: {  	(tag) =	ssettag $0x0;
	lr =	simm.s32 $0x1  }
0x2: {  	[smem:$0x3F9B] =	sst lr;
	_ =	strace $0xD0000000  }
0x3: {  	_ = 	snop  }
0x4: {  	_ = 	snop  }
0x5: {  	_ = 	snop  }
0x6: {  	_ = 	snop  }
0x7: {  	_ = 	snop  }
__scs_overlays_trampoline_lowered:
0x8: {  	[smem:$0x3FAA] =	sst s0  }
0x9: {  	[smem:$0x3FAB] =	sst s1  }
0xa: {  	[smem:$0x3FAC] =	sst s2  }
0xb: {  	[smem:$0x3FAD] =	sst s3  }
0xc: {  	[smem:$0x3FAE] =	sst s4  }
0xd: {  	[smem:$0x3FAF] =	sst s5  }
0xe: {  	[smem:$0x3FB0] =	sst s6  }
0xf: {  	[smem:$0x3FB1] =	sst s7  }
0x10: {  	[smem:$0x3FB2] =	sst s8  }
0x11: {  	[smem:$0x3FB3] =	sst s9;
	s0 =	simm.s32 @!p0 $0x0  }
0x12: {  	s1 =	sld [smem:$0x3F99];
	s0 =	simm.s32 @p0 $0x1  }
0x13: {  	[smem:$0x3FB4] =	sst s0;
	s0 =	simm.s32 @!p1 $0x0  }
0x14: {  	s2 =	sld [smem:$0x3F98];
	s0 =	simm.s32 @p1 $0x1  }
0x15: {  	[smem:$0x3FB5] =	sst s0;
	s0 =	simm.s32 @!p2 $0x0  }
0x16: {  	s3 =	sld [smem:$0x3FDB];
	s0 =	simm.s32 @p2 $0x1  }
0x17: {  	s4 =	simm.s32 $0x1BF5;
	[smem:$0x3FB7] =	sst s0  }
0x18: {  	s0 =	sld [smem:$0x3F9A];
	_ =	swait.ge [sflag:s4], $0x0  }
0x19: {  	s7 =	sld [smem:$0x3F9B]  }
0x1a: {  	s8 =	sadd.s32 $0xFFFFE003, lr  }
0x1b: {  	s9 =	sadd.s32 $0xFFFFFEF7, lr;
	s5 =	simm.s32 $0xFFFFFFFF;
	p2 =	slt.u32 s8, $0xFFFFF086  }
0x1c: {  	p1 =	slt.u32 s9, $0xF7A;
	s5 =	simm.s32 @!p2 $0x0  }
0x1d: {  	s5 =	simm.s32 @p1 $0x1;
	p0 =	seq.s32 s7, s2  }
0x1e: {  	s7 =	smul.u32 @!p0 $0xF7A, s2;
	p2 =	seq.s32 @!p0 s5, $0x0  }
0x1f: {  	s9 =	smul.u32 $0xF7A, s1;
	s8 =	simm.s32 @!p0 $0x1BF5;
	p2 =	por !p2, p0  }
0x20: {  	[sflag:s8] =	ssyncset.s32 @!p0 $0xFFFFF086;
	s6 =	sadd.s32 @!p0 s3, s7;
	s7 =	simm.s32 @!p0 $0x108  }
0x21: {  	s3 =	sadd.s32 s3, s9;
	s6 =	sadd.s32 @!p0 $0x88, s6;
	s7 =	simm.s32 @p2 $0x1082  }
0x22: {  	[simem:s7], [sflag:s8] =	dma.local @!p0 [hbm:s6], $0xF7A  }
0x23: {  	s9 =	sor.u32 $0xD0000000, s2;
	s6 =	simm.s32 $0x108;
	_ =	swait.ge @!p0 [sflag:s8], $0x0  }
0x24: {  	s3 =	sadd.s32 $0x88, s3;
	s6 =	simm.s32 @!p1 $0x1082;
	[sflag:s4] =	ssyncset.s32 $0xFFFFF086  }
0x25: {  	[simem:s6], [sflag:s4] =	dma.local [hbm:s3], $0xF7A  }
0x26: {  	[smem:$0x3F9B] =	sst s1;
	(tag) =	ssettag s2;
	_ =	strace s9  }
0x27: {  	s1 =	sld [smem:$0x3FAB]  }
0x28: {  	s2 =	sld [smem:$0x3FAC]  }
0x29: {  	s4 =	sld [smem:$0x3FAE]  }
0x2a: {  	p0 =	seq.s32 s5, $0x0;
	s5 =	sld [smem:$0x3FAF]  }
0x2b: {  	s6 =	sld [smem:$0x3FB0]  }
0x2c: {  	s7 =	sld [smem:$0x3FB1]  }
0x2d: {  	s3 =	simm.s32 $0x108;
	s8 =	sld [smem:$0x3FB2]  }
0x2e: {  	s3 =	simm.s32 @!p0 $0x1082;
	s9 =	sld [smem:$0x3FB3]  }
0x2f: {  	lr =	sadd.s32 s0, s3;
	s0 =	sld [smem:$0x3FAA]  }
0x30: {  	s3 =	sld [smem:$0x3FAD]  }
0x31: {  	[smem:$0x3FB6] =	sst s10  }
0x32: {  	s10 =	sld [smem:$0x3FB4];
	_ =	sdelay $0x3  }
0x33: {  	p0 =	seq.s32 s10, $0x1;
	s10 =	sld [smem:$0x3FB6];
	_ =	sdelay $0x3  }
0x34: {  	[smem:$0x3FB6] =	sst s10  }
0x35: {  	s10 =	sld [smem:$0x3FB5];
	_ =	sdelay $0x3  }
0x36: {  	p1 =	seq.s32 s10, $0x1;
	s10 =	sld [smem:$0x3FB6];
	_ =	sdelay $0x3  }
0x37: {  	[smem:$0x3FB6] =	sst s10  }
0x38: {  	s10 =	sld [smem:$0x3FB7]  }
0x39: {  	_ = 	snop;
	(pc) =	sbr.ind lr, $3  }
0x3a: {  	_ = 	snop  }
0x3b: {  	_ = 	snop  }
0x3c: {  	p2 =	seq.s32 s10, $0x1;
	s10 =	sld [smem:$0x3FB6]  }
0x3d: {  	_ =	shalt  }
0x3e: {  	_ =	shalt  }
0x3f: {  	_ =	shalt  }
0x40: {  	_ =	shalt  }
0x41: {  	_ =	shalt  }
0x42: {  	_ =	shalt  }
0x43: {  	_ =	shalt  }
0x44: {  	_ =	shalt  }
0x45: {  	_ =	shalt  }
0x46: {  	_ =	shalt  }
0x47: {  	_ =	shalt  }
0x48: {  	_ =	shalt  }
0x49: {  	_ =	shalt  }
0x4a: {  	_ =	shalt  }
0x4b: {  	_ =	shalt  }
0x4c: {  	_ =	shalt  }
0x4d: {  	_ =	shalt  }
0x4e: {  	_ =	shalt  }
0x4f: {  	_ =	shalt  }
0x50: {  	_ =	shalt  }
0x51: {  	_ =	shalt  }
0x52: {  	_ =	shalt  }
0x53: {  	_ =	shalt  }
0x54: {  	_ =	shalt  }
0x55: {  	_ =	shalt  }
0x56: {  	_ =	shalt  }
0x57: {  	_ =	shalt  }
0x58: {  	_ =	shalt  }
0x59: {  	_ =	shalt  }
0x5a: {  	_ =	shalt  }
0x5b: {  	_ =	shalt  }
0x5c: {  	_ =	shalt  }
0x5d: {  	_ =	shalt  }
0x5e: {  	_ =	shalt  }
0x5f: {  	_ =	shalt  }
0x60: {  	_ =	shalt  }
0x61: {  	_ =	shalt  }
0x62: {  	_ =	shalt  }
0x63: {  	_ =	shalt  }
0x64: {  	_ =	shalt  }
0x65: {  	_ =	shalt  }
0x66: {  	_ =	shalt  }
0x67: {  	_ =	shalt  }
0x68: {  	_ =	shalt  }
0x69: {  	_ =	shalt  }
0x6a: {  	_ =	shalt  }
0x6b: {  	_ =	shalt  }
0x6c: {  	_ =	shalt  }
0x6d: {  	_ =	shalt  }
0x6e: {  	_ =	shalt  }
0x6f: {  	_ =	shalt  }
0x70: {  	_ =	shalt  }
0x71: {  	_ =	shalt  }
0x72: {  	_ =	shalt  }
0x73: {  	_ =	shalt  }
0x74: {  	_ =	shalt  }
0x75: {  	_ =	shalt  }
0x76: {  	_ =	shalt  }
0x77: {  	_ =	shalt  }
0x78: {  	_ =	shalt  }
0x79: {  	_ =	shalt  }
0x7a: {  	_ =	shalt  }
0x7b: {  	_ =	shalt  }
0x7c: {  	_ =	shalt  }
0x7d: {  	_ =	shalt  }
0x7e: {  	_ =	shalt  }
0x7f: {  	_ =	shalt  }
0x80: {  	_ =	shalt  }
0x81: {  	_ =	shalt  }
0x82: {  	_ =	shalt  }
0x83: {  	_ =	shalt  }
0x84: {  	_ =	shalt  }
0x85: {  	_ =	shalt  }
0x86: {  	_ =	shalt  }
0x87: {  	_ =	shalt  }
.Lfunc_end0:
.L_simem_size_0:
called_computation.2_lowered:
.L_overlay_start_0:
0x88: {  	s2 =	sld [smem:$0x3FD9]  }
0x89: {  	s3 =	sld [smem:$0x3FFE];
	_ =	sdelay $0x1  }
0x8a: {  	s1 =	srdreg.scid  }
0x8b: {  	s0 =	sand.u32 $0x1, s1  }
0x8c: {  	s17 =	sshll.u32 s0, $0xA;
	s2 =	sadd.s32 s3, s2  }
0x8d: {  	s2 =	sadd.s32 s2, s17  }
0x8e: {  	[smem:$0x3FC2] =	sst s2  }
0x8f: {  	_ = 	snop  }
0x90: {  	s2 =	sld [smem:$0x3FD0];
	(tm) =	ssettm $0x1  }
0x91: {  	s18 =	sld [smem:$0x3FFB];
	_ =	sdelay $0x3  }
0x92: {  	_ =	strace s18  }
0x93: {  	s3 =	sld [smem:$0x3FFC];
	_ =	sdelay $0x3  }
0x94: {  	_ =	strace s3  }
0x95: {  	s3 =	sld [smem:$0x3FFD];
	_ =	sdelay $0x3  }
0x96: {  	_ =	strace s3  }
0x97: {  	_ =	strace $0x8FFFFFFF  }
0x98: {  	s19 =	sld [smem:$0x3FDB];
	_ =	sdelay $0x1  }
0x99: {  	s4 =	simm.s32 $_scs_section_size  }
0x9a: {  	s5 =	simm.s32 $_size__tile_overlayer_lowered;
	s6 =	simm.s32 $_tile_overlayer_lowered  }
0x9b: {  	s22 =	simm.s32 $0x1BFF;
	s21 =	sshll.u32 s6, $0x1;
	s3 =	sadd.s32 s4, s19  }
0x9c: {  	s7 =	simm.s32 $0x0;
	s20 =	sshll.u32 s5, $0x1;
	s5 =	sadd.s32 s21, s3  }
0x9d: {  	[timem:s7], [sflag:s22] =	dma.local [hbm:s5], s20  }
0x9e: {  	_ =	swait.ge [sflag:s22], s20  }
0x9f: {  	s4 =	ssub.s32 $0x0, s20;
	[sflag:s22] =	ssyncset.done $0x0  }
0xa0: {  	[sflag:s22] =	ssyncadd.s32 s4;
	_ =	sdelay $0x1  }
0xa1: {  	s23 =	simm.s32 $0x1B8B  }
0xa2: {  	_ =	swait.ge [sflag:s23], $0x1  }
0xa3: {  	[sflag:s23] =	ssyncset.done $0x0  }
0xa4: {  	s25 =	simm.s32 $0x1B8E;
	s24 =	sld [smem:$0x3FFE];
	[sflag:s23] =	ssyncadd.s32 $0xFFFFFFFF  }
0xa5: {  	s26 =	simm.s32 $execute0_lowered;
	[smem:$0x3FD2] =	sst s25  }
0xa6: {  	s5 =	sshll.u32 s26, $0x1;
	_ =	strace $0x8000004C;
	[dreg:$0x1] =	wrdreg $0xFFFFFFFF  }
0xa7: {  	s28 =	simm.s32 $_size_execute0_lowered;
	s3 =	sadd.s32 s3, s5;
	[dreg:$0x0] =	wrdreg $0x0  }
0xa8: {  	s5 =	sshll.u32 s28, $0x1;
	[dreg:$0x2] =	wrdreg s3  }
0xa9: {  	[dreg:$0x3] =	wrdreg s5  }
0xaa: {  	[dreg:$0x4] =	wrdreg $0xC0  }
0xab: {  	_ =	task [dreg:s7], $0x5FFFF  }
0xac: {  	[dreg:$0x1] =	wrdreg $0xFFFFFFFF  }
0xad: {  	[dreg:$0x0] =	wrdreg $0x60  }
0xae: {  	[dreg:$0x2] =	wrdreg s24  }
0xaf: {  	[dreg:$0x3] =	wrdreg s2  }
0xb0: {  	[dreg:$0x4] =	wrdreg $0xF0000  }
0xb1: {  	[dreg:$0x5] =	wrdreg $0x9  }
0xb2: {  	_ =	task.clear_ibuf [dreg:s7], $0x6FFFF;
	_ =	strace $0x9000004C  }
0xb3: {  	s29 =	simm.s32 $0x9;
	_ =	strace $0x8000004E  }
0xb4: {  	_ =	swait.ge [sflag:s29], $0x1  }
0xb5: {  	[sflag:s29] =	ssyncadd.s32 $0xFFFFFFFF  }
0xb6: {  	_ =	strace $0x9000004E  }
0xb7: {  	_ =	sfence  }
0xb8: {  	s30 =	sld [smem:$0x0];
	_ =	sdelay $0x2  }
0xb9: {  	s31 =	sshll.u32 s1, $0xD;
	s1 =	sshrl.u32 s1, $0x2  }
0xba: {  	s3 =	sand.u32 $0x4000, s31;
	s1 =	sadd.s32 s1, s30  }
0xbb: {  	s0 =	sor.u32 s3, s0;
	s1 =	sshll.u32 s1, $0x11  }
0xbc: {  	s0 =	sor.u32 s1, s0  }
0xbd: {  	s0 =	sadd.s32 $0x8F2B, s0  }
0xbe: {  	[sflag:s0] =	ssyncadd.remote.s32 $0x1  }
0xbf: {  	_ =	sfence.sel $0xFFFF  }
0xc0: {  	[dreg:$0x0] =	wrdreg $0xFFFFFFFF;
	(pc) =	sbr.abs _section_cstart, $3  }
0xc1: {  	[dreg:$0x1] =	wrdreg $0xFFFFFFFF  }
0xc2: {  	_ =	task.clear_ibuf [dreg:s7], $0x2FFFF;
	_ =	strace $0x9FFFFFFF  }
0xc3: {  	(tm) =	ssettm $0x7FFFFFFF  }
tec
execute0_lowered:
.L_overlay_start_1:
0x0: {  	(tag) =	ssettag $0x1  }
0x1: {  	s1 =	rddreg [dreg:$0x0]  }
0x2: {  	s0 =	rddreg [dreg:$0x1]  }
0x3: {  	s26 =	rddreg [dreg:$0x3]  }
0x4: {  	s2 =	srdreg.scid;
	[dreg:$0x4] =	wrdreg s0  }
0x5: {  	s22 =	simm.s32 $0x0;
	s4 =	sand.u32 $0x1, s2;
	s2 =	rddreg [dreg:$0x2]  }
0x6: {  	s19 =	simm.s32 $0x400;
	[smem:$0x7FF] =	sst s22  }
0x7: {  	s20 =	simm.s32 $0x600;
	_ =	strace $0x8000004D;
	[dreg:$0xa] =	wrdreg s19  }
0x8: {  	s21 =	simm.s32 $0x2A00;
	[dreg:$0xb] =	wrdreg s20  }
0x9: {  	s23 =	simm.s32 $0x800;
	[dreg:$0xc] =	wrdreg s21  }
0xa: {  	s24 =	simm.s32 $0x2C00;
	[dreg:$0xd] =	wrdreg s23  }
0xb: {  	s28 =	simm.s32 $0xA00;
	[dreg:$0xe] =	wrdreg s24  }
0xc: {  	s25 =	stileid.u32;
	s30 =	simm.s32 $0x2E00;
	[dreg:$0xf] =	wrdreg s28  }
0xd: {  	s31 =	simm.s32 $0xC00;
	s10 =	simm.s32 $0x3200;
	[dreg:$0x10] =	wrdreg s30  }
0xe: {  	s11 =	simm.s32 $0x1000;
	s12 =	simm.s32 $0x3400;
	[dreg:$0x11] =	wrdreg s31  }
0xf: {  	s14 =	simm.s32 $0x1200;
	s29 =	simm.s32 $0x4C00;
	[dreg:$0x14] =	wrdreg s10  }
0x10: {  	p1 =	por $0x0, $0x0;
	s15 =	sshll.u32 s25, $0x1;
	[dreg:$0x15] =	wrdreg s11  }
0x11: {  	s5 =	smul.u32 $0x2710, s25;
	s16 =	sadd.s32 $0x1400, s1;
	[dreg:$0x16] =	wrdreg s12  }
0x12: {  	s0 =	sor.u32 s4, s15;
	[dreg:$0x17] =	wrdreg s14;
	s15 =	simm.s32 $0x3600  }
0x13: {  	s8 =	sadd.s32 $0xB200, s1;
	s19 =	simm.s32 $0x1600;
	[dreg:$0x18] =	wrdreg s15  }
0x14: {  	s13 =	sshll.u32 s25, $0x6;
	s20 =	simm.s32 $0x3A00;
	[dreg:$0x1b] =	wrdreg s19  }
0x15: {  	s7 =	smul.u32 $0x27100, s4;
	s21 =	simm.s32 $0x1800;
	[dreg:$0x1c] =	wrdreg s20  }
0x16: {  	s4 =	ssub.s32 $0x2, s4;
	s24 =	simm.s32 $0x3C00;
	[dreg:$0x1d] =	wrdreg s21  }
0x17: {  	s23 =	simm.s32 $0x2800;
	s28 =	simm.s32 $0x1A00;
	[dreg:$0x1e] =	wrdreg s24  }
0x18: {  	s10 =	simm.s32 $0x7000;
	s30 =	simm.s32 $0x3E00;
	[dreg:$0x1f] =	wrdreg s28  }
0x19: {  	s31 =	simm.s32 $0x1C00;
	s11 =	simm.s32 $0x1E00;
	[smem:$0x7F2] =	sst s30  }
0x1a: {  	s12 =	simm.s32 $0x4200;
	s14 =	simm.s32 $0x2000;
	[smem:$0x7F3] =	sst s31  }
0x1b: {  	s3 =	smul.u32 $0x13, s0;
	s6 =	smin.u32 s0, $0x11;
	[smem:$0x7F5] =	sst s11  }
0x1c: {  	p0 =	sgt.u32 s0, $0x10;
	s20 =	simm.s32 $0xD000;
	[smem:$0x7F6] =	sst s12  }
0x1d: {  	s12 =	simm.s32 $0x3;
	[smem:$0x7F7] =	sst s14;
	s15 =	simm.s32 $0x4400  }
0x1e: {  	s11 =	simm.s32 $0x5;
	s19 =	simm.s32 $0x2200;
	s21 =	simm.s32 $0x4  }
0x1f: {  	s24 =	simm.s32 $0x4600;
	s14 =	simm.s32 $0x6;
	[smem:$0x7F8] =	sst s15  }
0x20: {  	s28 =	simm.s32 $0x2400;
	s30 =	simm.s32 $0x4800;
	[smem:$0x7F9] =	sst s19  }
0x21: {  	s31 =	simm.s32 $0x4A00;
	s7 =	sadd.s32 s5, s7;
	[smem:$0x7FA] =	sst s24  }
0x22: {  	s5 =	sadd.s32 s5, s2;
	s15 =	simm.s32 $0x7;
	[smem:$0x7FB] =	sst s28  }
0x23: {  	[smem:$0x7FC] =	sst s30;
	s19 =	simm.s32 $0x8;
	s3 =	sadd.s32 s6, s3  }
0x24: {  	[smem:$0x7FD] =	sst s31;
	s7 =	sshrl.u32 s7, $0x3;
	s3 =	sshll.u32 s3, $0x6  }
0x25: {  	s5 =	sshrl.u32 s5, $0x3;
	s7 =	sadd.s32 s7, s1;
	s9 =	sadd.s32 s16, s3  }
0x26: {  	s17 =	sadd.s32 s8, s3;
	s3 =	sadd.s32 $0x4C0, s3;
	[dreg:$0x5] =	wrdreg s9  }
0x27: {  	s18 =	sadd.s32 $0x1A000, s7;
	s7 =	simm.s32 $0x3000;
	[dreg:$0x6] =	wrdreg s17  }
0x28: {  	s6 =	sadd.s32 s16, s3;
	[dreg:$0x9] =	wrdreg s18;
	s9 =	sshrl.u32 s4, $0x1  }
0x29: {  	s3 =	sadd.s32 s8, s3;
	[dreg:$0x7] =	wrdreg s6;
	s6 =	ssub.s32 s4, s9  }
0x2a: {  	[dreg:$0x12] =	wrdreg s7;
	s8 =	simm.s32 $0xE00;
	s18 =	smax.u32 s6, $0x1  }
0x2b: {  	s16 =	simm.s32 $0x1400;
	[dreg:$0x8] =	wrdreg s3;
	s0 =	sadd.s32 $0xFFFFFFFF, s18  }
0x2c: {  	s17 =	simm.s32 $0x3800;
	[dreg:$0x13] =	wrdreg s8;
	p2 =	sne.s32 s0, $0x0  }
.Ltmp0:
0x2d: {  	s7 =	simm.s32 $0x200;
	[dreg:$0x19] =	wrdreg s16;
	(pc) =	sbr.rel @!p2 .LBB2_5-.Ltmp0, $4  }
0x2e: {  	s3 =	sadd.s32 $0x15000, s1;
	s4 =	sor.u32 $0x1C09, s13;
	[dreg:$0x1a] =	wrdreg s17  }
0x2f: {  	s16 =	simm.s32 $0x5000;
	s9 =	simm.s32 $0x9000;
	s1 =	simm.s32 $0x4000  }
0x30: {  	s17 =	simm.s32 $0x1;
	s8 =	simm.s32 $0xB000;
	[smem:$0x7F4] =	sst s1  }
0x31: {  	s13 =	simm.s32 $0x2;
	s6 =	simm.s32 $0x9;
	s18 =	rddreg [dreg:$0x4]  }
0x32: {  	[spmem:s5], [sflag:s4] =	dma.local [hbm:s18], $0x4E2  }
0x33: {  	_ =	swait.ge [sflag:s6], $0x4E2  }
0x34: {  	[sflag:s6] =	ssyncset.done $0x0  }
0x35: {  	s1 =	rddreg [dreg:$0x5];
	[sflag:s6] =	ssyncadd.s32 $0xFFFFFB1E  }
0x36: {  	[tilespmem:s22], [sflag:$0x9] =	stream.linear.gather [hbm4b:s1+s22], $0x2600, $0x38;
	[tilespmem:$0x11710] =	vst v63  }
0x37: {  	_ =	swait.ge [sflag:s6], $0x2600  }
0x38: {  	[sflag:s6] =	ssyncset.done $0x0  }
0x39: {  	s26 =	rddreg [dreg:$0x6];
	[sflag:s6] =	ssyncadd.s32 $0xFFFFDA00  }
0x3a: {  	[tilespmem:s23], [sflag:$0x9] =	stream.linear.gather [hbm4b:s26+s22], $0x2600, $0x38;
	[tilespmem:$0x11710] =	vst v63  }
0x3b: {  	_ =	swait.ge [sflag:s6], $0x2600  }
0x3c: {  	s24 =	simm.s32 @!p0 $0x9;
	s25 =	simm.s32 @!p0 $0x0;
	[sflag:s6] =	ssyncset.done $0x0  }
0x3d: {  	s26 =	simm.s32 @!p0 $0x2600;
	s1 =	rddreg [dreg:$0x7];
	[sflag:s6] =	ssyncadd.s32 $0xFFFFDA00  }
0x3e: {  	[tilespmem:s26], [sflag:$0x9] =	stream.linear.gather @!p0 [hbm4b:s1+s25], $0x200, $0x38;
	[tilespmem:$0x11710] =	vst v63  }
0x3f: {  	_ =	swait.ge @!p0 [sflag:s24], $0x200  }
0x40: {  	[sflag:s24] =	ssyncset.done @!p0 $0x0  }
0x41: {  	s28 =	simm.s32 @!p0 $0x4E00;
	s1 =	rddreg [dreg:$0x8];
	[sflag:s24] =	ssyncadd.s32 @!p0 $0xFFFFFE00  }
0x42: {  	[tilespmem:s28], [sflag:$0x9] =	stream.linear.gather @!p0 [hbm4b:s1+s25], $0x200, $0x38;
	[tilespmem:$0x11710] =	vst v63  }
0x43: {  	_ =	swait.ge @!p0 [sflag:s24], $0x200  }
0x44: {  	[sflag:s24] =	ssyncset.done @!p0 $0x0  }
0x45: {  	[sflag:s24] =	ssyncadd.s32 @!p0 $0xFFFFFE00  }
0x46: {  	[bflag:$0x0] =	sbarrier.arrive $0xFFFF  }
0x47: {  	[tilespmem:s16], [sflag:$0x1] =	stream.indirect.gather [hbm4b:s3+s7], $0x10, s22, s7, $0xb8;
	[tilespmem:$0x11710] =	vst v63  }
0x48: {  	_ = 	snop  }
0x49: {  	[tilespmem:s10], [sflag:$0x2] =	stream.indirect.gather [hbm4b:s3+s7], $0x10, s7, s7, $0xb8;
	[tilespmem:$0x11710] =	vst v63  }
0x4a: {  	s18 =	rddreg [dreg:$0xa]  }
0x4b: {  	[tilespmem:s9], [sflag:$0x3] =	stream.indirect.gather [hbm4b:s3+s7], $0x10, s18, s7, $0xb8;
	[tilespmem:$0x11710] =	vst v63  }
0x4c: {  	_ =	swait.ge [sflag:s17], $0x2000  }
0x4d: {  	[sflag:s17] =	ssyncset.done $0x0  }
0x4e: {  	[sflag:s17] =	ssyncadd.s32 $0xFFFFE000  }
0x4f: {  	[spmem:s2] =	stream.indirect.scatter.add.f32 [tilespmem:s16], [sflag:$0x5], $0x10, s23, s7, $0xb8;
	[tilespmem:$0x11710] =	vst v63  }
0x50: {  	s18 =	rddreg [dreg:$0xb]  }
0x51: {  	[tilespmem:s8], [sflag:$0x4] =	stream.indirect.gather [hbm4b:s3+s7], $0x10, s18, s7, $0xb8;
	[tilespmem:$0x11710] =	vst v63  }
0x52: {  	_ =	swait.ge [sflag:s13], $0x2000  }
0x53: {  	[sflag:s13] =	ssyncset.done $0x0  }
0x54: {  	s1 =	rddreg [dreg:$0xc];
	[sflag:s13] =	ssyncadd.s32 $0xFFFFE000  }
0x55: {  	[spmem:s2] =	stream.indirect.scatter.add.f32 [tilespmem:s10], [sflag:$0x6], $0x10, s1, s7, $0xb8;
	[tilespmem:$0x11710] =	vst v63  }
0x56: {  	s18 =	rddreg [dreg:$0xd]  }
0x57: {  	[tilespmem:s20], [sflag:$0x1] =	stream.indirect.gather [hbm4b:s3+s7], $0x10, s18, s7, $0xb8;
	[tilespmem:$0x11710] =	vst v63  }
0x58: {  	_ =	swait.ge [sflag:s12], $0x2000  }
0x59: {  	[sflag:s12] =	ssyncset.done $0x0  }
0x5a: {  	s18 =	rddreg [dreg:$0xe];
	[sflag:s12] =	ssyncadd.s32 $0xFFFFE000  }
0x5b: {  	[spmem:s2] =	stream.indirect.scatter.add.f32 [tilespmem:s9], [sflag:$0x7], $0x10, s18, s7, $0xb8;
	[tilespmem:$0x11710] =	vst v63  }
0x5c: {  	_ =	swait.ge [sflag:s11], $0x2000  }
0x5d: {  	[sflag:s11] =	ssyncset.done $0x0  }
0x5e: {  	s18 =	rddreg [dreg:$0xf];
	[sflag:s11] =	ssyncadd.s32 $0xFFFFE000  }
0x5f: {  	[tilespmem:s16], [sflag:$0x2] =	stream.indirect.gather [hbm4b:s3+s7], $0x10, s18, s7, $0xb8;
	[tilespmem:$0x11710] =	vst v63  }
0x60: {  	_ =	swait.ge [sflag:s21], $0x2000  }
0x61: {  	[sflag:s21] =	ssyncset.done $0x0  }
0x62: {  	s18 =	rddreg [dreg:$0x10];
	[sflag:s21] =	ssyncadd.s32 $0xFFFFE000  }
0x63: {  	[spmem:s2] =	stream.indirect.scatter.add.f32 [tilespmem:s8], [sflag:$0x8], $0x10, s18, s7, $0xb8;
	[tilespmem:$0x11710] =	vst v63  }
0x64: {  	_ =	swait.ge [sflag:s14], $0x2000  }
0x65: {  	[sflag:s14] =	ssyncset.done $0x0  }
0x66: {  	s18 =	rddreg [dreg:$0x11];
	[sflag:s14] =	ssyncadd.s32 $0xFFFFE000  }
0x67: {  	[tilespmem:s10], [sflag:$0x3] =	stream.indirect.gather [hbm4b:s3+s7], $0x10, s18, s7, $0xb8;
	[tilespmem:$0x11710] =	vst v63  }
0x68: {  	_ =	swait.ge [sflag:s17], $0x2000  }
0x69: {  	[sflag:s17] =	ssyncset.done $0x0  }
0x6a: {  	s18 =	rddreg [dreg:$0x12];
	[sflag:s17] =	ssyncadd.s32 $0xFFFFE000  }
0x6b: {  	[spmem:s2] =	stream.indirect.scatter.add.f32 [tilespmem:s20], [sflag:$0x5], $0x10, s18, s7, $0xb8;
	[tilespmem:$0x11710] =	vst v63  }
0x6c: {  	_ =	swait.ge [sflag:s15], $0x2000  }
0x6d: {  	[sflag:s15] =	ssyncset.done $0x0  }
0x6e: {  	s18 =	rddreg [dreg:$0x13];
	[sflag:s15] =	ssyncadd.s32 $0xFFFFE000  }
0x6f: {  	[tilespmem:s9], [sflag:$0x4] =	stream.indirect.gather [hbm4b:s3+s7], $0x10, s18, s7, $0xb8;
	[tilespmem:$0x11710] =	vst v63  }
0x70: {  	_ =	swait.ge [sflag:s13], $0x2000  }
0x71: {  	[sflag:s13] =	ssyncset.done $0x0  }
0x72: {  	s18 =	rddreg [dreg:$0x14];
	[sflag:s13] =	ssyncadd.s32 $0xFFFFE000  }
0x73: {  	[spmem:s2] =	stream.indirect.scatter.add.f32 [tilespmem:s16], [sflag:$0x6], $0x10, s18, s7, $0xb8;
	[tilespmem:$0x11710] =	vst v63  }
0x74: {  	_ =	swait.ge [sflag:s19], $0x2000  }
0x75: {  	[sflag:s19] =	ssyncset.done $0x0  }
0x76: {  	s18 =	rddreg [dreg:$0x15];
	[sflag:s19] =	ssyncadd.s32 $0xFFFFE000  }
0x77: {  	[tilespmem:s8], [sflag:$0x1] =	stream.indirect.gather [hbm4b:s3+s7], $0x10, s18, s7, $0xb8;
	[tilespmem:$0x11710] =	vst v63  }
0x78: {  	_ =	swait.ge [sflag:s12], $0x2000  }
0x79: {  	[sflag:s12] =	ssyncset.done $0x0  }
0x7a: {  	s18 =	rddreg [dreg:$0x16];
	[sflag:s12] =	ssyncadd.s32 $0xFFFFE000  }
0x7b: {  	[spmem:s2] =	stream.indirect.scatter.add.f32 [tilespmem:s10], [sflag:$0x7], $0x10, s18, s7, $0xb8;
	[tilespmem:$0x11710] =	vst v63  }
0x7c: {  	_ =	swait.ge [sflag:s11], $0x2000  }
0x7d: {  	[sflag:s11] =	ssyncset.done $0x0  }
0x7e: {  	s18 =	rddreg [dreg:$0x17];
	[sflag:s11] =	ssyncadd.s32 $0xFFFFE000  }
0x7f: {  	[tilespmem:s20], [sflag:$0x2] =	stream.indirect.gather [hbm4b:s3+s7], $0x10, s18, s7, $0xb8;
	[tilespmem:$0x11710] =	vst v63  }
0x80: {  	_ =	swait.ge [sflag:s21], $0x2000  }
0x81: {  	[sflag:s21] =	ssyncset.done $0x0  }
0x82: {  	s18 =	rddreg [dreg:$0x18];
	[sflag:s21] =	ssyncadd.s32 $0xFFFFE000  }
0x83: {  	[spmem:s2] =	stream.indirect.scatter.add.f32 [tilespmem:s9], [sflag:$0x8], $0x10, s18, s7, $0xb8;
	[tilespmem:$0x11710] =	vst v63  }
0x84: {  	_ =	swait.ge [sflag:s14], $0x2000  }
0x85: {  	[sflag:s14] =	ssyncset.done $0x0  }
0x86: {  	s18 =	rddreg [dreg:$0x19];
	[sflag:s14] =	ssyncadd.s32 $0xFFFFE000  }
0x87: {  	[tilespmem:s16], [sflag:$0x3] =	stream.indirect.gather [hbm4b:s3+s7], $0x10, s18, s7, $0xb8;
	[tilespmem:$0x11710] =	vst v63  }
0x88: {  	_ =	swait.ge [sflag:s17], $0x2000  }
0x89: {  	[sflag:s17] =	ssyncset.done $0x0  }
0x8a: {  	s18 =	rddreg [dreg:$0x1a];
	[sflag:s17] =	ssyncadd.s32 $0xFFFFE000  }
0x8b: {  	[spmem:s2] =	stream.indirect.scatter.add.f32 [tilespmem:s8], [sflag:$0x5], $0x10, s18, s7, $0xb8;
	[tilespmem:$0x11710] =	vst v63  }
0x8c: {  	_ =	swait.ge [sflag:s15], $0x2000  }
0x8d: {  	[sflag:s15] =	ssyncset.done $0x0  }
0x8e: {  	s18 =	rddreg [dreg:$0x1b];
	[sflag:s15] =	ssyncadd.s32 $0xFFFFE000  }
0x8f: {  	[tilespmem:s10], [sflag:$0x4] =	stream.indirect.gather [hbm4b:s3+s7], $0x10, s18, s7, $0xb8;
	[tilespmem:$0x11710] =	vst v63  }
0x90: {  	_ =	swait.ge [sflag:s13], $0x2000  }
0x91: {  	[sflag:s13] =	ssyncset.done $0x0  }
0x92: {  	s18 =	rddreg [dreg:$0x1c];
	[sflag:s13] =	ssyncadd.s32 $0xFFFFE000  }
0x93: {  	[spmem:s2] =	stream.indirect.scatter.add.f32 [tilespmem:s20], [sflag:$0x6], $0x10, s18, s7, $0xb8;
	[tilespmem:$0x11710] =	vst v63  }
0x94: {  	_ =	swait.ge [sflag:s19], $0x2000  }
0x95: {  	[sflag:s19] =	ssyncset.done $0x0  }
0x96: {  	s18 =	rddreg [dreg:$0x1d];
	[sflag:s19] =	ssyncadd.s32 $0xFFFFE000  }
0x97: {  	[tilespmem:s9], [sflag:$0x1] =	stream.indirect.gather [hbm4b:s3+s7], $0x10, s18, s7, $0xb8;
	[tilespmem:$0x11710] =	vst v63  }
0x98: {  	_ =	swait.ge [sflag:s12], $0x2000  }
0x99: {  	[sflag:s12] =	ssyncset.done $0x0  }
0x9a: {  	s18 =	rddreg [dreg:$0x1e];
	[sflag:s12] =	ssyncadd.s32 $0xFFFFE000  }
0x9b: {  	[spmem:s2] =	stream.indirect.scatter.add.f32 [tilespmem:s16], [sflag:$0x7], $0x10, s18, s7, $0xb8;
	[tilespmem:$0x11710] =	vst v63  }
0x9c: {  	_ =	swait.ge [sflag:s11], $0x2000  }
0x9d: {  	[sflag:s11] =	ssyncset.done $0x0  }
0x9e: {  	s18 =	rddreg [dreg:$0x1f];
	[sflag:s11] =	ssyncadd.s32 $0xFFFFE000  }
0x9f: {  	[tilespmem:s8], [sflag:$0x2] =	stream.indirect.gather [hbm4b:s3+s7], $0x10, s18, s7, $0xb8;
	[tilespmem:$0x11710] =	vst v63  }
0xa0: {  	_ =	swait.ge [sflag:s21], $0x2000  }
0xa1: {  	s18 =	sld [smem:$0x7F2]  }
0xa2: {  	[sflag:s21] =	ssyncset.done $0x0  }
0xa3: {  	[sflag:s21] =	ssyncadd.s32 $0xFFFFE000  }
0xa4: {  	[spmem:s2] =	stream.indirect.scatter.add.f32 [tilespmem:s10], [sflag:$0x8], $0x10, s18, s7, $0xb8;
	[tilespmem:$0x11710] =	vst v63  }
0xa5: {  	_ =	swait.ge [sflag:s14], $0x2000  }
0xa6: {  	s18 =	sld [smem:$0x7F3]  }
0xa7: {  	[sflag:s14] =	ssyncset.done $0x0  }
0xa8: {  	[sflag:s14] =	ssyncadd.s32 $0xFFFFE000  }
0xa9: {  	[tilespmem:s20], [sflag:$0x3] =	stream.indirect.gather [hbm4b:s3+s7], $0x10, s18, s7, $0xb8;
	[tilespmem:$0x11710] =	vst v63  }
0xaa: {  	_ =	swait.ge [sflag:s17], $0x2000  }
0xab: {  	s18 =	sld [smem:$0x7F4]  }
0xac: {  	[sflag:s17] =	ssyncset.done $0x0  }
0xad: {  	[sflag:s17] =	ssyncadd.s32 $0xFFFFE000  }
0xae: {  	[spmem:s2] =	stream.indirect.scatter.add.f32 [tilespmem:s9], [sflag:$0x5], $0x10, s18, s7, $0xb8;
	[tilespmem:$0x11710] =	vst v63  }
0xaf: {  	_ =	swait.ge [sflag:s15], $0x2000  }
0xb0: {  	s18 =	sld [smem:$0x7F5]  }
0xb1: {  	[sflag:s15] =	ssyncset.done $0x0  }
0xb2: {  	[sflag:s15] =	ssyncadd.s32 $0xFFFFE000  }
0xb3: {  	[tilespmem:s16], [sflag:$0x4] =	stream.indirect.gather [hbm4b:s3+s7], $0x10, s18, s7, $0xb8;
	[tilespmem:$0x11710] =	vst v63  }
0xb4: {  	_ =	swait.ge [sflag:s13], $0x2000  }
0xb5: {  	s18 =	sld [smem:$0x7F6]  }
0xb6: {  	[sflag:s13] =	ssyncset.done $0x0  }
0xb7: {  	[sflag:s13] =	ssyncadd.s32 $0xFFFFE000  }
0xb8: {  	[spmem:s2] =	stream.indirect.scatter.add.f32 [tilespmem:s8], [sflag:$0x6], $0x10, s18, s7, $0xb8;
	[tilespmem:$0x11710] =	vst v63  }
0xb9: {  	_ =	swait.ge [sflag:s19], $0x2000  }
0xba: {  	s18 =	sld [smem:$0x7F7]  }
0xbb: {  	[sflag:s19] =	ssyncset.done $0x0  }
0xbc: {  	[sflag:s19] =	ssyncadd.s32 $0xFFFFE000  }
0xbd: {  	[tilespmem:s10], [sflag:$0x1] =	stream.indirect.gather [hbm4b:s3+s7], $0x10, s18, s7, $0xb8;
	[tilespmem:$0x11710] =	vst v63  }
0xbe: {  	_ =	swait.ge [sflag:s12], $0x2000  }
0xbf: {  	s18 =	sld [smem:$0x7F8]  }
0xc0: {  	[sflag:s12] =	ssyncset.done $0x0  }
0xc1: {  	[sflag:s12] =	ssyncadd.s32 $0xFFFFE000  }
0xc2: {  	[spmem:s2] =	stream.indirect.scatter.add.f32 [tilespmem:s20], [sflag:$0x7], $0x10, s18, s7, $0xb8;
	[tilespmem:$0x11710] =	vst v63  }
0xc3: {  	_ =	swait.ge [sflag:s11], $0x2000  }
0xc4: {  	s18 =	sld [smem:$0x7F9]  }
0xc5: {  	[sflag:s11] =	ssyncset.done $0x0  }
0xc6: {  	[sflag:s11] =	ssyncadd.s32 $0xFFFFE000  }
0xc7: {  	[tilespmem:s9], [sflag:$0x2] =	stream.indirect.gather [hbm4b:s3+s7], $0x10, s18, s7, $0xb8;
	[tilespmem:$0x11710] =	vst v63  }
0xc8: {  	_ =	swait.ge [sflag:s21], $0x2000  }
0xc9: {  	s18 =	sld [smem:$0x7FA]  }
0xca: {  	[sflag:s21] =	ssyncset.done $0x0  }
0xcb: {  	[sflag:s21] =	ssyncadd.s32 $0xFFFFE000  }
0xcc: {  	[spmem:s2] =	stream.indirect.scatter.add.f32 [tilespmem:s16], [sflag:$0x8], $0x10, s18, s7, $0xb8;
	[tilespmem:$0x11710] =	vst v63  }
0xcd: {  	_ =	swait.ge [sflag:s14], $0x2000  }
0xce: {  	s18 =	sld [smem:$0x7FB]  }
0xcf: {  	[sflag:s14] =	ssyncset.done $0x0  }
0xd0: {  	[sflag:s14] =	ssyncadd.s32 $0xFFFFE000  }
0xd1: {  	[tilespmem:s8], [sflag:$0x3] =	stream.indirect.gather [hbm4b:s3+s7], $0x10, s18, s7, $0xb8;
	[tilespmem:$0x11710] =	vst v63  }
0xd2: {  	_ =	swait.ge [sflag:s17], $0x2000  }
0xd3: {  	s18 =	sld [smem:$0x7FC]  }
0xd4: {  	[sflag:s17] =	ssyncset.done $0x0  }
0xd5: {  	[sflag:s17] =	ssyncadd.s32 $0xFFFFE000  }
0xd6: {  	[spmem:s2] =	stream.indirect.scatter.add.f32 [tilespmem:s10], [sflag:$0x5], $0x10, s18, s7, $0xb8;
	[tilespmem:$0x11710] =	vst v63  }
0xd7: {  	_ =	swait.ge [sflag:s15], $0x2000  }
0xd8: {  	[sflag:s15] =	ssyncset.done $0x0  }
0xd9: {  	[sflag:s15] =	ssyncadd.s32 $0xFFFFE000  }
0xda: {  	_ =	swait.ge [sflag:s13], $0x2000  }
0xdb: {  	s18 =	sld [smem:$0x7FD]  }
0xdc: {  	[sflag:s13] =	ssyncset.done $0x0  }
0xdd: {  	[sflag:s13] =	ssyncadd.s32 $0xFFFFE000  }
0xde: {  	[spmem:s2] =	stream.indirect.scatter.add.f32 [tilespmem:s9], [sflag:$0x6], $0x10, s18, s7, $0xb8;
	[tilespmem:$0x11710] =	vst v63  }
0xdf: {  	_ =	swait.ge [sflag:s19], $0x2000  }
0xe0: {  	[sflag:s19] =	ssyncset.done $0x0  }
0xe1: {  	[sflag:s19] =	ssyncadd.s32 $0xFFFFE000  }
0xe2: {  	_ =	swait.ge [sflag:s12], $0x2000  }
0xe3: {  	[sflag:s12] =	ssyncset.done $0x0  }
0xe4: {  	[sflag:s12] =	ssyncadd.s32 $0xFFFFE000  }
0xe5: {  	[spmem:s2] =	stream.indirect.scatter.add.f32 [tilespmem:s8], [sflag:$0x7], $0x10, s29, s7, $0xb8;
	[tilespmem:$0x11710] =	vst v63  }
0xe6: {  	_ =	swait.ge [sflag:s11], $0x2000  }
0xe7: {  	[sflag:s11] =	ssyncset.done $0x0  }
0xe8: {  	[sflag:s11] =	ssyncadd.s32 $0xFFFFE000  }
0xe9: {  	_ =	swait.ge [sflag:s14], $0x2000  }
0xea: {  	[sflag:s14] =	ssyncset.done $0x0  }
0xeb: {  	[sflag:s14] =	ssyncadd.s32 $0xFFFFE000  }
0xec: {  	_ =	swait.ge [sflag:s15], $0x2000  }
0xed: {  	s30 =	simm.s32 @!p0 $0x200;
	[sflag:s15] =	ssyncset.done $0x0  }
0xee: {  	s31 =	simm.s32 @!p0 $0xD000;
	s29 =	simm.s32 @!p0 $0x4;
	[sflag:s15] =	ssyncadd.s32 $0xFFFFE000  }
0xef: {  	[tilespmem:s31], [sflag:$0x4] =	stream.indirect.gather @!p0 [hbm4b:s3+s30], $0x10, s26, s30, $0xb8;
	[tilespmem:$0x11710] =	vst v63  }
0xf0: {  	_ =	swait.ge @!p0 [sflag:s29], $0x2000  }
0xf1: {  	[sflag:s29] =	ssyncset.done @!p0 $0x0  }
0xf2: {  	s1 =	simm.s32 @!p0 $0x8;
	[sflag:s29] =	ssyncadd.s32 @!p0 $0xFFFFE000  }
0xf3: {  	[spmem:s2] =	stream.indirect.scatter.add.f32 @!p0 [tilespmem:s31], [sflag:$0x8], $0x10, s28, s30, $0xb8;
	[tilespmem:$0x11710] =	vst v63  }
0xf4: {  	_ =	swait.ge @!p0 [sflag:s1], $0x2000  }
0xf5: {  	s0 =	sadd.s32 $0xFFFFFFFF, s0;
	[sflag:s1] =	ssyncset.done @!p0 $0x0  }
0xf6: {  	p2 =	sne.s32 s0, $0x0;
	[sflag:s1] =	ssyncadd.s32 @!p0 $0xFFFFE000  }
.Ltmp1:
0xf7: {  	[bflag:$0x0] =	sbarrier.arrive $0xFFFF;
	(pc) =	sbr.rel @!p2 .LBB2_2-.Ltmp1, $4  }
0xf8: {  	s18 =	rddreg [dreg:$0x9]  }
0xf9: {  	[hbm:s18], [sflag:s4] =	dma.local [spmem:s5], $0x4E2  }
0xfa: {  	_ =	swait.ge [sflag:s6], $0x4E2  }
0xfb: {  	p1 =	por $0x1, $0x1;
	s18 =	rddreg [dreg:$0x4];
	[sflag:s6] =	ssyncset.done $0x0  }
.LBB2_3:
0xfc: {  	[sflag:s6] =	ssyncadd.s32 $0xFFFFFB1E  }
0xfd: {  	[spmem:s5], [sflag:s4] =	dma.local [hbm:s18], $0x4E2  }
0xfe: {  	_ =	swait.ge [sflag:s6], $0x4E2  }
0xff: {  	[sflag:s6] =	ssyncset.done $0x0  }
0x100: {  	s18 =	rddreg [dreg:$0x5];
	[sflag:s6] =	ssyncadd.s32 $0xFFFFFB1E  }
0x101: {  	[tilespmem:s22], [sflag:$0x9] =	stream.linear.gather [hbm4b:s18+s22], $0x2600, $0x38;
	[tilespmem:$0x11710] =	vst v63  }
0x102: {  	_ =	swait.ge [sflag:s6], $0x2600  }
0x103: {  	[sflag:s6] =	ssyncset.done $0x0  }
0x104: {  	s18 =	rddreg [dreg:$0x6];
	[sflag:s6] =	ssyncadd.s32 $0xFFFFDA00  }
0x105: {  	[tilespmem:s23], [sflag:$0x9] =	stream.linear.gather [hbm4b:s18+s22], $0x2600, $0x38;
	[tilespmem:$0x11710] =	vst v63  }
0x106: {  	_ =	swait.ge [sflag:s6], $0x2600  }
0x107: {  	[sflag:s6] =	ssyncset.done $0x0  }
0x108: {  	s18 =	rddreg [dreg:$0x7];
	[sflag:s6] =	ssyncadd.s32 $0xFFFFDA00  }
0x109: {  	[tilespmem:s26], [sflag:$0x9] =	stream.linear.gather @!p0 [hbm4b:s18+s25], $0x200, $0x38;
	[tilespmem:$0x11710] =	vst v63  }
0x10a: {  	_ =	swait.ge @!p0 [sflag:s24], $0x200  }
0x10b: {  	[sflag:s24] =	ssyncset.done @!p0 $0x0  }
0x10c: {  	s18 =	rddreg [dreg:$0x8];
	[sflag:s24] =	ssyncadd.s32 @!p0 $0xFFFFFE00  }
0x10d: {  	[tilespmem:s28], [sflag:$0x9] =	stream.linear.gather @!p0 [hbm4b:s18+s25], $0x200, $0x38;
	[tilespmem:$0x11710] =	vst v63  }
0x10e: {  	_ =	swait.ge @!p0 [sflag:s24], $0x200  }
0x10f: {  	[sflag:s24] =	ssyncset.done @!p0 $0x0  }
0x110: {  	[sflag:s24] =	ssyncadd.s32 @!p0 $0xFFFFFE00  }
0x111: {  	[bflag:$0x0] =	sbarrier.arrive $0xFFFF  }
0x112: {  	[tilespmem:s16], [sflag:$0x1] =	stream.indirect.gather [hbm4b:s3+s7], $0x10, s22, s7, $0xb8;
	[tilespmem:$0x11710] =	vst v63  }
0x113: {  	_ = 	snop  }
0x114: {  	[tilespmem:s10], [sflag:$0x2] =	stream.indirect.gather [hbm4b:s3+s7], $0x10, s7, s7, $0xb8;
	[tilespmem:$0x11710] =	vst v63  }
0x115: {  	s18 =	rddreg [dreg:$0xa]  }
0x116: {  	[tilespmem:s9], [sflag:$0x3] =	stream.indirect.gather [hbm4b:s3+s7], $0x10, s18, s7, $0xb8;
	[tilespmem:$0x11710] =	vst v63  }
0x117: {  	_ =	swait.ge [sflag:s17], $0x2000  }
0x118: {  	[sflag:s17] =	ssyncset.done $0x0  }
0x119: {  	[sflag:s17] =	ssyncadd.s32 $0xFFFFE000  }
0x11a: {  	[spmem:s2] =	stream.indirect.scatter.add.f32 [tilespmem:s16], [sflag:$0x5], $0x10, s23, s7, $0xb8;
	[tilespmem:$0x11710] =	vst v63  }
0x11b: {  	s18 =	rddreg [dreg:$0xb]  }
0x11c: {  	[tilespmem:s8], [sflag:$0x4] =	stream.indirect.gather [hbm4b:s3+s7], $0x10, s18, s7, $0xb8;
	[tilespmem:$0x11710] =	vst v63  }
0x11d: {  	_ =	swait.ge [sflag:s13], $0x2000  }
0x11e: {  	[sflag:s13] =	ssyncset.done $0x0  }
0x11f: {  	s18 =	rddreg [dreg:$0xc];
	[sflag:s13] =	ssyncadd.s32 $0xFFFFE000  }
0x120: {  	[spmem:s2] =	stream.indirect.scatter.add.f32 [tilespmem:s10], [sflag:$0x6], $0x10, s18, s7, $0xb8;
	[tilespmem:$0x11710] =	vst v63  }
0x121: {  	s23 =	rddreg [dreg:$0xd]  }
0x122: {  	[tilespmem:s20], [sflag:$0x1] =	stream.indirect.gather [hbm4b:s3+s7], $0x10, s23, s7, $0xb8;
	[tilespmem:$0x11710] =	vst v63  }
0x123: {  	_ =	swait.ge [sflag:s12], $0x2000  }
0x124: {  	[sflag:s12] =	ssyncset.done $0x0  }
0x125: {  	s18 =	rddreg [dreg:$0xe];
	[sflag:s12] =	ssyncadd.s32 $0xFFFFE000  }
0x126: {  	[spmem:s2] =	stream.indirect.scatter.add.f32 [tilespmem:s9], [sflag:$0x7], $0x10, s18, s7, $0xb8;
	[tilespmem:$0x11710] =	vst v63  }
0x127: {  	_ =	swait.ge [sflag:s11], $0x2000  }
0x128: {  	[sflag:s11] =	ssyncset.done $0x0  }
0x129: {  	s18 =	rddreg [dreg:$0xf];
	[sflag:s11] =	ssyncadd.s32 $0xFFFFE000  }
0x12a: {  	[tilespmem:s16], [sflag:$0x2] =	stream.indirect.gather [hbm4b:s3+s7], $0x10, s18, s7, $0xb8;
	[tilespmem:$0x11710] =	vst v63  }
0x12b: {  	_ =	swait.ge [sflag:s21], $0x2000  }
0x12c: {  	[sflag:s21] =	ssyncset.done $0x0  }
0x12d: {  	s18 =	rddreg [dreg:$0x10];
	[sflag:s21] =	ssyncadd.s32 $0xFFFFE000  }
0x12e: {  	[spmem:s2] =	stream.indirect.scatter.add.f32 [tilespmem:s8], [sflag:$0x8], $0x10, s18, s7, $0xb8;
	[tilespmem:$0x11710] =	vst v63  }
0x12f: {  	_ =	swait.ge [sflag:s14], $0x2000  }
0x130: {  	[sflag:s14] =	ssyncset.done $0x0  }
0x131: {  	s18 =	rddreg [dreg:$0x11];
	[sflag:s14] =	ssyncadd.s32 $0xFFFFE000  }
0x132: {  	[tilespmem:s10], [sflag:$0x3] =	stream.indirect.gather [hbm4b:s3+s7], $0x10, s18, s7, $0xb8;
	[tilespmem:$0x11710] =	vst v63  }
0x133: {  	_ =	swait.ge [sflag:s17], $0x2000  }
0x134: {  	[sflag:s17] =	ssyncset.done $0x0  }
0x135: {  	s18 =	rddreg [dreg:$0x12];
	[sflag:s17] =	ssyncadd.s32 $0xFFFFE000  }
0x136: {  	[spmem:s2] =	stream.indirect.scatter.add.f32 [tilespmem:s20], [sflag:$0x5], $0x10, s18, s7, $0xb8;
	[tilespmem:$0x11710] =	vst v63  }
0x137: {  	_ =	swait.ge [sflag:s15], $0x2000  }
0x138: {  	[sflag:s15] =	ssyncset.done $0x0  }
0x139: {  	s18 =	rddreg [dreg:$0x13];
	[sflag:s15] =	ssyncadd.s32 $0xFFFFE000  }
0x13a: {  	[tilespmem:s9], [sflag:$0x4] =	stream.indirect.gather [hbm4b:s3+s7], $0x10, s18, s7, $0xb8;
	[tilespmem:$0x11710] =	vst v63  }
0x13b: {  	_ =	swait.ge [sflag:s13], $0x2000  }
0x13c: {  	[sflag:s13] =	ssyncset.done $0x0  }
0x13d: {  	s18 =	rddreg [dreg:$0x14];
	[sflag:s13] =	ssyncadd.s32 $0xFFFFE000  }
0x13e: {  	[spmem:s2] =	stream.indirect.scatter.add.f32 [tilespmem:s16], [sflag:$0x6], $0x10, s18, s7, $0xb8;
	[tilespmem:$0x11710] =	vst v63  }
0x13f: {  	_ =	swait.ge [sflag:s19], $0x2000  }
0x140: {  	[sflag:s19] =	ssyncset.done $0x0  }
0x141: {  	s18 =	rddreg [dreg:$0x15];
	[sflag:s19] =	ssyncadd.s32 $0xFFFFE000  }
0x142: {  	[tilespmem:s8], [sflag:$0x1] =	stream.indirect.gather [hbm4b:s3+s7], $0x10, s18, s7, $0xb8;
	[tilespmem:$0x11710] =	vst v63  }
0x143: {  	_ =	swait.ge [sflag:s12], $0x2000  }
0x144: {  	[sflag:s12] =	ssyncset.done $0x0  }
0x145: {  	s18 =	rddreg [dreg:$0x16];
	[sflag:s12] =	ssyncadd.s32 $0xFFFFE000  }
0x146: {  	[spmem:s2] =	stream.indirect.scatter.add.f32 [tilespmem:s10], [sflag:$0x7], $0x10, s18, s7, $0xb8;
	[tilespmem:$0x11710] =	vst v63  }
0x147: {  	_ =	swait.ge [sflag:s11], $0x2000  }
0x148: {  	[sflag:s11] =	ssyncset.done $0x0  }
0x149: {  	s18 =	rddreg [dreg:$0x17];
	[sflag:s11] =	ssyncadd.s32 $0xFFFFE000  }
0x14a: {  	[tilespmem:s20], [sflag:$0x2] =	stream.indirect.gather [hbm4b:s3+s7], $0x10, s18, s7, $0xb8;
	[tilespmem:$0x11710] =	vst v63  }
0x14b: {  	_ =	swait.ge [sflag:s21], $0x2000  }
0x14c: {  	[sflag:s21] =	ssyncset.done $0x0  }
0x14d: {  	s18 =	rddreg [dreg:$0x18];
	[sflag:s21] =	ssyncadd.s32 $0xFFFFE000  }
0x14e: {  	[spmem:s2] =	stream.indirect.scatter.add.f32 [tilespmem:s9], [sflag:$0x8], $0x10, s18, s7, $0xb8;
	[tilespmem:$0x11710] =	vst v63  }
0x14f: {  	_ =	swait.ge [sflag:s14], $0x2000  }
0x150: {  	[sflag:s14] =	ssyncset.done $0x0  }
0x151: {  	s18 =	rddreg [dreg:$0x19];
	[sflag:s14] =	ssyncadd.s32 $0xFFFFE000  }
0x152: {  	[tilespmem:s16], [sflag:$0x3] =	stream.indirect.gather [hbm4b:s3+s7], $0x10, s18, s7, $0xb8;
	[tilespmem:$0x11710] =	vst v63  }
0x153: {  	_ =	swait.ge [sflag:s17], $0x2000  }
0x154: {  	[sflag:s17] =	ssyncset.done $0x0  }
0x155: {  	s18 =	rddreg [dreg:$0x1a];
	[sflag:s17] =	ssyncadd.s32 $0xFFFFE000  }
0x156: {  	[spmem:s2] =	stream.indirect.scatter.add.f32 [tilespmem:s8], [sflag:$0x5], $0x10, s18, s7, $0xb8;
	[tilespmem:$0x11710] =	vst v63  }
0x157: {  	_ =	swait.ge [sflag:s15], $0x2000  }
0x158: {  	[sflag:s15] =	ssyncset.done $0x0  }
0x159: {  	s18 =	rddreg [dreg:$0x1b];
	[sflag:s15] =	ssyncadd.s32 $0xFFFFE000  }
0x15a: {  	[tilespmem:s10], [sflag:$0x4] =	stream.indirect.gather [hbm4b:s3+s7], $0x10, s18, s7, $0xb8;
	[tilespmem:$0x11710] =	vst v63  }
0x15b: {  	_ =	swait.ge [sflag:s13], $0x2000  }
0x15c: {  	[sflag:s13] =	ssyncset.done $0x0  }
0x15d: {  	s18 =	rddreg [dreg:$0x1c];
	[sflag:s13] =	ssyncadd.s32 $0xFFFFE000  }
0x15e: {  	[spmem:s2] =	stream.indirect.scatter.add.f32 [tilespmem:s20], [sflag:$0x6], $0x10, s18, s7, $0xb8;
	[tilespmem:$0x11710] =	vst v63  }
0x15f: {  	_ =	swait.ge [sflag:s19], $0x2000  }
0x160: {  	[sflag:s19] =	ssyncset.done $0x0  }
0x161: {  	s18 =	rddreg [dreg:$0x1d];
	[sflag:s19] =	ssyncadd.s32 $0xFFFFE000  }
0x162: {  	[tilespmem:s9], [sflag:$0x1] =	stream.indirect.gather [hbm4b:s3+s7], $0x10, s18, s7, $0xb8;
	[tilespmem:$0x11710] =	vst v63  }
0x163: {  	_ =	swait.ge [sflag:s12], $0x2000  }
0x164: {  	[sflag:s12] =	ssyncset.done $0x0  }
0x165: {  	s18 =	rddreg [dreg:$0x1e];
	[sflag:s12] =	ssyncadd.s32 $0xFFFFE000  }
0x166: {  	[spmem:s2] =	stream.indirect.scatter.add.f32 [tilespmem:s16], [sflag:$0x7], $0x10, s18, s7, $0xb8;
	[tilespmem:$0x11710] =	vst v63  }
0x167: {  	_ =	swait.ge [sflag:s11], $0x2000  }
0x168: {  	[sflag:s11] =	ssyncset.done $0x0  }
0x169: {  	s18 =	rddreg [dreg:$0x1f];
	[sflag:s11] =	ssyncadd.s32 $0xFFFFE000  }
0x16a: {  	[tilespmem:s8], [sflag:$0x2] =	stream.indirect.gather [hbm4b:s3+s7], $0x10, s18, s7, $0xb8;
	[tilespmem:$0x11710] =	vst v63  }
0x16b: {  	_ =	swait.ge [sflag:s21], $0x2000  }
0x16c: {  	s18 =	sld [smem:$0x7F2]  }
0x16d: {  	[sflag:s21] =	ssyncset.done $0x0  }
0x16e: {  	[sflag:s21] =	ssyncadd.s32 $0xFFFFE000  }
0x16f: {  	[spmem:s2] =	stream.indirect.scatter.add.f32 [tilespmem:s10], [sflag:$0x8], $0x10, s18, s7, $0xb8;
	[tilespmem:$0x11710] =	vst v63  }
0x170: {  	_ =	swait.ge [sflag:s14], $0x2000  }
0x171: {  	s18 =	sld [smem:$0x7F3]  }
0x172: {  	[sflag:s14] =	ssyncset.done $0x0  }
0x173: {  	[sflag:s14] =	ssyncadd.s32 $0xFFFFE000  }
0x174: {  	[tilespmem:s20], [sflag:$0x3] =	stream.indirect.gather [hbm4b:s3+s7], $0x10, s18, s7, $0xb8;
	[tilespmem:$0x11710] =	vst v63  }
0x175: {  	_ =	swait.ge [sflag:s17], $0x2000  }
0x176: {  	s18 =	sld [smem:$0x7F4]  }
0x177: {  	[sflag:s17] =	ssyncset.done $0x0  }
0x178: {  	[sflag:s17] =	ssyncadd.s32 $0xFFFFE000  }
0x179: {  	[spmem:s2] =	stream.indirect.scatter.add.f32 [tilespmem:s9], [sflag:$0x5], $0x10, s18, s7, $0xb8;
	[tilespmem:$0x11710] =	vst v63  }
0x17a: {  	_ =	swait.ge [sflag:s15], $0x2000  }
0x17b: {  	s18 =	sld [smem:$0x7F5]  }
0x17c: {  	[sflag:s15] =	ssyncset.done $0x0  }
0x17d: {  	[sflag:s15] =	ssyncadd.s32 $0xFFFFE000  }
0x17e: {  	[tilespmem:s16], [sflag:$0x4] =	stream.indirect.gather [hbm4b:s3+s7], $0x10, s18, s7, $0xb8;
	[tilespmem:$0x11710] =	vst v63  }
0x17f: {  	_ =	swait.ge [sflag:s13], $0x2000  }
0x180: {  	s18 =	sld [smem:$0x7F6]  }
0x181: {  	[sflag:s13] =	ssyncset.done $0x0  }
0x182: {  	[sflag:s13] =	ssyncadd.s32 $0xFFFFE000  }
0x183: {  	[spmem:s2] =	stream.indirect.scatter.add.f32 [tilespmem:s8], [sflag:$0x6], $0x10, s18, s7, $0xb8;
	[tilespmem:$0x11710] =	vst v63  }
0x184: {  	_ =	swait.ge [sflag:s19], $0x2000  }
0x185: {  	s18 =	sld [smem:$0x7F7]  }
0x186: {  	[sflag:s19] =	ssyncset.done $0x0  }
0x187: {  	[sflag:s19] =	ssyncadd.s32 $0xFFFFE000  }
0x188: {  	[tilespmem:s10], [sflag:$0x1] =	stream.indirect.gather [hbm4b:s3+s7], $0x10, s18, s7, $0xb8;
	[tilespmem:$0x11710] =	vst v63  }
0x189: {  	_ =	swait.ge [sflag:s12], $0x2000  }
0x18a: {  	s18 =	sld [smem:$0x7F8]  }
0x18b: {  	[sflag:s12] =	ssyncset.done $0x0  }
0x18c: {  	[sflag:s12] =	ssyncadd.s32 $0xFFFFE000  }
0x18d: {  	[spmem:s2] =	stream.indirect.scatter.add.f32 [tilespmem:s20], [sflag:$0x7], $0x10, s18, s7, $0xb8;
	[tilespmem:$0x11710] =	vst v63  }
0x18e: {  	_ =	swait.ge [sflag:s11], $0x2000  }
0x18f: {  	s18 =	sld [smem:$0x7F9]  }
0x190: {  	[sflag:s11] =	ssyncset.done $0x0  }
0x191: {  	[sflag:s11] =	ssyncadd.s32 $0xFFFFE000  }
0x192: {  	[tilespmem:s9], [sflag:$0x2] =	stream.indirect.gather [hbm4b:s3+s7], $0x10, s18, s7, $0xb8;
	[tilespmem:$0x11710] =	vst v63  }
0x193: {  	_ =	swait.ge [sflag:s21], $0x2000  }
0x194: {  	s18 =	sld [smem:$0x7FA]  }
0x195: {  	[sflag:s21] =	ssyncset.done $0x0  }
0x196: {  	[sflag:s21] =	ssyncadd.s32 $0xFFFFE000  }
0x197: {  	[spmem:s2] =	stream.indirect.scatter.add.f32 [tilespmem:s16], [sflag:$0x8], $0x10, s18, s7, $0xb8;
	[tilespmem:$0x11710] =	vst v63  }
0x198: {  	_ =	swait.ge [sflag:s14], $0x2000  }
0x199: {  	s18 =	sld [smem:$0x7FB]  }
0x19a: {  	[sflag:s14] =	ssyncset.done $0x0  }
0x19b: {  	[sflag:s14] =	ssyncadd.s32 $0xFFFFE000  }
0x19c: {  	[tilespmem:s8], [sflag:$0x3] =	stream.indirect.gather [hbm4b:s3+s7], $0x10, s18, s7, $0xb8;
	[tilespmem:$0x11710] =	vst v63  }
0x19d: {  	_ =	swait.ge [sflag:s17], $0x2000  }
0x19e: {  	s18 =	sld [smem:$0x7FC]  }
0x19f: {  	[sflag:s17] =	ssyncset.done $0x0  }
0x1a0: {  	[sflag:s17] =	ssyncadd.s32 $0xFFFFE000  }
0x1a1: {  	[spmem:s2] =	stream.indirect.scatter.add.f32 [tilespmem:s10], [sflag:$0x5], $0x10, s18, s7, $0xb8;
	[tilespmem:$0x11710] =	vst v63  }
0x1a2: {  	_ =	swait.ge [sflag:s15], $0x2000  }
0x1a3: {  	[sflag:s15] =	ssyncset.done $0x0  }
0x1a4: {  	[sflag:s15] =	ssyncadd.s32 $0xFFFFE000  }
0x1a5: {  	_ =	swait.ge [sflag:s13], $0x2000  }
0x1a6: {  	s18 =	sld [smem:$0x7FD]  }
0x1a7: {  	[sflag:s13] =	ssyncset.done $0x0  }
0x1a8: {  	[sflag:s13] =	ssyncadd.s32 $0xFFFFE000  }
0x1a9: {  	[spmem:s2] =	stream.indirect.scatter.add.f32 [tilespmem:s9], [sflag:$0x6], $0x10, s18, s7, $0xb8;
	[tilespmem:$0x11710] =	vst v63  }
0x1aa: {  	_ =	swait.ge [sflag:s19], $0x2000  }
0x1ab: {  	[sflag:s19] =	ssyncset.done $0x0  }
0x1ac: {  	[sflag:s19] =	ssyncadd.s32 $0xFFFFE000  }
0x1ad: {  	_ =	swait.ge [sflag:s12], $0x2000  }
0x1ae: {  	[sflag:s12] =	ssyncset.done $0x0  }
0x1af: {  	s18 =	simm.s32 $0x4C00;
	[sflag:s12] =	ssyncadd.s32 $0xFFFFE000  }
0x1b0: {  	[spmem:s2] =	stream.indirect.scatter.add.f32 [tilespmem:s8], [sflag:$0x7], $0x10, s18, s7, $0xb8;
	[tilespmem:$0x11710] =	vst v63  }
0x1b1: {  	_ =	swait.ge [sflag:s11], $0x2000  }
0x1b2: {  	[sflag:s11] =	ssyncset.done $0x0  }
0x1b3: {  	[sflag:s11] =	ssyncadd.s32 $0xFFFFE000  }
0x1b4: {  	_ =	swait.ge [sflag:s14], $0x2000  }
0x1b5: {  	[sflag:s14] =	ssyncset.done $0x0  }
0x1b6: {  	[sflag:s14] =	ssyncadd.s32 $0xFFFFE000  }
0x1b7: {  	_ =	swait.ge [sflag:s15], $0x2000  }
0x1b8: {  	[sflag:s15] =	ssyncset.done $0x0  }
0x1b9: {  	[sflag:s15] =	ssyncadd.s32 $0xFFFFE000  }
0x1ba: {  	[tilespmem:s31], [sflag:$0x4] =	stream.indirect.gather @!p0 [hbm4b:s3+s30], $0x10, s26, s30, $0xb8;
	[tilespmem:$0x11710] =	vst v63  }
0x1bb: {  	_ =	swait.ge @!p0 [sflag:s29], $0x2000  }
0x1bc: {  	[sflag:s29] =	ssyncset.done @!p0 $0x0  }
0x1bd: {  	[sflag:s29] =	ssyncadd.s32 @!p0 $0xFFFFE000  }
0x1be: {  	[spmem:s2] =	stream.indirect.scatter.add.f32 @!p0 [tilespmem:s31], [sflag:$0x8], $0x10, s28, s30, $0xb8;
	[tilespmem:$0x11710] =	vst v63  }
0x1bf: {  	_ =	swait.ge @!p0 [sflag:s1], $0x2000  }
0x1c0: {  	s0 =	sadd.s32 $0xFFFFFFFF, s0;
	[sflag:s1] =	ssyncset.done @!p0 $0x0  }
0x1c1: {  	p2 =	sne.s32 s0, $0x0;
	[sflag:s1] =	ssyncadd.s32 @!p0 $0xFFFFE000  }
.Ltmp2:
0x1c2: {  	[bflag:$0x0] =	sbarrier.arrive $0xFFFF;
	(pc) =	sbr.rel @p2 .LBB2_3-.Ltmp2, $4  }
0x1c3: {  	s18 =	rddreg [dreg:$0x9]  }
0x1c4: {  	[hbm:s18], [sflag:s4] =	dma.local [spmem:s5], $0x4E2  }
0x1c5: {  	_ =	swait.ge [sflag:s6], $0x4E2  }
0x1c6: {  	s23 =	simm.s32 $0x2800;
	s18 =	rddreg [dreg:$0x4];
	[sflag:s6] =	ssyncset.done $0x0  }
0x1c7: {  	s25 =	stileid.u32;
	s26 =	rddreg [dreg:$0x3];
	s29 =	simm.s32 $0x4C00  }
.LBB2_5:
0x1c8: {  	[sflag:s6] =	ssyncadd.s32 @p1 $0xFFFFFB1E  }
0x1c9: {  	[spmem:s5], [sflag:s4] =	dma.local [hbm:s18], $0x4E2  }
0x1ca: {  	_ =	swait.ge [sflag:s6], $0x4E2  }
0x1cb: {  	[sflag:s6] =	ssyncset.done $0x0  }
0x1cc: {  	s0 =	rddreg [dreg:$0x5];
	[sflag:s6] =	ssyncadd.s32 $0xFFFFFB1E  }
0x1cd: {  	[tilespmem:s22], [sflag:$0x9] =	stream.linear.gather [hbm4b:s0+s22], $0x2600, $0x38;
	[tilespmem:$0x11710] =	vst v63  }
0x1ce: {  	_ =	swait.ge [sflag:s6], $0x2600  }
0x1cf: {  	[sflag:s6] =	ssyncset.done $0x0  }
0x1d0: {  	s18 =	rddreg [dreg:$0x6];
	[sflag:s6] =	ssyncadd.s32 $0xFFFFDA00  }
0x1d1: {  	[tilespmem:s23], [sflag:$0x9] =	stream.linear.gather [hbm4b:s18+s22], $0x2600, $0x38;
	[tilespmem:$0x11710] =	vst v63  }
0x1d2: {  	_ =	swait.ge [sflag:s6], $0x2600  }
0x1d3: {  	s0 =	simm.s32 @!p0 $0x2600;
	s18 =	simm.s32 @!p0 $0x0;
	[sflag:s6] =	ssyncset.done $0x0  }
0x1d4: {  	s23 =	simm.s32 @!p0 $0x9;
	s1 =	rddreg [dreg:$0x7];
	[sflag:s6] =	ssyncadd.s32 $0xFFFFDA00  }
0x1d5: {  	[tilespmem:s0], [sflag:$0x9] =	stream.linear.gather @!p0 [hbm4b:s1+s18], $0x200, $0x38;
	[tilespmem:$0x11710] =	vst v63  }
0x1d6: {  	_ =	swait.ge @!p0 [sflag:s23], $0x200  }
0x1d7: {  	[sflag:s23] =	ssyncset.done @!p0 $0x0  }
0x1d8: {  	s1 =	simm.s32 @!p0 $0x4E00;
	s24 =	rddreg [dreg:$0x8];
	[sflag:s23] =	ssyncadd.s32 @!p0 $0xFFFFFE00  }
0x1d9: {  	[tilespmem:s1], [sflag:$0x9] =	stream.linear.gather @!p0 [hbm4b:s24+s18], $0x200, $0x38;
	[tilespmem:$0x11710] =	vst v63  }
0x1da: {  	_ =	swait.ge @!p0 [sflag:s23], $0x200  }
0x1db: {  	[sflag:s23] =	ssyncset.done @!p0 $0x0  }
0x1dc: {  	[sflag:s23] =	ssyncadd.s32 @!p0 $0xFFFFFE00  }
0x1dd: {  	[bflag:$0x0] =	sbarrier.arrive $0xFFFF  }
0x1de: {  	[tilespmem:s16], [sflag:$0x1] =	stream.indirect.gather [hbm4b:s3+s7], $0x10, s22, s7, $0xb8;
	[tilespmem:$0x11710] =	vst v63  }
0x1df: {  	_ = 	snop  }
0x1e0: {  	[tilespmem:s10], [sflag:$0x2] =	stream.indirect.gather [hbm4b:s3+s7], $0x10, s7, s7, $0xb8;
	[tilespmem:$0x11710] =	vst v63  }
0x1e1: {  	s23 =	rddreg [dreg:$0xa]  }
0x1e2: {  	[tilespmem:s9], [sflag:$0x3] =	stream.indirect.gather [hbm4b:s3+s7], $0x10, s23, s7, $0xb8;
	[tilespmem:$0x11710] =	vst v63  }
0x1e3: {  	_ =	swait.ge [sflag:s17], $0x2000  }
0x1e4: {  	[sflag:s17] =	ssyncset.done $0x0  }
0x1e5: {  	s28 =	simm.s32 $0x2800;
	[sflag:s17] =	ssyncadd.s32 $0xFFFFE000  }
0x1e6: {  	[spmem:s2] =	stream.indirect.scatter.add.f32 [tilespmem:s16], [sflag:$0x5], $0x10, s28, s7, $0xb8;
	[tilespmem:$0x11710] =	vst v63  }
0x1e7: {  	s24 =	rddreg [dreg:$0xb]  }
0x1e8: {  	[tilespmem:s8], [sflag:$0x4] =	stream.indirect.gather [hbm4b:s3+s7], $0x10, s24, s7, $0xb8;
	[tilespmem:$0x11710] =	vst v63  }
0x1e9: {  	_ =	swait.ge [sflag:s13], $0x2000  }
0x1ea: {  	[sflag:s13] =	ssyncset.done $0x0  }
0x1eb: {  	s28 =	rddreg [dreg:$0xc];
	[sflag:s13] =	ssyncadd.s32 $0xFFFFE000  }
0x1ec: {  	[spmem:s2] =	stream.indirect.scatter.add.f32 [tilespmem:s10], [sflag:$0x6], $0x10, s28, s7, $0xb8;
	[tilespmem:$0x11710] =	vst v63  }
0x1ed: {  	s30 =	rddreg [dreg:$0xd]  }
0x1ee: {  	[tilespmem:s20], [sflag:$0x1] =	stream.indirect.gather [hbm4b:s3+s7], $0x10, s30, s7, $0xb8;
	[tilespmem:$0x11710] =	vst v63  }
0x1ef: {  	_ =	swait.ge [sflag:s12], $0x2000  }
0x1f0: {  	[sflag:s12] =	ssyncset.done $0x0  }
0x1f1: {  	s31 =	rddreg [dreg:$0xe];
	[sflag:s12] =	ssyncadd.s32 $0xFFFFE000  }
0x1f2: {  	[spmem:s2] =	stream.indirect.scatter.add.f32 [tilespmem:s9], [sflag:$0x7], $0x10, s31, s7, $0xb8;
	[tilespmem:$0x11710] =	vst v63  }
0x1f3: {  	_ =	swait.ge [sflag:s11], $0x2000  }
0x1f4: {  	[sflag:s11] =	ssyncset.done $0x0  }
0x1f5: {  	s22 =	rddreg [dreg:$0xf];
	[sflag:s11] =	ssyncadd.s32 $0xFFFFE000  }
0x1f6: {  	[tilespmem:s16], [sflag:$0x2] =	stream.indirect.gather [hbm4b:s3+s7], $0x10, s22, s7, $0xb8;
	[tilespmem:$0x11710] =	vst v63  }
0x1f7: {  	_ =	swait.ge [sflag:s21], $0x2000  }
0x1f8: {  	[sflag:s21] =	ssyncset.done $0x0  }
0x1f9: {  	s23 =	rddreg [dreg:$0x10];
	[sflag:s21] =	ssyncadd.s32 $0xFFFFE000  }
0x1fa: {  	[spmem:s2] =	stream.indirect.scatter.add.f32 [tilespmem:s8], [sflag:$0x8], $0x10, s23, s7, $0xb8;
	[tilespmem:$0x11710] =	vst v63  }
0x1fb: {  	_ =	swait.ge [sflag:s14], $0x2000  }
0x1fc: {  	[sflag:s14] =	ssyncset.done $0x0  }
0x1fd: {  	s24 =	rddreg [dreg:$0x11];
	[sflag:s14] =	ssyncadd.s32 $0xFFFFE000  }
0x1fe: {  	[tilespmem:s10], [sflag:$0x3] =	stream.indirect.gather [hbm4b:s3+s7], $0x10, s24, s7, $0xb8;
	[tilespmem:$0x11710] =	vst v63  }
0x1ff: {  	_ =	swait.ge [sflag:s17], $0x2000  }
0x200: {  	[sflag:s17] =	ssyncset.done $0x0  }
0x201: {  	s28 =	rddreg [dreg:$0x12];
	[sflag:s17] =	ssyncadd.s32 $0xFFFFE000  }
0x202: {  	[spmem:s2] =	stream.indirect.scatter.add.f32 [tilespmem:s20], [sflag:$0x5], $0x10, s28, s7, $0xb8;
	[tilespmem:$0x11710] =	vst v63  }
0x203: {  	_ =	swait.ge [sflag:s15], $0x2000  }
0x204: {  	[sflag:s15] =	ssyncset.done $0x0  }
0x205: {  	s30 =	rddreg [dreg:$0x13];
	[sflag:s15] =	ssyncadd.s32 $0xFFFFE000  }
0x206: {  	[tilespmem:s9], [sflag:$0x4] =	stream.indirect.gather [hbm4b:s3+s7], $0x10, s30, s7, $0xb8;
	[tilespmem:$0x11710] =	vst v63  }
0x207: {  	_ =	swait.ge [sflag:s13], $0x2000  }
0x208: {  	[sflag:s13] =	ssyncset.done $0x0  }
0x209: {  	s31 =	rddreg [dreg:$0x14];
	[sflag:s13] =	ssyncadd.s32 $0xFFFFE000  }
0x20a: {  	[spmem:s2] =	stream.indirect.scatter.add.f32 [tilespmem:s16], [sflag:$0x6], $0x10, s31, s7, $0xb8;
	[tilespmem:$0x11710] =	vst v63  }
0x20b: {  	_ =	swait.ge [sflag:s19], $0x2000  }
0x20c: {  	[sflag:s19] =	ssyncset.done $0x0  }
0x20d: {  	s22 =	rddreg [dreg:$0x15];
	[sflag:s19] =	ssyncadd.s32 $0xFFFFE000  }
0x20e: {  	[tilespmem:s8], [sflag:$0x1] =	stream.indirect.gather [hbm4b:s3+s7], $0x10, s22, s7, $0xb8;
	[tilespmem:$0x11710] =	vst v63  }
0x20f: {  	_ =	swait.ge [sflag:s12], $0x2000  }
0x210: {  	[sflag:s12] =	ssyncset.done $0x0  }
0x211: {  	s23 =	rddreg [dreg:$0x16];
	[sflag:s12] =	ssyncadd.s32 $0xFFFFE000  }
0x212: {  	[spmem:s2] =	stream.indirect.scatter.add.f32 [tilespmem:s10], [sflag:$0x7], $0x10, s23, s7, $0xb8;
	[tilespmem:$0x11710] =	vst v63  }
0x213: {  	_ =	swait.ge [sflag:s11], $0x2000  }
0x214: {  	[sflag:s11] =	ssyncset.done $0x0  }
0x215: {  	s24 =	rddreg [dreg:$0x17];
	[sflag:s11] =	ssyncadd.s32 $0xFFFFE000  }
0x216: {  	[tilespmem:s20], [sflag:$0x2] =	stream.indirect.gather [hbm4b:s3+s7], $0x10, s24, s7, $0xb8;
	[tilespmem:$0x11710] =	vst v63  }
0x217: {  	_ =	swait.ge [sflag:s21], $0x2000  }
0x218: {  	[sflag:s21] =	ssyncset.done $0x0  }
0x219: {  	s28 =	rddreg [dreg:$0x18];
	[sflag:s21] =	ssyncadd.s32 $0xFFFFE000  }
0x21a: {  	[spmem:s2] =	stream.indirect.scatter.add.f32 [tilespmem:s9], [sflag:$0x8], $0x10, s28, s7, $0xb8;
	[tilespmem:$0x11710] =	vst v63  }
0x21b: {  	_ =	swait.ge [sflag:s14], $0x2000  }
0x21c: {  	[sflag:s14] =	ssyncset.done $0x0  }
0x21d: {  	s30 =	rddreg [dreg:$0x19];
	[sflag:s14] =	ssyncadd.s32 $0xFFFFE000  }
0x21e: {  	[tilespmem:s16], [sflag:$0x3] =	stream.indirect.gather [hbm4b:s3+s7], $0x10, s30, s7, $0xb8;
	[tilespmem:$0x11710] =	vst v63  }
0x21f: {  	_ =	swait.ge [sflag:s17], $0x2000  }
0x220: {  	[sflag:s17] =	ssyncset.done $0x0  }
0x221: {  	s31 =	rddreg [dreg:$0x1a];
	[sflag:s17] =	ssyncadd.s32 $0xFFFFE000  }
0x222: {  	[spmem:s2] =	stream.indirect.scatter.add.f32 [tilespmem:s8], [sflag:$0x5], $0x10, s31, s7, $0xb8;
	[tilespmem:$0x11710] =	vst v63  }
0x223: {  	_ =	swait.ge [sflag:s15], $0x2000  }
0x224: {  	[sflag:s15] =	ssyncset.done $0x0  }
0x225: {  	s22 =	rddreg [dreg:$0x1b];
	[sflag:s15] =	ssyncadd.s32 $0xFFFFE000  }
0x226: {  	[tilespmem:s10], [sflag:$0x4] =	stream.indirect.gather [hbm4b:s3+s7], $0x10, s22, s7, $0xb8;
	[tilespmem:$0x11710] =	vst v63  }
0x227: {  	_ =	swait.ge [sflag:s13], $0x2000  }
0x228: {  	[sflag:s13] =	ssyncset.done $0x0  }
0x229: {  	s23 =	rddreg [dreg:$0x1c];
	[sflag:s13] =	ssyncadd.s32 $0xFFFFE000  }
0x22a: {  	[spmem:s2] =	stream.indirect.scatter.add.f32 [tilespmem:s20], [sflag:$0x6], $0x10, s23, s7, $0xb8;
	[tilespmem:$0x11710] =	vst v63  }
0x22b: {  	_ =	swait.ge [sflag:s19], $0x2000  }
0x22c: {  	[sflag:s19] =	ssyncset.done $0x0  }
0x22d: {  	s24 =	rddreg [dreg:$0x1d];
	[sflag:s19] =	ssyncadd.s32 $0xFFFFE000  }
0x22e: {  	[tilespmem:s9], [sflag:$0x1] =	stream.indirect.gather [hbm4b:s3+s7], $0x10, s24, s7, $0xb8;
	[tilespmem:$0x11710] =	vst v63  }
0x22f: {  	_ =	swait.ge [sflag:s12], $0x2000  }
0x230: {  	[sflag:s12] =	ssyncset.done $0x0  }
0x231: {  	s28 =	rddreg [dreg:$0x1e];
	[sflag:s12] =	ssyncadd.s32 $0xFFFFE000  }
0x232: {  	[spmem:s2] =	stream.indirect.scatter.add.f32 [tilespmem:s16], [sflag:$0x7], $0x10, s28, s7, $0xb8;
	[tilespmem:$0x11710] =	vst v63  }
0x233: {  	_ =	swait.ge [sflag:s11], $0x2000  }
0x234: {  	[sflag:s11] =	ssyncset.done $0x0  }
0x235: {  	s30 =	rddreg [dreg:$0x1f];
	[sflag:s11] =	ssyncadd.s32 $0xFFFFE000  }
0x236: {  	[tilespmem:s8], [sflag:$0x2] =	stream.indirect.gather [hbm4b:s3+s7], $0x10, s30, s7, $0xb8;
	[tilespmem:$0x11710] =	vst v63  }
0x237: {  	_ =	swait.ge [sflag:s21], $0x2000  }
0x238: {  	s31 =	sld [smem:$0x7F2]  }
0x239: {  	[sflag:s21] =	ssyncset.done $0x0  }
0x23a: {  	[sflag:s21] =	ssyncadd.s32 $0xFFFFE000  }
0x23b: {  	[spmem:s2] =	stream.indirect.scatter.add.f32 [tilespmem:s10], [sflag:$0x8], $0x10, s31, s7, $0xb8;
	[tilespmem:$0x11710] =	vst v63  }
0x23c: {  	_ =	swait.ge [sflag:s14], $0x2000  }
0x23d: {  	s22 =	sld [smem:$0x7F3]  }
0x23e: {  	[sflag:s14] =	ssyncset.done $0x0  }
0x23f: {  	[sflag:s14] =	ssyncadd.s32 $0xFFFFE000  }
0x240: {  	[tilespmem:s20], [sflag:$0x3] =	stream.indirect.gather [hbm4b:s3+s7], $0x10, s22, s7, $0xb8;
	[tilespmem:$0x11710] =	vst v63  }
0x241: {  	_ =	swait.ge [sflag:s17], $0x2000  }
0x242: {  	s23 =	sld [smem:$0x7F4]  }
0x243: {  	[sflag:s17] =	ssyncset.done $0x0  }
0x244: {  	[sflag:s17] =	ssyncadd.s32 $0xFFFFE000  }
0x245: {  	[spmem:s2] =	stream.indirect.scatter.add.f32 [tilespmem:s9], [sflag:$0x5], $0x10, s23, s7, $0xb8;
	[tilespmem:$0x11710] =	vst v63  }
0x246: {  	_ =	swait.ge [sflag:s15], $0x2000  }
0x247: {  	s24 =	sld [smem:$0x7F5]  }
0x248: {  	[sflag:s15] =	ssyncset.done $0x0  }
0x249: {  	[sflag:s15] =	ssyncadd.s32 $0xFFFFE000  }
0x24a: {  	[tilespmem:s16], [sflag:$0x4] =	stream.indirect.gather [hbm4b:s3+s7], $0x10, s24, s7, $0xb8;
	[tilespmem:$0x11710] =	vst v63  }
0x24b: {  	_ =	swait.ge [sflag:s13], $0x2000  }
0x24c: {  	s28 =	sld [smem:$0x7F6]  }
0x24d: {  	[sflag:s13] =	ssyncset.done $0x0  }
0x24e: {  	[sflag:s13] =	ssyncadd.s32 $0xFFFFE000  }
0x24f: {  	[spmem:s2] =	stream.indirect.scatter.add.f32 [tilespmem:s8], [sflag:$0x6], $0x10, s28, s7, $0xb8;
	[tilespmem:$0x11710] =	vst v63  }
0x250: {  	_ =	swait.ge [sflag:s19], $0x2000  }
0x251: {  	s30 =	sld [smem:$0x7F7]  }
0x252: {  	[sflag:s19] =	ssyncset.done $0x0  }
0x253: {  	[sflag:s19] =	ssyncadd.s32 $0xFFFFE000  }
0x254: {  	[tilespmem:s10], [sflag:$0x1] =	stream.indirect.gather [hbm4b:s3+s7], $0x10, s30, s7, $0xb8;
	[tilespmem:$0x11710] =	vst v63  }
0x255: {  	_ =	swait.ge [sflag:s12], $0x2000  }
0x256: {  	s31 =	sld [smem:$0x7F8]  }
0x257: {  	[sflag:s12] =	ssyncset.done $0x0  }
0x258: {  	[sflag:s12] =	ssyncadd.s32 $0xFFFFE000  }
0x259: {  	[spmem:s2] =	stream.indirect.scatter.add.f32 [tilespmem:s20], [sflag:$0x7], $0x10, s31, s7, $0xb8;
	[tilespmem:$0x11710] =	vst v63  }
0x25a: {  	_ =	swait.ge [sflag:s11], $0x2000  }
0x25b: {  	s22 =	sld [smem:$0x7F9]  }
0x25c: {  	[sflag:s11] =	ssyncset.done $0x0  }
0x25d: {  	[sflag:s11] =	ssyncadd.s32 $0xFFFFE000  }
0x25e: {  	[tilespmem:s9], [sflag:$0x2] =	stream.indirect.gather [hbm4b:s3+s7], $0x10, s22, s7, $0xb8;
	[tilespmem:$0x11710] =	vst v63  }
0x25f: {  	_ =	swait.ge [sflag:s21], $0x2000  }
0x260: {  	s23 =	sld [smem:$0x7FA]  }
0x261: {  	[sflag:s21] =	ssyncset.done $0x0  }
0x262: {  	[sflag:s21] =	ssyncadd.s32 $0xFFFFE000  }
0x263: {  	[spmem:s2] =	stream.indirect.scatter.add.f32 [tilespmem:s16], [sflag:$0x8], $0x10, s23, s7, $0xb8;
	[tilespmem:$0x11710] =	vst v63  }
0x264: {  	_ =	swait.ge [sflag:s14], $0x2000  }
0x265: {  	s24 =	sld [smem:$0x7FB]  }
0x266: {  	[sflag:s14] =	ssyncset.done $0x0  }
0x267: {  	[sflag:s14] =	ssyncadd.s32 $0xFFFFE000  }
0x268: {  	[tilespmem:s8], [sflag:$0x3] =	stream.indirect.gather [hbm4b:s3+s7], $0x10, s24, s7, $0xb8;
	[tilespmem:$0x11710] =	vst v63  }
0x269: {  	_ =	swait.ge [sflag:s17], $0x2000  }
0x26a: {  	s28 =	sld [smem:$0x7FC]  }
0x26b: {  	[sflag:s17] =	ssyncset.done $0x0  }
0x26c: {  	[sflag:s17] =	ssyncadd.s32 $0xFFFFE000  }
0x26d: {  	[spmem:s2] =	stream.indirect.scatter.add.f32 [tilespmem:s10], [sflag:$0x5], $0x10, s28, s7, $0xb8;
	[tilespmem:$0x11710] =	vst v63  }
0x26e: {  	_ =	swait.ge [sflag:s15], $0x2000  }
0x26f: {  	[sflag:s15] =	ssyncset.done $0x0  }
0x270: {  	[sflag:s15] =	ssyncadd.s32 $0xFFFFE000  }
0x271: {  	_ =	swait.ge [sflag:s13], $0x2000  }
0x272: {  	s30 =	sld [smem:$0x7FD]  }
0x273: {  	[sflag:s13] =	ssyncset.done $0x0  }
0x274: {  	[sflag:s13] =	ssyncadd.s32 $0xFFFFE000  }
0x275: {  	[spmem:s2] =	stream.indirect.scatter.add.f32 [tilespmem:s9], [sflag:$0x6], $0x10, s30, s7, $0xb8;
	[tilespmem:$0x11710] =	vst v63  }
0x276: {  	_ =	swait.ge [sflag:s19], $0x2000  }
0x277: {  	[sflag:s19] =	ssyncset.done $0x0  }
0x278: {  	[sflag:s19] =	ssyncadd.s32 $0xFFFFE000  }
0x279: {  	_ =	swait.ge [sflag:s12], $0x2000  }
0x27a: {  	[sflag:s12] =	ssyncset.done $0x0  }
0x27b: {  	[sflag:s12] =	ssyncadd.s32 $0xFFFFE000  }
0x27c: {  	[spmem:s2] =	stream.indirect.scatter.add.f32 [tilespmem:s8], [sflag:$0x7], $0x10, s29, s7, $0xb8;
	[tilespmem:$0x11710] =	vst v63  }
0x27d: {  	_ =	swait.ge [sflag:s11], $0x2000  }
0x27e: {  	[sflag:s11] =	ssyncset.done $0x0  }
0x27f: {  	[sflag:s11] =	ssyncadd.s32 $0xFFFFE000  }
0x280: {  	_ =	swait.ge [sflag:s14], $0x2000  }
0x281: {  	[sflag:s14] =	ssyncset.done $0x0  }
0x282: {  	[sflag:s14] =	ssyncadd.s32 $0xFFFFE000  }
0x283: {  	_ =	swait.ge [sflag:s15], $0x2000  }
0x284: {  	[sflag:s15] =	ssyncset.done $0x0  }
0x285: {  	s7 =	simm.s32 @!p0 $0x200;
	s8 =	simm.s32 @!p0 $0xD000;
	[sflag:s15] =	ssyncadd.s32 $0xFFFFE000  }
0x286: {  	[tilespmem:s8], [sflag:$0x4] =	stream.indirect.gather @!p0 [hbm4b:s3+s7], $0x10, s0, s7, $0xb8;
	[tilespmem:$0x11710] =	vst v63  }
0x287: {  	s0 =	simm.s32 @!p0 $0x4  }
0x288: {  	_ =	swait.ge @!p0 [sflag:s0], $0x2000  }
0x289: {  	[sflag:s0] =	ssyncset.done @!p0 $0x0  }
0x28a: {  	[sflag:s0] =	ssyncadd.s32 @!p0 $0xFFFFE000;
	s0 =	simm.s32 @!p0 $0x8  }
0x28b: {  	[spmem:s2] =	stream.indirect.scatter.add.f32 @!p0 [tilespmem:s8], [sflag:$0x8], $0x10, s1, s7, $0xb8;
	[tilespmem:$0x11710] =	vst v63  }
0x28c: {  	_ =	swait.ge @!p0 [sflag:s0], $0x2000  }
0x28d: {  	[sflag:s0] =	ssyncset.done @!p0 $0x0  }
0x28e: {  	[sflag:s0] =	ssyncadd.s32 @!p0 $0xFFFFE000  }
0x28f: {  	[bflag:$0x0] =	sbarrier.arrive $0xFFFF  }
0x290: {  	s31 =	rddreg [dreg:$0x9]  }
0x291: {  	[hbm:s31], [sflag:s4] =	dma.local [spmem:s5], $0x4E2  }
0x292: {  	_ =	swait.ge [sflag:s6], $0x4E2  }
0x293: {  	[sflag:s6] =	ssyncset.done $0x0  }
0x294: {  	[sflag:s6] =	ssyncadd.s32 $0xFFFFFB1E  }
0x295: {  	_ =	sfence.sel $0x180000  }
0x296: {  	[bflag:$0x0] =	sbarrier.arrive $0xFFFF  }
0x297: {  	p0 =	sne.s32 s25, $0x0;
	_ =	strace $0x9000004D  }
0x298: {  	s0 =	sadd.s32 @!p0 $0x100000, s26;
	[bflag:$0x2] =	sbarrier.arrive $0xFFFF  }
0x299: {  	[sflag:s0] =	ssyncadd.tile.s32 @!p0 $0x1;
	_ =	shalt  }
.LBB2_2:
.Ltmp3:
0x29a: {  	(pc) =	sbr.rel .LBB2_5-.Ltmp3, $2  }
0x29b: {  	_ =	sdelay $0x2  }
0x29c: {  	s25 =	stileid.u32;
	s26 =	rddreg [dreg:$0x3];
	s29 =	simm.s32 $0x4C00  }
.Lfunc_end2:
_tile_overlayer_lowered:
.L_overlay_start_2:
0x29d: {  	(tag) =	ssettag $0x2  }
0x29e: {  	s0 =	rddreg [dreg:$0x0];
	s2 =	stileid.u32  }
0x29f: {  	s1 =	rddreg [dreg:$0x1];
	p0 =	sne.s32 s2, $0x0  }
0x2a0: {  	s3 =	rddreg [dreg:$0x2];
	[bflag:$0x3] =	sbarrier.arrive $0xFFFF;
	s2 =	simm.s32 @!p0 $0x1C09  }
0x2a1: {  	[timem:s3], [sflag:s2] =	dma.local @!p0 [hbm:s0], s1  }
0x2a2: {  	s0 =	simm.s32 @!p0 $0x9  }
0x2a3: {  	_ =	swait.ge @!p0 [sflag:s0], s1  }
0x2a4: {  	s1 =	ssub.s32 @!p0 $0x0, s1;
	[sflag:s0] =	ssyncset.done @!p0 $0x0  }
0x2a5: {  	[sflag:s0] =	ssyncadd.s32 @!p0 s1  }
0x2a6: {  	[bflag:$0x3] =	sbarrier.arrive $0xFFFF  }
0x2a7: {  	_ =	shalt  }

// kernel: kernel.9.cloned.1.call-start
scs
__scs_entry_jumppad:
0x0: {  	(pc) =	sbr.rel $0x88, $3  }
0x1: {  	(tag) =	ssettag $0x0;
	lr =	simm.s32 $0x1  }
0x2: {  	[smem:$0x3F9B] =	sst lr;
	_ =	strace $0xD0000000  }
0x3: {  	_ = 	snop  }
0x4: {  	_ = 	snop  }
0x5: {  	_ = 	snop  }
0x6: {  	_ = 	snop  }
0x7: {  	_ = 	snop  }
__scs_overlays_trampoline_lowered:
0x8: {  	[smem:$0x3FAA] =	sst s0  }
0x9: {  	[smem:$0x3FAB] =	sst s1  }
0xa: {  	[smem:$0x3FAC] =	sst s2  }
0xb: {  	[smem:$0x3FAD] =	sst s3  }
0xc: {  	[smem:$0x3FAE] =	sst s4  }
0xd: {  	[smem:$0x3FAF] =	sst s5  }
0xe: {  	[smem:$0x3FB0] =	sst s6  }
0xf: {  	[smem:$0x3FB1] =	sst s7  }
0x10: {  	[smem:$0x3FB2] =	sst s8  }
0x11: {  	[smem:$0x3FB3] =	sst s9;
	s0 =	simm.s32 @!p0 $0x0  }
0x12: {  	s1 =	sld [smem:$0x3F99];
	s0 =	simm.s32 @p0 $0x1  }
0x13: {  	[smem:$0x3FB4] =	sst s0;
	s0 =	simm.s32 @!p1 $0x0  }
0x14: {  	s2 =	sld [smem:$0x3F98];
	s0 =	simm.s32 @p1 $0x1  }
0x15: {  	[smem:$0x3FB5] =	sst s0;
	s0 =	simm.s32 @!p2 $0x0  }
0x16: {  	s3 =	sld [smem:$0x3FDB];
	s0 =	simm.s32 @p2 $0x1  }
0x17: {  	s4 =	simm.s32 $0x1BF5;
	[smem:$0x3FB7] =	sst s0  }
0x18: {  	s0 =	sld [smem:$0x3F9A];
	_ =	swait.ge [sflag:s4], $0x0  }
0x19: {  	s7 =	sld [smem:$0x3F9B]  }
0x1a: {  	s8 =	sadd.s32 $0xFFFFE003, lr  }
0x1b: {  	s9 =	sadd.s32 $0xFFFFFEF7, lr;
	s5 =	simm.s32 $0xFFFFFFFF;
	p2 =	slt.u32 s8, $0xFFFFF086  }
0x1c: {  	p1 =	slt.u32 s9, $0xF7A;
	s5 =	simm.s32 @!p2 $0x0  }
0x1d: {  	s5 =	simm.s32 @p1 $0x1;
	p0 =	seq.s32 s7, s2  }
0x1e: {  	s7 =	smul.u32 @!p0 $0xF7A, s2;
	p2 =	seq.s32 @!p0 s5, $0x0  }
0x1f: {  	s9 =	smul.u32 $0xF7A, s1;
	s8 =	simm.s32 @!p0 $0x1BF5;
	p2 =	por !p2, p0  }
0x20: {  	[sflag:s8] =	ssyncset.s32 @!p0 $0xFFFFF086;
	s6 =	sadd.s32 @!p0 s3, s7;
	s7 =	simm.s32 @!p0 $0x108  }
0x21: {  	s3 =	sadd.s32 s3, s9;
	s6 =	sadd.s32 @!p0 $0x88, s6;
	s7 =	simm.s32 @p2 $0x1082  }
0x22: {  	[simem:s7], [sflag:s8] =	dma.local @!p0 [hbm:s6], $0xF7A  }
0x23: {  	s9 =	sor.u32 $0xD0000000, s2;
	s6 =	simm.s32 $0x108;
	_ =	swait.ge @!p0 [sflag:s8], $0x0  }
0x24: {  	s3 =	sadd.s32 $0x88, s3;
	s6 =	simm.s32 @!p1 $0x1082;
	[sflag:s4] =	ssyncset.s32 $0xFFFFF086  }
0x25: {  	[simem:s6], [sflag:s4] =	dma.local [hbm:s3], $0xF7A  }
0x26: {  	[smem:$0x3F9B] =	sst s1;
	(tag) =	ssettag s2;
	_ =	strace s9  }
0x27: {  	s1 =	sld [smem:$0x3FAB]  }
0x28: {  	s2 =	sld [smem:$0x3FAC]  }
0x29: {  	s4 =	sld [smem:$0x3FAE]  }
0x2a: {  	p0 =	seq.s32 s5, $0x0;
	s5 =	sld [smem:$0x3FAF]  }
0x2b: {  	s6 =	sld [smem:$0x3FB0]  }
0x2c: {  	s7 =	sld [smem:$0x3FB1]  }
0x2d: {  	s3 =	simm.s32 $0x108;
	s8 =	sld [smem:$0x3FB2]  }
0x2e: {  	s3 =	simm.s32 @!p0 $0x1082;
	s9 =	sld [smem:$0x3FB3]  }
0x2f: {  	lr =	sadd.s32 s0, s3;
	s0 =	sld [smem:$0x3FAA]  }
0x30: {  	s3 =	sld [smem:$0x3FAD]  }
0x31: {  	[smem:$0x3FB6] =	sst s10  }
0x32: {  	s10 =	sld [smem:$0x3FB4];
	_ =	sdelay $0x3  }
0x33: {  	p0 =	seq.s32 s10, $0x1;
	s10 =	sld [smem:$0x3FB6];
	_ =	sdelay $0x3  }
0x34: {  	[smem:$0x3FB6] =	sst s10  }
0x35: {  	s10 =	sld [smem:$0x3FB5];
	_ =	sdelay $0x3  }
0x36: {  	p1 =	seq.s32 s10, $0x1;
	s10 =	sld [smem:$0x3FB6];
	_ =	sdelay $0x3  }
0x37: {  	[smem:$0x3FB6] =	sst s10  }
0x38: {  	s10 =	sld [smem:$0x3FB7]  }
0x39: {  	_ = 	snop;
	(pc) =	sbr.ind lr, $3  }
0x3a: {  	_ = 	snop  }
0x3b: {  	_ = 	snop  }
0x3c: {  	p2 =	seq.s32 s10, $0x1;
	s10 =	sld [smem:$0x3FB6]  }
0x3d: {  	_ =	shalt  }
0x3e: {  	_ =	shalt  }
0x3f: {  	_ =	shalt  }
0x40: {  	_ =	shalt  }
0x41: {  	_ =	shalt  }
0x42: {  	_ =	shalt  }
0x43: {  	_ =	shalt  }
0x44: {  	_ =	shalt  }
0x45: {  	_ =	shalt  }
0x46: {  	_ =	shalt  }
0x47: {  	_ =	shalt  }
0x48: {  	_ =	shalt  }
0x49: {  	_ =	shalt  }
0x4a: {  	_ =	shalt  }
0x4b: {  	_ =	shalt  }
0x4c: {  	_ =	shalt  }
0x4d: {  	_ =	shalt  }
0x4e: {  	_ =	shalt  }
0x4f: {  	_ =	shalt  }
0x50: {  	_ =	shalt  }
0x51: {  	_ =	shalt  }
0x52: {  	_ =	shalt  }
0x53: {  	_ =	shalt  }
0x54: {  	_ =	shalt  }
0x55: {  	_ =	shalt  }
0x56: {  	_ =	shalt  }
0x57: {  	_ =	shalt  }
0x58: {  	_ =	shalt  }
0x59: {  	_ =	shalt  }
0x5a: {  	_ =	shalt  }
0x5b: {  	_ =	shalt  }
0x5c: {  	_ =	shalt  }
0x5d: {  	_ =	shalt  }
0x5e: {  	_ =	shalt  }
0x5f: {  	_ =	shalt  }
0x60: {  	_ =	shalt  }
0x61: {  	_ =	shalt  }
0x62: {  	_ =	shalt  }
0x63: {  	_ =	shalt  }
0x64: {  	_ =	shalt  }
0x65: {  	_ =	shalt  }
0x66: {  	_ =	shalt  }
0x67: {  	_ =	shalt  }
0x68: {  	_ =	shalt  }
0x69: {  	_ =	shalt  }
0x6a: {  	_ =	shalt  }
0x6b: {  	_ =	shalt  }
0x6c: {  	_ =	shalt  }
0x6d: {  	_ =	shalt  }
0x6e: {  	_ =	shalt  }
0x6f: {  	_ =	shalt  }
0x70: {  	_ =	shalt  }
0x71: {  	_ =	shalt  }
0x72: {  	_ =	shalt  }
0x73: {  	_ =	shalt  }
0x74: {  	_ =	shalt  }
0x75: {  	_ =	shalt  }
0x76: {  	_ =	shalt  }
0x77: {  	_ =	shalt  }
0x78: {  	_ =	shalt  }
0x79: {  	_ =	shalt  }
0x7a: {  	_ =	shalt  }
0x7b: {  	_ =	shalt  }
0x7c: {  	_ =	shalt  }
0x7d: {  	_ =	shalt  }
0x7e: {  	_ =	shalt  }
0x7f: {  	_ =	shalt  }
0x80: {  	_ =	shalt  }
0x81: {  	_ =	shalt  }
0x82: {  	_ =	shalt  }
0x83: {  	_ =	shalt  }
0x84: {  	_ =	shalt  }
0x85: {  	_ =	shalt  }
0x86: {  	_ =	shalt  }
0x87: {  	_ =	shalt  }
.Lfunc_end0:
.L_simem_size_0:
called_computation_lowered:
.L_overlay_start_0:
0x88: {  	s2 =	sld [smem:$0x3FD9]  }
0x89: {  	s3 =	sld [smem:$0x3FFE];
	_ =	sdelay $0x1  }
0x8a: {  	s1 =	srdreg.scid  }
0x8b: {  	s0 =	sand.u32 $0x1, s1  }
0x8c: {  	s16 =	sshll.u32 s0, $0xA;
	s2 =	sadd.s32 s3, s2  }
0x8d: {  	s2 =	sadd.s32 s2, s16  }
0x8e: {  	[smem:$0x3FC2] =	sst s2  }
0x8f: {  	_ = 	snop  }
0x90: {  	(tm) =	ssettm $0x1  }
0x91: {  	s17 =	sld [smem:$0x3FFB];
	_ =	sdelay $0x3  }
0x92: {  	_ =	strace s17  }
0x93: {  	s2 =	sld [smem:$0x3FFC];
	_ =	sdelay $0x3  }
0x94: {  	_ =	strace s2  }
0x95: {  	s2 =	sld [smem:$0x3FFD];
	_ =	sdelay $0x3  }
0x96: {  	_ =	strace s2  }
0x97: {  	_ =	strace $0x8FFFFFFF  }
0x98: {  	s18 =	sld [smem:$0x3FDB];
	_ =	sdelay $0x1  }
0x99: {  	s19 =	simm.s32 $_scs_section_size  }
0x9a: {  	s4 =	simm.s32 $_size__tile_overlayer_lowered;
	s5 =	simm.s32 $_tile_overlayer_lowered  }
0x9b: {  	s22 =	simm.s32 $0x1BFF;
	s21 =	sshll.u32 s5, $0x1;
	s2 =	sadd.s32 s19, s18  }
0x9c: {  	s6 =	simm.s32 $0x0;
	s20 =	sshll.u32 s4, $0x1;
	s4 =	sadd.s32 s21, s2  }
0x9d: {  	[timem:s6], [sflag:s22] =	dma.local [hbm:s4], s20  }
0x9e: {  	_ =	swait.ge [sflag:s22], s20  }
0x9f: {  	s3 =	ssub.s32 $0x0, s20;
	[sflag:s22] =	ssyncset.done $0x0  }
0xa0: {  	[sflag:s22] =	ssyncadd.s32 s3;
	_ =	sdelay $0x1  }
0xa1: {  	s23 =	simm.s32 $0x1B8B  }
0xa2: {  	_ =	swait.ge [sflag:s23], $0x1  }
0xa3: {  	[sflag:s23] =	ssyncset.done $0x0  }
0xa4: {  	s25 =	simm.s32 $0x1B8E;
	s24 =	sld [smem:$0x3FFE];
	[sflag:s23] =	ssyncadd.s32 $0xFFFFFFFF  }
0xa5: {  	s26 =	simm.s32 $execute0_lowered;
	[smem:$0x3FD2] =	sst s25  }
0xa6: {  	s4 =	sshll.u32 s26, $0x1;
	_ =	strace $0x80000046;
	[dreg:$0x1] =	wrdreg $0xFFFFFFFF  }
0xa7: {  	s28 =	simm.s32 $_size_execute0_lowered;
	s2 =	sadd.s32 s2, s4;
	[dreg:$0x0] =	wrdreg $0x0  }
0xa8: {  	s4 =	sshll.u32 s28, $0x1;
	[dreg:$0x2] =	wrdreg s2  }
0xa9: {  	[dreg:$0x3] =	wrdreg s4  }
0xaa: {  	[dreg:$0x4] =	wrdreg $0xC0  }
0xab: {  	_ =	task [dreg:s6], $0x5FFFF  }
0xac: {  	[dreg:$0x1] =	wrdreg $0xFFFFFFFF  }
0xad: {  	[dreg:$0x0] =	wrdreg $0x60  }
0xae: {  	[dreg:$0x2] =	wrdreg s24  }
0xaf: {  	[dreg:$0x3] =	wrdreg $0x2C800  }
0xb0: {  	[dreg:$0x4] =	wrdreg $0x9  }
0xb1: {  	_ =	task.clear_ibuf [dreg:s6], $0x5FFFF;
	_ =	strace $0x90000046  }
0xb2: {  	s29 =	simm.s32 $0x9;
	_ =	strace $0x80000048  }
0xb3: {  	_ =	swait.ge [sflag:s29], $0x1  }
0xb4: {  	[sflag:s29] =	ssyncadd.s32 $0xFFFFFFFF  }
0xb5: {  	_ =	strace $0x90000048  }
0xb6: {  	_ =	sfence  }
0xb7: {  	s30 =	sld [smem:$0x0];
	_ =	sdelay $0x2  }
0xb8: {  	s31 =	sshll.u32 s1, $0xD;
	s1 =	sshrl.u32 s1, $0x2  }
0xb9: {  	s3 =	sand.u32 $0x4000, s31;
	s1 =	sadd.s32 s1, s30  }
0xba: {  	s0 =	sor.u32 s3, s0;
	s1 =	sshll.u32 s1, $0x11  }
0xbb: {  	s0 =	sor.u32 s1, s0  }
0xbc: {  	s0 =	sadd.s32 $0x8F2B, s0  }
0xbd: {  	[sflag:s0] =	ssyncadd.remote.s32 $0x1  }
0xbe: {  	_ =	sfence.sel $0xFFFF  }
0xbf: {  	[dreg:$0x0] =	wrdreg $0xFFFFFFFF;
	(pc) =	sbr.abs _section_cstart, $3  }
0xc0: {  	[dreg:$0x1] =	wrdreg $0xFFFFFFFF  }
0xc1: {  	_ =	task.clear_ibuf [dreg:s6], $0x2FFFF;
	_ =	strace $0x9FFFFFFF  }
0xc2: {  	(tm) =	ssettm $0x7FFFFFFF  }
0xc3: {  	_ =	shalt  }
tec
execute0_lowered:
.L_overlay_start_1:
0x0: {  	(tag) =	ssettag $0x1  }
0x1: {  	s3 =	rddreg [dreg:$0x0];
	s2 =	simm.s32 $0x0  }
0x2: {  	v0 =	vimm.f32 $1.000000000e+00;
	[smem:$0x7FF] =	sst s2  }
0x3: {  	s1 =	rddreg [dreg:$0x1];
	v1 =	vimm.f32 $0.0e+00;
	_ =	strace $0x80000047;
	[tilespmem:$0x2800] =	vst v0  }
0x4: {  	[tilespmem:$0x2C70] =	vst v1  }
0x5: {  	[tilespmem:$0x2C60] =	vst v1  }
0x6: {  	[tilespmem:$0x2C50] =	vst v1  }
0x7: {  	[tilespmem:$0x2C40] =	vst v1  }
0x8: {  	[tilespmem:$0x2C30] =	vst v1  }
0x9: {  	[tilespmem:$0x2C20] =	vst v1  }
0xa: {  	[tilespmem:$0x2C10] =	vst v1  }
0xb: {  	[tilespmem:$0x2C00] =	vst v1  }
0xc: {  	[tilespmem:$0x2BF0] =	vst v1  }
0xd: {  	[tilespmem:$0x2BE0] =	vst v1  }
0xe: {  	[tilespmem:$0x2BD0] =	vst v1  }
0xf: {  	[tilespmem:$0x2BC0] =	vst v1  }
0x10: {  	[tilespmem:$0x2BB0] =	vst v1  }
0x11: {  	[tilespmem:$0x2BA0] =	vst v1  }
0x12: {  	[tilespmem:$0x2B90] =	vst v1  }
0x13: {  	[tilespmem:$0x2B80] =	vst v1  }
0x14: {  	[tilespmem:$0x2B70] =	vst v1  }
0x15: {  	[tilespmem:$0x2B60] =	vst v1  }
0x16: {  	[tilespmem:$0x2B50] =	vst v1  }
0x17: {  	[tilespmem:$0x2B40] =	vst v1  }
0x18: {  	[tilespmem:$0x2B30] =	vst v1  }
0x19: {  	[tilespmem:$0x2B20] =	vst v1  }
0x1a: {  	[tilespmem:$0x2B10] =	vst v1  }
0x1b: {  	[tilespmem:$0x2B00] =	vst v1  }
0x1c: {  	[tilespmem:$0x2AF0] =	vst v1  }
0x1d: {  	[tilespmem:$0x2AE0] =	vst v1  }
0x1e: {  	[tilespmem:$0x2AD0] =	vst v1  }
0x1f: {  	[tilespmem:$0x2AC0] =	vst v1  }
0x20: {  	[tilespmem:$0x2AB0] =	vst v1  }
0x21: {  	[tilespmem:$0x2AA0] =	vst v1  }
0x22: {  	[tilespmem:$0x2A90] =	vst v1  }
0x23: {  	[tilespmem:$0x2A80] =	vst v1  }
0x24: {  	[tilespmem:$0x2A70] =	vst v1  }
0x25: {  	[tilespmem:$0x2A60] =	vst v1  }
0x26: {  	[tilespmem:$0x2A50] =	vst v1  }
0x27: {  	[tilespmem:$0x2A40] =	vst v1  }
0x28: {  	[tilespmem:$0x2A30] =	vst v1  }
0x29: {  	[tilespmem:$0x2A20] =	vst v1  }
0x2a: {  	[tilespmem:$0x2A10] =	vst v1  }
0x2b: {  	[tilespmem:$0x2A00] =	vst v1  }
0x2c: {  	[tilespmem:$0x29F0] =	vst v0  }
0x2d: {  	[tilespmem:$0x29E0] =	vst v0  }
0x2e: {  	[tilespmem:$0x29D0] =	vst v0  }
0x2f: {  	[tilespmem:$0x29C0] =	vst v0  }
0x30: {  	[tilespmem:$0x29B0] =	vst v0  }
0x31: {  	[tilespmem:$0x29A0] =	vst v0  }
0x32: {  	[tilespmem:$0x2990] =	vst v0  }
0x33: {  	[tilespmem:$0x2980] =	vst v0  }
0x34: {  	[tilespmem:$0x2970] =	vst v0  }
0x35: {  	[tilespmem:$0x2960] =	vst v0  }
0x36: {  	[tilespmem:$0x2950] =	vst v0  }
0x37: {  	[tilespmem:$0x2940] =	vst v0  }
0x38: {  	[tilespmem:$0x2930] =	vst v0  }
0x39: {  	[tilespmem:$0x2920] =	vst v0  }
0x3a: {  	[tilespmem:$0x2910] =	vst v0  }
0x3b: {  	[tilespmem:$0x2900] =	vst v0  }
0x3c: {  	[tilespmem:$0x28F0] =	vst v0  }
0x3d: {  	[tilespmem:$0x28E0] =	vst v0  }
0x3e: {  	[tilespmem:$0x28D0] =	vst v0  }
0x3f: {  	[tilespmem:$0x28C0] =	vst v0  }
0x40: {  	[tilespmem:$0x28B0] =	vst v0  }
0x41: {  	[tilespmem:$0x28A0] =	vst v0  }
0x42: {  	s4 =	srdreg.scid;
	s0 =	stileid.u32;
	[tilespmem:$0x2890] =	vst v0  }
0x43: {  	s29 =	sand.u32 $0x1, s4;
	s16 =	sshll.u32 s0, $0x1;
	[tilespmem:$0x2880] =	vst v0  }
0x44: {  	s20 =	simm.s32 $0x2A00;
	s7 =	smul.u32 $0xA00, s0;
	s4 =	sor.u32 s29, s16;
	[tilespmem:$0x2870] =	vst v0  }
0x45: {  	s22 =	simm.s32 $0x400;
	[tilespmem:$0x2860] =	vst v0;
	[dreg:$0x7] =	wrdreg s20;
	s5 =	smul.u32 $0x13, s4  }
0x46: {  	s24 =	simm.s32 $0x600;
	[tilespmem:$0x2850] =	vst v0;
	[dreg:$0x8] =	wrdreg s22;
	s6 =	smin.u32 s4, $0x11  }
0x47: {  	[tilespmem:$0x2840] =	vst v0;
	[dreg:$0x9] =	wrdreg s24;
	s17 =	sshrl.u32 s7, $0x2;
	s5 =	sadd.s32 s6, s5  }
0x48: {  	[tilespmem:$0x2830] =	vst v0;
	s21 =	rddreg [dreg:$0x7];
	s6 =	sadd.s32 s17, s1;
	s5 =	sshll.u32 s5, $0x6  }
0x49: {  	[tilespmem:$0x2820] =	vst v0;
	[dreg:$0x3] =	wrdreg s6;
	s5 =	sadd.s32 s5, s3  }
0x4a: {  	s18 =	smul.u32 $0x500, s29;
	[tilespmem:$0x2810] =	vst v0;
	s23 =	rddreg [dreg:$0x3];
	s19 =	sadd.s32 $0xB200, s5  }
0x4b: {  	[spmem:s23] =	stream.linear.scatter [tilespmem:s21], [sflag:$0x2], $0x280, $0x38;
	[tilespmem:$0x2F00] =	vst v63  }
0x4c: {  	s3 =	sadd.s32 s18, s3;
	s5 =	sadd.s32 $0xB6C0, s5;
	[dreg:$0x4] =	wrdreg s19  }
0x4d: {  	s3 =	sadd.s32 $0x15000, s3;
	[dreg:$0x5] =	wrdreg s5  }
0x4e: {  	[dreg:$0x6] =	wrdreg s3;
	s3 =	simm.s32 $0x2  }
0x4f: {  	_ =	swait.ge [sflag:s3], $0x280  }
0x50: {  	[sflag:s3] =	ssyncset.done $0x0  }
0x51: {  	s25 =	rddreg [dreg:$0x4];
	[sflag:s3] =	ssyncadd.s32 $0xFFFFFD80  }
0x52: {  	[tilespmem:s2], [sflag:$0x2] =	stream.linear.gather [hbm4b:s25+s2], $0x2600, $0x38;
	[tilespmem:$0x2F00] =	vst v63  }
0x53: {  	p0 =	sgt.u32 s4, $0x10;
	_ =	swait.ge [sflag:s3], $0x2600  }
0x54: {  	s4 =	simm.s32 @!p0 $0x0;
	s6 =	simm.s32 @!p0 $0x2;
	[sflag:s3] =	ssyncset.done $0x0  }
0x55: {  	s5 =	simm.s32 @!p0 $0x2600;
	s7 =	rddreg [dreg:$0x5];
	[sflag:s3] =	ssyncadd.s32 $0xFFFFDA00  }
0x56: {  	[tilespmem:s5], [sflag:$0x2] =	stream.linear.gather @!p0 [hbm4b:s7+s4], $0x200, $0x38;
	[tilespmem:$0x2F00] =	vst v63  }
0x57: {  	_ =	swait.ge @!p0 [sflag:s6], $0x200  }
0x58: {  	[sflag:s6] =	ssyncset.done @!p0 $0x0  }
0x59: {  	[sflag:s6] =	ssyncadd.s32 @!p0 $0xFFFFFE00  }
0x5a: {  	s8 =	simm.s32 $0x2800;
	s7 =	simm.s32 $0x200;
	[bflag:$0x0] =	sbarrier.arrive $0xFFFF  }
0x5b: {  	[spmem:s1] =	stream.indirect.scatter.add.f32 [tilespmem:s8], [sflag:$0x1], $0x1, s2, s7, $0xb8;
	[tilespmem:$0x2F00] =	vst v63  }
0x5c: {  	_ = 	snop  }
0x5d: {  	[spmem:s1] =	stream.indirect.scatter.add.f32 [tilespmem:s8], [sflag:$0x1], $0x1, s7, s7, $0xb8;
	[tilespmem:$0x2F00] =	vst v63  }
0x5e: {  	s9 =	rddreg [dreg:$0x8]  }
0x5f: {  	[spmem:s1] =	stream.indirect.scatter.add.f32 [tilespmem:s8], [sflag:$0x1], $0x1, s9, s7, $0xb8;
	[tilespmem:$0x2F00] =	vst v63  }
0x60: {  	s10 =	rddreg [dreg:$0x9]  }
0x61: {  	[spmem:s1] =	stream.indirect.scatter.add.f32 [tilespmem:s8], [sflag:$0x1], $0x1, s10, s7, $0xb8;
	[tilespmem:$0x2F00] =	vst v63  }
0x62: {  	s26 =	simm.s32 $0x800  }
0x63: {  	[spmem:s1] =	stream.indirect.scatter.add.f32 [tilespmem:s8], [sflag:$0x1], $0x1, s26, s7, $0xb8;
	[tilespmem:$0x2F00] =	vst v63  }
0x64: {  	s10 =	simm.s32 $0xA00  }
0x65: {  	[spmem:s1] =	stream.indirect.scatter.add.f32 [tilespmem:s8], [sflag:$0x1], $0x1, s10, s7, $0xb8;
	[tilespmem:$0x2F00] =	vst v63  }
0x66: {  	s11 =	simm.s32 $0xC00  }
0x67: {  	[spmem:s1] =	stream.indirect.scatter.add.f32 [tilespmem:s8], [sflag:$0x1], $0x1, s11, s7, $0xb8;
	[tilespmem:$0x2F00] =	vst v63  }
0x68: {  	s12 =	simm.s32 $0xE00  }
0x69: {  	[spmem:s1] =	stream.indirect.scatter.add.f32 [tilespmem:s8], [sflag:$0x1], $0x1, s12, s7, $0xb8;
	[tilespmem:$0x2F00] =	vst v63  }
0x6a: {  	s13 =	simm.s32 $0x1000  }
0x6b: {  	[spmem:s1] =	stream.indirect.scatter.add.f32 [tilespmem:s8], [sflag:$0x1], $0x1, s13, s7, $0xb8;
	[tilespmem:$0x2F00] =	vst v63  }
0x6c: {  	s14 =	simm.s32 $0x1200  }
0x6d: {  	[spmem:s1] =	stream.indirect.scatter.add.f32 [tilespmem:s8], [sflag:$0x1], $0x1, s14, s7, $0xb8;
	[tilespmem:$0x2F00] =	vst v63  }
0x6e: {  	s15 =	simm.s32 $0x1400  }
0x6f: {  	[spmem:s1] =	stream.indirect.scatter.add.f32 [tilespmem:s8], [sflag:$0x1], $0x1, s15, s7, $0xb8;
	[tilespmem:$0x2F00] =	vst v63  }
0x70: {  	s16 =	simm.s32 $0x1600  }
0x71: {  	[spmem:s1] =	stream.indirect.scatter.add.f32 [tilespmem:s8], [sflag:$0x1], $0x1, s16, s7, $0xb8;
	[tilespmem:$0x2F00] =	vst v63  }
0x72: {  	s17 =	simm.s32 $0x1800  }
0x73: {  	[spmem:s1] =	stream.indirect.scatter.add.f32 [tilespmem:s8], [sflag:$0x1], $0x1, s17, s7, $0xb8;
	[tilespmem:$0x2F00] =	vst v63  }
0x74: {  	s18 =	simm.s32 $0x1A00  }
0x75: {  	[spmem:s1] =	stream.indirect.scatter.add.f32 [tilespmem:s8], [sflag:$0x1], $0x1, s18, s7, $0xb8;
	[tilespmem:$0x2F00] =	vst v63  }
0x76: {  	s19 =	simm.s32 $0x1C00  }
0x77: {  	[spmem:s1] =	stream.indirect.scatter.add.f32 [tilespmem:s8], [sflag:$0x1], $0x1, s19, s7, $0xb8;
	[tilespmem:$0x2F00] =	vst v63  }
0x78: {  	s20 =	simm.s32 $0x1E00  }
0x79: {  	[spmem:s1] =	stream.indirect.scatter.add.f32 [tilespmem:s8], [sflag:$0x1], $0x1, s20, s7, $0xb8;
	[tilespmem:$0x2F00] =	vst v63  }
0x7a: {  	s21 =	simm.s32 $0x2000  }
0x7b: {  	[spmem:s1] =	stream.indirect.scatter.add.f32 [tilespmem:s8], [sflag:$0x1], $0x1, s21, s7, $0xb8;
	[tilespmem:$0x2F00] =	vst v63  }
0x7c: {  	s22 =	simm.s32 $0x2200  }
0x7d: {  	[spmem:s1] =	stream.indirect.scatter.add.f32 [tilespmem:s8], [sflag:$0x1], $0x1, s22, s7, $0xb8;
	[tilespmem:$0x2F00] =	vst v63  }
0x7e: {  	s23 =	simm.s32 $0x2400  }
0x7f: {  	[spmem:s1] =	stream.indirect.scatter.add.f32 [tilespmem:s8], [sflag:$0x1], $0x1, s23, s7, $0xb8;
	[tilespmem:$0x2F00] =	vst v63  }
0x80: {  	s24 =	simm.s32 @!p0 $0x200;
	s25 =	simm.s32 @!p0 $0x2800;
	s26 =	simm.s32 $0x1  }
0x81: {  	[spmem:s1] =	stream.indirect.scatter.add.f32 @!p0 [tilespmem:s25], [sflag:$0x1], $0x1, s5, s24, $0xb8;
	[tilespmem:$0x2F00] =	vst v63  }
0x82: {  	_ =	swait.ge [sflag:s26], $0x200  }
0x83: {  	[sflag:s26] =	ssyncset.done $0x0  }
0x84: {  	[sflag:s26] =	ssyncadd.s32 $0xFFFFFE00  }
0x85: {  	_ =	swait.ge [sflag:s26], $0x200  }
0x86: {  	[sflag:s26] =	ssyncset.done $0x0  }
0x87: {  	[sflag:s26] =	ssyncadd.s32 $0xFFFFFE00  }
0x88: {  	_ =	swait.ge [sflag:s26], $0x200  }
0x89: {  	[sflag:s26] =	ssyncset.done $0x0  }
0x8a: {  	[sflag:s26] =	ssyncadd.s32 $0xFFFFFE00  }
0x8b: {  	_ =	swait.ge [sflag:s26], $0x200  }
0x8c: {  	[sflag:s26] =	ssyncset.done $0x0  }
0x8d: {  	[sflag:s26] =	ssyncadd.s32 $0xFFFFFE00  }
0x8e: {  	_ =	swait.ge [sflag:s26], $0x200  }
0x8f: {  	[sflag:s26] =	ssyncset.done $0x0  }
0x90: {  	[sflag:s26] =	ssyncadd.s32 $0xFFFFFE00  }
0x91: {  	_ =	swait.ge [sflag:s26], $0x200  }
0x92: {  	[sflag:s26] =	ssyncset.done $0x0  }
0x93: {  	[sflag:s26] =	ssyncadd.s32 $0xFFFFFE00  }
0x94: {  	_ =	swait.ge [sflag:s26], $0x200  }
0x95: {  	[sflag:s26] =	ssyncset.done $0x0  }
0x96: {  	[sflag:s26] =	ssyncadd.s32 $0xFFFFFE00  }
0x97: {  	_ =	swait.ge [sflag:s26], $0x200  }
0x98: {  	[sflag:s26] =	ssyncset.done $0x0  }
0x99: {  	[sflag:s26] =	ssyncadd.s32 $0xFFFFFE00  }
0x9a: {  	_ =	swait.ge [sflag:s26], $0x200  }
0x9b: {  	[sflag:s26] =	ssyncset.done $0x0  }
0x9c: {  	[sflag:s26] =	ssyncadd.s32 $0xFFFFFE00  }
0x9d: {  	_ =	swait.ge [sflag:s26], $0x200  }
0x9e: {  	[sflag:s26] =	ssyncset.done $0x0  }
0x9f: {  	[sflag:s26] =	ssyncadd.s32 $0xFFFFFE00  }
0xa0: {  	_ =	swait.ge [sflag:s26], $0x200  }
0xa1: {  	[sflag:s26] =	ssyncset.done $0x0  }
0xa2: {  	[sflag:s26] =	ssyncadd.s32 $0xFFFFFE00  }
0xa3: {  	_ =	swait.ge [sflag:s26], $0x200  }
0xa4: {  	[sflag:s26] =	ssyncset.done $0x0  }
0xa5: {  	[sflag:s26] =	ssyncadd.s32 $0xFFFFFE00  }
0xa6: {  	_ =	swait.ge [sflag:s26], $0x200  }
0xa7: {  	[sflag:s26] =	ssyncset.done $0x0  }
0xa8: {  	[sflag:s26] =	ssyncadd.s32 $0xFFFFFE00  }
0xa9: {  	_ =	swait.ge [sflag:s26], $0x200  }
0xaa: {  	[sflag:s26] =	ssyncset.done $0x0  }
0xab: {  	[sflag:s26] =	ssyncadd.s32 $0xFFFFFE00  }
0xac: {  	_ =	swait.ge [sflag:s26], $0x200  }
0xad: {  	[sflag:s26] =	ssyncset.done $0x0  }
0xae: {  	[sflag:s26] =	ssyncadd.s32 $0xFFFFFE00  }
0xaf: {  	_ =	swait.ge [sflag:s26], $0x200  }
0xb0: {  	[sflag:s26] =	ssyncset.done $0x0  }
0xb1: {  	[sflag:s26] =	ssyncadd.s32 $0xFFFFFE00  }
0xb2: {  	_ =	swait.ge [sflag:s26], $0x200  }
0xb3: {  	[sflag:s26] =	ssyncset.done $0x0  }
0xb4: {  	[sflag:s26] =	ssyncadd.s32 $0xFFFFFE00  }
0xb5: {  	_ =	swait.ge [sflag:s26], $0x200  }
0xb6: {  	[sflag:s26] =	ssyncset.done $0x0  }
0xb7: {  	[sflag:s26] =	ssyncadd.s32 $0xFFFFFE00  }
0xb8: {  	_ =	swait.ge [sflag:s26], $0x200  }
0xb9: {  	s29 =	ssub.s32 $0x2, s29;
	[sflag:s26] =	ssyncset.done $0x0  }
0xba: {  	s28 =	simm.s32 @!p0 $0x1;
	s9 =	sshrl.u32 s29, $0x1;
	[sflag:s26] =	ssyncadd.s32 $0xFFFFFE00  }
0xbb: {  	p1 =	sne.s32 s0, $0x0;
	s0 =	ssub.s32 s29, s9;
	_ =	swait.ge @!p0 [sflag:s28], $0x200  }
0xbc: {  	s0 =	smax.u32 s0, $0x1;
	[sflag:s28] =	ssyncset.done @!p0 $0x0  }
0xbd: {  	s0 =	sadd.s32 $0xFFFFFFFF, s0;
	[sflag:s28] =	ssyncadd.s32 @!p0 $0xFFFFFE00  }
0xbe: {  	s31 =	simm.s32 @!p1 $0x1C02;
	p2 =	sne.s32 s0, $0x0;
	[bflag:$0x0] =	sbarrier.arrive $0xFFFF  }
.Ltmp0:
0xbf: {  	s29 =	sshrl.u32 @!p1 s1, $0x3;
	s30 =	rddreg [dreg:$0x6];
	(pc) =	sbr.rel @!p2 .LBB2_2-.Ltmp0, $4  }
0xc0: {  	[hbm:s30], [sflag:s31] =	dma.local @!p1 [spmem:s29], $0x500  }
0xc1: {  	s30 =	simm.s32 @!p1 $0x2  }
0xc2: {  	_ =	swait.ge @!p1 [sflag:s30], $0x500  }
0xc3: {  	[sflag:s30] =	ssyncset.done @!p1 $0x0  }
.LBB2_1:
0xc4: {  	[sflag:s30] =	ssyncadd.s32 @!p1 $0xFFFFFB00  }
0xc5: {  	[tilespmem:$0x2800] =	vst v0  }
0xc6: {  	[tilespmem:$0x2C70] =	vst v1  }
0xc7: {  	[tilespmem:$0x2C60] =	vst v1  }
0xc8: {  	[tilespmem:$0x2C50] =	vst v1  }
0xc9: {  	[tilespmem:$0x2C40] =	vst v1  }
0xca: {  	[tilespmem:$0x2C30] =	vst v1  }
0xcb: {  	[tilespmem:$0x2C20] =	vst v1  }
0xcc: {  	[tilespmem:$0x2C10] =	vst v1  }
0xcd: {  	[tilespmem:$0x2C00] =	vst v1  }
0xce: {  	[tilespmem:$0x2BF0] =	vst v1  }
0xcf: {  	[tilespmem:$0x2BE0] =	vst v1  }
0xd0: {  	[tilespmem:$0x2BD0] =	vst v1  }
0xd1: {  	[tilespmem:$0x2BC0] =	vst v1  }
0xd2: {  	[tilespmem:$0x2BB0] =	vst v1  }
0xd3: {  	[tilespmem:$0x2BA0] =	vst v1  }
0xd4: {  	[tilespmem:$0x2B90] =	vst v1  }
0xd5: {  	[tilespmem:$0x2B80] =	vst v1  }
0xd6: {  	[tilespmem:$0x2B70] =	vst v1  }
0xd7: {  	[tilespmem:$0x2B60] =	vst v1  }
0xd8: {  	[tilespmem:$0x2B50] =	vst v1  }
0xd9: {  	[tilespmem:$0x2B40] =	vst v1  }
0xda: {  	[tilespmem:$0x2B30] =	vst v1  }
0xdb: {  	[tilespmem:$0x2B20] =	vst v1  }
0xdc: {  	[tilespmem:$0x2B10] =	vst v1  }
0xdd: {  	[tilespmem:$0x2B00] =	vst v1  }
0xde: {  	[tilespmem:$0x2AF0] =	vst v1  }
0xdf: {  	[tilespmem:$0x2AE0] =	vst v1  }
0xe0: {  	[tilespmem:$0x2AD0] =	vst v1  }
0xe1: {  	[tilespmem:$0x2AC0] =	vst v1  }
0xe2: {  	[tilespmem:$0x2AB0] =	vst v1  }
0xe3: {  	[tilespmem:$0x2AA0] =	vst v1  }
0xe4: {  	[tilespmem:$0x2A90] =	vst v1  }
0xe5: {  	[tilespmem:$0x2A80] =	vst v1  }
0xe6: {  	[tilespmem:$0x2A70] =	vst v1  }
0xe7: {  	[tilespmem:$0x2A60] =	vst v1  }
0xe8: {  	[tilespmem:$0x2A50] =	vst v1  }
0xe9: {  	[tilespmem:$0x2A40] =	vst v1  }
0xea: {  	[tilespmem:$0x2A30] =	vst v1  }
0xeb: {  	[tilespmem:$0x2A20] =	vst v1  }
0xec: {  	[tilespmem:$0x2A10] =	vst v1  }
0xed: {  	[tilespmem:$0x2A00] =	vst v1  }
0xee: {  	[tilespmem:$0x29F0] =	vst v0  }
0xef: {  	[tilespmem:$0x29E0] =	vst v0  }
0xf0: {  	[tilespmem:$0x29D0] =	vst v0  }
0xf1: {  	[tilespmem:$0x29C0] =	vst v0  }
0xf2: {  	[tilespmem:$0x29B0] =	vst v0  }
0xf3: {  	[tilespmem:$0x29A0] =	vst v0  }
0xf4: {  	[tilespmem:$0x2990] =	vst v0  }
0xf5: {  	[tilespmem:$0x2980] =	vst v0  }
0xf6: {  	[tilespmem:$0x2970] =	vst v0  }
0xf7: {  	[tilespmem:$0x2960] =	vst v0  }
0xf8: {  	[tilespmem:$0x2950] =	vst v0  }
0xf9: {  	[tilespmem:$0x2940] =	vst v0  }
0xfa: {  	[tilespmem:$0x2930] =	vst v0  }
0xfb: {  	[tilespmem:$0x2920] =	vst v0  }
0xfc: {  	[tilespmem:$0x2910] =	vst v0  }
0xfd: {  	[tilespmem:$0x2900] =	vst v0  }
0xfe: {  	[tilespmem:$0x28F0] =	vst v0  }
0xff: {  	[tilespmem:$0x28E0] =	vst v0  }
0x100: {  	[tilespmem:$0x28D0] =	vst v0  }
0x101: {  	[tilespmem:$0x28C0] =	vst v0  }
0x102: {  	[tilespmem:$0x28B0] =	vst v0  }
0x103: {  	[tilespmem:$0x28A0] =	vst v0  }
0x104: {  	[tilespmem:$0x2890] =	vst v0  }
0x105: {  	[tilespmem:$0x2880] =	vst v0  }
0x106: {  	[tilespmem:$0x2870] =	vst v0  }
0x107: {  	[tilespmem:$0x2860] =	vst v0  }
0x108: {  	[tilespmem:$0x2850] =	vst v0  }
0x109: {  	[tilespmem:$0x2840] =	vst v0  }
0x10a: {  	[tilespmem:$0x2830] =	vst v0  }
0x10b: {  	s4 =	rddreg [dreg:$0x7];
	[tilespmem:$0x2820] =	vst v0  }
0x10c: {  	s9 =	rddreg [dreg:$0x3];
	[tilespmem:$0x2810] =	vst v0  }
0x10d: {  	[spmem:s9] =	stream.linear.scatter [tilespmem:s4], [sflag:$0x2], $0x280, $0x38;
	[tilespmem:$0x2F00] =	vst v63  }
0x10e: {  	_ =	swait.ge [sflag:s3], $0x280  }
0x10f: {  	[sflag:s3] =	ssyncset.done $0x0  }
0x110: {  	s9 =	rddreg [dreg:$0x4];
	[sflag:s3] =	ssyncadd.s32 $0xFFFFFD80  }
0x111: {  	[tilespmem:s2], [sflag:$0x2] =	stream.linear.gather [hbm4b:s9+s2], $0x2600, $0x38;
	[tilespmem:$0x2F00] =	vst v63  }
0x112: {  	_ =	swait.ge [sflag:s3], $0x2600  }
0x113: {  	[sflag:s3] =	ssyncset.done $0x0  }
0x114: {  	s9 =	simm.s32 @!p0 $0x0;
	s4 =	rddreg [dreg:$0x5];
	[sflag:s3] =	ssyncadd.s32 $0xFFFFDA00  }
0x115: {  	[tilespmem:s5], [sflag:$0x2] =	stream.linear.gather @!p0 [hbm4b:s4+s9], $0x200, $0x38;
	[tilespmem:$0x2F00] =	vst v63  }
0x116: {  	_ =	swait.ge @!p0 [sflag:s6], $0x200  }
0x117: {  	[sflag:s6] =	ssyncset.done @!p0 $0x0  }
0x118: {  	[sflag:s6] =	ssyncadd.s32 @!p0 $0xFFFFFE00  }
0x119: {  	[bflag:$0x0] =	sbarrier.arrive $0xFFFF  }
0x11a: {  	[spmem:s1] =	stream.indirect.scatter.add.f32 [tilespmem:s8], [sflag:$0x1], $0x1, s2, s7, $0xb8;
	[tilespmem:$0x2F00] =	vst v63  }
0x11b: {  	_ = 	snop  }
0x11c: {  	[spmem:s1] =	stream.indirect.scatter.add.f32 [tilespmem:s8], [sflag:$0x1], $0x1, s7, s7, $0xb8;
	[tilespmem:$0x2F00] =	vst v63  }
0x11d: {  	s4 =	rddreg [dreg:$0x8]  }
0x11e: {  	[spmem:s1] =	stream.indirect.scatter.add.f32 [tilespmem:s8], [sflag:$0x1], $0x1, s4, s7, $0xb8;
	[tilespmem:$0x2F00] =	vst v63  }
0x11f: {  	s9 =	rddreg [dreg:$0x9]  }
0x120: {  	[spmem:s1] =	stream.indirect.scatter.add.f32 [tilespmem:s8], [sflag:$0x1], $0x1, s9, s7, $0xb8;
	[tilespmem:$0x2F00] =	vst v63  }
0x121: {  	s9 =	simm.s32 $0x800  }
0x122: {  	[spmem:s1] =	stream.indirect.scatter.add.f32 [tilespmem:s8], [sflag:$0x1], $0x1, s9, s7, $0xb8;
	[tilespmem:$0x2F00] =	vst v63  }
0x123: {  	_ = 	snop  }
0x124: {  	[spmem:s1] =	stream.indirect.scatter.add.f32 [tilespmem:s8], [sflag:$0x1], $0x1, s10, s7, $0xb8;
	[tilespmem:$0x2F00] =	vst v63  }
0x125: {  	_ = 	snop  }
0x126: {  	[spmem:s1] =	stream.indirect.scatter.add.f32 [tilespmem:s8], [sflag:$0x1], $0x1, s11, s7, $0xb8;
	[tilespmem:$0x2F00] =	vst v63  }
0x127: {  	_ = 	snop  }
0x128: {  	[spmem:s1] =	stream.indirect.scatter.add.f32 [tilespmem:s8], [sflag:$0x1], $0x1, s12, s7, $0xb8;
	[tilespmem:$0x2F00] =	vst v63  }
0x129: {  	_ = 	snop  }
0x12a: {  	[spmem:s1] =	stream.indirect.scatter.add.f32 [tilespmem:s8], [sflag:$0x1], $0x1, s13, s7, $0xb8;
	[tilespmem:$0x2F00] =	vst v63  }
0x12b: {  	_ = 	snop  }
0x12c: {  	[spmem:s1] =	stream.indirect.scatter.add.f32 [tilespmem:s8], [sflag:$0x1], $0x1, s14, s7, $0xb8;
	[tilespmem:$0x2F00] =	vst v63  }
0x12d: {  	_ = 	snop  }
0x12e: {  	[spmem:s1] =	stream.indirect.scatter.add.f32 [tilespmem:s8], [sflag:$0x1], $0x1, s15, s7, $0xb8;
	[tilespmem:$0x2F00] =	vst v63  }
0x12f: {  	_ = 	snop  }
0x130: {  	[spmem:s1] =	stream.indirect.scatter.add.f32 [tilespmem:s8], [sflag:$0x1], $0x1, s16, s7, $0xb8;
	[tilespmem:$0x2F00] =	vst v63  }
0x131: {  	_ = 	snop  }
0x132: {  	[spmem:s1] =	stream.indirect.scatter.add.f32 [tilespmem:s8], [sflag:$0x1], $0x1, s17, s7, $0xb8;
	[tilespmem:$0x2F00] =	vst v63  }
0x133: {  	_ = 	snop  }
0x134: {  	[spmem:s1] =	stream.indirect.scatter.add.f32 [tilespmem:s8], [sflag:$0x1], $0x1, s18, s7, $0xb8;
	[tilespmem:$0x2F00] =	vst v63  }
0x135: {  	_ = 	snop  }
0x136: {  	[spmem:s1] =	stream.indirect.scatter.add.f32 [tilespmem:s8], [sflag:$0x1], $0x1, s19, s7, $0xb8;
	[tilespmem:$0x2F00] =	vst v63  }
0x137: {  	_ = 	snop  }
0x138: {  	[spmem:s1] =	stream.indirect.scatter.add.f32 [tilespmem:s8], [sflag:$0x1], $0x1, s20, s7, $0xb8;
	[tilespmem:$0x2F00] =	vst v63  }
0x139: {  	_ = 	snop  }
0x13a: {  	[spmem:s1] =	stream.indirect.scatter.add.f32 [tilespmem:s8], [sflag:$0x1], $0x1, s21, s7, $0xb8;
	[tilespmem:$0x2F00] =	vst v63  }
0x13b: {  	_ = 	snop  }
0x13c: {  	[spmem:s1] =	stream.indirect.scatter.add.f32 [tilespmem:s8], [sflag:$0x1], $0x1, s22, s7, $0xb8;
	[tilespmem:$0x2F00] =	vst v63  }
0x13d: {  	_ = 	snop  }
0x13e: {  	[spmem:s1] =	stream.indirect.scatter.add.f32 [tilespmem:s8], [sflag:$0x1], $0x1, s23, s7, $0xb8;
	[tilespmem:$0x2F00] =	vst v63  }
0x13f: {  	_ = 	snop  }
0x140: {  	[spmem:s1] =	stream.indirect.scatter.add.f32 @!p0 [tilespmem:s25], [sflag:$0x1], $0x1, s5, s24, $0xb8;
	[tilespmem:$0x2F00] =	vst v63  }
0x141: {  	_ =	swait.ge [sflag:s26], $0x200  }
0x142: {  	[sflag:s26] =	ssyncset.done $0x0  }
0x143: {  	[sflag:s26] =	ssyncadd.s32 $0xFFFFFE00  }
0x144: {  	_ =	swait.ge [sflag:s26], $0x200  }
0x145: {  	[sflag:s26] =	ssyncset.done $0x0  }
0x146: {  	[sflag:s26] =	ssyncadd.s32 $0xFFFFFE00  }
0x147: {  	_ =	swait.ge [sflag:s26], $0x200  }
0x148: {  	[sflag:s26] =	ssyncset.done $0x0  }
0x149: {  	[sflag:s26] =	ssyncadd.s32 $0xFFFFFE00  }
0x14a: {  	_ =	swait.ge [sflag:s26], $0x200  }
0x14b: {  	[sflag:s26] =	ssyncset.done $0x0  }
0x14c: {  	[sflag:s26] =	ssyncadd.s32 $0xFFFFFE00  }
0x14d: {  	_ =	swait.ge [sflag:s26], $0x200  }
0x14e: {  	[sflag:s26] =	ssyncset.done $0x0  }
0x14f: {  	[sflag:s26] =	ssyncadd.s32 $0xFFFFFE00  }
0x150: {  	_ =	swait.ge [sflag:s26], $0x200  }
0x151: {  	[sflag:s26] =	ssyncset.done $0x0  }
0x152: {  	[sflag:s26] =	ssyncadd.s32 $0xFFFFFE00  }
0x153: {  	_ =	swait.ge [sflag:s26], $0x200  }
0x154: {  	[sflag:s26] =	ssyncset.done $0x0  }
0x155: {  	[sflag:s26] =	ssyncadd.s32 $0xFFFFFE00  }
0x156: {  	_ =	swait.ge [sflag:s26], $0x200  }
0x157: {  	[sflag:s26] =	ssyncset.done $0x0  }
0x158: {  	[sflag:s26] =	ssyncadd.s32 $0xFFFFFE00  }
0x159: {  	_ =	swait.ge [sflag:s26], $0x200  }
0x15a: {  	[sflag:s26] =	ssyncset.done $0x0  }
0x15b: {  	[sflag:s26] =	ssyncadd.s32 $0xFFFFFE00  }
0x15c: {  	_ =	swait.ge [sflag:s26], $0x200  }
0x15d: {  	[sflag:s26] =	ssyncset.done $0x0  }
0x15e: {  	[sflag:s26] =	ssyncadd.s32 $0xFFFFFE00  }
0x15f: {  	_ =	swait.ge [sflag:s26], $0x200  }
0x160: {  	[sflag:s26] =	ssyncset.done $0x0  }
0x161: {  	[sflag:s26] =	ssyncadd.s32 $0xFFFFFE00  }
0x162: {  	_ =	swait.ge [sflag:s26], $0x200  }
0x163: {  	[sflag:s26] =	ssyncset.done $0x0  }
0x164: {  	[sflag:s26] =	ssyncadd.s32 $0xFFFFFE00  }
0x165: {  	_ =	swait.ge [sflag:s26], $0x200  }
0x166: {  	[sflag:s26] =	ssyncset.done $0x0  }
0x167: {  	[sflag:s26] =	ssyncadd.s32 $0xFFFFFE00  }
0x168: {  	_ =	swait.ge [sflag:s26], $0x200  }
0x169: {  	[sflag:s26] =	ssyncset.done $0x0  }
0x16a: {  	[sflag:s26] =	ssyncadd.s32 $0xFFFFFE00  }
0x16b: {  	_ =	swait.ge [sflag:s26], $0x200  }
0x16c: {  	[sflag:s26] =	ssyncset.done $0x0  }
0x16d: {  	[sflag:s26] =	ssyncadd.s32 $0xFFFFFE00  }
0x16e: {  	_ =	swait.ge [sflag:s26], $0x200  }
0x16f: {  	[sflag:s26] =	ssyncset.done $0x0  }
0x170: {  	[sflag:s26] =	ssyncadd.s32 $0xFFFFFE00  }
0x171: {  	_ =	swait.ge [sflag:s26], $0x200  }
0x172: {  	[sflag:s26] =	ssyncset.done $0x0  }
0x173: {  	[sflag:s26] =	ssyncadd.s32 $0xFFFFFE00  }
0x174: {  	_ =	swait.ge [sflag:s26], $0x200  }
0x175: {  	[sflag:s26] =	ssyncset.done $0x0  }
0x176: {  	[sflag:s26] =	ssyncadd.s32 $0xFFFFFE00  }
0x177: {  	_ =	swait.ge [sflag:s26], $0x200  }
0x178: {  	[sflag:s26] =	ssyncset.done $0x0  }
0x179: {  	[sflag:s26] =	ssyncadd.s32 $0xFFFFFE00  }
0x17a: {  	_ =	swait.ge @!p0 [sflag:s28], $0x200  }
0x17b: {  	s0 =	sadd.s32 $0xFFFFFFFF, s0;
	[sflag:s28] =	ssyncset.done @!p0 $0x0  }
0x17c: {  	p2 =	sne.s32 s0, $0x0;
	[sflag:s28] =	ssyncadd.s32 @!p0 $0xFFFFFE00  }
.Ltmp1:
0x17d: {  	[bflag:$0x0] =	sbarrier.arrive $0xFFFF;
	(pc) =	sbr.rel @p2 .LBB2_1-.Ltmp1, $4  }
0x17e: {  	s4 =	rddreg [dreg:$0x6]  }
0x17f: {  	[hbm:s4], [sflag:s31] =	dma.local @!p1 [spmem:s29], $0x500  }
0x180: {  	_ =	swait.ge @!p1 [sflag:s30], $0x500  }
0x181: {  	[sflag:s30] =	ssyncset.done @!p1 $0x0  }
.LBB2_2:
0x182: {  	[sflag:s30] =	ssyncadd.s32 @!p1 $0xFFFFFB00  }
0x183: {  	_ =	sfence.sel $0x180000  }
0x184: {  	[bflag:$0x0] =	sbarrier.arrive $0xFFFF  }
0x185: {  	_ =	strace $0x90000047  }
0x186: {  	[bflag:$0x2] =	sbarrier.arrive $0xFFFF  }
0x187: {  	s0 =	rddreg [dreg:$0x2]  }
0x188: {  	s0 =	sadd.s32 @!p1 $0x100000, s0  }
0x189: {  	[sflag:s0] =	ssyncadd.tile.s32 @!p1 $0x1;
	_ =	shalt  }
.Lfunc_end2:
_tile_overlayer_lowered:
.L_overlay_start_2:
0x18a: {  	(tag) =	ssettag $0x2  }
0x18b: {  	s0 =	rddreg [dreg:$0x0];
	s2 =	stileid.u32  }
0x18c: {  	s1 =	rddreg [dreg:$0x1];
	p0 =	sne.s32 s2, $0x0  }
0x18d: {  	s3 =	rddreg [dreg:$0x2];
	[bflag:$0x3] =	sbarrier.arrive $0xFFFF;
	s2 =	simm.s32 @!p0 $0x1C02  }
0x18e: {  	[timem:s3], [sflag:s2] =	dma.local @!p0 [hbm:s0], s1  }
0x18f: {  	s0 =	simm.s32 @!p0 $0x2  }
0x190: {  	_ =	swait.ge @!p0 [sflag:s0], s1  }
0x191: {  	s1 =	ssub.s32 @!p0 $0x0, s1;
	[sflag:s0] =	ssyncset.done @!p0 $0x0  }
0x192: {  	[sflag:s0] =	ssyncadd.s32 @!p0 s1  }
0x193: {  	[bflag:$0x3] =	sbarrier.arrive $0xFFFF  }
0x194: {  	_ =	shalt  }

</sc_bundles>
